<compile_context>
chip_gen: v7x
topology: tpu7x:2x2x1
jax: 0.10.2.dev20260603
libtpu: 0.0.44.dev20260713+nightly
codegen_flags: <defaults>
</compile_context>

<pallas_src>
import functools

import jax
import jax.numpy as jnp
from jax import lax
from jax.experimental import pallas as pl
from jax.experimental.pallas import tpu as pltpu
from jax.experimental.pallas import tpu_sc as plsc

N = 10000
E = 320000
F = 128
ROW_BLK = 1000
GRID = N // ROW_BLK

SC_TILES = 16
ET = E // SC_TILES
CHUNK = 128
NCH = 160
ETP = NCH * CHUNK
NPAD = 10112
RPT = NPAD // SC_TILES


def _pre_body(x_ref, w1_ref, w2_ref, bpre_ref, a_ref, b_ref, b2_ref):
    x = x_ref[...]
    a_ref[...] = jnp.dot(x, w1_ref[...], preferred_element_type=jnp.float32) + bpre_ref[...]
    b = jnp.dot(x, w2_ref[...], preferred_element_type=jnp.float32)
    b_ref[...] = b
    b2_ref[...] = b * b


def _avg_body(degp_ref, out_ref):
    out_ref[...] = jnp.sum(jnp.log(degp_ref[...] + 1.0), axis=None, keepdims=True) / N


def _post_body(x_ref, a_ref, s_ref, q_ref, mx_ref, mn_ref, deg_ref, avg_ref,
               wpost_ref, bpost_ref, wlin_ref, blin_ref, out_ref, st_ref):
    deg = deg_ref[...]
    degc = jnp.maximum(deg, 1.0)
    a = a_ref[...]
    s = s_ref[...]
    mean = (deg * a + s) / degc
    s2 = deg * a * a + 2.0 * a * s + q_ref[...]
    std = jnp.sqrt(jnp.maximum(s2 / degc - mean * mean, 0.0) + 1e-5)
    pos = deg > 0.0
    mx = jnp.where(pos, a + mx_ref[...], 0.0)
    mn = jnp.where(pos, a + mn_ref[...], 0.0)
    log_deg = jnp.log(degc + 1.0)
    avg_log = avg_ref[0, 0]
    amp = log_deg / avg_log
    att = avg_log / log_deg
    cat = jnp.concatenate(
        [x_ref[...], mean, mn, mx, std,
         amp * mean, amp * mn, amp * mx, amp * std,
         att * mean, att * mn, att * mx, att * std], axis=1)
    out = jnp.dot(cat, wpost_ref[...], preferred_element_type=jnp.float32) + bpost_ref[...]
    out = jnp.dot(out, wlin_ref[...], preferred_element_type=jnp.float32) + blin_ref[...]
    out_ref[...] = out

    @pl.when(pl.program_id(0) == 0)
    def _():
        st_ref[...] = jnp.zeros_like(st_ref)

    st_ref[0:1, :] += jnp.sum(out, axis=0, keepdims=True)
    st_ref[1:2, :] += jnp.sum(out * out, axis=0, keepdims=True)


def _h1_body(out_ref, x_ref, st_ref, g_ref, b_ref, h1_ref, st1_ref):
    mu = st_ref[0:1, :] / N
    var = st_ref[1:2, :] / N - mu * mu
    inv = jax.lax.rsqrt(var + 1e-5)
    h1 = jnp.maximum((out_ref[...] - mu) * inv * g_ref[...] + b_ref[...], 0.0) + x_ref[...]
    h1_ref[...] = h1

    @pl.when(pl.program_id(0) == 0)
    def _():
        st1_ref[...] = jnp.zeros_like(st1_ref)

    st1_ref[0:1, :] += jnp.sum(h1, axis=0, keepdims=True)
    st1_ref[1:2, :] += jnp.sum(h1 * h1, axis=0, keepdims=True)


def _ffn_body(h1_ref, st1_ref, g1_ref, b1_ref, wf1_ref, bf1_ref, wf2_ref, bf2_ref,
              t_ref, st2_ref):
    mu = st1_ref[0:1, :] / N
    var = st1_ref[1:2, :] / N - mu * mu
    inv = jax.lax.rsqrt(var + 1e-5)
    h1 = h1_ref[...]
    h2 = (h1 - mu) * inv * g1_ref[...] + b1_ref[...]
    h2 = jnp.maximum(jnp.dot(h2, wf1_ref[...], preferred_element_type=jnp.float32) + bf1_ref[...], 0.0)
    h2 = jnp.dot(h2, wf2_ref[...], preferred_element_type=jnp.float32) + bf2_ref[...]
    t = h1 + h2
    t_ref[...] = t

    @pl.when(pl.program_id(0) == 0)
    def _():
        st2_ref[...] = jnp.zeros_like(st2_ref)

    st2_ref[0:1, :] += jnp.sum(t, axis=0, keepdims=True)
    st2_ref[1:2, :] += jnp.sum(t * t, axis=0, keepdims=True)


def _fin_body(t_ref, st2_ref, g2_ref, b2_ref, y_ref):
    mu = st2_ref[0:1, :] / N
    var = st2_ref[1:2, :] / N - mu * mu
    inv = jax.lax.rsqrt(var + 1e-5)
    y_ref[...] = (t_ref[...] - mu) * inv * g2_ref[...] + b2_ref[...]


def _row_spec():
    return pl.BlockSpec((ROW_BLK, F), lambda i: (i, 0))


def _full_spec(shape):
    return pl.BlockSpec(shape, lambda i: tuple(0 for _ in shape))


def _sc_sums_body(b_hbm, b2_hbm, srcp, dstp, z128,
                  s_out, q_out,
                  sidx, didx, rows, acc,
                  si0, si1, si2, si3, sem_z, sem_g0, sem_g1):
    c = lax.axis_index("c")
    s = lax.axis_index("s")

    pltpu.async_copy(z128.at[pl.ds(s * RPT, RPT)],
                     acc.at[pl.ds(s * RPT, RPT)], sem_z).wait()

    def run(table):
        sis = (si0, si1, si2, si3)

        def stage_idx(k, q):
            d1 = pltpu.async_copy(srcp.at[s, k], sidx.at[q], sis[q])
            d2 = pltpu.async_copy(dstp.at[s, k], didx.at[q], sis[q])
            return d1, d2

        def wait_idx(k, q):
            pltpu.make_async_copy(srcp.at[s, k], sidx.at[q], sis[q]).wait()
            pltpu.make_async_copy(dstp.at[s, k], didx.at[q], sis[q]).wait()

        for q in range(4):
            stage_idx(q, q)
        for q in range(4):
            wait_idx(q, q)
        pltpu.async_copy(table.at[sidx.at[0]], rows.at[0], sem_g0)
        pltpu.async_copy(table.at[sidx.at[1]], rows.at[1], sem_g1)
        plsc.subcore_barrier()

        def scat(q, rb, semg):
            pltpu.make_async_copy(table.at[sidx.at[q]], rows.at[rb],
                                  semg).wait()
            pltpu.sync_copy(rows.at[rb], acc.at[didx.at[q]], add=True)

        def body(kk, carry):
            k0 = kk * 4
            scat(0, 0, sem_g0)
            pltpu.async_copy(table.at[sidx.at[2]], rows.at[0], sem_g0)
            scat(1, 1, sem_g1)
            pltpu.async_copy(table.at[sidx.at[3]], rows.at[1], sem_g1)
            for b in (0, 1):
                @pl.when(k0 + 4 + b < NCH)
                def _():
                    stage_idx(k0 + 4 + b, b)
            for b, semg in ((0, sem_g0), (1, sem_g1)):
                scat(2 + b, b, semg)

                @pl.when(k0 + 4 + b < NCH)
                def _():
                    wait_idx(k0 + 4 + b, b)
                    pltpu.async_copy(table.at[sidx.at[b]], rows.at[b], semg)
            for b in (0, 1):
                @pl.when(k0 + 6 + b < NCH)
                def _():
                    stage_idx(k0 + 6 + b, 2 + b)
                    wait_idx(k0 + 6 + b, 2 + b)
            return carry

        lax.fori_loop(0, NCH // 4, body, 0)

    @pl.when(c == 0)
    def _():
        run(b_hbm)

    @pl.when(c == 1)
    def _():
        run(b2_hbm)

    plsc.subcore_barrier()

    @pl.when(c == 0)
    def _():
        pltpu.sync_copy(acc.at[pl.ds(s * RPT, RPT)],
                        s_out.at[pl.ds(s * RPT, RPT)])

    @pl.when(c == 1)
    def _():
        pltpu.sync_copy(acc.at[pl.ds(s * RPT, RPT)],
                        q_out.at[pl.ds(s * RPT, RPT)])


_sc_sums = functools.partial(
    pl.kernel,
    out_type=[jax.ShapeDtypeStruct((NPAD, F), jnp.float32),
              jax.ShapeDtypeStruct((NPAD, F), jnp.float32)],
    mesh=plsc.VectorSubcoreMesh(core_axis_name="c", subcore_axis_name="s"),
    scratch_types=[
        pltpu.VMEM((4, CHUNK), jnp.int32),
        pltpu.VMEM((4, CHUNK), jnp.int32),
        pltpu.VMEM((2, CHUNK, F), jnp.float32),
        pltpu.MemorySpace.VMEM_SHARED((NPAD, F), jnp.float32),
    ] + [pltpu.SemaphoreType.DMA] * 7,
)(_sc_sums_body)


def _segment_stats(b_nodes, b2_nodes, src, dst):
    pad = ETP - ET
    src3 = jnp.pad(src.reshape(SC_TILES, ET), ((0, 0), (0, pad))) \
        .reshape(SC_TILES, NCH, CHUNK)
    dst3 = jnp.pad(dst.reshape(SC_TILES, ET), ((0, 0), (0, pad)),
                   constant_values=N).reshape(SC_TILES, NCH, CHUNK)
    z128 = jnp.zeros((NPAD, F), jnp.float32)
    s_full, q_full = _sc_sums(b_nodes, b2_nodes, src3, dst3, z128)
    s = s_full[:N]
    q = q_full[:N]
    deg = jnp.bincount(dst, length=N).astype(jnp.float32)

    rows = jnp.take(b_nodes, src, axis=0)
    mx = jax.ops.segment_max(rows, dst, num_segments=N)
    mn = -jax.ops.segment_max(-rows, dst, num_segments=N)
    return s, q, mx, mn, deg


def kernel(x, edge_index, W_pre, b_pre, W_post, b_post, W_lin, b_lin, bn_g, bn_b,
           W_ff1, b_ff1, W_ff2, b_ff2, bn1_g, bn1_b, bn2_g, bn2_b):
    f32 = jnp.float32
    src = edge_index[0]
    dst = edge_index[1]

    a_nodes, b_nodes, b2_nodes = pl.pallas_call(
        _pre_body,
        grid=(GRID,),
        in_specs=[_row_spec(), _full_spec((F, F)), _full_spec((F, F)),
                  _full_spec((1, F))],
        out_specs=[_row_spec(), _row_spec(), _row_spec()],
        out_shape=[jax.ShapeDtypeStruct((N, F), f32)] * 3,
    )(x, W_pre[:F], W_pre[F:], b_pre.reshape(1, F))

    s, q, mx, mn, deg = _segment_stats(b_nodes, b2_nodes, src, dst)

    deg_pad = jnp.pad(deg, (0, 10240 - N)).reshape(80, 128)
    avg_log = pl.pallas_call(
        _avg_body,
        out_shape=jax.ShapeDtypeStruct((1, 1), f32),
    )(deg_pad)

    deg2 = deg.reshape(N, 1)
    out2, st0 = pl.pallas_call(
        _post_body,
        grid=(GRID,),
        in_specs=[_row_spec(), _row_spec(), _row_spec(), _row_spec(),
                  _row_spec(), _row_spec(),
                  pl.BlockSpec((ROW_BLK, 1), lambda i: (i, 0)),
                  _full_spec((1, 1)),
                  _full_spec((13 * F, F)), _full_spec((1, F)),
                  _full_spec((F, F)), _full_spec((1, F))],
        out_specs=[_row_spec(), _full_spec((8, F))],
        out_shape=[jax.ShapeDtypeStruct((N, F), f32),
                   jax.ShapeDtypeStruct((8, F), f32)],
    )(x, a_nodes, s, q, mx, mn, deg2, avg_log,
      W_post, b_post.reshape(1, F), W_lin, b_lin.reshape(1, F))

    h1, st1 = pl.pallas_call(
        _h1_body,
        grid=(GRID,),
        in_specs=[_row_spec(), _row_spec(), _full_spec((8, F)),
                  _full_spec((1, F)), _full_spec((1, F))],
        out_specs=[_row_spec(), _full_spec((8, F))],
        out_shape=[jax.ShapeDtypeStruct((N, F), f32),
                   jax.ShapeDtypeStruct((8, F), f32)],
    )(out2, x, st0, bn_g.reshape(1, F), bn_b.reshape(1, F))

    t, st2 = pl.pallas_call(
        _ffn_body,
        grid=(GRID,),
        in_specs=[_row_spec(), _full_spec((8, F)), _full_spec((1, F)),
                  _full_spec((1, F)), _full_spec((F, 2 * F)),
                  _full_spec((1, 2 * F)), _full_spec((2 * F, F)),
                  _full_spec((1, F))],
        out_specs=[_row_spec(), _full_spec((8, F))],
        out_shape=[jax.ShapeDtypeStruct((N, F), f32),
                   jax.ShapeDtypeStruct((8, F), f32)],
    )(h1, st1, bn1_g.reshape(1, F), bn1_b.reshape(1, F),
      W_ff1, b_ff1.reshape(1, 2 * F), W_ff2, b_ff2.reshape(1, F))

    y = pl.pallas_call(
        _fin_body,
        grid=(GRID,),
        in_specs=[_row_spec(), _full_spec((8, F)), _full_spec((1, F)),
                  _full_spec((1, F))],
        out_specs=_row_spec(),
        out_shape=jax.ShapeDtypeStruct((N, F), f32),
    )(t, st2, bn2_g.reshape(1, F), bn2_b.reshape(1, F))

    return y

# --- scband reference (transcript-rebuilt; emitter-appended) ---
"""Pipeline reference for scband-block-pnalayer-12833362280965 (READ-ONLY COPY).

The authoritative reference and input builder live on the scoring server;
editing this copy changes nothing except your own understanding.
"""

import jax, jax.numpy as jnp
import numpy as np

N = 10000
E = 320000
F = 128


def setup_inputs(seed: int = 0):
    key = jax.random.key(seed)
    ks = jax.random.split(key, 8)

    def w(k, shape):
        return jax.random.normal(k, shape, dtype=jnp.float32) / np.sqrt(shape[0])

    inp = {}
    inp["x"] = jax.random.normal(ks[0], (N, F), dtype=jnp.float32)
    inp["edge_index"] = jax.random.randint(ks[1], (2, E), 0, N, dtype=jnp.int32)
    inp["W_pre"] = w(ks[2], (2 * F, F))
    inp["b_pre"] = jnp.zeros((F,), jnp.float32)
    inp["W_post"] = w(ks[3], (13 * F, F))
    inp["b_post"] = jnp.zeros((F,), jnp.float32)
    inp["W_lin"] = w(ks[4], (F, F))
    inp["b_lin"] = jnp.zeros((F,), jnp.float32)
    inp["bn_g"] = jnp.ones((F,), jnp.float32)
    inp["bn_b"] = jnp.zeros((F,), jnp.float32)
    inp["W_ff1"] = w(ks[5], (F, 2 * F))
    inp["b_ff1"] = jnp.zeros((2 * F,), jnp.float32)
    inp["W_ff2"] = w(ks[6], (2 * F, F))
    inp["b_ff2"] = jnp.zeros((F,), jnp.float32)
    inp["bn1_g"] = jnp.ones((F,), jnp.float32)
    inp["bn1_b"] = jnp.zeros((F,), jnp.float32)
    inp["bn2_g"] = jnp.ones((F,), jnp.float32)
    inp["bn2_b"] = jnp.zeros((F,), jnp.float32)
    return inp


def _bn(v, g, b):
    m = jnp.mean(v, axis=0)
    var = jnp.var(v, axis=0)
    return (v - m) / jnp.sqrt(var + 1e-5) * g + b


def _pna_block(x, edge_index, W_pre, b_pre, W_post, b_post, W_lin, b_lin, bn_g, bn_b, W_ff1, b_ff1, W_ff2, b_ff2, bn1_g, bn1_b, bn2_g, bn2_b):
    n = x.shape[0]
    src = edge_index[0]
    dst = edge_index[1]
    # PNA message: pre_nn on [x_i, x_j]
    h = jnp.concatenate([x[dst], x[src]], axis=-1) @ W_pre + b_pre
    deg = jnp.bincount(dst, length=n).astype(jnp.float32)
    deg_c = jnp.maximum(deg, 1.0)
    s1 = jax.ops.segment_sum(h, dst, num_segments=n)
    mean = s1 / deg_c[:, None]
    s2 = jax.ops.segment_sum(h * h, dst, num_segments=n)
    std = jnp.sqrt(jnp.maximum(s2 / deg_c[:, None] - mean * mean, 0.0) + 1e-5)
    mx = jax.ops.segment_max(h, dst, num_segments=n)
    mx = jnp.where(deg[:, None] > 0, mx, 0.0)
    mn = -jax.ops.segment_max(-h, dst, num_segments=n)
    mn = jnp.where(deg[:, None] > 0, mn, 0.0)
    aggr = jnp.concatenate([mean, mn, mx, std], axis=-1)
    # degree scalers: identity / amplification / attenuation
    log_deg = jnp.log(deg_c + 1.0)
    avg_log = jnp.mean(jnp.log(deg + 1.0))
    amp = (log_deg / avg_log)[:, None]
    att = (avg_log / log_deg)[:, None]
    aggr = jnp.concatenate([aggr, aggr * amp, aggr * att], axis=-1)
    # post_nn on [x, aggregated] then final lin
    out = jnp.concatenate([x, aggr], axis=-1) @ W_post + b_post
    out = out @ W_lin + b_lin
    # block wrapper: BN -> ReLU -> residual (dropout p=0)
    h1 = jax.nn.relu(_bn(out, bn_g, bn_b)) + x
    # FFN: BN -> Linear -> ReLU -> Linear -> residual -> BN
    h2 = _bn(h1, bn1_g, bn1_b)
    h2 = jax.nn.relu(h2 @ W_ff1 + b_ff1) @ W_ff2 + b_ff2
    return _bn(h1 + h2, bn2_g, bn2_b)


def reference(x, edge_index, W_pre, b_pre, W_post, b_post, W_lin, b_lin, bn_g, bn_b, W_ff1, b_ff1, W_ff2, b_ff2, bn1_g, bn1_b, bn2_g, bn2_b):
    return _pna_block(x, edge_index, W_pre, b_pre, W_post, b_post, W_lin, b_lin, bn_g, bn_b, W_ff1, b_ff1, W_ff2, b_ff2, bn1_g, bn1_b, bn2_g, bn2_b)

if __name__ == "__main__":
    import jax
    _d = setup_inputs()
    print(jax.jit(kernel)(*tuple(_d.values())))

</pallas_src>

<mosaic_0001>
#map = affine_map<(d0, d1) -> (0, 0)>
#map1 = affine_map<(d0, d1) -> (0, 0, 0)>
module attributes {stable_mosaic.version = 14 : i64} {
  func.func @_sc_sums_body(%arg0: i32, %arg1: i32, %arg2: memref<10000x128xf32, #tpu.memory_space<hbm>>, %arg3: memref<10000x128xf32, #tpu.memory_space<hbm>>, %arg4: memref<16x160x128xi32, #tpu.memory_space<hbm>>, %arg5: memref<16x160x128xi32, #tpu.memory_space<hbm>>, %arg6: memref<10112x128xf32, #tpu.memory_space<hbm>>, %arg7: memref<10112x128xf32, #tpu.memory_space<hbm>>, %arg8: memref<10112x128xf32, #tpu.memory_space<hbm>>, %arg9: memref<4x128xi32, #tpu.memory_space<vmem>>, %arg10: memref<4x128xi32, #tpu.memory_space<vmem>>, %arg11: memref<2x128x128xf32, #tpu.memory_space<vmem>>, %arg12: memref<10112x128xf32, #tpu.memory_space<vmem_shared>>, %arg13: memref<!tpu.dma_semaphore, #tpu.memory_space<semaphore_mem>>, %arg14: memref<!tpu.dma_semaphore, #tpu.memory_space<semaphore_mem>>, %arg15: memref<!tpu.dma_semaphore, #tpu.memory_space<semaphore_mem>>, %arg16: memref<!tpu.dma_semaphore, #tpu.memory_space<semaphore_mem>>, %arg17: memref<!tpu.dma_semaphore, #tpu.memory_space<semaphore_mem>>, %arg18: memref<!tpu.dma_semaphore, #tpu.memory_space<semaphore_mem>>, %arg19: memref<!tpu.dma_semaphore, #tpu.memory_space<semaphore_mem>>) attributes {dimension_semantics = [#tpu.dimension_semantics<core_parallel>, #tpu.dimension_semantics<subcore_parallel>], iteration_bounds = array<i64: 2, 16>, scalar_prefetch = 0 : i64, scratch_operands = 11 : i64, tpu.core_type = #tpu.core_type<sc_vector_subcore>, window_params = [{transform_indices = #map}, {transform_indices = #map}, {transform_indices = #map1}, {transform_indices = #map1}, {transform_indices = #map}, {transform_indices = #map}, {transform_indices = #map}]} {
    %mul3A = arith.constant 632 : i32
    %mul3A_0 = arith.muli %arg1, %mul3A : i32
    %mul3A_1 = arith.constant 632 : i32
    %mul3A_2 = arith.muli %arg1, %mul3A_1 : i32
    %dma_start3A = arith.constant 0 : i32
    %dma_start3A_3 = tpu.memref_slice %arg12[%mul3A_2, %dma_start3A] : memref<10112x128xf32, #tpu.memory_space<vmem_shared>> -> memref<632x128xf32, #tpu.memory_space<vmem_shared>>
    %dma_start3A_4 = arith.constant 0 : i32
    %dma_start3A_5 = tpu.memref_slice %arg6[%mul3A_0, %dma_start3A_4] : memref<10112x128xf32, #tpu.memory_space<hbm>> -> memref<632x128xf32, #tpu.memory_space<hbm>>
    tpu.enqueue_dma source(%dma_start3A_5 : memref<632x128xf32, #tpu.memory_space<hbm>>) target(%dma_start3A_3 : memref<632x128xf32, #tpu.memory_space<vmem_shared>>) target_semaphore(%arg17 : memref<!tpu.dma_semaphore, #tpu.memory_space<semaphore_mem>>)
    %dma_wait3A = arith.constant 0 : i32
    %dma_wait3A_6 = tpu.memref_slice %arg12[%mul3A_2, %dma_wait3A] : memref<10112x128xf32, #tpu.memory_space<vmem_shared>> -> memref<632x128xf32, #tpu.memory_space<vmem_shared>>
    %dma_wait3A_7 = arith.constant 0 : i32
    %dma_wait3A_8 = tpu.memref_slice %arg6[%mul3A_0, %dma_wait3A_7] : memref<10112x128xf32, #tpu.memory_space<hbm>> -> memref<632x128xf32, #tpu.memory_space<hbm>>
    tpu.wait_dma2 semaphore(%arg17 : memref<!tpu.dma_semaphore, #tpu.memory_space<semaphore_mem>>) src(%dma_wait3A_8 : memref<632x128xf32, #tpu.memory_space<hbm>>) dst(%dma_wait3A_6 : memref<632x128xf32, #tpu.memory_space<vmem_shared>>)
    %eq3A = arith.constant 0 : i32
    %eq3A_9 = arith.cmpi eq, %arg0, %eq3A : i32
    %convert_element_type3A = arith.extui %eq3A_9 : i1 to i32
    %cond3A = arith.constant 0 : i32
    %cond3A_10 = arith.cmpi ne, %convert_element_type3A, %cond3A : i32
    scf.if %cond3A_10 {
      %dma_start3A_26 = arith.constant 0 : i32
      %dma_start3A_27 = arith.constant 0 : i32
      %dma_start3A_28 = arith.constant 0 : i32
      %dma_start3A_29 = tpu.memref_slice %arg9[%dma_start3A_27, %dma_start3A_28] : memref<4x128xi32, #tpu.memory_space<vmem>> -> memref<1x128xi32, #tpu.memory_space<vmem>>
      %dma_start3A_30 = tpu.memref_squeeze %dma_start3A_29 : memref<1x128xi32, #tpu.memory_space<vmem>> -> memref<128xi32, #tpu.memory_space<vmem>>
      %dma_start3A_31 = arith.constant 0 : i32
      %dma_start3A_32 = tpu.memref_slice %arg4[%arg1, %dma_start3A_26, %dma_start3A_31] : memref<16x160x128xi32, #tpu.memory_space<hbm>> -> memref<1x1x128xi32, #tpu.memory_space<hbm>>
      %dma_start3A_33 = tpu.memref_squeeze %dma_start3A_32 : memref<1x1x128xi32, #tpu.memory_space<hbm>> -> memref<128xi32, #tpu.memory_space<hbm>>
      %dma_start3A_34 = arith.constant 0 : i32
      %dma_start3A_35 = tpu.memref_slice %arg9[%dma_start3A_27, %dma_start3A_34] : memref<4x128xi32, #tpu.memory_space<vmem>> -> memref<1x128xi32, #tpu.memory_space<vmem>>
      %dma_start3A_36 = tpu.memref_squeeze %dma_start3A_35 : memref<1x128xi32, #tpu.memory_space<vmem>> -> memref<128xi32, #tpu.memory_space<vmem>>
      %dma_start3A_37 = arith.constant 0 : i32
      %dma_start3A_38 = tpu.memref_slice %arg4[%arg1, %dma_start3A_26, %dma_start3A_37] : memref<16x160x128xi32, #tpu.memory_space<hbm>> -> memref<1x1x128xi32, #tpu.memory_space<hbm>>
      %dma_start3A_39 = tpu.memref_squeeze %dma_start3A_38 : memref<1x1x128xi32, #tpu.memory_space<hbm>> -> memref<128xi32, #tpu.memory_space<hbm>>
      tpu.enqueue_dma source(%dma_start3A_39 : memref<128xi32, #tpu.memory_space<hbm>>) target(%dma_start3A_36 : memref<128xi32, #tpu.memory_space<vmem>>) target_semaphore(%arg13 : memref<!tpu.dma_semaphore, #tpu.memory_space<semaphore_mem>>)
      %dma_start3A_40 = arith.constant 0 : i32
      %dma_start3A_41 = arith.constant 0 : i32
      %dma_start3A_42 = arith.constant 0 : i32
      %dma_start3A_43 = tpu.memref_slice %arg10[%dma_start3A_41, %dma_start3A_42] : memref<4x128xi32, #tpu.memory_space<vmem>> -> memref<1x128xi32, #tpu.memory_space<vmem>>
      %dma_start3A_44 = tpu.memref_squeeze %dma_start3A_43 : memref<1x128xi32, #tpu.memory_space<vmem>> -> memref<128xi32, #tpu.memory_space<vmem>>
      %dma_start3A_45 = arith.constant 0 : i32
      %dma_start3A_46 = tpu.memref_slice %arg5[%arg1, %dma_start3A_40, %dma_start3A_45] : memref<16x160x128xi32, #tpu.memory_space<hbm>> -> memref<1x1x128xi32, #tpu.memory_space<hbm>>
      %dma_start3A_47 = tpu.memref_squeeze %dma_start3A_46 : memref<1x1x128xi32, #tpu.memory_space<hbm>> -> memref<128xi32, #tpu.memory_space<hbm>>
      %dma_start3A_48 = arith.constant 0 : i32
      %dma_start3A_49 = tpu.memref_slice %arg10[%dma_start3A_41, %dma_start3A_48] : memref<4x128xi32, #tpu.memory_space<vmem>> -> memref<1x128xi32, #tpu.memory_space<vmem>>
      %dma_start3A_50 = tpu.memref_squeeze %dma_start3A_49 : memref<1x128xi32, #tpu.memory_space<vmem>> -> memref<128xi32, #tpu.memory_space<vmem>>
      %dma_start3A_51 = arith.constant 0 : i32
      %dma_start3A_52 = tpu.memref_slice %arg5[%arg1, %dma_start3A_40, %dma_start3A_51] : memref<16x160x128xi32, #tpu.memory_space<hbm>> -> memref<1x1x128xi32, #tpu.memory_space<hbm>>
      %dma_start3A_53 = tpu.memref_squeeze %dma_start3A_52 : memref<1x1x128xi32, #tpu.memory_space<hbm>> -> memref<128xi32, #tpu.memory_space<hbm>>
      tpu.enqueue_dma source(%dma_start3A_53 : memref<128xi32, #tpu.memory_space<hbm>>) target(%dma_start3A_50 : memref<128xi32, #tpu.memory_space<vmem>>) target_semaphore(%arg13 : memref<!tpu.dma_semaphore, #tpu.memory_space<semaphore_mem>>)
      %dma_start3A_54 = arith.constant 1 : i32
      %dma_start3A_55 = arith.constant 1 : i32
      %dma_start3A_56 = arith.constant 0 : i32
      %dma_start3A_57 = tpu.memref_slice %arg9[%dma_start3A_55, %dma_start3A_56] : memref<4x128xi32, #tpu.memory_space<vmem>> -> memref<1x128xi32, #tpu.memory_space<vmem>>
      %dma_start3A_58 = tpu.memref_squeeze %dma_start3A_57 : memref<1x128xi32, #tpu.memory_space<vmem>> -> memref<128xi32, #tpu.memory_space<vmem>>
      %dma_start3A_59 = arith.constant 0 : i32
      %dma_start3A_60 = tpu.memref_slice %arg4[%arg1, %dma_start3A_54, %dma_start3A_59] : memref<16x160x128xi32, #tpu.memory_space<hbm>> -> memref<1x1x128xi32, #tpu.memory_space<hbm>>
      %dma_start3A_61 = tpu.memref_squeeze %dma_start3A_60 : memref<1x1x128xi32, #tpu.memory_space<hbm>> -> memref<128xi32, #tpu.memory_space<hbm>>
      %dma_start3A_62 = arith.constant 0 : i32
      %dma_start3A_63 = tpu.memref_slice %arg9[%dma_start3A_55, %dma_start3A_62] : memref<4x128xi32, #tpu.memory_space<vmem>> -> memref<1x128xi32, #tpu.memory_space<vmem>>
      %dma_start3A_64 = tpu.memref_squeeze %dma_start3A_63 : memref<1x128xi32, #tpu.memory_space<vmem>> -> memref<128xi32, #tpu.memory_space<vmem>>
      %dma_start3A_65 = arith.constant 0 : i32
      %dma_start3A_66 = tpu.memref_slice %arg4[%arg1, %dma_start3A_54, %dma_start3A_65] : memref<16x160x128xi32, #tpu.memory_space<hbm>> -> memref<1x1x128xi32, #tpu.memory_space<hbm>>
      %dma_start3A_67 = tpu.memref_squeeze %dma_start3A_66 : memref<1x1x128xi32, #tpu.memory_space<hbm>> -> memref<128xi32, #tpu.memory_space<hbm>>
      tpu.enqueue_dma source(%dma_start3A_67 : memref<128xi32, #tpu.memory_space<hbm>>) target(%dma_start3A_64 : memref<128xi32, #tpu.memory_space<vmem>>) target_semaphore(%arg14 : memref<!tpu.dma_semaphore, #tpu.memory_space<semaphore_mem>>)
      %dma_start3A_68 = arith.constant 1 : i32
      %dma_start3A_69 = arith.constant 1 : i32
      %dma_start3A_70 = arith.constant 0 : i32
      %dma_start3A_71 = tpu.memref_slice %arg10[%dma_start3A_69, %dma_start3A_70] : memref<4x128xi32, #tpu.memory_space<vmem>> -> memref<1x128xi32, #tpu.memory_space<vmem>>
      %dma_start3A_72 = tpu.memref_squeeze %dma_start3A_71 : memref<1x128xi32, #tpu.memory_space<vmem>> -> memref<128xi32, #tpu.memory_space<vmem>>
      %dma_start3A_73 = arith.constant 0 : i32
      %dma_start3A_74 = tpu.memref_slice %arg5[%arg1, %dma_start3A_68, %dma_start3A_73] : memref<16x160x128xi32, #tpu.memory_space<hbm>> -> memref<1x1x128xi32, #tpu.memory_space<hbm>>
      %dma_start3A_75 = tpu.memref_squeeze %dma_start3A_74 : memref<1x1x128xi32, #tpu.memory_space<hbm>> -> memref<128xi32, #tpu.memory_space<hbm>>
      %dma_start3A_76 = arith.constant 0 : i32
      %dma_start3A_77 = tpu.memref_slice %arg10[%dma_start3A_69, %dma_start3A_76] : memref<4x128xi32, #tpu.memory_space<vmem>> -> memref<1x128xi32, #tpu.memory_space<vmem>>
      %dma_start3A_78 = tpu.memref_squeeze %dma_start3A_77 : memref<1x128xi32, #tpu.memory_space<vmem>> -> memref<128xi32, #tpu.memory_space<vmem>>
      %dma_start3A_79 = arith.constant 0 : i32
      %dma_start3A_80 = tpu.memref_slice %arg5[%arg1, %dma_start3A_68, %dma_start3A_79] : memref<16x160x128xi32, #tpu.memory_space<hbm>> -> memref<1x1x128xi32, #tpu.memory_space<hbm>>
      %dma_start3A_81 = tpu.memref_squeeze %dma_start3A_80 : memref<1x1x128xi32, #tpu.memory_space<hbm>> -> memref<128xi32, #tpu.memory_space<hbm>>
      tpu.enqueue_dma source(%dma_start3A_81 : memref<128xi32, #tpu.memory_space<hbm>>) target(%dma_start3A_78 : memref<128xi32, #tpu.memory_space<vmem>>) target_semaphore(%arg14 : memref<!tpu.dma_semaphore, #tpu.memory_space<semaphore_mem>>)
      %dma_start3A_82 = arith.constant 2 : i32
      %dma_start3A_83 = arith.constant 2 : i32
      %dma_start3A_84 = arith.constant 0 : i32
      %dma_start3A_85 = tpu.memref_slice %arg9[%dma_start3A_83, %dma_start3A_84] : memref<4x128xi32, #tpu.memory_space<vmem>> -> memref<1x128xi32, #tpu.memory_space<vmem>>
      %dma_start3A_86 = tpu.memref_squeeze %dma_start3A_85 : memref<1x128xi32, #tpu.memory_space<vmem>> -> memref<128xi32, #tpu.memory_space<vmem>>
      %dma_start3A_87 = arith.constant 0 : i32
      %dma_start3A_88 = tpu.memref_slice %arg4[%arg1, %dma_start3A_82, %dma_start3A_87] : memref<16x160x128xi32, #tpu.memory_space<hbm>> -> memref<1x1x128xi32, #tpu.memory_space<hbm>>
      %dma_start3A_89 = tpu.memref_squeeze %dma_start3A_88 : memref<1x1x128xi32, #tpu.memory_space<hbm>> -> memref<128xi32, #tpu.memory_space<hbm>>
      %dma_start3A_90 = arith.constant 0 : i32
      %dma_start3A_91 = tpu.memref_slice %arg9[%dma_start3A_83, %dma_start3A_90] : memref<4x128xi32, #tpu.memory_space<vmem>> -> memref<1x128xi32, #tpu.memory_space<vmem>>
      %dma_start3A_92 = tpu.memref_squeeze %dma_start3A_91 : memref<1x128xi32, #tpu.memory_space<vmem>> -> memref<128xi32, #tpu.memory_space<vmem>>
      %dma_start3A_93 = arith.constant 0 : i32
      %dma_start3A_94 = tpu.memref_slice %arg4[%arg1, %dma_start3A_82, %dma_start3A_93] : memref<16x160x128xi32, #tpu.memory_space<hbm>> -> memref<1x1x128xi32, #tpu.memory_space<hbm>>
      %dma_start3A_95 = tpu.memref_squeeze %dma_start3A_94 : memref<1x1x128xi32, #tpu.memory_space<hbm>> -> memref<128xi32, #tpu.memory_space<hbm>>
      tpu.enqueue_dma source(%dma_start3A_95 : memref<128xi32, #tpu.memory_space<hbm>>) target(%dma_start3A_92 : memref<128xi32, #tpu.memory_space<vmem>>) target_semaphore(%arg15 : memref<!tpu.dma_semaphore, #tpu.memory_space<semaphore_mem>>)
      %dma_start3A_96 = arith.constant 2 : i32
      %dma_start3A_97 = arith.constant 2 : i32
      %dma_start3A_98 = arith.constant 0 : i32
      %dma_start3A_99 = tpu.memref_slice %arg10[%dma_start3A_97, %dma_start3A_98] : memref<4x128xi32, #tpu.memory_space<vmem>> -> memref<1x128xi32, #tpu.memory_space<vmem>>
      %dma_start3A_100 = tpu.memref_squeeze %dma_start3A_99 : memref<1x128xi32, #tpu.memory_space<vmem>> -> memref<128xi32, #tpu.memory_space<vmem>>
      %dma_start3A_101 = arith.constant 0 : i32
      %dma_start3A_102 = tpu.memref_slice %arg5[%arg1, %dma_start3A_96, %dma_start3A_101] : memref<16x160x128xi32, #tpu.memory_space<hbm>> -> memref<1x1x128xi32, #tpu.memory_space<hbm>>
      %dma_start3A_103 = tpu.memref_squeeze %dma_start3A_102 : memref<1x1x128xi32, #tpu.memory_space<hbm>> -> memref<128xi32, #tpu.memory_space<hbm>>
      %dma_start3A_104 = arith.constant 0 : i32
      %dma_start3A_105 = tpu.memref_slice %arg10[%dma_start3A_97, %dma_start3A_104] : memref<4x128xi32, #tpu.memory_space<vmem>> -> memref<1x128xi32, #tpu.memory_space<vmem>>
      %dma_start3A_106 = tpu.memref_squeeze %dma_start3A_105 : memref<1x128xi32, #tpu.memory_space<vmem>> -> memref<128xi32, #tpu.memory_space<vmem>>
      %dma_start3A_107 = arith.constant 0 : i32
      %dma_start3A_108 = tpu.memref_slice %arg5[%arg1, %dma_start3A_96, %dma_start3A_107] : memref<16x160x128xi32, #tpu.memory_space<hbm>> -> memref<1x1x128xi32, #tpu.memory_space<hbm>>
      %dma_start3A_109 = tpu.memref_squeeze %dma_start3A_108 : memref<1x1x128xi32, #tpu.memory_space<hbm>> -> memref<128xi32, #tpu.memory_space<hbm>>
      tpu.enqueue_dma source(%dma_start3A_109 : memref<128xi32, #tpu.memory_space<hbm>>) target(%dma_start3A_106 : memref<128xi32, #tpu.memory_space<vmem>>) target_semaphore(%arg15 : memref<!tpu.dma_semaphore, #tpu.memory_space<semaphore_mem>>)
      %dma_start3A_110 = arith.constant 3 : i32
      %dma_start3A_111 = arith.constant 3 : i32
      %dma_start3A_112 = arith.constant 0 : i32
      %dma_start3A_113 = tpu.memref_slice %arg9[%dma_start3A_111, %dma_start3A_112] : memref<4x128xi32, #tpu.memory_space<vmem>> -> memref<1x128xi32, #tpu.memory_space<vmem>>
      %dma_start3A_114 = tpu.memref_squeeze %dma_start3A_113 : memref<1x128xi32, #tpu.memory_space<vmem>> -> memref<128xi32, #tpu.memory_space<vmem>>
      %dma_start3A_115 = arith.constant 0 : i32
      %dma_start3A_116 = tpu.memref_slice %arg4[%arg1, %dma_start3A_110, %dma_start3A_115] : memref<16x160x128xi32, #tpu.memory_space<hbm>> -> memref<1x1x128xi32, #tpu.memory_space<hbm>>
      %dma_start3A_117 = tpu.memref_squeeze %dma_start3A_116 : memref<1x1x128xi32, #tpu.memory_space<hbm>> -> memref<128xi32, #tpu.memory_space<hbm>>
      %dma_start3A_118 = arith.constant 0 : i32
      %dma_start3A_119 = tpu.memref_slice %arg9[%dma_start3A_111, %dma_start3A_118] : memref<4x128xi32, #tpu.memory_space<vmem>> -> memref<1x128xi32, #tpu.memory_space<vmem>>
      %dma_start3A_120 = tpu.memref_squeeze %dma_start3A_119 : memref<1x128xi32, #tpu.memory_space<vmem>> -> memref<128xi32, #tpu.memory_space<vmem>>
      %dma_start3A_121 = arith.constant 0 : i32
      %dma_start3A_122 = tpu.memref_slice %arg4[%arg1, %dma_start3A_110, %dma_start3A_121] : memref<16x160x128xi32, #tpu.memory_space<hbm>> -> memref<1x1x128xi32, #tpu.memory_space<hbm>>
      %dma_start3A_123 = tpu.memref_squeeze %dma_start3A_122 : memref<1x1x128xi32, #tpu.memory_space<hbm>> -> memref<128xi32, #tpu.memory_space<hbm>>
      tpu.enqueue_dma source(%dma_start3A_123 : memref<128xi32, #tpu.memory_space<hbm>>) target(%dma_start3A_120 : memref<128xi32, #tpu.memory_space<vmem>>) target_semaphore(%arg16 : memref<!tpu.dma_semaphore, #tpu.memory_space<semaphore_mem>>)
      %dma_start3A_124 = arith.constant 3 : i32
      %dma_start3A_125 = arith.constant 3 : i32
      %dma_start3A_126 = arith.constant 0 : i32
      %dma_start3A_127 = tpu.memref_slice %arg10[%dma_start3A_125, %dma_start3A_126] : memref<4x128xi32, #tpu.memory_space<vmem>> -> memref<1x128xi32, #tpu.memory_space<vmem>>
      %dma_start3A_128 = tpu.memref_squeeze %dma_start3A_127 : memref<1x128xi32, #tpu.memory_space<vmem>> -> memref<128xi32, #tpu.memory_space<vmem>>
      %dma_start3A_129 = arith.constant 0 : i32
      %dma_start3A_130 = tpu.memref_slice %arg5[%arg1, %dma_start3A_124, %dma_start3A_129] : memref<16x160x128xi32, #tpu.memory_space<hbm>> -> memref<1x1x128xi32, #tpu.memory_space<hbm>>
      %dma_start3A_131 = tpu.memref_squeeze %dma_start3A_130 : memref<1x1x128xi32, #tpu.memory_space<hbm>> -> memref<128xi32, #tpu.memory_space<hbm>>
      %dma_start3A_132 = arith.constant 0 : i32
      %dma_start3A_133 = tpu.memref_slice %arg10[%dma_start3A_125, %dma_start3A_132] : memref<4x128xi32, #tpu.memory_space<vmem>> -> memref<1x128xi32, #tpu.memory_space<vmem>>
      %dma_start3A_134 = tpu.memref_squeeze %dma_start3A_133 : memref<1x128xi32, #tpu.memory_space<vmem>> -> memref<128xi32, #tpu.memory_space<vmem>>
      %dma_start3A_135 = arith.constant 0 : i32
      %dma_start3A_136 = tpu.memref_slice %arg5[%arg1, %dma_start3A_124, %dma_start3A_135] : memref<16x160x128xi32, #tpu.memory_space<hbm>> -> memref<1x1x128xi32, #tpu.memory_space<hbm>>
      %dma_start3A_137 = tpu.memref_squeeze %dma_start3A_136 : memref<1x1x128xi32, #tpu.memory_space<hbm>> -> memref<128xi32, #tpu.memory_space<hbm>>
      tpu.enqueue_dma source(%dma_start3A_137 : memref<128xi32, #tpu.memory_space<hbm>>) target(%dma_start3A_134 : memref<128xi32, #tpu.memory_space<vmem>>) target_semaphore(%arg16 : memref<!tpu.dma_semaphore, #tpu.memory_space<semaphore_mem>>)
      %dma_wait3A_138 = arith.constant 0 : i32
      %dma_wait3A_139 = arith.constant 0 : i32
      %dma_wait3A_140 = arith.constant 0 : i32
      %dma_wait3A_141 = tpu.memref_slice %arg9[%dma_wait3A_139, %dma_wait3A_140] : memref<4x128xi32, #tpu.memory_space<vmem>> -> memref<1x128xi32, #tpu.memory_space<vmem>>
      %dma_wait3A_142 = tpu.memref_squeeze %dma_wait3A_141 : memref<1x128xi32, #tpu.memory_space<vmem>> -> memref<128xi32, #tpu.memory_space<vmem>>
      %dma_wait3A_143 = arith.constant 0 : i32
      %dma_wait3A_144 = tpu.memref_slice %arg4[%arg1, %dma_wait3A_138, %dma_wait3A_143] : memref<16x160x128xi32, #tpu.memory_space<hbm>> -> memref<1x1x128xi32, #tpu.memory_space<hbm>>
      %dma_wait3A_145 = tpu.memref_squeeze %dma_wait3A_144 : memref<1x1x128xi32, #tpu.memory_space<hbm>> -> memref<128xi32, #tpu.memory_space<hbm>>
      %dma_wait3A_146 = arith.constant 0 : i32
      %dma_wait3A_147 = tpu.memref_slice %arg9[%dma_wait3A_139, %dma_wait3A_146] : memref<4x128xi32, #tpu.memory_space<vmem>> -> memref<1x128xi32, #tpu.memory_space<vmem>>
      %dma_wait3A_148 = tpu.memref_squeeze %dma_wait3A_147 : memref<1x128xi32, #tpu.memory_space<vmem>> -> memref<128xi32, #tpu.memory_space<vmem>>
      %dma_wait3A_149 = arith.constant 0 : i32
      %dma_wait3A_150 = tpu.memref_slice %arg4[%arg1, %dma_wait3A_138, %dma_wait3A_149] : memref<16x160x128xi32, #tpu.memory_space<hbm>> -> memref<1x1x128xi32, #tpu.memory_space<hbm>>
      %dma_wait3A_151 = tpu.memref_squeeze %dma_wait3A_150 : memref<1x1x128xi32, #tpu.memory_space<hbm>> -> memref<128xi32, #tpu.memory_space<hbm>>
      tpu.wait_dma2 semaphore(%arg13 : memref<!tpu.dma_semaphore, #tpu.memory_space<semaphore_mem>>) src(%dma_wait3A_151 : memref<128xi32, #tpu.memory_space<hbm>>) dst(%dma_wait3A_148 : memref<128xi32, #tpu.memory_space<vmem>>)
      %dma_wait3A_152 = arith.constant 0 : i32
      %dma_wait3A_153 = arith.constant 0 : i32
      %dma_wait3A_154 = arith.constant 0 : i32
      %dma_wait3A_155 = tpu.memref_slice %arg10[%dma_wait3A_153, %dma_wait3A_154] : memref<4x128xi32, #tpu.memory_space<vmem>> -> memref<1x128xi32, #tpu.memory_space<vmem>>
      %dma_wait3A_156 = tpu.memref_squeeze %dma_wait3A_155 : memref<1x128xi32, #tpu.memory_space<vmem>> -> memref<128xi32, #tpu.memory_space<vmem>>
      %dma_wait3A_157 = arith.constant 0 : i32
      %dma_wait3A_158 = tpu.memref_slice %arg5[%arg1, %dma_wait3A_152, %dma_wait3A_157] : memref<16x160x128xi32, #tpu.memory_space<hbm>> -> memref<1x1x128xi32, #tpu.memory_space<hbm>>
      %dma_wait3A_159 = tpu.memref_squeeze %dma_wait3A_158 : memref<1x1x128xi32, #tpu.memory_space<hbm>> -> memref<128xi32, #tpu.memory_space<hbm>>
      %dma_wait3A_160 = arith.constant 0 : i32
      %dma_wait3A_161 = tpu.memref_slice %arg10[%dma_wait3A_153, %dma_wait3A_160] : memref<4x128xi32, #tpu.memory_space<vmem>> -> memref<1x128xi32, #tpu.memory_space<vmem>>
      %dma_wait3A_162 = tpu.memref_squeeze %dma_wait3A_161 : memref<1x128xi32, #tpu.memory_space<vmem>> -> memref<128xi32, #tpu.memory_space<vmem>>
      %dma_wait3A_163 = arith.constant 0 : i32
      %dma_wait3A_164 = tpu.memref_slice %arg5[%arg1, %dma_wait3A_152, %dma_wait3A_163] : memref<16x160x128xi32, #tpu.memory_space<hbm>> -> memref<1x1x128xi32, #tpu.memory_space<hbm>>
      %dma_wait3A_165 = tpu.memref_squeeze %dma_wait3A_164 : memref<1x1x128xi32, #tpu.memory_space<hbm>> -> memref<128xi32, #tpu.memory_space<hbm>>
      tpu.wait_dma2 semaphore(%arg13 : memref<!tpu.dma_semaphore, #tpu.memory_space<semaphore_mem>>) src(%dma_wait3A_165 : memref<128xi32, #tpu.memory_space<hbm>>) dst(%dma_wait3A_162 : memref<128xi32, #tpu.memory_space<vmem>>)
      %dma_wait3A_166 = arith.constant 1 : i32
      %dma_wait3A_167 = arith.constant 1 : i32
      %dma_wait3A_168 = arith.constant 0 : i32
      %dma_wait3A_169 = tpu.memref_slice %arg9[%dma_wait3A_167, %dma_wait3A_168] : memref<4x128xi32, #tpu.memory_space<vmem>> -> memref<1x128xi32, #tpu.memory_space<vmem>>
      %dma_wait3A_170 = tpu.memref_squeeze %dma_wait3A_169 : memref<1x128xi32, #tpu.memory_space<vmem>> -> memref<128xi32, #tpu.memory_space<vmem>>
      %dma_wait3A_171 = arith.constant 0 : i32
      %dma_wait3A_172 = tpu.memref_slice %arg4[%arg1, %dma_wait3A_166, %dma_wait3A_171] : memref<16x160x128xi32, #tpu.memory_space<hbm>> -> memref<1x1x128xi32, #tpu.memory_space<hbm>>
      %dma_wait3A_173 = tpu.memref_squeeze %dma_wait3A_172 : memref<1x1x128xi32, #tpu.memory_space<hbm>> -> memref<128xi32, #tpu.memory_space<hbm>>
      %dma_wait3A_174 = arith.constant 0 : i32
      %dma_wait3A_175 = tpu.memref_slice %arg9[%dma_wait3A_167, %dma_wait3A_174] : memref<4x128xi32, #tpu.memory_space<vmem>> -> memref<1x128xi32, #tpu.memory_space<vmem>>
      %dma_wait3A_176 = tpu.memref_squeeze %dma_wait3A_175 : memref<1x128xi32, #tpu.memory_space<vmem>> -> memref<128xi32, #tpu.memory_space<vmem>>
      %dma_wait3A_177 = arith.constant 0 : i32
      %dma_wait3A_178 = tpu.memref_slice %arg4[%arg1, %dma_wait3A_166, %dma_wait3A_177] : memref<16x160x128xi32, #tpu.memory_space<hbm>> -> memref<1x1x128xi32, #tpu.memory_space<hbm>>
      %dma_wait3A_179 = tpu.memref_squeeze %dma_wait3A_178 : memref<1x1x128xi32, #tpu.memory_space<hbm>> -> memref<128xi32, #tpu.memory_space<hbm>>
      tpu.wait_dma2 semaphore(%arg14 : memref<!tpu.dma_semaphore, #tpu.memory_space<semaphore_mem>>) src(%dma_wait3A_179 : memref<128xi32, #tpu.memory_space<hbm>>) dst(%dma_wait3A_176 : memref<128xi32, #tpu.memory_space<vmem>>)
      %dma_wait3A_180 = arith.constant 1 : i32
      %dma_wait3A_181 = arith.constant 1 : i32
      %dma_wait3A_182 = arith.constant 0 : i32
      %dma_wait3A_183 = tpu.memref_slice %arg10[%dma_wait3A_181, %dma_wait3A_182] : memref<4x128xi32, #tpu.memory_space<vmem>> -> memref<1x128xi32, #tpu.memory_space<vmem>>
      %dma_wait3A_184 = tpu.memref_squeeze %dma_wait3A_183 : memref<1x128xi32, #tpu.memory_space<vmem>> -> memref<128xi32, #tpu.memory_space<vmem>>
      %dma_wait3A_185 = arith.constant 0 : i32
      %dma_wait3A_186 = tpu.memref_slice %arg5[%arg1, %dma_wait3A_180, %dma_wait3A_185] : memref<16x160x128xi32, #tpu.memory_space<hbm>> -> memref<1x1x128xi32, #tpu.memory_space<hbm>>
      %dma_wait3A_187 = tpu.memref_squeeze %dma_wait3A_186 : memref<1x1x128xi32, #tpu.memory_space<hbm>> -> memref<128xi32, #tpu.memory_space<hbm>>
      %dma_wait3A_188 = arith.constant 0 : i32
      %dma_wait3A_189 = tpu.memref_slice %arg10[%dma_wait3A_181, %dma_wait3A_188] : memref<4x128xi32, #tpu.memory_space<vmem>> -> memref<1x128xi32, #tpu.memory_space<vmem>>
      %dma_wait3A_190 = tpu.memref_squeeze %dma_wait3A_189 : memref<1x128xi32, #tpu.memory_space<vmem>> -> memref<128xi32, #tpu.memory_space<vmem>>
      %dma_wait3A_191 = arith.constant 0 : i32
      %dma_wait3A_192 = tpu.memref_slice %arg5[%arg1, %dma_wait3A_180, %dma_wait3A_191] : memref<16x160x128xi32, #tpu.memory_space<hbm>> -> memref<1x1x128xi32, #tpu.memory_space<hbm>>
      %dma_wait3A_193 = tpu.memref_squeeze %dma_wait3A_192 : memref<1x1x128xi32, #tpu.memory_space<hbm>> -> memref<128xi32, #tpu.memory_space<hbm>>
      tpu.wait_dma2 semaphore(%arg14 : memref<!tpu.dma_semaphore, #tpu.memory_space<semaphore_mem>>) src(%dma_wait3A_193 : memref<128xi32, #tpu.memory_space<hbm>>) dst(%dma_wait3A_190 : memref<128xi32, #tpu.memory_space<vmem>>)
      %dma_wait3A_194 = arith.constant 2 : i32
      %dma_wait3A_195 = arith.constant 2 : i32
      %dma_wait3A_196 = arith.constant 0 : i32
      %dma_wait3A_197 = tpu.memref_slice %arg9[%dma_wait3A_195, %dma_wait3A_196] : memref<4x128xi32, #tpu.memory_space<vmem>> -> memref<1x128xi32, #tpu.memory_space<vmem>>
      %dma_wait3A_198 = tpu.memref_squeeze %dma_wait3A_197 : memref<1x128xi32, #tpu.memory_space<vmem>> -> memref<128xi32, #tpu.memory_space<vmem>>
      %dma_wait3A_199 = arith.constant 0 : i32
      %dma_wait3A_200 = tpu.memref_slice %arg4[%arg1, %dma_wait3A_194, %dma_wait3A_199] : memref<16x160x128xi32, #tpu.memory_space<hbm>> -> memref<1x1x128xi32, #tpu.memory_space<hbm>>
      %dma_wait3A_201 = tpu.memref_squeeze %dma_wait3A_200 : memref<1x1x128xi32, #tpu.memory_space<hbm>> -> memref<128xi32, #tpu.memory_space<hbm>>
      %dma_wait3A_202 = arith.constant 0 : i32
      %dma_wait3A_203 = tpu.memref_slice %arg9[%dma_wait3A_195, %dma_wait3A_202] : memref<4x128xi32, #tpu.memory_space<vmem>> -> memref<1x128xi32, #tpu.memory_space<vmem>>
      %dma_wait3A_204 = tpu.memref_squeeze %dma_wait3A_203 : memref<1x128xi32, #tpu.memory_space<vmem>> -> memref<128xi32, #tpu.memory_space<vmem>>
      %dma_wait3A_205 = arith.constant 0 : i32
      %dma_wait3A_206 = tpu.memref_slice %arg4[%arg1, %dma_wait3A_194, %dma_wait3A_205] : memref<16x160x128xi32, #tpu.memory_space<hbm>> -> memref<1x1x128xi32, #tpu.memory_space<hbm>>
      %dma_wait3A_207 = tpu.memref_squeeze %dma_wait3A_206 : memref<1x1x128xi32, #tpu.memory_space<hbm>> -> memref<128xi32, #tpu.memory_space<hbm>>
      tpu.wait_dma2 semaphore(%arg15 : memref<!tpu.dma_semaphore, #tpu.memory_space<semaphore_mem>>) src(%dma_wait3A_207 : memref<128xi32, #tpu.memory_space<hbm>>) dst(%dma_wait3A_204 : memref<128xi32, #tpu.memory_space<vmem>>)
      %dma_wait3A_208 = arith.constant 2 : i32
      %dma_wait3A_209 = arith.constant 2 : i32
      %dma_wait3A_210 = arith.constant 0 : i32
      %dma_wait3A_211 = tpu.memref_slice %arg10[%dma_wait3A_209, %dma_wait3A_210] : memref<4x128xi32, #tpu.memory_space<vmem>> -> memref<1x128xi32, #tpu.memory_space<vmem>>
      %dma_wait3A_212 = tpu.memref_squeeze %dma_wait3A_211 : memref<1x128xi32, #tpu.memory_space<vmem>> -> memref<128xi32, #tpu.memory_space<vmem>>
      %dma_wait3A_213 = arith.constant 0 : i32
      %dma_wait3A_214 = tpu.memref_slice %arg5[%arg1, %dma_wait3A_208, %dma_wait3A_213] : memref<16x160x128xi32, #tpu.memory_space<hbm>> -> memref<1x1x128xi32, #tpu.memory_space<hbm>>
      %dma_wait3A_215 = tpu.memref_squeeze %dma_wait3A_214 : memref<1x1x128xi32, #tpu.memory_space<hbm>> -> memref<128xi32, #tpu.memory_space<hbm>>
      %dma_wait3A_216 = arith.constant 0 : i32
      %dma_wait3A_217 = tpu.memref_slice %arg10[%dma_wait3A_209, %dma_wait3A_216] : memref<4x128xi32, #tpu.memory_space<vmem>> -> memref<1x128xi32, #tpu.memory_space<vmem>>
      %dma_wait3A_218 = tpu.memref_squeeze %dma_wait3A_217 : memref<1x128xi32, #tpu.memory_space<vmem>> -> memref<128xi32, #tpu.memory_space<vmem>>
      %dma_wait3A_219 = arith.constant 0 : i32
      %dma_wait3A_220 = tpu.memref_slice %arg5[%arg1, %dma_wait3A_208, %dma_wait3A_219] : memref<16x160x128xi32, #tpu.memory_space<hbm>> -> memref<1x1x128xi32, #tpu.memory_space<hbm>>
      %dma_wait3A_221 = tpu.memref_squeeze %dma_wait3A_220 : memref<1x1x128xi32, #tpu.memory_space<hbm>> -> memref<128xi32, #tpu.memory_space<hbm>>
      tpu.wait_dma2 semaphore(%arg15 : memref<!tpu.dma_semaphore, #tpu.memory_space<semaphore_mem>>) src(%dma_wait3A_221 : memref<128xi32, #tpu.memory_space<hbm>>) dst(%dma_wait3A_218 : memref<128xi32, #tpu.memory_space<vmem>>)
      %dma_wait3A_222 = arith.constant 3 : i32
      %dma_wait3A_223 = arith.constant 3 : i32
      %dma_wait3A_224 = arith.constant 0 : i32
      %dma_wait3A_225 = tpu.memref_slice %arg9[%dma_wait3A_223, %dma_wait3A_224] : memref<4x128xi32, #tpu.memory_space<vmem>> -> memref<1x128xi32, #tpu.memory_space<vmem>>
      %dma_wait3A_226 = tpu.memref_squeeze %dma_wait3A_225 : memref<1x128xi32, #tpu.memory_space<vmem>> -> memref<128xi32, #tpu.memory_space<vmem>>
      %dma_wait3A_227 = arith.constant 0 : i32
      %dma_wait3A_228 = tpu.memref_slice %arg4[%arg1, %dma_wait3A_222, %dma_wait3A_227] : memref<16x160x128xi32, #tpu.memory_space<hbm>> -> memref<1x1x128xi32, #tpu.memory_space<hbm>>
      %dma_wait3A_229 = tpu.memref_squeeze %dma_wait3A_228 : memref<1x1x128xi32, #tpu.memory_space<hbm>> -> memref<128xi32, #tpu.memory_space<hbm>>
      %dma_wait3A_230 = arith.constant 0 : i32
      %dma_wait3A_231 = tpu.memref_slice %arg9[%dma_wait3A_223, %dma_wait3A_230] : memref<4x128xi32, #tpu.memory_space<vmem>> -> memref<1x128xi32, #tpu.memory_space<vmem>>
      %dma_wait3A_232 = tpu.memref_squeeze %dma_wait3A_231 : memref<1x128xi32, #tpu.memory_space<vmem>> -> memref<128xi32, #tpu.memory_space<vmem>>
      %dma_wait3A_233 = arith.constant 0 : i32
      %dma_wait3A_234 = tpu.memref_slice %arg4[%arg1, %dma_wait3A_222, %dma_wait3A_233] : memref<16x160x128xi32, #tpu.memory_space<hbm>> -> memref<1x1x128xi32, #tpu.memory_space<hbm>>
      %dma_wait3A_235 = tpu.memref_squeeze %dma_wait3A_234 : memref<1x1x128xi32, #tpu.memory_space<hbm>> -> memref<128xi32, #tpu.memory_space<hbm>>
      tpu.wait_dma2 semaphore(%arg16 : memref<!tpu.dma_semaphore, #tpu.memory_space<semaphore_mem>>) src(%dma_wait3A_235 : memref<128xi32, #tpu.memory_space<hbm>>) dst(%dma_wait3A_232 : memref<128xi32, #tpu.memory_space<vmem>>)
      %dma_wait3A_236 = arith.constant 3 : i32
      %dma_wait3A_237 = arith.constant 3 : i32
      %dma_wait3A_238 = arith.constant 0 : i32
      %dma_wait3A_239 = tpu.memref_slice %arg10[%dma_wait3A_237, %dma_wait3A_238] : memref<4x128xi32, #tpu.memory_space<vmem>> -> memref<1x128xi32, #tpu.memory_space<vmem>>
      %dma_wait3A_240 = tpu.memref_squeeze %dma_wait3A_239 : memref<1x128xi32, #tpu.memory_space<vmem>> -> memref<128xi32, #tpu.memory_space<vmem>>
      %dma_wait3A_241 = arith.constant 0 : i32
      %dma_wait3A_242 = tpu.memref_slice %arg5[%arg1, %dma_wait3A_236, %dma_wait3A_241] : memref<16x160x128xi32, #tpu.memory_space<hbm>> -> memref<1x1x128xi32, #tpu.memory_space<hbm>>
      %dma_wait3A_243 = tpu.memref_squeeze %dma_wait3A_242 : memref<1x1x128xi32, #tpu.memory_space<hbm>> -> memref<128xi32, #tpu.memory_space<hbm>>
      %dma_wait3A_244 = arith.constant 0 : i32
      %dma_wait3A_245 = tpu.memref_slice %arg10[%dma_wait3A_237, %dma_wait3A_244] : memref<4x128xi32, #tpu.memory_space<vmem>> -> memref<1x128xi32, #tpu.memory_space<vmem>>
      %dma_wait3A_246 = tpu.memref_squeeze %dma_wait3A_245 : memref<1x128xi32, #tpu.memory_space<vmem>> -> memref<128xi32, #tpu.memory_space<vmem>>
      %dma_wait3A_247 = arith.constant 0 : i32
      %dma_wait3A_248 = tpu.memref_slice %arg5[%arg1, %dma_wait3A_236, %dma_wait3A_247] : memref<16x160x128xi32, #tpu.memory_space<hbm>> -> memref<1x1x128xi32, #tpu.memory_space<hbm>>
      %dma_wait3A_249 = tpu.memref_squeeze %dma_wait3A_248 : memref<1x1x128xi32, #tpu.memory_space<hbm>> -> memref<128xi32, #tpu.memory_space<hbm>>
      tpu.wait_dma2 semaphore(%arg16 : memref<!tpu.dma_semaphore, #tpu.memory_space<semaphore_mem>>) src(%dma_wait3A_249 : memref<128xi32, #tpu.memory_space<hbm>>) dst(%dma_wait3A_246 : memref<128xi32, #tpu.memory_space<vmem>>)
      %dma_start3A_250 = arith.constant 0 : i32
      %dma_start3A_251 = arith.constant 0 : i32
      %dma_start3A_252 = arith.constant 0 : i32
      %dma_start3A_253 = arith.constant 0 : i32
      %dma_start3A_254 = tpu.memref_slice %arg11[%dma_start3A_251, %dma_start3A_252, %dma_start3A_253] : memref<2x128x128xf32, #tpu.memory_space<vmem>> -> memref<1x128x128xf32, #tpu.memory_space<vmem>>
      %dma_start3A_255 = tpu.memref_squeeze %dma_start3A_254 : memref<1x128x128xf32, #tpu.memory_space<vmem>> -> memref<128x128xf32, #tpu.memory_space<vmem>>
      %dma_start3A_256 = arith.constant 0 : i32
      %dma_start3A_257 = tpu.memref_slice %arg9[%dma_start3A_250, %dma_start3A_256] : memref<4x128xi32, #tpu.memory_space<vmem>> -> memref<1x128xi32, #tpu.memory_space<vmem>>
      %dma_start3A_258 = tpu.memref_squeeze %dma_start3A_257 : memref<1x128xi32, #tpu.memory_space<vmem>> -> memref<128xi32, #tpu.memory_space<vmem>>
      %dma_start3A_259 = arith.constant 0 : i32
      %dma_start3A_260 = arith.constant 0 : i32
      %dma_start3A_261 = tpu.memref_slice %arg2[%dma_start3A_259, %dma_start3A_260] : memref<10000x128xf32, #tpu.memory_space<hbm>> -> memref<10000x128xf32, #tpu.memory_space<hbm>>
      tpu.enqueue_indirect_dma source(%dma_start3A_261 : memref<10000x128xf32, #tpu.memory_space<hbm>>) target(%dma_start3A_255 : memref<128x128xf32, #tpu.memory_space<vmem>>) offsets(%dma_start3A_258 : memref<128xi32, #tpu.memory_space<vmem>>) semaphore(%arg18 : memref<!tpu.dma_semaphore, #tpu.memory_space<semaphore_mem>>)
      %dma_start3A_262 = arith.constant 1 : i32
      %dma_start3A_263 = arith.constant 1 : i32
      %dma_start3A_264 = arith.constant 0 : i32
      %dma_start3A_265 = arith.constant 0 : i32
      %dma_start3A_266 = tpu.memref_slice %arg11[%dma_start3A_263, %dma_start3A_264, %dma_start3A_265] : memref<2x128x128xf32, #tpu.memory_space<vmem>> -> memref<1x128x128xf32, #tpu.memory_space<vmem>>
      %dma_start3A_267 = tpu.memref_squeeze %dma_start3A_266 : memref<1x128x128xf32, #tpu.memory_space<vmem>> -> memref<128x128xf32, #tpu.memory_space<vmem>>
      %dma_start3A_268 = arith.constant 0 : i32
      %dma_start3A_269 = tpu.memref_slice %arg9[%dma_start3A_262, %dma_start3A_268] : memref<4x128xi32, #tpu.memory_space<vmem>> -> memref<1x128xi32, #tpu.memory_space<vmem>>
      %dma_start3A_270 = tpu.memref_squeeze %dma_start3A_269 : memref<1x128xi32, #tpu.memory_space<vmem>> -> memref<128xi32, #tpu.memory_space<vmem>>
      %dma_start3A_271 = arith.constant 0 : i32
      %dma_start3A_272 = arith.constant 0 : i32
      %dma_start3A_273 = tpu.memref_slice %arg2[%dma_start3A_271, %dma_start3A_272] : memref<10000x128xf32, #tpu.memory_space<hbm>> -> memref<10000x128xf32, #tpu.memory_space<hbm>>
      tpu.enqueue_indirect_dma source(%dma_start3A_273 : memref<10000x128xf32, #tpu.memory_space<hbm>>) target(%dma_start3A_267 : memref<128x128xf32, #tpu.memory_space<vmem>>) offsets(%dma_start3A_270 : memref<128xi32, #tpu.memory_space<vmem>>) semaphore(%arg19 : memref<!tpu.dma_semaphore, #tpu.memory_space<semaphore_mem>>)
      %barrier3A_274 = arith.constant 0 : index
      tpu.barrier barrier_id(%barrier3A_274)
      %scan3A = arith.constant 0 : i32
      %scan3A_275 = arith.constant 0 : i32
      %scan3A_276 = arith.constant 40 : i32
      %scan3A_277 = arith.addi %scan3A_275, %scan3A_276 : i32
      %scan3A_278 = arith.constant 1 : i32
      scf.for %scan3A_280 = %scan3A_275 to %scan3A_277 step %scan3A_278  : i32 {
        %mul3A_281 = arith.constant 4 : i32
        %mul3A_282 = arith.muli %scan3A_280, %mul3A_281 : i32
        %dma_wait3A_283 = arith.constant 0 : i32
        %dma_wait3A_284 = arith.constant 0 : i32
        %dma_wait3A_285 = arith.constant 0 : i32
        %dma_wait3A_286 = arith.constant 0 : i32
        %dma_wait3A_287 = tpu.memref_slice %arg11[%dma_wait3A_284, %dma_wait3A_285, %dma_wait3A_286] : memref<2x128x128xf32, #tpu.memory_space<vmem>> -> memref<1x128x128xf32, #tpu.memory_space<vmem>>
        %dma_wait3A_288 = tpu.memref_squeeze %dma_wait3A_287 : memref<1x128x128xf32, #tpu.memory_space<vmem>> -> memref<128x128xf32, #tpu.memory_space<vmem>>
        %dma_wait3A_289 = arith.constant 0 : i32
        %dma_wait3A_290 = tpu.memref_slice %arg9[%dma_wait3A_283, %dma_wait3A_289] : memref<4x128xi32, #tpu.memory_space<vmem>> -> memref<1x128xi32, #tpu.memory_space<vmem>>
        %dma_wait3A_291 = tpu.memref_squeeze %dma_wait3A_290 : memref<1x128xi32, #tpu.memory_space<vmem>> -> memref<128xi32, #tpu.memory_space<vmem>>
        %dma_wait3A_292 = arith.constant 0 : i32
        %dma_wait3A_293 = arith.constant 0 : i32
        %dma_wait3A_294 = tpu.memref_slice %arg2[%dma_wait3A_292, %dma_wait3A_293] : memref<10000x128xf32, #tpu.memory_space<hbm>> -> memref<10000x128xf32, #tpu.memory_space<hbm>>
        tpu.wait_indirect_dma semaphore(%arg18 : memref<!tpu.dma_semaphore, #tpu.memory_space<semaphore_mem>>) src(%dma_wait3A_294 : memref<10000x128xf32, #tpu.memory_space<hbm>>) dst(%dma_wait3A_288 : memref<128x128xf32, #tpu.memory_space<vmem>>)
        %run_scoped3A = arith.constant 0 : i32
        %run_scoped3A_295 = arith.constant 0 : i32
        "tpu.region"() ({
          %run_scoped3A_414 = tpu.sem_alloc : memref<!tpu.dma_semaphore, #tpu.memory_space<semaphore_mem>>
          %dma_start3A_415 = arith.constant 0 : i32
          %dma_start3A_416 = arith.constant 0 : i32
          %dma_start3A_417 = tpu.memref_slice %arg11[%run_scoped3A, %dma_start3A_415, %dma_start3A_416] : memref<2x128x128xf32, #tpu.memory_space<vmem>> -> memref<1x128x128xf32, #tpu.memory_space<vmem>>
          %dma_start3A_418 = tpu.memref_squeeze %dma_start3A_417 : memref<1x128x128xf32, #tpu.memory_space<vmem>> -> memref<128x128xf32, #tpu.memory_space<vmem>>
          %dma_start3A_419 = arith.constant 0 : i32
          %dma_start3A_420 = tpu.memref_slice %arg10[%run_scoped3A_295, %dma_start3A_419] : memref<4x128xi32, #tpu.memory_space<vmem>> -> memref<1x128xi32, #tpu.memory_space<vmem>>
          %dma_start3A_421 = tpu.memref_squeeze %dma_start3A_420 : memref<1x128xi32, #tpu.memory_space<vmem>> -> memref<128xi32, #tpu.memory_space<vmem>>
          %dma_start3A_422 = arith.constant 0 : i32
          %dma_start3A_423 = arith.constant 0 : i32
          %dma_start3A_424 = tpu.memref_slice %arg12[%dma_start3A_422, %dma_start3A_423] : memref<10112x128xf32, #tpu.memory_space<vmem_shared>> -> memref<10112x128xf32, #tpu.memory_space<vmem_shared>>
          tpu.enqueue_indirect_dma source(%dma_start3A_418 : memref<128x128xf32, #tpu.memory_space<vmem>>) target(%dma_start3A_424 : memref<10112x128xf32, #tpu.memory_space<vmem_shared>>) offsets(%dma_start3A_421 : memref<128xi32, #tpu.memory_space<vmem>>) semaphore(%run_scoped3A_414 : memref<!tpu.dma_semaphore, #tpu.memory_space<semaphore_mem>>) {add = true}
          %dma_wait3A_425 = arith.constant 0 : i32
          %dma_wait3A_426 = arith.constant 0 : i32
          %dma_wait3A_427 = tpu.memref_slice %arg11[%run_scoped3A, %dma_wait3A_425, %dma_wait3A_426] : memref<2x128x128xf32, #tpu.memory_space<vmem>> -> memref<1x128x128xf32, #tpu.memory_space<vmem>>
          %dma_wait3A_428 = tpu.memref_squeeze %dma_wait3A_427 : memref<1x128x128xf32, #tpu.memory_space<vmem>> -> memref<128x128xf32, #tpu.memory_space<vmem>>
          %dma_wait3A_429 = arith.constant 0 : i32
          %dma_wait3A_430 = tpu.memref_slice %arg10[%run_scoped3A_295, %dma_wait3A_429] : memref<4x128xi32, #tpu.memory_space<vmem>> -> memref<1x128xi32, #tpu.memory_space<vmem>>
          %dma_wait3A_431 = tpu.memref_squeeze %dma_wait3A_430 : memref<1x128xi32, #tpu.memory_space<vmem>> -> memref<128xi32, #tpu.memory_space<vmem>>
          %dma_wait3A_432 = arith.constant 0 : i32
          %dma_wait3A_433 = arith.constant 0 : i32
          %dma_wait3A_434 = tpu.memref_slice %arg12[%dma_wait3A_432, %dma_wait3A_433] : memref<10112x128xf32, #tpu.memory_space<vmem_shared>> -> memref<10112x128xf32, #tpu.memory_space<vmem_shared>>
          tpu.wait_indirect_dma semaphore(%run_scoped3A_414 : memref<!tpu.dma_semaphore, #tpu.memory_space<semaphore_mem>>) src(%dma_wait3A_428 : memref<128x128xf32, #tpu.memory_space<vmem>>) dst(%dma_wait3A_434 : memref<10112x128xf32, #tpu.memory_space<vmem_shared>>)
          tpu.yield
        }) : () -> ()
        %dma_start3A_296 = arith.constant 2 : i32
        %dma_start3A_297 = arith.constant 0 : i32
        %dma_start3A_298 = arith.constant 0 : i32
        %dma_start3A_299 = arith.constant 0 : i32
        %dma_start3A_300 = tpu.memref_slice %arg11[%dma_start3A_297, %dma_start3A_298, %dma_start3A_299] : memref<2x128x128xf32, #tpu.memory_space<vmem>> -> memref<1x128x128xf32, #tpu.memory_space<vmem>>
        %dma_start3A_301 = tpu.memref_squeeze %dma_start3A_300 : memref<1x128x128xf32, #tpu.memory_space<vmem>> -> memref<128x128xf32, #tpu.memory_space<vmem>>
        %dma_start3A_302 = arith.constant 0 : i32
        %dma_start3A_303 = tpu.memref_slice %arg9[%dma_start3A_296, %dma_start3A_302] : memref<4x128xi32, #tpu.memory_space<vmem>> -> memref<1x128xi32, #tpu.memory_space<vmem>>
        %dma_start3A_304 = tpu.memref_squeeze %dma_start3A_303 : memref<1x128xi32, #tpu.memory_space<vmem>> -> memref<128xi32, #tpu.memory_space<vmem>>
        %dma_start3A_305 = arith.constant 0 : i32
        %dma_start3A_306 = arith.constant 0 : i32
        %dma_start3A_307 = tpu.memref_slice %arg2[%dma_start3A_305, %dma_start3A_306] : memref<10000x128xf32, #tpu.memory_space<hbm>> -> memref<10000x128xf32, #tpu.memory_space<hbm>>
        tpu.enqueue_indirect_dma source(%dma_start3A_307 : memref<10000x128xf32, #tpu.memory_space<hbm>>) target(%dma_start3A_301 : memref<128x128xf32, #tpu.memory_space<vmem>>) offsets(%dma_start3A_304 : memref<128xi32, #tpu.memory_space<vmem>>) semaphore(%arg18 : memref<!tpu.dma_semaphore, #tpu.memory_space<semaphore_mem>>)
        %dma_wait3A_308 = arith.constant 1 : i32
        %dma_wait3A_309 = arith.constant 1 : i32
        %dma_wait3A_310 = arith.constant 0 : i32
        %dma_wait3A_311 = arith.constant 0 : i32
        %dma_wait3A_312 = tpu.memref_slice %arg11[%dma_wait3A_309, %dma_wait3A_310, %dma_wait3A_311] : memref<2x128x128xf32, #tpu.memory_space<vmem>> -> memref<1x128x128xf32, #tpu.memory_space<vmem>>
        %dma_wait3A_313 = tpu.memref_squeeze %dma_wait3A_312 : memref<1x128x128xf32, #tpu.memory_space<vmem>> -> memref<128x128xf32, #tpu.memory_space<vmem>>
        %dma_wait3A_314 = arith.constant 0 : i32
        %dma_wait3A_315 = tpu.memref_slice %arg9[%dma_wait3A_308, %dma_wait3A_314] : memref<4x128xi32, #tpu.memory_space<vmem>> -> memref<1x128xi32, #tpu.memory_space<vmem>>
        %dma_wait3A_316 = tpu.memref_squeeze %dma_wait3A_315 : memref<1x128xi32, #tpu.memory_space<vmem>> -> memref<128xi32, #tpu.memory_space<vmem>>
        %dma_wait3A_317 = arith.constant 0 : i32
        %dma_wait3A_318 = arith.constant 0 : i32
        %dma_wait3A_319 = tpu.memref_slice %arg2[%dma_wait3A_317, %dma_wait3A_318] : memref<10000x128xf32, #tpu.memory_space<hbm>> -> memref<10000x128xf32, #tpu.memory_space<hbm>>
        tpu.wait_indirect_dma semaphore(%arg19 : memref<!tpu.dma_semaphore, #tpu.memory_space<semaphore_mem>>) src(%dma_wait3A_319 : memref<10000x128xf32, #tpu.memory_space<hbm>>) dst(%dma_wait3A_313 : memref<128x128xf32, #tpu.memory_space<vmem>>)
        %run_scoped3A_320 = arith.constant 1 : i32
        %run_scoped3A_321 = arith.constant 1 : i32
        "tpu.region"() ({
          %run_scoped3A_414 = tpu.sem_alloc : memref<!tpu.dma_semaphore, #tpu.memory_space<semaphore_mem>>
          %dma_start3A_415 = arith.constant 0 : i32
          %dma_start3A_416 = arith.constant 0 : i32
          %dma_start3A_417 = tpu.memref_slice %arg11[%run_scoped3A_320, %dma_start3A_415, %dma_start3A_416] : memref<2x128x128xf32, #tpu.memory_space<vmem>> -> memref<1x128x128xf32, #tpu.memory_space<vmem>>
          %dma_start3A_418 = tpu.memref_squeeze %dma_start3A_417 : memref<1x128x128xf32, #tpu.memory_space<vmem>> -> memref<128x128xf32, #tpu.memory_space<vmem>>
          %dma_start3A_419 = arith.constant 0 : i32
          %dma_start3A_420 = tpu.memref_slice %arg10[%run_scoped3A_321, %dma_start3A_419] : memref<4x128xi32, #tpu.memory_space<vmem>> -> memref<1x128xi32, #tpu.memory_space<vmem>>
          %dma_start3A_421 = tpu.memref_squeeze %dma_start3A_420 : memref<1x128xi32, #tpu.memory_space<vmem>> -> memref<128xi32, #tpu.memory_space<vmem>>
          %dma_start3A_422 = arith.constant 0 : i32
          %dma_start3A_423 = arith.constant 0 : i32
          %dma_start3A_424 = tpu.memref_slice %arg12[%dma_start3A_422, %dma_start3A_423] : memref<10112x128xf32, #tpu.memory_space<vmem_shared>> -> memref<10112x128xf32, #tpu.memory_space<vmem_shared>>
          tpu.enqueue_indirect_dma source(%dma_start3A_418 : memref<128x128xf32, #tpu.memory_space<vmem>>) target(%dma_start3A_424 : memref<10112x128xf32, #tpu.memory_space<vmem_shared>>) offsets(%dma_start3A_421 : memref<128xi32, #tpu.memory_space<vmem>>) semaphore(%run_scoped3A_414 : memref<!tpu.dma_semaphore, #tpu.memory_space<semaphore_mem>>) {add = true}
          %dma_wait3A_425 = arith.constant 0 : i32
          %dma_wait3A_426 = arith.constant 0 : i32
          %dma_wait3A_427 = tpu.memref_slice %arg11[%run_scoped3A_320, %dma_wait3A_425, %dma_wait3A_426] : memref<2x128x128xf32, #tpu.memory_space<vmem>> -> memref<1x128x128xf32, #tpu.memory_space<vmem>>
          %dma_wait3A_428 = tpu.memref_squeeze %dma_wait3A_427 : memref<1x128x128xf32, #tpu.memory_space<vmem>> -> memref<128x128xf32, #tpu.memory_space<vmem>>
          %dma_wait3A_429 = arith.constant 0 : i32
          %dma_wait3A_430 = tpu.memref_slice %arg10[%run_scoped3A_321, %dma_wait3A_429] : memref<4x128xi32, #tpu.memory_space<vmem>> -> memref<1x128xi32, #tpu.memory_space<vmem>>
          %dma_wait3A_431 = tpu.memref_squeeze %dma_wait3A_430 : memref<1x128xi32, #tpu.memory_space<vmem>> -> memref<128xi32, #tpu.memory_space<vmem>>
          %dma_wait3A_432 = arith.constant 0 : i32
          %dma_wait3A_433 = arith.constant 0 : i32
          %dma_wait3A_434 = tpu.memref_slice %arg12[%dma_wait3A_432, %dma_wait3A_433] : memref<10112x128xf32, #tpu.memory_space<vmem_shared>> -> memref<10112x128xf32, #tpu.memory_space<vmem_shared>>
          tpu.wait_indirect_dma semaphore(%run_scoped3A_414 : memref<!tpu.dma_semaphore, #tpu.memory_space<semaphore_mem>>) src(%dma_wait3A_428 : memref<128x128xf32, #tpu.memory_space<vmem>>) dst(%dma_wait3A_434 : memref<10112x128xf32, #tpu.memory_space<vmem_shared>>)
          tpu.yield
        }) : () -> ()
        %dma_start3A_322 = arith.constant 3 : i32
        %dma_start3A_323 = arith.constant 1 : i32
        %dma_start3A_324 = arith.constant 0 : i32
        %dma_start3A_325 = arith.constant 0 : i32
        %dma_start3A_326 = tpu.memref_slice %arg11[%dma_start3A_323, %dma_start3A_324, %dma_start3A_325] : memref<2x128x128xf32, #tpu.memory_space<vmem>> -> memref<1x128x128xf32, #tpu.memory_space<vmem>>
        %dma_start3A_327 = tpu.memref_squeeze %dma_start3A_326 : memref<1x128x128xf32, #tpu.memory_space<vmem>> -> memref<128x128xf32, #tpu.memory_space<vmem>>
        %dma_start3A_328 = arith.constant 0 : i32
        %dma_start3A_329 = tpu.memref_slice %arg9[%dma_start3A_322, %dma_start3A_328] : memref<4x128xi32, #tpu.memory_space<vmem>> -> memref<1x128xi32, #tpu.memory_space<vmem>>
        %dma_start3A_330 = tpu.memref_squeeze %dma_start3A_329 : memref<1x128xi32, #tpu.memory_space<vmem>> -> memref<128xi32, #tpu.memory_space<vmem>>
        %dma_start3A_331 = arith.constant 0 : i32
        %dma_start3A_332 = arith.constant 0 : i32
        %dma_start3A_333 = tpu.memref_slice %arg2[%dma_start3A_331, %dma_start3A_332] : memref<10000x128xf32, #tpu.memory_space<hbm>> -> memref<10000x128xf32, #tpu.memory_space<hbm>>
        tpu.enqueue_indirect_dma source(%dma_start3A_333 : memref<10000x128xf32, #tpu.memory_space<hbm>>) target(%dma_start3A_327 : memref<128x128xf32, #tpu.memory_space<vmem>>) offsets(%dma_start3A_330 : memref<128xi32, #tpu.memory_space<vmem>>) semaphore(%arg19 : memref<!tpu.dma_semaphore, #tpu.memory_space<semaphore_mem>>)
        %add3A = arith.constant 4 : i32
        %add3A_334 = arith.addi %mul3A_282, %add3A : i32
        %add3A_335 = arith.constant 0 : i32
        %add3A_336 = arith.addi %add3A_334, %add3A_335 : i32
        %lt3A = arith.constant 160 : i32
        %lt3A_337 = arith.cmpi slt, %add3A_336, %lt3A : i32
        %convert_element_type3A_338 = arith.extui %lt3A_337 : i1 to i32
        %cond3A_339 = arith.constant 0 : i32
        %cond3A_340 = arith.cmpi ne, %convert_element_type3A_338, %cond3A_339 : i32
        scf.if %cond3A_340 {
          %add3A_414 = arith.constant 4 : i32
          %add3A_415 = arith.addi %mul3A_282, %add3A_414 : i32
          %add3A_416 = arith.constant 0 : i32
          %add3A_417 = arith.addi %add3A_415, %add3A_416 : i32
          %dma_start3A_418 = arith.constant 0 : i32
          %dma_start3A_419 = arith.constant 0 : i32
          %dma_start3A_420 = tpu.memref_slice %arg9[%dma_start3A_418, %dma_start3A_419] : memref<4x128xi32, #tpu.memory_space<vmem>> -> memref<1x128xi32, #tpu.memory_space<vmem>>
          %dma_start3A_421 = tpu.memref_squeeze %dma_start3A_420 : memref<1x128xi32, #tpu.memory_space<vmem>> -> memref<128xi32, #tpu.memory_space<vmem>>
          %dma_start3A_422 = arith.constant 0 : i32
          %dma_start3A_423 = tpu.memref_slice %arg4[%arg1, %add3A_417, %dma_start3A_422] : memref<16x160x128xi32, #tpu.memory_space<hbm>> -> memref<1x1x128xi32, #tpu.memory_space<hbm>>
          %dma_start3A_424 = tpu.memref_squeeze %dma_start3A_423 : memref<1x1x128xi32, #tpu.memory_space<hbm>> -> memref<128xi32, #tpu.memory_space<hbm>>
          %dma_start3A_425 = arith.constant 0 : i32
          %dma_start3A_426 = tpu.memref_slice %arg9[%dma_start3A_418, %dma_start3A_425] : memref<4x128xi32, #tpu.memory_space<vmem>> -> memref<1x128xi32, #tpu.memory_space<vmem>>
          %dma_start3A_427 = tpu.memref_squeeze %dma_start3A_426 : memref<1x128xi32, #tpu.memory_space<vmem>> -> memref<128xi32, #tpu.memory_space<vmem>>
          %dma_start3A_428 = arith.constant 0 : i32
          %dma_start3A_429 = tpu.memref_slice %arg4[%arg1, %add3A_417, %dma_start3A_428] : memref<16x160x128xi32, #tpu.memory_space<hbm>> -> memref<1x1x128xi32, #tpu.memory_space<hbm>>
          %dma_start3A_430 = tpu.memref_squeeze %dma_start3A_429 : memref<1x1x128xi32, #tpu.memory_space<hbm>> -> memref<128xi32, #tpu.memory_space<hbm>>
          tpu.enqueue_dma source(%dma_start3A_430 : memref<128xi32, #tpu.memory_space<hbm>>) target(%dma_start3A_427 : memref<128xi32, #tpu.memory_space<vmem>>) target_semaphore(%arg13 : memref<!tpu.dma_semaphore, #tpu.memory_space<semaphore_mem>>)
          %dma_start3A_431 = arith.constant 0 : i32
          %dma_start3A_432 = arith.constant 0 : i32
          %dma_start3A_433 = tpu.memref_slice %arg10[%dma_start3A_431, %dma_start3A_432] : memref<4x128xi32, #tpu.memory_space<vmem>> -> memref<1x128xi32, #tpu.memory_space<vmem>>
          %dma_start3A_434 = tpu.memref_squeeze %dma_start3A_433 : memref<1x128xi32, #tpu.memory_space<vmem>> -> memref<128xi32, #tpu.memory_space<vmem>>
          %dma_start3A_435 = arith.constant 0 : i32
          %dma_start3A_436 = tpu.memref_slice %arg5[%arg1, %add3A_417, %dma_start3A_435] : memref<16x160x128xi32, #tpu.memory_space<hbm>> -> memref<1x1x128xi32, #tpu.memory_space<hbm>>
          %dma_start3A_437 = tpu.memref_squeeze %dma_start3A_436 : memref<1x1x128xi32, #tpu.memory_space<hbm>> -> memref<128xi32, #tpu.memory_space<hbm>>
          %dma_start3A_438 = arith.constant 0 : i32
          %dma_start3A_439 = tpu.memref_slice %arg10[%dma_start3A_431, %dma_start3A_438] : memref<4x128xi32, #tpu.memory_space<vmem>> -> memref<1x128xi32, #tpu.memory_space<vmem>>
          %dma_start3A_440 = tpu.memref_squeeze %dma_start3A_439 : memref<1x128xi32, #tpu.memory_space<vmem>> -> memref<128xi32, #tpu.memory_space<vmem>>
          %dma_start3A_441 = arith.constant 0 : i32
          %dma_start3A_442 = tpu.memref_slice %arg5[%arg1, %add3A_417, %dma_start3A_441] : memref<16x160x128xi32, #tpu.memory_space<hbm>> -> memref<1x1x128xi32, #tpu.memory_space<hbm>>
          %dma_start3A_443 = tpu.memref_squeeze %dma_start3A_442 : memref<1x1x128xi32, #tpu.memory_space<hbm>> -> memref<128xi32, #tpu.memory_space<hbm>>
          tpu.enqueue_dma source(%dma_start3A_443 : memref<128xi32, #tpu.memory_space<hbm>>) target(%dma_start3A_440 : memref<128xi32, #tpu.memory_space<vmem>>) target_semaphore(%arg13 : memref<!tpu.dma_semaphore, #tpu.memory_space<semaphore_mem>>)
        } else {
        }
        %add3A_341 = arith.constant 4 : i32
        %add3A_342 = arith.addi %mul3A_282, %add3A_341 : i32
        %add3A_343 = arith.constant 1 : i32
        %add3A_344 = arith.addi %add3A_342, %add3A_343 : i32
        %lt3A_345 = arith.constant 160 : i32
        %lt3A_346 = arith.cmpi slt, %add3A_344, %lt3A_345 : i32
        %convert_element_type3A_347 = arith.extui %lt3A_346 : i1 to i32
        %cond3A_348 = arith.constant 0 : i32
        %cond3A_349 = arith.cmpi ne, %convert_element_type3A_347, %cond3A_348 : i32
        scf.if %cond3A_349 {
          %add3A_414 = arith.constant 4 : i32
          %add3A_415 = arith.addi %mul3A_282, %add3A_414 : i32
          %add3A_416 = arith.constant 1 : i32
          %add3A_417 = arith.addi %add3A_415, %add3A_416 : i32
          %dma_start3A_418 = arith.constant 1 : i32
          %dma_start3A_419 = arith.constant 0 : i32
          %dma_start3A_420 = tpu.memref_slice %arg9[%dma_start3A_418, %dma_start3A_419] : memref<4x128xi32, #tpu.memory_space<vmem>> -> memref<1x128xi32, #tpu.memory_space<vmem>>
          %dma_start3A_421 = tpu.memref_squeeze %dma_start3A_420 : memref<1x128xi32, #tpu.memory_space<vmem>> -> memref<128xi32, #tpu.memory_space<vmem>>
          %dma_start3A_422 = arith.constant 0 : i32
          %dma_start3A_423 = tpu.memref_slice %arg4[%arg1, %add3A_417, %dma_start3A_422] : memref<16x160x128xi32, #tpu.memory_space<hbm>> -> memref<1x1x128xi32, #tpu.memory_space<hbm>>
          %dma_start3A_424 = tpu.memref_squeeze %dma_start3A_423 : memref<1x1x128xi32, #tpu.memory_space<hbm>> -> memref<128xi32, #tpu.memory_space<hbm>>
          %dma_start3A_425 = arith.constant 0 : i32
          %dma_start3A_426 = tpu.memref_slice %arg9[%dma_start3A_418, %dma_start3A_425] : memref<4x128xi32, #tpu.memory_space<vmem>> -> memref<1x128xi32, #tpu.memory_space<vmem>>
          %dma_start3A_427 = tpu.memref_squeeze %dma_start3A_426 : memref<1x128xi32, #tpu.memory_space<vmem>> -> memref<128xi32, #tpu.memory_space<vmem>>
          %dma_start3A_428 = arith.constant 0 : i32
          %dma_start3A_429 = tpu.memref_slice %arg4[%arg1, %add3A_417, %dma_start3A_428] : memref<16x160x128xi32, #tpu.memory_space<hbm>> -> memref<1x1x128xi32, #tpu.memory_space<hbm>>
          %dma_start3A_430 = tpu.memref_squeeze %dma_start3A_429 : memref<1x1x128xi32, #tpu.memory_space<hbm>> -> memref<128xi32, #tpu.memory_space<hbm>>
          tpu.enqueue_dma source(%dma_start3A_430 : memref<128xi32, #tpu.memory_space<hbm>>) target(%dma_start3A_427 : memref<128xi32, #tpu.memory_space<vmem>>) target_semaphore(%arg14 : memref<!tpu.dma_semaphore, #tpu.memory_space<semaphore_mem>>)
          %dma_start3A_431 = arith.constant 1 : i32
          %dma_start3A_432 = arith.constant 0 : i32
          %dma_start3A_433 = tpu.memref_slice %arg10[%dma_start3A_431, %dma_start3A_432] : memref<4x128xi32, #tpu.memory_space<vmem>> -> memref<1x128xi32, #tpu.memory_space<vmem>>
          %dma_start3A_434 = tpu.memref_squeeze %dma_start3A_433 : memref<1x128xi32, #tpu.memory_space<vmem>> -> memref<128xi32, #tpu.memory_space<vmem>>
          %dma_start3A_435 = arith.constant 0 : i32
          %dma_start3A_436 = tpu.memref_slice %arg5[%arg1, %add3A_417, %dma_start3A_435] : memref<16x160x128xi32, #tpu.memory_space<hbm>> -> memref<1x1x128xi32, #tpu.memory_space<hbm>>
          %dma_start3A_437 = tpu.memref_squeeze %dma_start3A_436 : memref<1x1x128xi32, #tpu.memory_space<hbm>> -> memref<128xi32, #tpu.memory_space<hbm>>
          %dma_start3A_438 = arith.constant 0 : i32
          %dma_start3A_439 = tpu.memref_slice %arg10[%dma_start3A_431, %dma_start3A_438] : memref<4x128xi32, #tpu.memory_space<vmem>> -> memref<1x128xi32, #tpu.memory_space<vmem>>
          %dma_start3A_440 = tpu.memref_squeeze %dma_start3A_439 : memref<1x128xi32, #tpu.memory_space<vmem>> -> memref<128xi32, #tpu.memory_space<vmem>>
          %dma_start3A_441 = arith.constant 0 : i32
          %dma_start3A_442 = tpu.memref_slice %arg5[%arg1, %add3A_417, %dma_start3A_441] : memref<16x160x128xi32, #tpu.memory_space<hbm>> -> memref<1x1x128xi32, #tpu.memory_space<hbm>>
          %dma_start3A_443 = tpu.memref_squeeze %dma_start3A_442 : memref<1x1x128xi32, #tpu.memory_space<hbm>> -> memref<128xi32, #tpu.memory_space<hbm>>
          tpu.enqueue_dma source(%dma_start3A_443 : memref<128xi32, #tpu.memory_space<hbm>>) target(%dma_start3A_440 : memref<128xi32, #tpu.memory_space<vmem>>) target_semaphore(%arg14 : memref<!tpu.dma_semaphore, #tpu.memory_space<semaphore_mem>>)
        } else {
        }
        %dma_wait3A_350 = arith.constant 2 : i32
        %dma_wait3A_351 = arith.constant 0 : i32
        %dma_wait3A_352 = arith.constant 0 : i32
        %dma_wait3A_353 = arith.constant 0 : i32
        %dma_wait3A_354 = tpu.memref_slice %arg11[%dma_wait3A_351, %dma_wait3A_352, %dma_wait3A_353] : memref<2x128x128xf32, #tpu.memory_space<vmem>> -> memref<1x128x128xf32, #tpu.memory_space<vmem>>
        %dma_wait3A_355 = tpu.memref_squeeze %dma_wait3A_354 : memref<1x128x128xf32, #tpu.memory_space<vmem>> -> memref<128x128xf32, #tpu.memory_space<vmem>>
        %dma_wait3A_356 = arith.constant 0 : i32
        %dma_wait3A_357 = tpu.memref_slice %arg9[%dma_wait3A_350, %dma_wait3A_356] : memref<4x128xi32, #tpu.memory_space<vmem>> -> memref<1x128xi32, #tpu.memory_space<vmem>>
        %dma_wait3A_358 = tpu.memref_squeeze %dma_wait3A_357 : memref<1x128xi32, #tpu.memory_space<vmem>> -> memref<128xi32, #tpu.memory_space<vmem>>
        %dma_wait3A_359 = arith.constant 0 : i32
        %dma_wait3A_360 = arith.constant 0 : i32
        %dma_wait3A_361 = tpu.memref_slice %arg2[%dma_wait3A_359, %dma_wait3A_360] : memref<10000x128xf32, #tpu.memory_space<hbm>> -> memref<10000x128xf32, #tpu.memory_space<hbm>>
        tpu.wait_indirect_dma semaphore(%arg18 : memref<!tpu.dma_semaphore, #tpu.memory_space<semaphore_mem>>) src(%dma_wait3A_361 : memref<10000x128xf32, #tpu.memory_space<hbm>>) dst(%dma_wait3A_355 : memref<128x128xf32, #tpu.memory_space<vmem>>)
        %run_scoped3A_362 = arith.constant 0 : i32
        %run_scoped3A_363 = arith.constant 2 : i32
        "tpu.region"() ({
          %run_scoped3A_414 = tpu.sem_alloc : memref<!tpu.dma_semaphore, #tpu.memory_space<semaphore_mem>>
          %dma_start3A_415 = arith.constant 0 : i32
          %dma_start3A_416 = arith.constant 0 : i32
          %dma_start3A_417 = tpu.memref_slice %arg11[%run_scoped3A_362, %dma_start3A_415, %dma_start3A_416] : memref<2x128x128xf32, #tpu.memory_space<vmem>> -> memref<1x128x128xf32, #tpu.memory_space<vmem>>
          %dma_start3A_418 = tpu.memref_squeeze %dma_start3A_417 : memref<1x128x128xf32, #tpu.memory_space<vmem>> -> memref<128x128xf32, #tpu.memory_space<vmem>>
          %dma_start3A_419 = arith.constant 0 : i32
          %dma_start3A_420 = tpu.memref_slice %arg10[%run_scoped3A_363, %dma_start3A_419] : memref<4x128xi32, #tpu.memory_space<vmem>> -> memref<1x128xi32, #tpu.memory_space<vmem>>
          %dma_start3A_421 = tpu.memref_squeeze %dma_start3A_420 : memref<1x128xi32, #tpu.memory_space<vmem>> -> memref<128xi32, #tpu.memory_space<vmem>>
          %dma_start3A_422 = arith.constant 0 : i32
          %dma_start3A_423 = arith.constant 0 : i32
          %dma_start3A_424 = tpu.memref_slice %arg12[%dma_start3A_422, %dma_start3A_423] : memref<10112x128xf32, #tpu.memory_space<vmem_shared>> -> memref<10112x128xf32, #tpu.memory_space<vmem_shared>>
          tpu.enqueue_indirect_dma source(%dma_start3A_418 : memref<128x128xf32, #tpu.memory_space<vmem>>) target(%dma_start3A_424 : memref<10112x128xf32, #tpu.memory_space<vmem_shared>>) offsets(%dma_start3A_421 : memref<128xi32, #tpu.memory_space<vmem>>) semaphore(%run_scoped3A_414 : memref<!tpu.dma_semaphore, #tpu.memory_space<semaphore_mem>>) {add = true}
          %dma_wait3A_425 = arith.constant 0 : i32
          %dma_wait3A_426 = arith.constant 0 : i32
          %dma_wait3A_427 = tpu.memref_slice %arg11[%run_scoped3A_362, %dma_wait3A_425, %dma_wait3A_426] : memref<2x128x128xf32, #tpu.memory_space<vmem>> -> memref<1x128x128xf32, #tpu.memory_space<vmem>>
          %dma_wait3A_428 = tpu.memref_squeeze %dma_wait3A_427 : memref<1x128x128xf32, #tpu.memory_space<vmem>> -> memref<128x128xf32, #tpu.memory_space<vmem>>
          %dma_wait3A_429 = arith.constant 0 : i32
          %dma_wait3A_430 = tpu.memref_slice %arg10[%run_scoped3A_363, %dma_wait3A_429] : memref<4x128xi32, #tpu.memory_space<vmem>> -> memref<1x128xi32, #tpu.memory_space<vmem>>
          %dma_wait3A_431 = tpu.memref_squeeze %dma_wait3A_430 : memref<1x128xi32, #tpu.memory_space<vmem>> -> memref<128xi32, #tpu.memory_space<vmem>>
          %dma_wait3A_432 = arith.constant 0 : i32
          %dma_wait3A_433 = arith.constant 0 : i32
          %dma_wait3A_434 = tpu.memref_slice %arg12[%dma_wait3A_432, %dma_wait3A_433] : memref<10112x128xf32, #tpu.memory_space<vmem_shared>> -> memref<10112x128xf32, #tpu.memory_space<vmem_shared>>
          tpu.wait_indirect_dma semaphore(%run_scoped3A_414 : memref<!tpu.dma_semaphore, #tpu.memory_space<semaphore_mem>>) src(%dma_wait3A_428 : memref<128x128xf32, #tpu.memory_space<vmem>>) dst(%dma_wait3A_434 : memref<10112x128xf32, #tpu.memory_space<vmem_shared>>)
          tpu.yield
        }) : () -> ()
        %add3A_364 = arith.constant 4 : i32
        %add3A_365 = arith.addi %mul3A_282, %add3A_364 : i32
        %add3A_366 = arith.constant 0 : i32
        %add3A_367 = arith.addi %add3A_365, %add3A_366 : i32
        %lt3A_368 = arith.constant 160 : i32
        %lt3A_369 = arith.cmpi slt, %add3A_367, %lt3A_368 : i32
        %convert_element_type3A_370 = arith.extui %lt3A_369 : i1 to i32
        %cond3A_371 = arith.constant 0 : i32
        %cond3A_372 = arith.cmpi ne, %convert_element_type3A_370, %cond3A_371 : i32
        scf.if %cond3A_372 {
          %add3A_414 = arith.constant 4 : i32
          %add3A_415 = arith.addi %mul3A_282, %add3A_414 : i32
          %add3A_416 = arith.constant 0 : i32
          %add3A_417 = arith.addi %add3A_415, %add3A_416 : i32
          %dma_wait3A_418 = arith.constant 0 : i32
          %dma_wait3A_419 = arith.constant 0 : i32
          %dma_wait3A_420 = tpu.memref_slice %arg9[%dma_wait3A_418, %dma_wait3A_419] : memref<4x128xi32, #tpu.memory_space<vmem>> -> memref<1x128xi32, #tpu.memory_space<vmem>>
          %dma_wait3A_421 = tpu.memref_squeeze %dma_wait3A_420 : memref<1x128xi32, #tpu.memory_space<vmem>> -> memref<128xi32, #tpu.memory_space<vmem>>
          %dma_wait3A_422 = arith.constant 0 : i32
          %dma_wait3A_423 = tpu.memref_slice %arg4[%arg1, %add3A_417, %dma_wait3A_422] : memref<16x160x128xi32, #tpu.memory_space<hbm>> -> memref<1x1x128xi32, #tpu.memory_space<hbm>>
          %dma_wait3A_424 = tpu.memref_squeeze %dma_wait3A_423 : memref<1x1x128xi32, #tpu.memory_space<hbm>> -> memref<128xi32, #tpu.memory_space<hbm>>
          %dma_wait3A_425 = arith.constant 0 : i32
          %dma_wait3A_426 = tpu.memref_slice %arg9[%dma_wait3A_418, %dma_wait3A_425] : memref<4x128xi32, #tpu.memory_space<vmem>> -> memref<1x128xi32, #tpu.memory_space<vmem>>
          %dma_wait3A_427 = tpu.memref_squeeze %dma_wait3A_426 : memref<1x128xi32, #tpu.memory_space<vmem>> -> memref<128xi32, #tpu.memory_space<vmem>>
          %dma_wait3A_428 = arith.constant 0 : i32
          %dma_wait3A_429 = tpu.memref_slice %arg4[%arg1, %add3A_417, %dma_wait3A_428] : memref<16x160x128xi32, #tpu.memory_space<hbm>> -> memref<1x1x128xi32, #tpu.memory_space<hbm>>
          %dma_wait3A_430 = tpu.memref_squeeze %dma_wait3A_429 : memref<1x1x128xi32, #tpu.memory_space<hbm>> -> memref<128xi32, #tpu.memory_space<hbm>>
          tpu.wait_dma2 semaphore(%arg13 : memref<!tpu.dma_semaphore, #tpu.memory_space<semaphore_mem>>) src(%dma_wait3A_430 : memref<128xi32, #tpu.memory_space<hbm>>) dst(%dma_wait3A_427 : memref<128xi32, #tpu.memory_space<vmem>>)
          %dma_wait3A_431 = arith.constant 0 : i32
          %dma_wait3A_432 = arith.constant 0 : i32
          %dma_wait3A_433 = tpu.memref_slice %arg10[%dma_wait3A_431, %dma_wait3A_432] : memref<4x128xi32, #tpu.memory_space<vmem>> -> memref<1x128xi32, #tpu.memory_space<vmem>>
          %dma_wait3A_434 = tpu.memref_squeeze %dma_wait3A_433 : memref<1x128xi32, #tpu.memory_space<vmem>> -> memref<128xi32, #tpu.memory_space<vmem>>
          %dma_wait3A_435 = arith.constant 0 : i32
          %dma_wait3A_436 = tpu.memref_slice %arg5[%arg1, %add3A_417, %dma_wait3A_435] : memref<16x160x128xi32, #tpu.memory_space<hbm>> -> memref<1x1x128xi32, #tpu.memory_space<hbm>>
          %dma_wait3A_437 = tpu.memref_squeeze %dma_wait3A_436 : memref<1x1x128xi32, #tpu.memory_space<hbm>> -> memref<128xi32, #tpu.memory_space<hbm>>
          %dma_wait3A_438 = arith.constant 0 : i32
          %dma_wait3A_439 = tpu.memref_slice %arg10[%dma_wait3A_431, %dma_wait3A_438] : memref<4x128xi32, #tpu.memory_space<vmem>> -> memref<1x128xi32, #tpu.memory_space<vmem>>
          %dma_wait3A_440 = tpu.memref_squeeze %dma_wait3A_439 : memref<1x128xi32, #tpu.memory_space<vmem>> -> memref<128xi32, #tpu.memory_space<vmem>>
          %dma_wait3A_441 = arith.constant 0 : i32
          %dma_wait3A_442 = tpu.memref_slice %arg5[%arg1, %add3A_417, %dma_wait3A_441] : memref<16x160x128xi32, #tpu.memory_space<hbm>> -> memref<1x1x128xi32, #tpu.memory_space<hbm>>
          %dma_wait3A_443 = tpu.memref_squeeze %dma_wait3A_442 : memref<1x1x128xi32, #tpu.memory_space<hbm>> -> memref<128xi32, #tpu.memory_space<hbm>>
          tpu.wait_dma2 semaphore(%arg13 : memref<!tpu.dma_semaphore, #tpu.memory_space<semaphore_mem>>) src(%dma_wait3A_443 : memref<128xi32, #tpu.memory_space<hbm>>) dst(%dma_wait3A_440 : memref<128xi32, #tpu.memory_space<vmem>>)
          %dma_start3A_444 = arith.constant 0 : i32
          %dma_start3A_445 = arith.constant 0 : i32
          %dma_start3A_446 = arith.constant 0 : i32
          %dma_start3A_447 = arith.constant 0 : i32
          %dma_start3A_448 = tpu.memref_slice %arg11[%dma_start3A_445, %dma_start3A_446, %dma_start3A_447] : memref<2x128x128xf32, #tpu.memory_space<vmem>> -> memref<1x128x128xf32, #tpu.memory_space<vmem>>
          %dma_start3A_449 = tpu.memref_squeeze %dma_start3A_448 : memref<1x128x128xf32, #tpu.memory_space<vmem>> -> memref<128x128xf32, #tpu.memory_space<vmem>>
          %dma_start3A_450 = arith.constant 0 : i32
          %dma_start3A_451 = tpu.memref_slice %arg9[%dma_start3A_444, %dma_start3A_450] : memref<4x128xi32, #tpu.memory_space<vmem>> -> memref<1x128xi32, #tpu.memory_space<vmem>>
          %dma_start3A_452 = tpu.memref_squeeze %dma_start3A_451 : memref<1x128xi32, #tpu.memory_space<vmem>> -> memref<128xi32, #tpu.memory_space<vmem>>
          %dma_start3A_453 = arith.constant 0 : i32
          %dma_start3A_454 = arith.constant 0 : i32
          %dma_start3A_455 = tpu.memref_slice %arg2[%dma_start3A_453, %dma_start3A_454] : memref<10000x128xf32, #tpu.memory_space<hbm>> -> memref<10000x128xf32, #tpu.memory_space<hbm>>
          tpu.enqueue_indirect_dma source(%dma_start3A_455 : memref<10000x128xf32, #tpu.memory_space<hbm>>) target(%dma_start3A_449 : memref<128x128xf32, #tpu.memory_space<vmem>>) offsets(%dma_start3A_452 : memref<128xi32, #tpu.memory_space<vmem>>) semaphore(%arg18 : memref<!tpu.dma_semaphore, #tpu.memory_space<semaphore_mem>>)
        } else {
        }
        %dma_wait3A_373 = arith.constant 3 : i32
        %dma_wait3A_374 = arith.constant 1 : i32
        %dma_wait3A_375 = arith.constant 0 : i32
        %dma_wait3A_376 = arith.constant 0 : i32
        %dma_wait3A_377 = tpu.memref_slice %arg11[%dma_wait3A_374, %dma_wait3A_375, %dma_wait3A_376] : memref<2x128x128xf32, #tpu.memory_space<vmem>> -> memref<1x128x128xf32, #tpu.memory_space<vmem>>
        %dma_wait3A_378 = tpu.memref_squeeze %dma_wait3A_377 : memref<1x128x128xf32, #tpu.memory_space<vmem>> -> memref<128x128xf32, #tpu.memory_space<vmem>>
        %dma_wait3A_379 = arith.constant 0 : i32
        %dma_wait3A_380 = tpu.memref_slice %arg9[%dma_wait3A_373, %dma_wait3A_379] : memref<4x128xi32, #tpu.memory_space<vmem>> -> memref<1x128xi32, #tpu.memory_space<vmem>>
        %dma_wait3A_381 = tpu.memref_squeeze %dma_wait3A_380 : memref<1x128xi32, #tpu.memory_space<vmem>> -> memref<128xi32, #tpu.memory_space<vmem>>
        %dma_wait3A_382 = arith.constant 0 : i32
        %dma_wait3A_383 = arith.constant 0 : i32
        %dma_wait3A_384 = tpu.memref_slice %arg2[%dma_wait3A_382, %dma_wait3A_383] : memref<10000x128xf32, #tpu.memory_space<hbm>> -> memref<10000x128xf32, #tpu.memory_space<hbm>>
        tpu.wait_indirect_dma semaphore(%arg19 : memref<!tpu.dma_semaphore, #tpu.memory_space<semaphore_mem>>) src(%dma_wait3A_384 : memref<10000x128xf32, #tpu.memory_space<hbm>>) dst(%dma_wait3A_378 : memref<128x128xf32, #tpu.memory_space<vmem>>)
        %run_scoped3A_385 = arith.constant 1 : i32
        %run_scoped3A_386 = arith.constant 3 : i32
        "tpu.region"() ({
          %run_scoped3A_414 = tpu.sem_alloc : memref<!tpu.dma_semaphore, #tpu.memory_space<semaphore_mem>>
          %dma_start3A_415 = arith.constant 0 : i32
          %dma_start3A_416 = arith.constant 0 : i32
          %dma_start3A_417 = tpu.memref_slice %arg11[%run_scoped3A_385, %dma_start3A_415, %dma_start3A_416] : memref<2x128x128xf32, #tpu.memory_space<vmem>> -> memref<1x128x128xf32, #tpu.memory_space<vmem>>
          %dma_start3A_418 = tpu.memref_squeeze %dma_start3A_417 : memref<1x128x128xf32, #tpu.memory_space<vmem>> -> memref<128x128xf32, #tpu.memory_space<vmem>>
          %dma_start3A_419 = arith.constant 0 : i32
          %dma_start3A_420 = tpu.memref_slice %arg10[%run_scoped3A_386, %dma_start3A_419] : memref<4x128xi32, #tpu.memory_space<vmem>> -> memref<1x128xi32, #tpu.memory_space<vmem>>
          %dma_start3A_421 = tpu.memref_squeeze %dma_start3A_420 : memref<1x128xi32, #tpu.memory_space<vmem>> -> memref<128xi32, #tpu.memory_space<vmem>>
          %dma_start3A_422 = arith.constant 0 : i32
          %dma_start3A_423 = arith.constant 0 : i32
          %dma_start3A_424 = tpu.memref_slice %arg12[%dma_start3A_422, %dma_start3A_423] : memref<10112x128xf32, #tpu.memory_space<vmem_shared>> -> memref<10112x128xf32, #tpu.memory_space<vmem_shared>>
          tpu.enqueue_indirect_dma source(%dma_start3A_418 : memref<128x128xf32, #tpu.memory_space<vmem>>) target(%dma_start3A_424 : memref<10112x128xf32, #tpu.memory_space<vmem_shared>>) offsets(%dma_start3A_421 : memref<128xi32, #tpu.memory_space<vmem>>) semaphore(%run_scoped3A_414 : memref<!tpu.dma_semaphore, #tpu.memory_space<semaphore_mem>>) {add = true}
          %dma_wait3A_425 = arith.constant 0 : i32
          %dma_wait3A_426 = arith.constant 0 : i32
          %dma_wait3A_427 = tpu.memref_slice %arg11[%run_scoped3A_385, %dma_wait3A_425, %dma_wait3A_426] : memref<2x128x128xf32, #tpu.memory_space<vmem>> -> memref<1x128x128xf32, #tpu.memory_space<vmem>>
          %dma_wait3A_428 = tpu.memref_squeeze %dma_wait3A_427 : memref<1x128x128xf32, #tpu.memory_space<vmem>> -> memref<128x128xf32, #tpu.memory_space<vmem>>
          %dma_wait3A_429 = arith.constant 0 : i32
          %dma_wait3A_430 = tpu.memref_slice %arg10[%run_scoped3A_386, %dma_wait3A_429] : memref<4x128xi32, #tpu.memory_space<vmem>> -> memref<1x128xi32, #tpu.memory_space<vmem>>
          %dma_wait3A_431 = tpu.memref_squeeze %dma_wait3A_430 : memref<1x128xi32, #tpu.memory_space<vmem>> -> memref<128xi32, #tpu.memory_space<vmem>>
          %dma_wait3A_432 = arith.constant 0 : i32
          %dma_wait3A_433 = arith.constant 0 : i32
          %dma_wait3A_434 = tpu.memref_slice %arg12[%dma_wait3A_432, %dma_wait3A_433] : memref<10112x128xf32, #tpu.memory_space<vmem_shared>> -> memref<10112x128xf32, #tpu.memory_space<vmem_shared>>
          tpu.wait_indirect_dma semaphore(%run_scoped3A_414 : memref<!tpu.dma_semaphore, #tpu.memory_space<semaphore_mem>>) src(%dma_wait3A_428 : memref<128x128xf32, #tpu.memory_space<vmem>>) dst(%dma_wait3A_434 : memref<10112x128xf32, #tpu.memory_space<vmem_shared>>)
          tpu.yield
        }) : () -> ()
        %add3A_387 = arith.constant 4 : i32
        %add3A_388 = arith.addi %mul3A_282, %add3A_387 : i32
        %add3A_389 = arith.constant 1 : i32
        %add3A_390 = arith.addi %add3A_388, %add3A_389 : i32
        %lt3A_391 = arith.constant 160 : i32
        %lt3A_392 = arith.cmpi slt, %add3A_390, %lt3A_391 : i32
        %convert_element_type3A_393 = arith.extui %lt3A_392 : i1 to i32
        %cond3A_394 = arith.constant 0 : i32
        %cond3A_395 = arith.cmpi ne, %convert_element_type3A_393, %cond3A_394 : i32
        scf.if %cond3A_395 {
          %add3A_414 = arith.constant 4 : i32
          %add3A_415 = arith.addi %mul3A_282, %add3A_414 : i32
          %add3A_416 = arith.constant 1 : i32
          %add3A_417 = arith.addi %add3A_415, %add3A_416 : i32
          %dma_wait3A_418 = arith.constant 1 : i32
          %dma_wait3A_419 = arith.constant 0 : i32
          %dma_wait3A_420 = tpu.memref_slice %arg9[%dma_wait3A_418, %dma_wait3A_419] : memref<4x128xi32, #tpu.memory_space<vmem>> -> memref<1x128xi32, #tpu.memory_space<vmem>>
          %dma_wait3A_421 = tpu.memref_squeeze %dma_wait3A_420 : memref<1x128xi32, #tpu.memory_space<vmem>> -> memref<128xi32, #tpu.memory_space<vmem>>
          %dma_wait3A_422 = arith.constant 0 : i32
          %dma_wait3A_423 = tpu.memref_slice %arg4[%arg1, %add3A_417, %dma_wait3A_422] : memref<16x160x128xi32, #tpu.memory_space<hbm>> -> memref<1x1x128xi32, #tpu.memory_space<hbm>>
          %dma_wait3A_424 = tpu.memref_squeeze %dma_wait3A_423 : memref<1x1x128xi32, #tpu.memory_space<hbm>> -> memref<128xi32, #tpu.memory_space<hbm>>
          %dma_wait3A_425 = arith.constant 0 : i32
          %dma_wait3A_426 = tpu.memref_slice %arg9[%dma_wait3A_418, %dma_wait3A_425] : memref<4x128xi32, #tpu.memory_space<vmem>> -> memref<1x128xi32, #tpu.memory_space<vmem>>
          %dma_wait3A_427 = tpu.memref_squeeze %dma_wait3A_426 : memref<1x128xi32, #tpu.memory_space<vmem>> -> memref<128xi32, #tpu.memory_space<vmem>>
          %dma_wait3A_428 = arith.constant 0 : i32
          %dma_wait3A_429 = tpu.memref_slice %arg4[%arg1, %add3A_417, %dma_wait3A_428] : memref<16x160x128xi32, #tpu.memory_space<hbm>> -> memref<1x1x128xi32, #tpu.memory_space<hbm>>
          %dma_wait3A_430 = tpu.memref_squeeze %dma_wait3A_429 : memref<1x1x128xi32, #tpu.memory_space<hbm>> -> memref<128xi32, #tpu.memory_space<hbm>>
          tpu.wait_dma2 semaphore(%arg14 : memref<!tpu.dma_semaphore, #tpu.memory_space<semaphore_mem>>) src(%dma_wait3A_430 : memref<128xi32, #tpu.memory_space<hbm>>) dst(%dma_wait3A_427 : memref<128xi32, #tpu.memory_space<vmem>>)
          %dma_wait3A_431 = arith.constant 1 : i32
          %dma_wait3A_432 = arith.constant 0 : i32
          %dma_wait3A_433 = tpu.memref_slice %arg10[%dma_wait3A_431, %dma_wait3A_432] : memref<4x128xi32, #tpu.memory_space<vmem>> -> memref<1x128xi32, #tpu.memory_space<vmem>>
          %dma_wait3A_434 = tpu.memref_squeeze %dma_wait3A_433 : memref<1x128xi32, #tpu.memory_space<vmem>> -> memref<128xi32, #tpu.memory_space<vmem>>
          %dma_wait3A_435 = arith.constant 0 : i32
          %dma_wait3A_436 = tpu.memref_slice %arg5[%arg1, %add3A_417, %dma_wait3A_435] : memref<16x160x128xi32, #tpu.memory_space<hbm>> -> memref<1x1x128xi32, #tpu.memory_space<hbm>>
          %dma_wait3A_437 = tpu.memref_squeeze %dma_wait3A_436 : memref<1x1x128xi32, #tpu.memory_space<hbm>> -> memref<128xi32, #tpu.memory_space<hbm>>
          %dma_wait3A_438 = arith.constant 0 : i32
          %dma_wait3A_439 = tpu.memref_slice %arg10[%dma_wait3A_431, %dma_wait3A_438] : memref<4x128xi32, #tpu.memory_space<vmem>> -> memref<1x128xi32, #tpu.memory_space<vmem>>
          %dma_wait3A_440 = tpu.memref_squeeze %dma_wait3A_439 : memref<1x128xi32, #tpu.memory_space<vmem>> -> memref<128xi32, #tpu.memory_space<vmem>>
          %dma_wait3A_441 = arith.constant 0 : i32
          %dma_wait3A_442 = tpu.memref_slice %arg5[%arg1, %add3A_417, %dma_wait3A_441] : memref<16x160x128xi32, #tpu.memory_space<hbm>> -> memref<1x1x128xi32, #tpu.memory_space<hbm>>
          %dma_wait3A_443 = tpu.memref_squeeze %dma_wait3A_442 : memref<1x1x128xi32, #tpu.memory_space<hbm>> -> memref<128xi32, #tpu.memory_space<hbm>>
          tpu.wait_dma2 semaphore(%arg14 : memref<!tpu.dma_semaphore, #tpu.memory_space<semaphore_mem>>) src(%dma_wait3A_443 : memref<128xi32, #tpu.memory_space<hbm>>) dst(%dma_wait3A_440 : memref<128xi32, #tpu.memory_space<vmem>>)
          %dma_start3A_444 = arith.constant 1 : i32
          %dma_start3A_445 = arith.constant 1 : i32
          %dma_start3A_446 = arith.constant 0 : i32
          %dma_start3A_447 = arith.constant 0 : i32
          %dma_start3A_448 = tpu.memref_slice %arg11[%dma_start3A_445, %dma_start3A_446, %dma_start3A_447] : memref<2x128x128xf32, #tpu.memory_space<vmem>> -> memref<1x128x128xf32, #tpu.memory_space<vmem>>
          %dma_start3A_449 = tpu.memref_squeeze %dma_start3A_448 : memref<1x128x128xf32, #tpu.memory_space<vmem>> -> memref<128x128xf32, #tpu.memory_space<vmem>>
          %dma_start3A_450 = arith.constant 0 : i32
          %dma_start3A_451 = tpu.memref_slice %arg9[%dma_start3A_444, %dma_start3A_450] : memref<4x128xi32, #tpu.memory_space<vmem>> -> memref<1x128xi32, #tpu.memory_space<vmem>>
          %dma_start3A_452 = tpu.memref_squeeze %dma_start3A_451 : memref<1x128xi32, #tpu.memory_space<vmem>> -> memref<128xi32, #tpu.memory_space<vmem>>
          %dma_start3A_453 = arith.constant 0 : i32
          %dma_start3A_454 = arith.constant 0 : i32
          %dma_start3A_455 = tpu.memref_slice %arg2[%dma_start3A_453, %dma_start3A_454] : memref<10000x128xf32, #tpu.memory_space<hbm>> -> memref<10000x128xf32, #tpu.memory_space<hbm>>
          tpu.enqueue_indirect_dma source(%dma_start3A_455 : memref<10000x128xf32, #tpu.memory_space<hbm>>) target(%dma_start3A_449 : memref<128x128xf32, #tpu.memory_space<vmem>>) offsets(%dma_start3A_452 : memref<128xi32, #tpu.memory_space<vmem>>) semaphore(%arg19 : memref<!tpu.dma_semaphore, #tpu.memory_space<semaphore_mem>>)
        } else {
        }
        %add3A_396 = arith.constant 6 : i32
        %add3A_397 = arith.addi %mul3A_282, %add3A_396 : i32
        %add3A_398 = arith.constant 0 : i32
        %add3A_399 = arith.addi %add3A_397, %add3A_398 : i32
        %lt3A_400 = arith.constant 160 : i32
        %lt3A_401 = arith.cmpi slt, %add3A_399, %lt3A_400 : i32
        %convert_element_type3A_402 = arith.extui %lt3A_401 : i1 to i32
        %cond3A_403 = arith.constant 0 : i32
        %cond3A_404 = arith.cmpi ne, %convert_element_type3A_402, %cond3A_403 : i32
        scf.if %cond3A_404 {
          %add3A_414 = arith.constant 6 : i32
          %add3A_415 = arith.addi %mul3A_282, %add3A_414 : i32
          %add3A_416 = arith.constant 0 : i32
          %add3A_417 = arith.addi %add3A_415, %add3A_416 : i32
          %dma_start3A_418 = arith.constant 2 : i32
          %dma_start3A_419 = arith.constant 0 : i32
          %dma_start3A_420 = tpu.memref_slice %arg9[%dma_start3A_418, %dma_start3A_419] : memref<4x128xi32, #tpu.memory_space<vmem>> -> memref<1x128xi32, #tpu.memory_space<vmem>>
          %dma_start3A_421 = tpu.memref_squeeze %dma_start3A_420 : memref<1x128xi32, #tpu.memory_space<vmem>> -> memref<128xi32, #tpu.memory_space<vmem>>
          %dma_start3A_422 = arith.constant 0 : i32
          %dma_start3A_423 = tpu.memref_slice %arg4[%arg1, %add3A_417, %dma_start3A_422] : memref<16x160x128xi32, #tpu.memory_space<hbm>> -> memref<1x1x128xi32, #tpu.memory_space<hbm>>
          %dma_start3A_424 = tpu.memref_squeeze %dma_start3A_423 : memref<1x1x128xi32, #tpu.memory_space<hbm>> -> memref<128xi32, #tpu.memory_space<hbm>>
          %dma_start3A_425 = arith.constant 0 : i32
          %dma_start3A_426 = tpu.memref_slice %arg9[%dma_start3A_418, %dma_start3A_425] : memref<4x128xi32, #tpu.memory_space<vmem>> -> memref<1x128xi32, #tpu.memory_space<vmem>>
          %dma_start3A_427 = tpu.memref_squeeze %dma_start3A_426 : memref<1x128xi32, #tpu.memory_space<vmem>> -> memref<128xi32, #tpu.memory_space<vmem>>
          %dma_start3A_428 = arith.constant 0 : i32
          %dma_start3A_429 = tpu.memref_slice %arg4[%arg1, %add3A_417, %dma_start3A_428] : memref<16x160x128xi32, #tpu.memory_space<hbm>> -> memref<1x1x128xi32, #tpu.memory_space<hbm>>
          %dma_start3A_430 = tpu.memref_squeeze %dma_start3A_429 : memref<1x1x128xi32, #tpu.memory_space<hbm>> -> memref<128xi32, #tpu.memory_space<hbm>>
          tpu.enqueue_dma source(%dma_start3A_430 : memref<128xi32, #tpu.memory_space<hbm>>) target(%dma_start3A_427 : memref<128xi32, #tpu.memory_space<vmem>>) target_semaphore(%arg15 : memref<!tpu.dma_semaphore, #tpu.memory_space<semaphore_mem>>)
          %dma_start3A_431 = arith.constant 2 : i32
          %dma_start3A_432 = arith.constant 0 : i32
          %dma_start3A_433 = tpu.memref_slice %arg10[%dma_start3A_431, %dma_start3A_432] : memref<4x128xi32, #tpu.memory_space<vmem>> -> memref<1x128xi32, #tpu.memory_space<vmem>>
          %dma_start3A_434 = tpu.memref_squeeze %dma_start3A_433 : memref<1x128xi32, #tpu.memory_space<vmem>> -> memref<128xi32, #tpu.memory_space<vmem>>
          %dma_start3A_435 = arith.constant 0 : i32
          %dma_start3A_436 = tpu.memref_slice %arg5[%arg1, %add3A_417, %dma_start3A_435] : memref<16x160x128xi32, #tpu.memory_space<hbm>> -> memref<1x1x128xi32, #tpu.memory_space<hbm>>
          %dma_start3A_437 = tpu.memref_squeeze %dma_start3A_436 : memref<1x1x128xi32, #tpu.memory_space<hbm>> -> memref<128xi32, #tpu.memory_space<hbm>>
          %dma_start3A_438 = arith.constant 0 : i32
          %dma_start3A_439 = tpu.memref_slice %arg10[%dma_start3A_431, %dma_start3A_438] : memref<4x128xi32, #tpu.memory_space<vmem>> -> memref<1x128xi32, #tpu.memory_space<vmem>>
          %dma_start3A_440 = tpu.memref_squeeze %dma_start3A_439 : memref<1x128xi32, #tpu.memory_space<vmem>> -> memref<128xi32, #tpu.memory_space<vmem>>
          %dma_start3A_441 = arith.constant 0 : i32
          %dma_start3A_442 = tpu.memref_slice %arg5[%arg1, %add3A_417, %dma_start3A_441] : memref<16x160x128xi32, #tpu.memory_space<hbm>> -> memref<1x1x128xi32, #tpu.memory_space<hbm>>
          %dma_start3A_443 = tpu.memref_squeeze %dma_start3A_442 : memref<1x1x128xi32, #tpu.memory_space<hbm>> -> memref<128xi32, #tpu.memory_space<hbm>>
          tpu.enqueue_dma source(%dma_start3A_443 : memref<128xi32, #tpu.memory_space<hbm>>) target(%dma_start3A_440 : memref<128xi32, #tpu.memory_space<vmem>>) target_semaphore(%arg15 : memref<!tpu.dma_semaphore, #tpu.memory_space<semaphore_mem>>)
          %add3A_444 = arith.constant 6 : i32
          %add3A_445 = arith.addi %mul3A_282, %add3A_444 : i32
          %add3A_446 = arith.constant 0 : i32
          %add3A_447 = arith.addi %add3A_445, %add3A_446 : i32
          %dma_wait3A_448 = arith.constant 2 : i32
          %dma_wait3A_449 = arith.constant 0 : i32
          %dma_wait3A_450 = tpu.memref_slice %arg9[%dma_wait3A_448, %dma_wait3A_449] : memref<4x128xi32, #tpu.memory_space<vmem>> -> memref<1x128xi32, #tpu.memory_space<vmem>>
          %dma_wait3A_451 = tpu.memref_squeeze %dma_wait3A_450 : memref<1x128xi32, #tpu.memory_space<vmem>> -> memref<128xi32, #tpu.memory_space<vmem>>
          %dma_wait3A_452 = arith.constant 0 : i32
          %dma_wait3A_453 = tpu.memref_slice %arg4[%arg1, %add3A_447, %dma_wait3A_452] : memref<16x160x128xi32, #tpu.memory_space<hbm>> -> memref<1x1x128xi32, #tpu.memory_space<hbm>>
          %dma_wait3A_454 = tpu.memref_squeeze %dma_wait3A_453 : memref<1x1x128xi32, #tpu.memory_space<hbm>> -> memref<128xi32, #tpu.memory_space<hbm>>
          %dma_wait3A_455 = arith.constant 0 : i32
          %dma_wait3A_456 = tpu.memref_slice %arg9[%dma_wait3A_448, %dma_wait3A_455] : memref<4x128xi32, #tpu.memory_space<vmem>> -> memref<1x128xi32, #tpu.memory_space<vmem>>
          %dma_wait3A_457 = tpu.memref_squeeze %dma_wait3A_456 : memref<1x128xi32, #tpu.memory_space<vmem>> -> memref<128xi32, #tpu.memory_space<vmem>>
          %dma_wait3A_458 = arith.constant 0 : i32
          %dma_wait3A_459 = tpu.memref_slice %arg4[%arg1, %add3A_447, %dma_wait3A_458] : memref<16x160x128xi32, #tpu.memory_space<hbm>> -> memref<1x1x128xi32, #tpu.memory_space<hbm>>
          %dma_wait3A_460 = tpu.memref_squeeze %dma_wait3A_459 : memref<1x1x128xi32, #tpu.memory_space<hbm>> -> memref<128xi32, #tpu.memory_space<hbm>>
          tpu.wait_dma2 semaphore(%arg15 : memref<!tpu.dma_semaphore, #tpu.memory_space<semaphore_mem>>) src(%dma_wait3A_460 : memref<128xi32, #tpu.memory_space<hbm>>) dst(%dma_wait3A_457 : memref<128xi32, #tpu.memory_space<vmem>>)
          %dma_wait3A_461 = arith.constant 2 : i32
          %dma_wait3A_462 = arith.constant 0 : i32
          %dma_wait3A_463 = tpu.memref_slice %arg10[%dma_wait3A_461, %dma_wait3A_462] : memref<4x128xi32, #tpu.memory_space<vmem>> -> memref<1x128xi32, #tpu.memory_space<vmem>>
          %dma_wait3A_464 = tpu.memref_squeeze %dma_wait3A_463 : memref<1x128xi32, #tpu.memory_space<vmem>> -> memref<128xi32, #tpu.memory_space<vmem>>
          %dma_wait3A_465 = arith.constant 0 : i32
          %dma_wait3A_466 = tpu.memref_slice %arg5[%arg1, %add3A_447, %dma_wait3A_465] : memref<16x160x128xi32, #tpu.memory_space<hbm>> -> memref<1x1x128xi32, #tpu.memory_space<hbm>>
          %dma_wait3A_467 = tpu.memref_squeeze %dma_wait3A_466 : memref<1x1x128xi32, #tpu.memory_space<hbm>> -> memref<128xi32, #tpu.memory_space<hbm>>
          %dma_wait3A_468 = arith.constant 0 : i32
          %dma_wait3A_469 = tpu.memref_slice %arg10[%dma_wait3A_461, %dma_wait3A_468] : memref<4x128xi32, #tpu.memory_space<vmem>> -> memref<1x128xi32, #tpu.memory_space<vmem>>
          %dma_wait3A_470 = tpu.memref_squeeze %dma_wait3A_469 : memref<1x128xi32, #tpu.memory_space<vmem>> -> memref<128xi32, #tpu.memory_space<vmem>>
          %dma_wait3A_471 = arith.constant 0 : i32
          %dma_wait3A_472 = tpu.memref_slice %arg5[%arg1, %add3A_447, %dma_wait3A_471] : memref<16x160x128xi32, #tpu.memory_space<hbm>> -> memref<1x1x128xi32, #tpu.memory_space<hbm>>
          %dma_wait3A_473 = tpu.memref_squeeze %dma_wait3A_472 : memref<1x1x128xi32, #tpu.memory_space<hbm>> -> memref<128xi32, #tpu.memory_space<hbm>>
          tpu.wait_dma2 semaphore(%arg15 : memref<!tpu.dma_semaphore, #tpu.memory_space<semaphore_mem>>) src(%dma_wait3A_473 : memref<128xi32, #tpu.memory_space<hbm>>) dst(%dma_wait3A_470 : memref<128xi32, #tpu.memory_space<vmem>>)
        } else {
        }
        %add3A_405 = arith.constant 6 : i32
        %add3A_406 = arith.addi %mul3A_282, %add3A_405 : i32
        %add3A_407 = arith.constant 1 : i32
        %add3A_408 = arith.addi %add3A_406, %add3A_407 : i32
        %lt3A_409 = arith.constant 160 : i32
        %lt3A_410 = arith.cmpi slt, %add3A_408, %lt3A_409 : i32
        %convert_element_type3A_411 = arith.extui %lt3A_410 : i1 to i32
        %cond3A_412 = arith.constant 0 : i32
        %cond3A_413 = arith.cmpi ne, %convert_element_type3A_411, %cond3A_412 : i32
        scf.if %cond3A_413 {
          %add3A_414 = arith.constant 6 : i32
          %add3A_415 = arith.addi %mul3A_282, %add3A_414 : i32
          %add3A_416 = arith.constant 1 : i32
          %add3A_417 = arith.addi %add3A_415, %add3A_416 : i32
          %dma_start3A_418 = arith.constant 3 : i32
          %dma_start3A_419 = arith.constant 0 : i32
          %dma_start3A_420 = tpu.memref_slice %arg9[%dma_start3A_418, %dma_start3A_419] : memref<4x128xi32, #tpu.memory_space<vmem>> -> memref<1x128xi32, #tpu.memory_space<vmem>>
          %dma_start3A_421 = tpu.memref_squeeze %dma_start3A_420 : memref<1x128xi32, #tpu.memory_space<vmem>> -> memref<128xi32, #tpu.memory_space<vmem>>
          %dma_start3A_422 = arith.constant 0 : i32
          %dma_start3A_423 = tpu.memref_slice %arg4[%arg1, %add3A_417, %dma_start3A_422] : memref<16x160x128xi32, #tpu.memory_space<hbm>> -> memref<1x1x128xi32, #tpu.memory_space<hbm>>
          %dma_start3A_424 = tpu.memref_squeeze %dma_start3A_423 : memref<1x1x128xi32, #tpu.memory_space<hbm>> -> memref<128xi32, #tpu.memory_space<hbm>>
          %dma_start3A_425 = arith.constant 0 : i32
          %dma_start3A_426 = tpu.memref_slice %arg9[%dma_start3A_418, %dma_start3A_425] : memref<4x128xi32, #tpu.memory_space<vmem>> -> memref<1x128xi32, #tpu.memory_space<vmem>>
          %dma_start3A_427 = tpu.memref_squeeze %dma_start3A_426 : memref<1x128xi32, #tpu.memory_space<vmem>> -> memref<128xi32, #tpu.memory_space<vmem>>
          %dma_start3A_428 = arith.constant 0 : i32
          %dma_start3A_429 = tpu.memref_slice %arg4[%arg1, %add3A_417, %dma_start3A_428] : memref<16x160x128xi32, #tpu.memory_space<hbm>> -> memref<1x1x128xi32, #tpu.memory_space<hbm>>
          %dma_start3A_430 = tpu.memref_squeeze %dma_start3A_429 : memref<1x1x128xi32, #tpu.memory_space<hbm>> -> memref<128xi32, #tpu.memory_space<hbm>>
          tpu.enqueue_dma source(%dma_start3A_430 : memref<128xi32, #tpu.memory_space<hbm>>) target(%dma_start3A_427 : memref<128xi32, #tpu.memory_space<vmem>>) target_semaphore(%arg16 : memref<!tpu.dma_semaphore, #tpu.memory_space<semaphore_mem>>)
          %dma_start3A_431 = arith.constant 3 : i32
          %dma_start3A_432 = arith.constant 0 : i32
          %dma_start3A_433 = tpu.memref_slice %arg10[%dma_start3A_431, %dma_start3A_432] : memref<4x128xi32, #tpu.memory_space<vmem>> -> memref<1x128xi32, #tpu.memory_space<vmem>>
          %dma_start3A_434 = tpu.memref_squeeze %dma_start3A_433 : memref<1x128xi32, #tpu.memory_space<vmem>> -> memref<128xi32, #tpu.memory_space<vmem>>
          %dma_start3A_435 = arith.constant 0 : i32
          %dma_start3A_436 = tpu.memref_slice %arg5[%arg1, %add3A_417, %dma_start3A_435] : memref<16x160x128xi32, #tpu.memory_space<hbm>> -> memref<1x1x128xi32, #tpu.memory_space<hbm>>
          %dma_start3A_437 = tpu.memref_squeeze %dma_start3A_436 : memref<1x1x128xi32, #tpu.memory_space<hbm>> -> memref<128xi32, #tpu.memory_space<hbm>>
          %dma_start3A_438 = arith.constant 0 : i32
          %dma_start3A_439 = tpu.memref_slice %arg10[%dma_start3A_431, %dma_start3A_438] : memref<4x128xi32, #tpu.memory_space<vmem>> -> memref<1x128xi32, #tpu.memory_space<vmem>>
          %dma_start3A_440 = tpu.memref_squeeze %dma_start3A_439 : memref<1x128xi32, #tpu.memory_space<vmem>> -> memref<128xi32, #tpu.memory_space<vmem>>
          %dma_start3A_441 = arith.constant 0 : i32
          %dma_start3A_442 = tpu.memref_slice %arg5[%arg1, %add3A_417, %dma_start3A_441] : memref<16x160x128xi32, #tpu.memory_space<hbm>> -> memref<1x1x128xi32, #tpu.memory_space<hbm>>
          %dma_start3A_443 = tpu.memref_squeeze %dma_start3A_442 : memref<1x1x128xi32, #tpu.memory_space<hbm>> -> memref<128xi32, #tpu.memory_space<hbm>>
          tpu.enqueue_dma source(%dma_start3A_443 : memref<128xi32, #tpu.memory_space<hbm>>) target(%dma_start3A_440 : memref<128xi32, #tpu.memory_space<vmem>>) target_semaphore(%arg16 : memref<!tpu.dma_semaphore, #tpu.memory_space<semaphore_mem>>)
          %add3A_444 = arith.constant 6 : i32
          %add3A_445 = arith.addi %mul3A_282, %add3A_444 : i32
          %add3A_446 = arith.constant 1 : i32
          %add3A_447 = arith.addi %add3A_445, %add3A_446 : i32
          %dma_wait3A_448 = arith.constant 3 : i32
          %dma_wait3A_449 = arith.constant 0 : i32
          %dma_wait3A_450 = tpu.memref_slice %arg9[%dma_wait3A_448, %dma_wait3A_449] : memref<4x128xi32, #tpu.memory_space<vmem>> -> memref<1x128xi32, #tpu.memory_space<vmem>>
          %dma_wait3A_451 = tpu.memref_squeeze %dma_wait3A_450 : memref<1x128xi32, #tpu.memory_space<vmem>> -> memref<128xi32, #tpu.memory_space<vmem>>
          %dma_wait3A_452 = arith.constant 0 : i32
          %dma_wait3A_453 = tpu.memref_slice %arg4[%arg1, %add3A_447, %dma_wait3A_452] : memref<16x160x128xi32, #tpu.memory_space<hbm>> -> memref<1x1x128xi32, #tpu.memory_space<hbm>>
          %dma_wait3A_454 = tpu.memref_squeeze %dma_wait3A_453 : memref<1x1x128xi32, #tpu.memory_space<hbm>> -> memref<128xi32, #tpu.memory_space<hbm>>
          %dma_wait3A_455 = arith.constant 0 : i32
          %dma_wait3A_456 = tpu.memref_slice %arg9[%dma_wait3A_448, %dma_wait3A_455] : memref<4x128xi32, #tpu.memory_space<vmem>> -> memref<1x128xi32, #tpu.memory_space<vmem>>
          %dma_wait3A_457 = tpu.memref_squeeze %dma_wait3A_456 : memref<1x128xi32, #tpu.memory_space<vmem>> -> memref<128xi32, #tpu.memory_space<vmem>>
          %dma_wait3A_458 = arith.constant 0 : i32
          %dma_wait3A_459 = tpu.memref_slice %arg4[%arg1, %add3A_447, %dma_wait3A_458] : memref<16x160x128xi32, #tpu.memory_space<hbm>> -> memref<1x1x128xi32, #tpu.memory_space<hbm>>
          %dma_wait3A_460 = tpu.memref_squeeze %dma_wait3A_459 : memref<1x1x128xi32, #tpu.memory_space<hbm>> -> memref<128xi32, #tpu.memory_space<hbm>>
          tpu.wait_dma2 semaphore(%arg16 : memref<!tpu.dma_semaphore, #tpu.memory_space<semaphore_mem>>) src(%dma_wait3A_460 : memref<128xi32, #tpu.memory_space<hbm>>) dst(%dma_wait3A_457 : memref<128xi32, #tpu.memory_space<vmem>>)
          %dma_wait3A_461 = arith.constant 3 : i32
          %dma_wait3A_462 = arith.constant 0 : i32
          %dma_wait3A_463 = tpu.memref_slice %arg10[%dma_wait3A_461, %dma_wait3A_462] : memref<4x128xi32, #tpu.memory_space<vmem>> -> memref<1x128xi32, #tpu.memory_space<vmem>>
          %dma_wait3A_464 = tpu.memref_squeeze %dma_wait3A_463 : memref<1x128xi32, #tpu.memory_space<vmem>> -> memref<128xi32, #tpu.memory_space<vmem>>
          %dma_wait3A_465 = arith.constant 0 : i32
          %dma_wait3A_466 = tpu.memref_slice %arg5[%arg1, %add3A_447, %dma_wait3A_465] : memref<16x160x128xi32, #tpu.memory_space<hbm>> -> memref<1x1x128xi32, #tpu.memory_space<hbm>>
          %dma_wait3A_467 = tpu.memref_squeeze %dma_wait3A_466 : memref<1x1x128xi32, #tpu.memory_space<hbm>> -> memref<128xi32, #tpu.memory_space<hbm>>
          %dma_wait3A_468 = arith.constant 0 : i32
          %dma_wait3A_469 = tpu.memref_slice %arg10[%dma_wait3A_461, %dma_wait3A_468] : memref<4x128xi32, #tpu.memory_space<vmem>> -> memref<1x128xi32, #tpu.memory_space<vmem>>
          %dma_wait3A_470 = tpu.memref_squeeze %dma_wait3A_469 : memref<1x128xi32, #tpu.memory_space<vmem>> -> memref<128xi32, #tpu.memory_space<vmem>>
          %dma_wait3A_471 = arith.constant 0 : i32
          %dma_wait3A_472 = tpu.memref_slice %arg5[%arg1, %add3A_447, %dma_wait3A_471] : memref<16x160x128xi32, #tpu.memory_space<hbm>> -> memref<1x1x128xi32, #tpu.memory_space<hbm>>
          %dma_wait3A_473 = tpu.memref_squeeze %dma_wait3A_472 : memref<1x1x128xi32, #tpu.memory_space<hbm>> -> memref<128xi32, #tpu.memory_space<hbm>>
          tpu.wait_dma2 semaphore(%arg16 : memref<!tpu.dma_semaphore, #tpu.memory_space<semaphore_mem>>) src(%dma_wait3A_473 : memref<128xi32, #tpu.memory_space<hbm>>) dst(%dma_wait3A_470 : memref<128xi32, #tpu.memory_space<vmem>>)
        } else {
        }
      }
      %scan3A_279 = arith.constant 40 : i32
    } else {
    }
    %eq3A_11 = arith.constant 1 : i32
    %eq3A_12 = arith.cmpi eq, %arg0, %eq3A_11 : i32
    %convert_element_type3A_13 = arith.extui %eq3A_12 : i1 to i32
    %cond3A_14 = arith.constant 0 : i32
    %cond3A_15 = arith.cmpi ne, %convert_element_type3A_13, %cond3A_14 : i32
    scf.if %cond3A_15 {
      %dma_start3A_26 = arith.constant 0 : i32
      %dma_start3A_27 = arith.constant 0 : i32
      %dma_start3A_28 = arith.constant 0 : i32
      %dma_start3A_29 = tpu.memref_slice %arg9[%dma_start3A_27, %dma_start3A_28] : memref<4x128xi32, #tpu.memory_space<vmem>> -> memref<1x128xi32, #tpu.memory_space<vmem>>
      %dma_start3A_30 = tpu.memref_squeeze %dma_start3A_29 : memref<1x128xi32, #tpu.memory_space<vmem>> -> memref<128xi32, #tpu.memory_space<vmem>>
      %dma_start3A_31 = arith.constant 0 : i32
      %dma_start3A_32 = tpu.memref_slice %arg4[%arg1, %dma_start3A_26, %dma_start3A_31] : memref<16x160x128xi32, #tpu.memory_space<hbm>> -> memref<1x1x128xi32, #tpu.memory_space<hbm>>
      %dma_start3A_33 = tpu.memref_squeeze %dma_start3A_32 : memref<1x1x128xi32, #tpu.memory_space<hbm>> -> memref<128xi32, #tpu.memory_space<hbm>>
      %dma_start3A_34 = arith.constant 0 : i32
      %dma_start3A_35 = tpu.memref_slice %arg9[%dma_start3A_27, %dma_start3A_34] : memref<4x128xi32, #tpu.memory_space<vmem>> -> memref<1x128xi32, #tpu.memory_space<vmem>>
      %dma_start3A_36 = tpu.memref_squeeze %dma_start3A_35 : memref<1x128xi32, #tpu.memory_space<vmem>> -> memref<128xi32, #tpu.memory_space<vmem>>
      %dma_start3A_37 = arith.constant 0 : i32
      %dma_start3A_38 = tpu.memref_slice %arg4[%arg1, %dma_start3A_26, %dma_start3A_37] : memref<16x160x128xi32, #tpu.memory_space<hbm>> -> memref<1x1x128xi32, #tpu.memory_space<hbm>>
      %dma_start3A_39 = tpu.memref_squeeze %dma_start3A_38 : memref<1x1x128xi32, #tpu.memory_space<hbm>> -> memref<128xi32, #tpu.memory_space<hbm>>
      tpu.enqueue_dma source(%dma_start3A_39 : memref<128xi32, #tpu.memory_space<hbm>>) target(%dma_start3A_36 : memref<128xi32, #tpu.memory_space<vmem>>) target_semaphore(%arg13 : memref<!tpu.dma_semaphore, #tpu.memory_space<semaphore_mem>>)
      %dma_start3A_40 = arith.constant 0 : i32
      %dma_start3A_41 = arith.constant 0 : i32
      %dma_start3A_42 = arith.constant 0 : i32
      %dma_start3A_43 = tpu.memref_slice %arg10[%dma_start3A_41, %dma_start3A_42] : memref<4x128xi32, #tpu.memory_space<vmem>> -> memref<1x128xi32, #tpu.memory_space<vmem>>
      %dma_start3A_44 = tpu.memref_squeeze %dma_start3A_43 : memref<1x128xi32, #tpu.memory_space<vmem>> -> memref<128xi32, #tpu.memory_space<vmem>>
      %dma_start3A_45 = arith.constant 0 : i32
      %dma_start3A_46 = tpu.memref_slice %arg5[%arg1, %dma_start3A_40, %dma_start3A_45] : memref<16x160x128xi32, #tpu.memory_space<hbm>> -> memref<1x1x128xi32, #tpu.memory_space<hbm>>
      %dma_start3A_47 = tpu.memref_squeeze %dma_start3A_46 : memref<1x1x128xi32, #tpu.memory_space<hbm>> -> memref<128xi32, #tpu.memory_space<hbm>>
      %dma_start3A_48 = arith.constant 0 : i32
      %dma_start3A_49 = tpu.memref_slice %arg10[%dma_start3A_41, %dma_start3A_48] : memref<4x128xi32, #tpu.memory_space<vmem>> -> memref<1x128xi32, #tpu.memory_space<vmem>>
      %dma_start3A_50 = tpu.memref_squeeze %dma_start3A_49 : memref<1x128xi32, #tpu.memory_space<vmem>> -> memref<128xi32, #tpu.memory_space<vmem>>
      %dma_start3A_51 = arith.constant 0 : i32
      %dma_start3A_52 = tpu.memref_slice %arg5[%arg1, %dma_start3A_40, %dma_start3A_51] : memref<16x160x128xi32, #tpu.memory_space<hbm>> -> memref<1x1x128xi32, #tpu.memory_space<hbm>>
      %dma_start3A_53 = tpu.memref_squeeze %dma_start3A_52 : memref<1x1x128xi32, #tpu.memory_space<hbm>> -> memref<128xi32, #tpu.memory_space<hbm>>
      tpu.enqueue_dma source(%dma_start3A_53 : memref<128xi32, #tpu.memory_space<hbm>>) target(%dma_start3A_50 : memref<128xi32, #tpu.memory_space<vmem>>) target_semaphore(%arg13 : memref<!tpu.dma_semaphore, #tpu.memory_space<semaphore_mem>>)
      %dma_start3A_54 = arith.constant 1 : i32
      %dma_start3A_55 = arith.constant 1 : i32
      %dma_start3A_56 = arith.constant 0 : i32
      %dma_start3A_57 = tpu.memref_slice %arg9[%dma_start3A_55, %dma_start3A_56] : memref<4x128xi32, #tpu.memory_space<vmem>> -> memref<1x128xi32, #tpu.memory_space<vmem>>
      %dma_start3A_58 = tpu.memref_squeeze %dma_start3A_57 : memref<1x128xi32, #tpu.memory_space<vmem>> -> memref<128xi32, #tpu.memory_space<vmem>>
      %dma_start3A_59 = arith.constant 0 : i32
      %dma_start3A_60 = tpu.memref_slice %arg4[%arg1, %dma_start3A_54, %dma_start3A_59] : memref<16x160x128xi32, #tpu.memory_space<hbm>> -> memref<1x1x128xi32, #tpu.memory_space<hbm>>
      %dma_start3A_61 = tpu.memref_squeeze %dma_start3A_60 : memref<1x1x128xi32, #tpu.memory_space<hbm>> -> memref<128xi32, #tpu.memory_space<hbm>>
      %dma_start3A_62 = arith.constant 0 : i32
      %dma_start3A_63 = tpu.memref_slice %arg9[%dma_start3A_55, %dma_start3A_62] : memref<4x128xi32, #tpu.memory_space<vmem>> -> memref<1x128xi32, #tpu.memory_space<vmem>>
      %dma_start3A_64 = tpu.memref_squeeze %dma_start3A_63 : memref<1x128xi32, #tpu.memory_space<vmem>> -> memref<128xi32, #tpu.memory_space<vmem>>
      %dma_start3A_65 = arith.constant 0 : i32
      %dma_start3A_66 = tpu.memref_slice %arg4[%arg1, %dma_start3A_54, %dma_start3A_65] : memref<16x160x128xi32, #tpu.memory_space<hbm>> -> memref<1x1x128xi32, #tpu.memory_space<hbm>>
      %dma_start3A_67 = tpu.memref_squeeze %dma_start3A_66 : memref<1x1x128xi32, #tpu.memory_space<hbm>> -> memref<128xi32, #tpu.memory_space<hbm>>
      tpu.enqueue_dma source(%dma_start3A_67 : memref<128xi32, #tpu.memory_space<hbm>>) target(%dma_start3A_64 : memref<128xi32, #tpu.memory_space<vmem>>) target_semaphore(%arg14 : memref<!tpu.dma_semaphore, #tpu.memory_space<semaphore_mem>>)
      %dma_start3A_68 = arith.constant 1 : i32
      %dma_start3A_69 = arith.constant 1 : i32
      %dma_start3A_70 = arith.constant 0 : i32
      %dma_start3A_71 = tpu.memref_slice %arg10[%dma_start3A_69, %dma_start3A_70] : memref<4x128xi32, #tpu.memory_space<vmem>> -> memref<1x128xi32, #tpu.memory_space<vmem>>
      %dma_start3A_72 = tpu.memref_squeeze %dma_start3A_71 : memref<1x128xi32, #tpu.memory_space<vmem>> -> memref<128xi32, #tpu.memory_space<vmem>>
      %dma_start3A_73 = arith.constant 0 : i32
      %dma_start3A_74 = tpu.memref_slice %arg5[%arg1, %dma_start3A_68, %dma_start3A_73] : memref<16x160x128xi32, #tpu.memory_space<hbm>> -> memref<1x1x128xi32, #tpu.memory_space<hbm>>
      %dma_start3A_75 = tpu.memref_squeeze %dma_start3A_74 : memref<1x1x128xi32, #tpu.memory_space<hbm>> -> memref<128xi32, #tpu.memory_space<hbm>>
      %dma_start3A_76 = arith.constant 0 : i32
      %dma_start3A_77 = tpu.memref_slice %arg10[%dma_start3A_69, %dma_start3A_76] : memref<4x128xi32, #tpu.memory_space<vmem>> -> memref<1x128xi32, #tpu.memory_space<vmem>>
      %dma_start3A_78 = tpu.memref_squeeze %dma_start3A_77 : memref<1x128xi32, #tpu.memory_space<vmem>> -> memref<128xi32, #tpu.memory_space<vmem>>
      %dma_start3A_79 = arith.constant 0 : i32
      %dma_start3A_80 = tpu.memref_slice %arg5[%arg1, %dma_start3A_68, %dma_start3A_79] : memref<16x160x128xi32, #tpu.memory_space<hbm>> -> memref<1x1x128xi32, #tpu.memory_space<hbm>>
      %dma_start3A_81 = tpu.memref_squeeze %dma_start3A_80 : memref<1x1x128xi32, #tpu.memory_space<hbm>> -> memref<128xi32, #tpu.memory_space<hbm>>
      tpu.enqueue_dma source(%dma_start3A_81 : memref<128xi32, #tpu.memory_space<hbm>>) target(%dma_start3A_78 : memref<128xi32, #tpu.memory_space<vmem>>) target_semaphore(%arg14 : memref<!tpu.dma_semaphore, #tpu.memory_space<semaphore_mem>>)
      %dma_start3A_82 = arith.constant 2 : i32
      %dma_start3A_83 = arith.constant 2 : i32
      %dma_start3A_84 = arith.constant 0 : i32
      %dma_start3A_85 = tpu.memref_slice %arg9[%dma_start3A_83, %dma_start3A_84] : memref<4x128xi32, #tpu.memory_space<vmem>> -> memref<1x128xi32, #tpu.memory_space<vmem>>
      %dma_start3A_86 = tpu.memref_squeeze %dma_start3A_85 : memref<1x128xi32, #tpu.memory_space<vmem>> -> memref<128xi32, #tpu.memory_space<vmem>>
      %dma_start3A_87 = arith.constant 0 : i32
      %dma_start3A_88 = tpu.memref_slice %arg4[%arg1, %dma_start3A_82, %dma_start3A_87] : memref<16x160x128xi32, #tpu.memory_space<hbm>> -> memref<1x1x128xi32, #tpu.memory_space<hbm>>
      %dma_start3A_89 = tpu.memref_squeeze %dma_start3A_88 : memref<1x1x128xi32, #tpu.memory_space<hbm>> -> memref<128xi32, #tpu.memory_space<hbm>>
      %dma_start3A_90 = arith.constant 0 : i32
      %dma_start3A_91 = tpu.memref_slice %arg9[%dma_start3A_83, %dma_start3A_90] : memref<4x128xi32, #tpu.memory_space<vmem>> -> memref<1x128xi32, #tpu.memory_space<vmem>>
      %dma_start3A_92 = tpu.memref_squeeze %dma_start3A_91 : memref<1x128xi32, #tpu.memory_space<vmem>> -> memref<128xi32, #tpu.memory_space<vmem>>
      %dma_start3A_93 = arith.constant 0 : i32
      %dma_start3A_94 = tpu.memref_slice %arg4[%arg1, %dma_start3A_82, %dma_start3A_93] : memref<16x160x128xi32, #tpu.memory_space<hbm>> -> memref<1x1x128xi32, #tpu.memory_space<hbm>>
      %dma_start3A_95 = tpu.memref_squeeze %dma_start3A_94 : memref<1x1x128xi32, #tpu.memory_space<hbm>> -> memref<128xi32, #tpu.memory_space<hbm>>
      tpu.enqueue_dma source(%dma_start3A_95 : memref<128xi32, #tpu.memory_space<hbm>>) target(%dma_start3A_92 : memref<128xi32, #tpu.memory_space<vmem>>) target_semaphore(%arg15 : memref<!tpu.dma_semaphore, #tpu.memory_space<semaphore_mem>>)
      %dma_start3A_96 = arith.constant 2 : i32
      %dma_start3A_97 = arith.constant 2 : i32
      %dma_start3A_98 = arith.constant 0 : i32
      %dma_start3A_99 = tpu.memref_slice %arg10[%dma_start3A_97, %dma_start3A_98] : memref<4x128xi32, #tpu.memory_space<vmem>> -> memref<1x128xi32, #tpu.memory_space<vmem>>
      %dma_start3A_100 = tpu.memref_squeeze %dma_start3A_99 : memref<1x128xi32, #tpu.memory_space<vmem>> -> memref<128xi32, #tpu.memory_space<vmem>>
      %dma_start3A_101 = arith.constant 0 : i32
      %dma_start3A_102 = tpu.memref_slice %arg5[%arg1, %dma_start3A_96, %dma_start3A_101] : memref<16x160x128xi32, #tpu.memory_space<hbm>> -> memref<1x1x128xi32, #tpu.memory_space<hbm>>
      %dma_start3A_103 = tpu.memref_squeeze %dma_start3A_102 : memref<1x1x128xi32, #tpu.memory_space<hbm>> -> memref<128xi32, #tpu.memory_space<hbm>>
      %dma_start3A_104 = arith.constant 0 : i32
      %dma_start3A_105 = tpu.memref_slice %arg10[%dma_start3A_97, %dma_start3A_104] : memref<4x128xi32, #tpu.memory_space<vmem>> -> memref<1x128xi32, #tpu.memory_space<vmem>>
      %dma_start3A_106 = tpu.memref_squeeze %dma_start3A_105 : memref<1x128xi32, #tpu.memory_space<vmem>> -> memref<128xi32, #tpu.memory_space<vmem>>
      %dma_start3A_107 = arith.constant 0 : i32
      %dma_start3A_108 = tpu.memref_slice %arg5[%arg1, %dma_start3A_96, %dma_start3A_107] : memref<16x160x128xi32, #tpu.memory_space<hbm>> -> memref<1x1x128xi32, #tpu.memory_space<hbm>>
      %dma_start3A_109 = tpu.memref_squeeze %dma_start3A_108 : memref<1x1x128xi32, #tpu.memory_space<hbm>> -> memref<128xi32, #tpu.memory_space<hbm>>
      tpu.enqueue_dma source(%dma_start3A_109 : memref<128xi32, #tpu.memory_space<hbm>>) target(%dma_start3A_106 : memref<128xi32, #tpu.memory_space<vmem>>) target_semaphore(%arg15 : memref<!tpu.dma_semaphore, #tpu.memory_space<semaphore_mem>>)
      %dma_start3A_110 = arith.constant 3 : i32
      %dma_start3A_111 = arith.constant 3 : i32
      %dma_start3A_112 = arith.constant 0 : i32
      %dma_start3A_113 = tpu.memref_slice %arg9[%dma_start3A_111, %dma_start3A_112] : memref<4x128xi32, #tpu.memory_space<vmem>> -> memref<1x128xi32, #tpu.memory_space<vmem>>
      %dma_start3A_114 = tpu.memref_squeeze %dma_start3A_113 : memref<1x128xi32, #tpu.memory_space<vmem>> -> memref<128xi32, #tpu.memory_space<vmem>>
      %dma_start3A_115 = arith.constant 0 : i32
      %dma_start3A_116 = tpu.memref_slice %arg4[%arg1, %dma_start3A_110, %dma_start3A_115] : memref<16x160x128xi32, #tpu.memory_space<hbm>> -> memref<1x1x128xi32, #tpu.memory_space<hbm>>
      %dma_start3A_117 = tpu.memref_squeeze %dma_start3A_116 : memref<1x1x128xi32, #tpu.memory_space<hbm>> -> memref<128xi32, #tpu.memory_space<hbm>>
      %dma_start3A_118 = arith.constant 0 : i32
      %dma_start3A_119 = tpu.memref_slice %arg9[%dma_start3A_111, %dma_start3A_118] : memref<4x128xi32, #tpu.memory_space<vmem>> -> memref<1x128xi32, #tpu.memory_space<vmem>>
      %dma_start3A_120 = tpu.memref_squeeze %dma_start3A_119 : memref<1x128xi32, #tpu.memory_space<vmem>> -> memref<128xi32, #tpu.memory_space<vmem>>
      %dma_start3A_121 = arith.constant 0 : i32
      %dma_start3A_122 = tpu.memref_slice %arg4[%arg1, %dma_start3A_110, %dma_start3A_121] : memref<16x160x128xi32, #tpu.memory_space<hbm>> -> memref<1x1x128xi32, #tpu.memory_space<hbm>>
      %dma_start3A_123 = tpu.memref_squeeze %dma_start3A_122 : memref<1x1x128xi32, #tpu.memory_space<hbm>> -> memref<128xi32, #tpu.memory_space<hbm>>
      tpu.enqueue_dma source(%dma_start3A_123 : memref<128xi32, #tpu.memory_space<hbm>>) target(%dma_start3A_120 : memref<128xi32, #tpu.memory_space<vmem>>) target_semaphore(%arg16 : memref<!tpu.dma_semaphore, #tpu.memory_space<semaphore_mem>>)
      %dma_start3A_124 = arith.constant 3 : i32
      %dma_start3A_125 = arith.constant 3 : i32
      %dma_start3A_126 = arith.constant 0 : i32
      %dma_start3A_127 = tpu.memref_slice %arg10[%dma_start3A_125, %dma_start3A_126] : memref<4x128xi32, #tpu.memory_space<vmem>> -> memref<1x128xi32, #tpu.memory_space<vmem>>
      %dma_start3A_128 = tpu.memref_squeeze %dma_start3A_127 : memref<1x128xi32, #tpu.memory_space<vmem>> -> memref<128xi32, #tpu.memory_space<vmem>>
      %dma_start3A_129 = arith.constant 0 : i32
      %dma_start3A_130 = tpu.memref_slice %arg5[%arg1, %dma_start3A_124, %dma_start3A_129] : memref<16x160x128xi32, #tpu.memory_space<hbm>> -> memref<1x1x128xi32, #tpu.memory_space<hbm>>
      %dma_start3A_131 = tpu.memref_squeeze %dma_start3A_130 : memref<1x1x128xi32, #tpu.memory_space<hbm>> -> memref<128xi32, #tpu.memory_space<hbm>>
      %dma_start3A_132 = arith.constant 0 : i32
      %dma_start3A_133 = tpu.memref_slice %arg10[%dma_start3A_125, %dma_start3A_132] : memref<4x128xi32, #tpu.memory_space<vmem>> -> memref<1x128xi32, #tpu.memory_space<vmem>>
      %dma_start3A_134 = tpu.memref_squeeze %dma_start3A_133 : memref<1x128xi32, #tpu.memory_space<vmem>> -> memref<128xi32, #tpu.memory_space<vmem>>
      %dma_start3A_135 = arith.constant 0 : i32
      %dma_start3A_136 = tpu.memref_slice %arg5[%arg1, %dma_start3A_124, %dma_start3A_135] : memref<16x160x128xi32, #tpu.memory_space<hbm>> -> memref<1x1x128xi32, #tpu.memory_space<hbm>>
      %dma_start3A_137 = tpu.memref_squeeze %dma_start3A_136 : memref<1x1x128xi32, #tpu.memory_space<hbm>> -> memref<128xi32, #tpu.memory_space<hbm>>
      tpu.enqueue_dma source(%dma_start3A_137 : memref<128xi32, #tpu.memory_space<hbm>>) target(%dma_start3A_134 : memref<128xi32, #tpu.memory_space<vmem>>) target_semaphore(%arg16 : memref<!tpu.dma_semaphore, #tpu.memory_space<semaphore_mem>>)
      %dma_wait3A_138 = arith.constant 0 : i32
      %dma_wait3A_139 = arith.constant 0 : i32
      %dma_wait3A_140 = arith.constant 0 : i32
      %dma_wait3A_141 = tpu.memref_slice %arg9[%dma_wait3A_139, %dma_wait3A_140] : memref<4x128xi32, #tpu.memory_space<vmem>> -> memref<1x128xi32, #tpu.memory_space<vmem>>
      %dma_wait3A_142 = tpu.memref_squeeze %dma_wait3A_141 : memref<1x128xi32, #tpu.memory_space<vmem>> -> memref<128xi32, #tpu.memory_space<vmem>>
      %dma_wait3A_143 = arith.constant 0 : i32
      %dma_wait3A_144 = tpu.memref_slice %arg4[%arg1, %dma_wait3A_138, %dma_wait3A_143] : memref<16x160x128xi32, #tpu.memory_space<hbm>> -> memref<1x1x128xi32, #tpu.memory_space<hbm>>
      %dma_wait3A_145 = tpu.memref_squeeze %dma_wait3A_144 : memref<1x1x128xi32, #tpu.memory_space<hbm>> -> memref<128xi32, #tpu.memory_space<hbm>>
      %dma_wait3A_146 = arith.constant 0 : i32
      %dma_wait3A_147 = tpu.memref_slice %arg9[%dma_wait3A_139, %dma_wait3A_146] : memref<4x128xi32, #tpu.memory_space<vmem>> -> memref<1x128xi32, #tpu.memory_space<vmem>>
      %dma_wait3A_148 = tpu.memref_squeeze %dma_wait3A_147 : memref<1x128xi32, #tpu.memory_space<vmem>> -> memref<128xi32, #tpu.memory_space<vmem>>
      %dma_wait3A_149 = arith.constant 0 : i32
      %dma_wait3A_150 = tpu.memref_slice %arg4[%arg1, %dma_wait3A_138, %dma_wait3A_149] : memref<16x160x128xi32, #tpu.memory_space<hbm>> -> memref<1x1x128xi32, #tpu.memory_space<hbm>>
      %dma_wait3A_151 = tpu.memref_squeeze %dma_wait3A_150 : memref<1x1x128xi32, #tpu.memory_space<hbm>> -> memref<128xi32, #tpu.memory_space<hbm>>
      tpu.wait_dma2 semaphore(%arg13 : memref<!tpu.dma_semaphore, #tpu.memory_space<semaphore_mem>>) src(%dma_wait3A_151 : memref<128xi32, #tpu.memory_space<hbm>>) dst(%dma_wait3A_148 : memref<128xi32, #tpu.memory_space<vmem>>)
      %dma_wait3A_152 = arith.constant 0 : i32
      %dma_wait3A_153 = arith.constant 0 : i32
      %dma_wait3A_154 = arith.constant 0 : i32
      %dma_wait3A_155 = tpu.memref_slice %arg10[%dma_wait3A_153, %dma_wait3A_154] : memref<4x128xi32, #tpu.memory_space<vmem>> -> memref<1x128xi32, #tpu.memory_space<vmem>>
      %dma_wait3A_156 = tpu.memref_squeeze %dma_wait3A_155 : memref<1x128xi32, #tpu.memory_space<vmem>> -> memref<128xi32, #tpu.memory_space<vmem>>
      %dma_wait3A_157 = arith.constant 0 : i32
      %dma_wait3A_158 = tpu.memref_slice %arg5[%arg1, %dma_wait3A_152, %dma_wait3A_157] : memref<16x160x128xi32, #tpu.memory_space<hbm>> -> memref<1x1x128xi32, #tpu.memory_space<hbm>>
      %dma_wait3A_159 = tpu.memref_squeeze %dma_wait3A_158 : memref<1x1x128xi32, #tpu.memory_space<hbm>> -> memref<128xi32, #tpu.memory_space<hbm>>
      %dma_wait3A_160 = arith.constant 0 : i32
      %dma_wait3A_161 = tpu.memref_slice %arg10[%dma_wait3A_153, %dma_wait3A_160] : memref<4x128xi32, #tpu.memory_space<vmem>> -> memref<1x128xi32, #tpu.memory_space<vmem>>
      %dma_wait3A_162 = tpu.memref_squeeze %dma_wait3A_161 : memref<1x128xi32, #tpu.memory_space<vmem>> -> memref<128xi32, #tpu.memory_space<vmem>>
      %dma_wait3A_163 = arith.constant 0 : i32
      %dma_wait3A_164 = tpu.memref_slice %arg5[%arg1, %dma_wait3A_152, %dma_wait3A_163] : memref<16x160x128xi32, #tpu.memory_space<hbm>> -> memref<1x1x128xi32, #tpu.memory_space<hbm>>
      %dma_wait3A_165 = tpu.memref_squeeze %dma_wait3A_164 : memref<1x1x128xi32, #tpu.memory_space<hbm>> -> memref<128xi32, #tpu.memory_space<hbm>>
      tpu.wait_dma2 semaphore(%arg13 : memref<!tpu.dma_semaphore, #tpu.memory_space<semaphore_mem>>) src(%dma_wait3A_165 : memref<128xi32, #tpu.memory_space<hbm>>) dst(%dma_wait3A_162 : memref<128xi32, #tpu.memory_space<vmem>>)
      %dma_wait3A_166 = arith.constant 1 : i32
      %dma_wait3A_167 = arith.constant 1 : i32
      %dma_wait3A_168 = arith.constant 0 : i32
      %dma_wait3A_169 = tpu.memref_slice %arg9[%dma_wait3A_167, %dma_wait3A_168] : memref<4x128xi32, #tpu.memory_space<vmem>> -> memref<1x128xi32, #tpu.memory_space<vmem>>
      %dma_wait3A_170 = tpu.memref_squeeze %dma_wait3A_169 : memref<1x128xi32, #tpu.memory_space<vmem>> -> memref<128xi32, #tpu.memory_space<vmem>>
      %dma_wait3A_171 = arith.constant 0 : i32
      %dma_wait3A_172 = tpu.memref_slice %arg4[%arg1, %dma_wait3A_166, %dma_wait3A_171] : memref<16x160x128xi32, #tpu.memory_space<hbm>> -> memref<1x1x128xi32, #tpu.memory_space<hbm>>
      %dma_wait3A_173 = tpu.memref_squeeze %dma_wait3A_172 : memref<1x1x128xi32, #tpu.memory_space<hbm>> -> memref<128xi32, #tpu.memory_space<hbm>>
      %dma_wait3A_174 = arith.constant 0 : i32
      %dma_wait3A_175 = tpu.memref_slice %arg9[%dma_wait3A_167, %dma_wait3A_174] : memref<4x128xi32, #tpu.memory_space<vmem>> -> memref<1x128xi32, #tpu.memory_space<vmem>>
      %dma_wait3A_176 = tpu.memref_squeeze %dma_wait3A_175 : memref<1x128xi32, #tpu.memory_space<vmem>> -> memref<128xi32, #tpu.memory_space<vmem>>
      %dma_wait3A_177 = arith.constant 0 : i32
      %dma_wait3A_178 = tpu.memref_slice %arg4[%arg1, %dma_wait3A_166, %dma_wait3A_177] : memref<16x160x128xi32, #tpu.memory_space<hbm>> -> memref<1x1x128xi32, #tpu.memory_space<hbm>>
      %dma_wait3A_179 = tpu.memref_squeeze %dma_wait3A_178 : memref<1x1x128xi32, #tpu.memory_space<hbm>> -> memref<128xi32, #tpu.memory_space<hbm>>
      tpu.wait_dma2 semaphore(%arg14 : memref<!tpu.dma_semaphore, #tpu.memory_space<semaphore_mem>>) src(%dma_wait3A_179 : memref<128xi32, #tpu.memory_space<hbm>>) dst(%dma_wait3A_176 : memref<128xi32, #tpu.memory_space<vmem>>)
      %dma_wait3A_180 = arith.constant 1 : i32
      %dma_wait3A_181 = arith.constant 1 : i32
      %dma_wait3A_182 = arith.constant 0 : i32
      %dma_wait3A_183 = tpu.memref_slice %arg10[%dma_wait3A_181, %dma_wait3A_182] : memref<4x128xi32, #tpu.memory_space<vmem>> -> memref<1x128xi32, #tpu.memory_space<vmem>>
      %dma_wait3A_184 = tpu.memref_squeeze %dma_wait3A_183 : memref<1x128xi32, #tpu.memory_space<vmem>> -> memref<128xi32, #tpu.memory_space<vmem>>
      %dma_wait3A_185 = arith.constant 0 : i32
      %dma_wait3A_186 = tpu.memref_slice %arg5[%arg1, %dma_wait3A_180, %dma_wait3A_185] : memref<16x160x128xi32, #tpu.memory_space<hbm>> -> memref<1x1x128xi32, #tpu.memory_space<hbm>>
      %dma_wait3A_187 = tpu.memref_squeeze %dma_wait3A_186 : memref<1x1x128xi32, #tpu.memory_space<hbm>> -> memref<128xi32, #tpu.memory_space<hbm>>
      %dma_wait3A_188 = arith.constant 0 : i32
      %dma_wait3A_189 = tpu.memref_slice %arg10[%dma_wait3A_181, %dma_wait3A_188] : memref<4x128xi32, #tpu.memory_space<vmem>> -> memref<1x128xi32, #tpu.memory_space<vmem>>
      %dma_wait3A_190 = tpu.memref_squeeze %dma_wait3A_189 : memref<1x128xi32, #tpu.memory_space<vmem>> -> memref<128xi32, #tpu.memory_space<vmem>>
      %dma_wait3A_191 = arith.constant 0 : i32
      %dma_wait3A_192 = tpu.memref_slice %arg5[%arg1, %dma_wait3A_180, %dma_wait3A_191] : memref<16x160x128xi32, #tpu.memory_space<hbm>> -> memref<1x1x128xi32, #tpu.memory_space<hbm>>
      %dma_wait3A_193 = tpu.memref_squeeze %dma_wait3A_192 : memref<1x1x128xi32, #tpu.memory_space<hbm>> -> memref<128xi32, #tpu.memory_space<hbm>>
      tpu.wait_dma2 semaphore(%arg14 : memref<!tpu.dma_semaphore, #tpu.memory_space<semaphore_mem>>) src(%dma_wait3A_193 : memref<128xi32, #tpu.memory_space<hbm>>) dst(%dma_wait3A_190 : memref<128xi32, #tpu.memory_space<vmem>>)
      %dma_wait3A_194 = arith.constant 2 : i32
      %dma_wait3A_195 = arith.constant 2 : i32
      %dma_wait3A_196 = arith.constant 0 : i32
      %dma_wait3A_197 = tpu.memref_slice %arg9[%dma_wait3A_195, %dma_wait3A_196] : memref<4x128xi32, #tpu.memory_space<vmem>> -> memref<1x128xi32, #tpu.memory_space<vmem>>
      %dma_wait3A_198 = tpu.memref_squeeze %dma_wait3A_197 : memref<1x128xi32, #tpu.memory_space<vmem>> -> memref<128xi32, #tpu.memory_space<vmem>>
      %dma_wait3A_199 = arith.constant 0 : i32
      %dma_wait3A_200 = tpu.memref_slice %arg4[%arg1, %dma_wait3A_194, %dma_wait3A_199] : memref<16x160x128xi32, #tpu.memory_space<hbm>> -> memref<1x1x128xi32, #tpu.memory_space<hbm>>
      %dma_wait3A_201 = tpu.memref_squeeze %dma_wait3A_200 : memref<1x1x128xi32, #tpu.memory_space<hbm>> -> memref<128xi32, #tpu.memory_space<hbm>>
      %dma_wait3A_202 = arith.constant 0 : i32
      %dma_wait3A_203 = tpu.memref_slice %arg9[%dma_wait3A_195, %dma_wait3A_202] : memref<4x128xi32, #tpu.memory_space<vmem>> -> memref<1x128xi32, #tpu.memory_space<vmem>>
      %dma_wait3A_204 = tpu.memref_squeeze %dma_wait3A_203 : memref<1x128xi32, #tpu.memory_space<vmem>> -> memref<128xi32, #tpu.memory_space<vmem>>
      %dma_wait3A_205 = arith.constant 0 : i32
      %dma_wait3A_206 = tpu.memref_slice %arg4[%arg1, %dma_wait3A_194, %dma_wait3A_205] : memref<16x160x128xi32, #tpu.memory_space<hbm>> -> memref<1x1x128xi32, #tpu.memory_space<hbm>>
      %dma_wait3A_207 = tpu.memref_squeeze %dma_wait3A_206 : memref<1x1x128xi32, #tpu.memory_space<hbm>> -> memref<128xi32, #tpu.memory_space<hbm>>
      tpu.wait_dma2 semaphore(%arg15 : memref<!tpu.dma_semaphore, #tpu.memory_space<semaphore_mem>>) src(%dma_wait3A_207 : memref<128xi32, #tpu.memory_space<hbm>>) dst(%dma_wait3A_204 : memref<128xi32, #tpu.memory_space<vmem>>)
      %dma_wait3A_208 = arith.constant 2 : i32
      %dma_wait3A_209 = arith.constant 2 : i32
      %dma_wait3A_210 = arith.constant 0 : i32
      %dma_wait3A_211 = tpu.memref_slice %arg10[%dma_wait3A_209, %dma_wait3A_210] : memref<4x128xi32, #tpu.memory_space<vmem>> -> memref<1x128xi32, #tpu.memory_space<vmem>>
      %dma_wait3A_212 = tpu.memref_squeeze %dma_wait3A_211 : memref<1x128xi32, #tpu.memory_space<vmem>> -> memref<128xi32, #tpu.memory_space<vmem>>
      %dma_wait3A_213 = arith.constant 0 : i32
      %dma_wait3A_214 = tpu.memref_slice %arg5[%arg1, %dma_wait3A_208, %dma_wait3A_213] : memref<16x160x128xi32, #tpu.memory_space<hbm>> -> memref<1x1x128xi32, #tpu.memory_space<hbm>>
      %dma_wait3A_215 = tpu.memref_squeeze %dma_wait3A_214 : memref<1x1x128xi32, #tpu.memory_space<hbm>> -> memref<128xi32, #tpu.memory_space<hbm>>
      %dma_wait3A_216 = arith.constant 0 : i32
      %dma_wait3A_217 = tpu.memref_slice %arg10[%dma_wait3A_209, %dma_wait3A_216] : memref<4x128xi32, #tpu.memory_space<vmem>> -> memref<1x128xi32, #tpu.memory_space<vmem>>
      %dma_wait3A_218 = tpu.memref_squeeze %dma_wait3A_217 : memref<1x128xi32, #tpu.memory_space<vmem>> -> memref<128xi32, #tpu.memory_space<vmem>>
      %dma_wait3A_219 = arith.constant 0 : i32
      %dma_wait3A_220 = tpu.memref_slice %arg5[%arg1, %dma_wait3A_208, %dma_wait3A_219] : memref<16x160x128xi32, #tpu.memory_space<hbm>> -> memref<1x1x128xi32, #tpu.memory_space<hbm>>
      %dma_wait3A_221 = tpu.memref_squeeze %dma_wait3A_220 : memref<1x1x128xi32, #tpu.memory_space<hbm>> -> memref<128xi32, #tpu.memory_space<hbm>>
      tpu.wait_dma2 semaphore(%arg15 : memref<!tpu.dma_semaphore, #tpu.memory_space<semaphore_mem>>) src(%dma_wait3A_221 : memref<128xi32, #tpu.memory_space<hbm>>) dst(%dma_wait3A_218 : memref<128xi32, #tpu.memory_space<vmem>>)
      %dma_wait3A_222 = arith.constant 3 : i32
      %dma_wait3A_223 = arith.constant 3 : i32
      %dma_wait3A_224 = arith.constant 0 : i32
      %dma_wait3A_225 = tpu.memref_slice %arg9[%dma_wait3A_223, %dma_wait3A_224] : memref<4x128xi32, #tpu.memory_space<vmem>> -> memref<1x128xi32, #tpu.memory_space<vmem>>
      %dma_wait3A_226 = tpu.memref_squeeze %dma_wait3A_225 : memref<1x128xi32, #tpu.memory_space<vmem>> -> memref<128xi32, #tpu.memory_space<vmem>>
      %dma_wait3A_227 = arith.constant 0 : i32
      %dma_wait3A_228 = tpu.memref_slice %arg4[%arg1, %dma_wait3A_222, %dma_wait3A_227] : memref<16x160x128xi32, #tpu.memory_space<hbm>> -> memref<1x1x128xi32, #tpu.memory_space<hbm>>
      %dma_wait3A_229 = tpu.memref_squeeze %dma_wait3A_228 : memref<1x1x128xi32, #tpu.memory_space<hbm>> -> memref<128xi32, #tpu.memory_space<hbm>>
      %dma_wait3A_230 = arith.constant 0 : i32
      %dma_wait3A_231 = tpu.memref_slice %arg9[%dma_wait3A_223, %dma_wait3A_230] : memref<4x128xi32, #tpu.memory_space<vmem>> -> memref<1x128xi32, #tpu.memory_space<vmem>>
      %dma_wait3A_232 = tpu.memref_squeeze %dma_wait3A_231 : memref<1x128xi32, #tpu.memory_space<vmem>> -> memref<128xi32, #tpu.memory_space<vmem>>
      %dma_wait3A_233 = arith.constant 0 : i32
      %dma_wait3A_234 = tpu.memref_slice %arg4[%arg1, %dma_wait3A_222, %dma_wait3A_233] : memref<16x160x128xi32, #tpu.memory_space<hbm>> -> memref<1x1x128xi32, #tpu.memory_space<hbm>>
      %dma_wait3A_235 = tpu.memref_squeeze %dma_wait3A_234 : memref<1x1x128xi32, #tpu.memory_space<hbm>> -> memref<128xi32, #tpu.memory_space<hbm>>
      tpu.wait_dma2 semaphore(%arg16 : memref<!tpu.dma_semaphore, #tpu.memory_space<semaphore_mem>>) src(%dma_wait3A_235 : memref<128xi32, #tpu.memory_space<hbm>>) dst(%dma_wait3A_232 : memref<128xi32, #tpu.memory_space<vmem>>)
      %dma_wait3A_236 = arith.constant 3 : i32
      %dma_wait3A_237 = arith.constant 3 : i32
      %dma_wait3A_238 = arith.constant 0 : i32
      %dma_wait3A_239 = tpu.memref_slice %arg10[%dma_wait3A_237, %dma_wait3A_238] : memref<4x128xi32, #tpu.memory_space<vmem>> -> memref<1x128xi32, #tpu.memory_space<vmem>>
      %dma_wait3A_240 = tpu.memref_squeeze %dma_wait3A_239 : memref<1x128xi32, #tpu.memory_space<vmem>> -> memref<128xi32, #tpu.memory_space<vmem>>
      %dma_wait3A_241 = arith.constant 0 : i32
      %dma_wait3A_242 = tpu.memref_slice %arg5[%arg1, %dma_wait3A_236, %dma_wait3A_241] : memref<16x160x128xi32, #tpu.memory_space<hbm>> -> memref<1x1x128xi32, #tpu.memory_space<hbm>>
      %dma_wait3A_243 = tpu.memref_squeeze %dma_wait3A_242 : memref<1x1x128xi32, #tpu.memory_space<hbm>> -> memref<128xi32, #tpu.memory_space<hbm>>
      %dma_wait3A_244 = arith.constant 0 : i32
      %dma_wait3A_245 = tpu.memref_slice %arg10[%dma_wait3A_237, %dma_wait3A_244] : memref<4x128xi32, #tpu.memory_space<vmem>> -> memref<1x128xi32, #tpu.memory_space<vmem>>
      %dma_wait3A_246 = tpu.memref_squeeze %dma_wait3A_245 : memref<1x128xi32, #tpu.memory_space<vmem>> -> memref<128xi32, #tpu.memory_space<vmem>>
      %dma_wait3A_247 = arith.constant 0 : i32
      %dma_wait3A_248 = tpu.memref_slice %arg5[%arg1, %dma_wait3A_236, %dma_wait3A_247] : memref<16x160x128xi32, #tpu.memory_space<hbm>> -> memref<1x1x128xi32, #tpu.memory_space<hbm>>
      %dma_wait3A_249 = tpu.memref_squeeze %dma_wait3A_248 : memref<1x1x128xi32, #tpu.memory_space<hbm>> -> memref<128xi32, #tpu.memory_space<hbm>>
      tpu.wait_dma2 semaphore(%arg16 : memref<!tpu.dma_semaphore, #tpu.memory_space<semaphore_mem>>) src(%dma_wait3A_249 : memref<128xi32, #tpu.memory_space<hbm>>) dst(%dma_wait3A_246 : memref<128xi32, #tpu.memory_space<vmem>>)
      %dma_start3A_250 = arith.constant 0 : i32
      %dma_start3A_251 = arith.constant 0 : i32
      %dma_start3A_252 = arith.constant 0 : i32
      %dma_start3A_253 = arith.constant 0 : i32
      %dma_start3A_254 = tpu.memref_slice %arg11[%dma_start3A_251, %dma_start3A_252, %dma_start3A_253] : memref<2x128x128xf32, #tpu.memory_space<vmem>> -> memref<1x128x128xf32, #tpu.memory_space<vmem>>
      %dma_start3A_255 = tpu.memref_squeeze %dma_start3A_254 : memref<1x128x128xf32, #tpu.memory_space<vmem>> -> memref<128x128xf32, #tpu.memory_space<vmem>>
      %dma_start3A_256 = arith.constant 0 : i32
      %dma_start3A_257 = tpu.memref_slice %arg9[%dma_start3A_250, %dma_start3A_256] : memref<4x128xi32, #tpu.memory_space<vmem>> -> memref<1x128xi32, #tpu.memory_space<vmem>>
      %dma_start3A_258 = tpu.memref_squeeze %dma_start3A_257 : memref<1x128xi32, #tpu.memory_space<vmem>> -> memref<128xi32, #tpu.memory_space<vmem>>
      %dma_start3A_259 = arith.constant 0 : i32
      %dma_start3A_260 = arith.constant 0 : i32
      %dma_start3A_261 = tpu.memref_slice %arg3[%dma_start3A_259, %dma_start3A_260] : memref<10000x128xf32, #tpu.memory_space<hbm>> -> memref<10000x128xf32, #tpu.memory_space<hbm>>
      tpu.enqueue_indirect_dma source(%dma_start3A_261 : memref<10000x128xf32, #tpu.memory_space<hbm>>) target(%dma_start3A_255 : memref<128x128xf32, #tpu.memory_space<vmem>>) offsets(%dma_start3A_258 : memref<128xi32, #tpu.memory_space<vmem>>) semaphore(%arg18 : memref<!tpu.dma_semaphore, #tpu.memory_space<semaphore_mem>>)
      %dma_start3A_262 = arith.constant 1 : i32
      %dma_start3A_263 = arith.constant 1 : i32
      %dma_start3A_264 = arith.constant 0 : i32
      %dma_start3A_265 = arith.constant 0 : i32
      %dma_start3A_266 = tpu.memref_slice %arg11[%dma_start3A_263, %dma_start3A_264, %dma_start3A_265] : memref<2x128x128xf32, #tpu.memory_space<vmem>> -> memref<1x128x128xf32, #tpu.memory_space<vmem>>
      %dma_start3A_267 = tpu.memref_squeeze %dma_start3A_266 : memref<1x128x128xf32, #tpu.memory_space<vmem>> -> memref<128x128xf32, #tpu.memory_space<vmem>>
      %dma_start3A_268 = arith.constant 0 : i32
      %dma_start3A_269 = tpu.memref_slice %arg9[%dma_start3A_262, %dma_start3A_268] : memref<4x128xi32, #tpu.memory_space<vmem>> -> memref<1x128xi32, #tpu.memory_space<vmem>>
      %dma_start3A_270 = tpu.memref_squeeze %dma_start3A_269 : memref<1x128xi32, #tpu.memory_space<vmem>> -> memref<128xi32, #tpu.memory_space<vmem>>
      %dma_start3A_271 = arith.constant 0 : i32
      %dma_start3A_272 = arith.constant 0 : i32
      %dma_start3A_273 = tpu.memref_slice %arg3[%dma_start3A_271, %dma_start3A_272] : memref<10000x128xf32, #tpu.memory_space<hbm>> -> memref<10000x128xf32, #tpu.memory_space<hbm>>
      tpu.enqueue_indirect_dma source(%dma_start3A_273 : memref<10000x128xf32, #tpu.memory_space<hbm>>) target(%dma_start3A_267 : memref<128x128xf32, #tpu.memory_space<vmem>>) offsets(%dma_start3A_270 : memref<128xi32, #tpu.memory_space<vmem>>) semaphore(%arg19 : memref<!tpu.dma_semaphore, #tpu.memory_space<semaphore_mem>>)
      %barrier3A_274 = arith.constant 0 : index
      tpu.barrier barrier_id(%barrier3A_274)
      %scan3A = arith.constant 0 : i32
      %scan3A_275 = arith.constant 0 : i32
      %scan3A_276 = arith.constant 40 : i32
      %scan3A_277 = arith.addi %scan3A_275, %scan3A_276 : i32
      %scan3A_278 = arith.constant 1 : i32
      scf.for %scan3A_280 = %scan3A_275 to %scan3A_277 step %scan3A_278  : i32 {
        %mul3A_281 = arith.constant 4 : i32
        %mul3A_282 = arith.muli %scan3A_280, %mul3A_281 : i32
        %dma_wait3A_283 = arith.constant 0 : i32
        %dma_wait3A_284 = arith.constant 0 : i32
        %dma_wait3A_285 = arith.constant 0 : i32
        %dma_wait3A_286 = arith.constant 0 : i32
        %dma_wait3A_287 = tpu.memref_slice %arg11[%dma_wait3A_284, %dma_wait3A_285, %dma_wait3A_286] : memref<2x128x128xf32, #tpu.memory_space<vmem>> -> memref<1x128x128xf32, #tpu.memory_space<vmem>>
        %dma_wait3A_288 = tpu.memref_squeeze %dma_wait3A_287 : memref<1x128x128xf32, #tpu.memory_space<vmem>> -> memref<128x128xf32, #tpu.memory_space<vmem>>
        %dma_wait3A_289 = arith.constant 0 : i32
        %dma_wait3A_290 = tpu.memref_slice %arg9[%dma_wait3A_283, %dma_wait3A_289] : memref<4x128xi32, #tpu.memory_space<vmem>> -> memref<1x128xi32, #tpu.memory_space<vmem>>
        %dma_wait3A_291 = tpu.memref_squeeze %dma_wait3A_290 : memref<1x128xi32, #tpu.memory_space<vmem>> -> memref<128xi32, #tpu.memory_space<vmem>>
        %dma_wait3A_292 = arith.constant 0 : i32
        %dma_wait3A_293 = arith.constant 0 : i32
        %dma_wait3A_294 = tpu.memref_slice %arg3[%dma_wait3A_292, %dma_wait3A_293] : memref<10000x128xf32, #tpu.memory_space<hbm>> -> memref<10000x128xf32, #tpu.memory_space<hbm>>
        tpu.wait_indirect_dma semaphore(%arg18 : memref<!tpu.dma_semaphore, #tpu.memory_space<semaphore_mem>>) src(%dma_wait3A_294 : memref<10000x128xf32, #tpu.memory_space<hbm>>) dst(%dma_wait3A_288 : memref<128x128xf32, #tpu.memory_space<vmem>>)
        %run_scoped3A = arith.constant 0 : i32
        %run_scoped3A_295 = arith.constant 0 : i32
        "tpu.region"() ({
          %run_scoped3A_414 = tpu.sem_alloc : memref<!tpu.dma_semaphore, #tpu.memory_space<semaphore_mem>>
          %dma_start3A_415 = arith.constant 0 : i32
          %dma_start3A_416 = arith.constant 0 : i32
          %dma_start3A_417 = tpu.memref_slice %arg11[%run_scoped3A, %dma_start3A_415, %dma_start3A_416] : memref<2x128x128xf32, #tpu.memory_space<vmem>> -> memref<1x128x128xf32, #tpu.memory_space<vmem>>
          %dma_start3A_418 = tpu.memref_squeeze %dma_start3A_417 : memref<1x128x128xf32, #tpu.memory_space<vmem>> -> memref<128x128xf32, #tpu.memory_space<vmem>>
          %dma_start3A_419 = arith.constant 0 : i32
          %dma_start3A_420 = tpu.memref_slice %arg10[%run_scoped3A_295, %dma_start3A_419] : memref<4x128xi32, #tpu.memory_space<vmem>> -> memref<1x128xi32, #tpu.memory_space<vmem>>
          %dma_start3A_421 = tpu.memref_squeeze %dma_start3A_420 : memref<1x128xi32, #tpu.memory_space<vmem>> -> memref<128xi32, #tpu.memory_space<vmem>>
          %dma_start3A_422 = arith.constant 0 : i32
          %dma_start3A_423 = arith.constant 0 : i32
          %dma_start3A_424 = tpu.memref_slice %arg12[%dma_start3A_422, %dma_start3A_423] : memref<10112x128xf32, #tpu.memory_space<vmem_shared>> -> memref<10112x128xf32, #tpu.memory_space<vmem_shared>>
          tpu.enqueue_indirect_dma source(%dma_start3A_418 : memref<128x128xf32, #tpu.memory_space<vmem>>) target(%dma_start3A_424 : memref<10112x128xf32, #tpu.memory_space<vmem_shared>>) offsets(%dma_start3A_421 : memref<128xi32, #tpu.memory_space<vmem>>) semaphore(%run_scoped3A_414 : memref<!tpu.dma_semaphore, #tpu.memory_space<semaphore_mem>>) {add = true}
          %dma_wait3A_425 = arith.constant 0 : i32
          %dma_wait3A_426 = arith.constant 0 : i32
          %dma_wait3A_427 = tpu.memref_slice %arg11[%run_scoped3A, %dma_wait3A_425, %dma_wait3A_426] : memref<2x128x128xf32, #tpu.memory_space<vmem>> -> memref<1x128x128xf32, #tpu.memory_space<vmem>>
          %dma_wait3A_428 = tpu.memref_squeeze %dma_wait3A_427 : memref<1x128x128xf32, #tpu.memory_space<vmem>> -> memref<128x128xf32, #tpu.memory_space<vmem>>
          %dma_wait3A_429 = arith.constant 0 : i32
          %dma_wait3A_430 = tpu.memref_slice %arg10[%run_scoped3A_295, %dma_wait3A_429] : memref<4x128xi32, #tpu.memory_space<vmem>> -> memref<1x128xi32, #tpu.memory_space<vmem>>
          %dma_wait3A_431 = tpu.memref_squeeze %dma_wait3A_430 : memref<1x128xi32, #tpu.memory_space<vmem>> -> memref<128xi32, #tpu.memory_space<vmem>>
          %dma_wait3A_432 = arith.constant 0 : i32
          %dma_wait3A_433 = arith.constant 0 : i32
          %dma_wait3A_434 = tpu.memref_slice %arg12[%dma_wait3A_432, %dma_wait3A_433] : memref<10112x128xf32, #tpu.memory_space<vmem_shared>> -> memref<10112x128xf32, #tpu.memory_space<vmem_shared>>
          tpu.wait_indirect_dma semaphore(%run_scoped3A_414 : memref<!tpu.dma_semaphore, #tpu.memory_space<semaphore_mem>>) src(%dma_wait3A_428 : memref<128x128xf32, #tpu.memory_space<vmem>>) dst(%dma_wait3A_434 : memref<10112x128xf32, #tpu.memory_space<vmem_shared>>)
          tpu.yield
        }) : () -> ()
        %dma_start3A_296 = arith.constant 2 : i32
        %dma_start3A_297 = arith.constant 0 : i32
        %dma_start3A_298 = arith.constant 0 : i32
        %dma_start3A_299 = arith.constant 0 : i32
        %dma_start3A_300 = tpu.memref_slice %arg11[%dma_start3A_297, %dma_start3A_298, %dma_start3A_299] : memref<2x128x128xf32, #tpu.memory_space<vmem>> -> memref<1x128x128xf32, #tpu.memory_space<vmem>>
        %dma_start3A_301 = tpu.memref_squeeze %dma_start3A_300 : memref<1x128x128xf32, #tpu.memory_space<vmem>> -> memref<128x128xf32, #tpu.memory_space<vmem>>
        %dma_start3A_302 = arith.constant 0 : i32
        %dma_start3A_303 = tpu.memref_slice %arg9[%dma_start3A_296, %dma_start3A_302] : memref<4x128xi32, #tpu.memory_space<vmem>> -> memref<1x128xi32, #tpu.memory_space<vmem>>
        %dma_start3A_304 = tpu.memref_squeeze %dma_start3A_303 : memref<1x128xi32, #tpu.memory_space<vmem>> -> memref<128xi32, #tpu.memory_space<vmem>>
        %dma_start3A_305 = arith.constant 0 : i32
        %dma_start3A_306 = arith.constant 0 : i32
        %dma_start3A_307 = tpu.memref_slice %arg3[%dma_start3A_305, %dma_start3A_306] : memref<10000x128xf32, #tpu.memory_space<hbm>> -> memref<10000x128xf32, #tpu.memory_space<hbm>>
        tpu.enqueue_indirect_dma source(%dma_start3A_307 : memref<10000x128xf32, #tpu.memory_space<hbm>>) target(%dma_start3A_301 : memref<128x128xf32, #tpu.memory_space<vmem>>) offsets(%dma_start3A_304 : memref<128xi32, #tpu.memory_space<vmem>>) semaphore(%arg18 : memref<!tpu.dma_semaphore, #tpu.memory_space<semaphore_mem>>)
        %dma_wait3A_308 = arith.constant 1 : i32
        %dma_wait3A_309 = arith.constant 1 : i32
        %dma_wait3A_310 = arith.constant 0 : i32
        %dma_wait3A_311 = arith.constant 0 : i32
        %dma_wait3A_312 = tpu.memref_slice %arg11[%dma_wait3A_309, %dma_wait3A_310, %dma_wait3A_311] : memref<2x128x128xf32, #tpu.memory_space<vmem>> -> memref<1x128x128xf32, #tpu.memory_space<vmem>>
        %dma_wait3A_313 = tpu.memref_squeeze %dma_wait3A_312 : memref<1x128x128xf32, #tpu.memory_space<vmem>> -> memref<128x128xf32, #tpu.memory_space<vmem>>
        %dma_wait3A_314 = arith.constant 0 : i32
        %dma_wait3A_315 = tpu.memref_slice %arg9[%dma_wait3A_308, %dma_wait3A_314] : memref<4x128xi32, #tpu.memory_space<vmem>> -> memref<1x128xi32, #tpu.memory_space<vmem>>
        %dma_wait3A_316 = tpu.memref_squeeze %dma_wait3A_315 : memref<1x128xi32, #tpu.memory_space<vmem>> -> memref<128xi32, #tpu.memory_space<vmem>>
        %dma_wait3A_317 = arith.constant 0 : i32
        %dma_wait3A_318 = arith.constant 0 : i32
        %dma_wait3A_319 = tpu.memref_slice %arg3[%dma_wait3A_317, %dma_wait3A_318] : memref<10000x128xf32, #tpu.memory_space<hbm>> -> memref<10000x128xf32, #tpu.memory_space<hbm>>
        tpu.wait_indirect_dma semaphore(%arg19 : memref<!tpu.dma_semaphore, #tpu.memory_space<semaphore_mem>>) src(%dma_wait3A_319 : memref<10000x128xf32, #tpu.memory_space<hbm>>) dst(%dma_wait3A_313 : memref<128x128xf32, #tpu.memory_space<vmem>>)
        %run_scoped3A_320 = arith.constant 1 : i32
        %run_scoped3A_321 = arith.constant 1 : i32
        "tpu.region"() ({
          %run_scoped3A_414 = tpu.sem_alloc : memref<!tpu.dma_semaphore, #tpu.memory_space<semaphore_mem>>
          %dma_start3A_415 = arith.constant 0 : i32
          %dma_start3A_416 = arith.constant 0 : i32
          %dma_start3A_417 = tpu.memref_slice %arg11[%run_scoped3A_320, %dma_start3A_415, %dma_start3A_416] : memref<2x128x128xf32, #tpu.memory_space<vmem>> -> memref<1x128x128xf32, #tpu.memory_space<vmem>>
          %dma_start3A_418 = tpu.memref_squeeze %dma_start3A_417 : memref<1x128x128xf32, #tpu.memory_space<vmem>> -> memref<128x128xf32, #tpu.memory_space<vmem>>
          %dma_start3A_419 = arith.constant 0 : i32
          %dma_start3A_420 = tpu.memref_slice %arg10[%run_scoped3A_321, %dma_start3A_419] : memref<4x128xi32, #tpu.memory_space<vmem>> -> memref<1x128xi32, #tpu.memory_space<vmem>>
          %dma_start3A_421 = tpu.memref_squeeze %dma_start3A_420 : memref<1x128xi32, #tpu.memory_space<vmem>> -> memref<128xi32, #tpu.memory_space<vmem>>
          %dma_start3A_422 = arith.constant 0 : i32
          %dma_start3A_423 = arith.constant 0 : i32
          %dma_start3A_424 = tpu.memref_slice %arg12[%dma_start3A_422, %dma_start3A_423] : memref<10112x128xf32, #tpu.memory_space<vmem_shared>> -> memref<10112x128xf32, #tpu.memory_space<vmem_shared>>
          tpu.enqueue_indirect_dma source(%dma_start3A_418 : memref<128x128xf32, #tpu.memory_space<vmem>>) target(%dma_start3A_424 : memref<10112x128xf32, #tpu.memory_space<vmem_shared>>) offsets(%dma_start3A_421 : memref<128xi32, #tpu.memory_space<vmem>>) semaphore(%run_scoped3A_414 : memref<!tpu.dma_semaphore, #tpu.memory_space<semaphore_mem>>) {add = true}
          %dma_wait3A_425 = arith.constant 0 : i32
          %dma_wait3A_426 = arith.constant 0 : i32
          %dma_wait3A_427 = tpu.memref_slice %arg11[%run_scoped3A_320, %dma_wait3A_425, %dma_wait3A_426] : memref<2x128x128xf32, #tpu.memory_space<vmem>> -> memref<1x128x128xf32, #tpu.memory_space<vmem>>
          %dma_wait3A_428 = tpu.memref_squeeze %dma_wait3A_427 : memref<1x128x128xf32, #tpu.memory_space<vmem>> -> memref<128x128xf32, #tpu.memory_space<vmem>>
          %dma_wait3A_429 = arith.constant 0 : i32
          %dma_wait3A_430 = tpu.memref_slice %arg10[%run_scoped3A_321, %dma_wait3A_429] : memref<4x128xi32, #tpu.memory_space<vmem>> -> memref<1x128xi32, #tpu.memory_space<vmem>>
          %dma_wait3A_431 = tpu.memref_squeeze %dma_wait3A_430 : memref<1x128xi32, #tpu.memory_space<vmem>> -> memref<128xi32, #tpu.memory_space<vmem>>
          %dma_wait3A_432 = arith.constant 0 : i32
          %dma_wait3A_433 = arith.constant 0 : i32
          %dma_wait3A_434 = tpu.memref_slice %arg12[%dma_wait3A_432, %dma_wait3A_433] : memref<10112x128xf32, #tpu.memory_space<vmem_shared>> -> memref<10112x128xf32, #tpu.memory_space<vmem_shared>>
          tpu.wait_indirect_dma semaphore(%run_scoped3A_414 : memref<!tpu.dma_semaphore, #tpu.memory_space<semaphore_mem>>) src(%dma_wait3A_428 : memref<128x128xf32, #tpu.memory_space<vmem>>) dst(%dma_wait3A_434 : memref<10112x128xf32, #tpu.memory_space<vmem_shared>>)
          tpu.yield
        }) : () -> ()
        %dma_start3A_322 = arith.constant 3 : i32
        %dma_start3A_323 = arith.constant 1 : i32
        %dma_start3A_324 = arith.constant 0 : i32
        %dma_start3A_325 = arith.constant 0 : i32
        %dma_start3A_326 = tpu.memref_slice %arg11[%dma_start3A_323, %dma_start3A_324, %dma_start3A_325] : memref<2x128x128xf32, #tpu.memory_space<vmem>> -> memref<1x128x128xf32, #tpu.memory_space<vmem>>
        %dma_start3A_327 = tpu.memref_squeeze %dma_start3A_326 : memref<1x128x128xf32, #tpu.memory_space<vmem>> -> memref<128x128xf32, #tpu.memory_space<vmem>>
        %dma_start3A_328 = arith.constant 0 : i32
        %dma_start3A_329 = tpu.memref_slice %arg9[%dma_start3A_322, %dma_start3A_328] : memref<4x128xi32, #tpu.memory_space<vmem>> -> memref<1x128xi32, #tpu.memory_space<vmem>>
        %dma_start3A_330 = tpu.memref_squeeze %dma_start3A_329 : memref<1x128xi32, #tpu.memory_space<vmem>> -> memref<128xi32, #tpu.memory_space<vmem>>
        %dma_start3A_331 = arith.constant 0 : i32
        %dma_start3A_332 = arith.constant 0 : i32
        %dma_start3A_333 = tpu.memref_slice %arg3[%dma_start3A_331, %dma_start3A_332] : memref<10000x128xf32, #tpu.memory_space<hbm>> -> memref<10000x128xf32, #tpu.memory_space<hbm>>
        tpu.enqueue_indirect_dma source(%dma_start3A_333 : memref<10000x128xf32, #tpu.memory_space<hbm>>) target(%dma_start3A_327 : memref<128x128xf32, #tpu.memory_space<vmem>>) offsets(%dma_start3A_330 : memref<128xi32, #tpu.memory_space<vmem>>) semaphore(%arg19 : memref<!tpu.dma_semaphore, #tpu.memory_space<semaphore_mem>>)
        %add3A = arith.constant 4 : i32
        %add3A_334 = arith.addi %mul3A_282, %add3A : i32
        %add3A_335 = arith.constant 0 : i32
        %add3A_336 = arith.addi %add3A_334, %add3A_335 : i32
        %lt3A = arith.constant 160 : i32
        %lt3A_337 = arith.cmpi slt, %add3A_336, %lt3A : i32
        %convert_element_type3A_338 = arith.extui %lt3A_337 : i1 to i32
        %cond3A_339 = arith.constant 0 : i32
        %cond3A_340 = arith.cmpi ne, %convert_element_type3A_338, %cond3A_339 : i32
        scf.if %cond3A_340 {
          %add3A_414 = arith.constant 4 : i32
          %add3A_415 = arith.addi %mul3A_282, %add3A_414 : i32
          %add3A_416 = arith.constant 0 : i32
          %add3A_417 = arith.addi %add3A_415, %add3A_416 : i32
          %dma_start3A_418 = arith.constant 0 : i32
          %dma_start3A_419 = arith.constant 0 : i32
          %dma_start3A_420 = tpu.memref_slice %arg9[%dma_start3A_418, %dma_start3A_419] : memref<4x128xi32, #tpu.memory_space<vmem>> -> memref<1x128xi32, #tpu.memory_space<vmem>>
          %dma_start3A_421 = tpu.memref_squeeze %dma_start3A_420 : memref<1x128xi32, #tpu.memory_space<vmem>> -> memref<128xi32, #tpu.memory_space<vmem>>
          %dma_start3A_422 = arith.constant 0 : i32
          %dma_start3A_423 = tpu.memref_slice %arg4[%arg1, %add3A_417, %dma_start3A_422] : memref<16x160x128xi32, #tpu.memory_space<hbm>> -> memref<1x1x128xi32, #tpu.memory_space<hbm>>
          %dma_start3A_424 = tpu.memref_squeeze %dma_start3A_423 : memref<1x1x128xi32, #tpu.memory_space<hbm>> -> memref<128xi32, #tpu.memory_space<hbm>>
          %dma_start3A_425 = arith.constant 0 : i32
          %dma_start3A_426 = tpu.memref_slice %arg9[%dma_start3A_418, %dma_start3A_425] : memref<4x128xi32, #tpu.memory_space<vmem>> -> memref<1x128xi32, #tpu.memory_space<vmem>>
          %dma_start3A_427 = tpu.memref_squeeze %dma_start3A_426 : memref<1x128xi32, #tpu.memory_space<vmem>> -> memref<128xi32, #tpu.memory_space<vmem>>
          %dma_start3A_428 = arith.constant 0 : i32
          %dma_start3A_429 = tpu.memref_slice %arg4[%arg1, %add3A_417, %dma_start3A_428] : memref<16x160x128xi32, #tpu.memory_space<hbm>> -> memref<1x1x128xi32, #tpu.memory_space<hbm>>
          %dma_start3A_430 = tpu.memref_squeeze %dma_start3A_429 : memref<1x1x128xi32, #tpu.memory_space<hbm>> -> memref<128xi32, #tpu.memory_space<hbm>>
          tpu.enqueue_dma source(%dma_start3A_430 : memref<128xi32, #tpu.memory_space<hbm>>) target(%dma_start3A_427 : memref<128xi32, #tpu.memory_space<vmem>>) target_semaphore(%arg13 : memref<!tpu.dma_semaphore, #tpu.memory_space<semaphore_mem>>)
          %dma_start3A_431 = arith.constant 0 : i32
          %dma_start3A_432 = arith.constant 0 : i32
          %dma_start3A_433 = tpu.memref_slice %arg10[%dma_start3A_431, %dma_start3A_432] : memref<4x128xi32, #tpu.memory_space<vmem>> -> memref<1x128xi32, #tpu.memory_space<vmem>>
          %dma_start3A_434 = tpu.memref_squeeze %dma_start3A_433 : memref<1x128xi32, #tpu.memory_space<vmem>> -> memref<128xi32, #tpu.memory_space<vmem>>
          %dma_start3A_435 = arith.constant 0 : i32
          %dma_start3A_436 = tpu.memref_slice %arg5[%arg1, %add3A_417, %dma_start3A_435] : memref<16x160x128xi32, #tpu.memory_space<hbm>> -> memref<1x1x128xi32, #tpu.memory_space<hbm>>
          %dma_start3A_437 = tpu.memref_squeeze %dma_start3A_436 : memref<1x1x128xi32, #tpu.memory_space<hbm>> -> memref<128xi32, #tpu.memory_space<hbm>>
          %dma_start3A_438 = arith.constant 0 : i32
          %dma_start3A_439 = tpu.memref_slice %arg10[%dma_start3A_431, %dma_start3A_438] : memref<4x128xi32, #tpu.memory_space<vmem>> -> memref<1x128xi32, #tpu.memory_space<vmem>>
          %dma_start3A_440 = tpu.memref_squeeze %dma_start3A_439 : memref<1x128xi32, #tpu.memory_space<vmem>> -> memref<128xi32, #tpu.memory_space<vmem>>
          %dma_start3A_441 = arith.constant 0 : i32
          %dma_start3A_442 = tpu.memref_slice %arg5[%arg1, %add3A_417, %dma_start3A_441] : memref<16x160x128xi32, #tpu.memory_space<hbm>> -> memref<1x1x128xi32, #tpu.memory_space<hbm>>
          %dma_start3A_443 = tpu.memref_squeeze %dma_start3A_442 : memref<1x1x128xi32, #tpu.memory_space<hbm>> -> memref<128xi32, #tpu.memory_space<hbm>>
          tpu.enqueue_dma source(%dma_start3A_443 : memref<128xi32, #tpu.memory_space<hbm>>) target(%dma_start3A_440 : memref<128xi32, #tpu.memory_space<vmem>>) target_semaphore(%arg13 : memref<!tpu.dma_semaphore, #tpu.memory_space<semaphore_mem>>)
        } else {
        }
        %add3A_341 = arith.constant 4 : i32
        %add3A_342 = arith.addi %mul3A_282, %add3A_341 : i32
        %add3A_343 = arith.constant 1 : i32
        %add3A_344 = arith.addi %add3A_342, %add3A_343 : i32
        %lt3A_345 = arith.constant 160 : i32
        %lt3A_346 = arith.cmpi slt, %add3A_344, %lt3A_345 : i32
        %convert_element_type3A_347 = arith.extui %lt3A_346 : i1 to i32
        %cond3A_348 = arith.constant 0 : i32
        %cond3A_349 = arith.cmpi ne, %convert_element_type3A_347, %cond3A_348 : i32
        scf.if %cond3A_349 {
          %add3A_414 = arith.constant 4 : i32
          %add3A_415 = arith.addi %mul3A_282, %add3A_414 : i32
          %add3A_416 = arith.constant 1 : i32
          %add3A_417 = arith.addi %add3A_415, %add3A_416 : i32
          %dma_start3A_418 = arith.constant 1 : i32
          %dma_start3A_419 = arith.constant 0 : i32
          %dma_start3A_420 = tpu.memref_slice %arg9[%dma_start3A_418, %dma_start3A_419] : memref<4x128xi32, #tpu.memory_space<vmem>> -> memref<1x128xi32, #tpu.memory_space<vmem>>
          %dma_start3A_421 = tpu.memref_squeeze %dma_start3A_420 : memref<1x128xi32, #tpu.memory_space<vmem>> -> memref<128xi32, #tpu.memory_space<vmem>>
          %dma_start3A_422 = arith.constant 0 : i32
          %dma_start3A_423 = tpu.memref_slice %arg4[%arg1, %add3A_417, %dma_start3A_422] : memref<16x160x128xi32, #tpu.memory_space<hbm>> -> memref<1x1x128xi32, #tpu.memory_space<hbm>>
          %dma_start3A_424 = tpu.memref_squeeze %dma_start3A_423 : memref<1x1x128xi32, #tpu.memory_space<hbm>> -> memref<128xi32, #tpu.memory_space<hbm>>
          %dma_start3A_425 = arith.constant 0 : i32
          %dma_start3A_426 = tpu.memref_slice %arg9[%dma_start3A_418, %dma_start3A_425] : memref<4x128xi32, #tpu.memory_space<vmem>> -> memref<1x128xi32, #tpu.memory_space<vmem>>
          %dma_start3A_427 = tpu.memref_squeeze %dma_start3A_426 : memref<1x128xi32, #tpu.memory_space<vmem>> -> memref<128xi32, #tpu.memory_space<vmem>>
          %dma_start3A_428 = arith.constant 0 : i32
          %dma_start3A_429 = tpu.memref_slice %arg4[%arg1, %add3A_417, %dma_start3A_428] : memref<16x160x128xi32, #tpu.memory_space<hbm>> -> memref<1x1x128xi32, #tpu.memory_space<hbm>>
          %dma_start3A_430 = tpu.memref_squeeze %dma_start3A_429 : memref<1x1x128xi32, #tpu.memory_space<hbm>> -> memref<128xi32, #tpu.memory_space<hbm>>
          tpu.enqueue_dma source(%dma_start3A_430 : memref<128xi32, #tpu.memory_space<hbm>>) target(%dma_start3A_427 : memref<128xi32, #tpu.memory_space<vmem>>) target_semaphore(%arg14 : memref<!tpu.dma_semaphore, #tpu.memory_space<semaphore_mem>>)
          %dma_start3A_431 = arith.constant 1 : i32
          %dma_start3A_432 = arith.constant 0 : i32
          %dma_start3A_433 = tpu.memref_slice %arg10[%dma_start3A_431, %dma_start3A_432] : memref<4x128xi32, #tpu.memory_space<vmem>> -> memref<1x128xi32, #tpu.memory_space<vmem>>
          %dma_start3A_434 = tpu.memref_squeeze %dma_start3A_433 : memref<1x128xi32, #tpu.memory_space<vmem>> -> memref<128xi32, #tpu.memory_space<vmem>>
          %dma_start3A_435 = arith.constant 0 : i32
          %dma_start3A_436 = tpu.memref_slice %arg5[%arg1, %add3A_417, %dma_start3A_435] : memref<16x160x128xi32, #tpu.memory_space<hbm>> -> memref<1x1x128xi32, #tpu.memory_space<hbm>>
          %dma_start3A_437 = tpu.memref_squeeze %dma_start3A_436 : memref<1x1x128xi32, #tpu.memory_space<hbm>> -> memref<128xi32, #tpu.memory_space<hbm>>
          %dma_start3A_438 = arith.constant 0 : i32
          %dma_start3A_439 = tpu.memref_slice %arg10[%dma_start3A_431, %dma_start3A_438] : memref<4x128xi32, #tpu.memory_space<vmem>> -> memref<1x128xi32, #tpu.memory_space<vmem>>
          %dma_start3A_440 = tpu.memref_squeeze %dma_start3A_439 : memref<1x128xi32, #tpu.memory_space<vmem>> -> memref<128xi32, #tpu.memory_space<vmem>>
          %dma_start3A_441 = arith.constant 0 : i32
          %dma_start3A_442 = tpu.memref_slice %arg5[%arg1, %add3A_417, %dma_start3A_441] : memref<16x160x128xi32, #tpu.memory_space<hbm>> -> memref<1x1x128xi32, #tpu.memory_space<hbm>>
          %dma_start3A_443 = tpu.memref_squeeze %dma_start3A_442 : memref<1x1x128xi32, #tpu.memory_space<hbm>> -> memref<128xi32, #tpu.memory_space<hbm>>
          tpu.enqueue_dma source(%dma_start3A_443 : memref<128xi32, #tpu.memory_space<hbm>>) target(%dma_start3A_440 : memref<128xi32, #tpu.memory_space<vmem>>) target_semaphore(%arg14 : memref<!tpu.dma_semaphore, #tpu.memory_space<semaphore_mem>>)
        } else {
        }
        %dma_wait3A_350 = arith.constant 2 : i32
        %dma_wait3A_351 = arith.constant 0 : i32
        %dma_wait3A_352 = arith.constant 0 : i32
        %dma_wait3A_353 = arith.constant 0 : i32
        %dma_wait3A_354 = tpu.memref_slice %arg11[%dma_wait3A_351, %dma_wait3A_352, %dma_wait3A_353] : memref<2x128x128xf32, #tpu.memory_space<vmem>> -> memref<1x128x128xf32, #tpu.memory_space<vmem>>
        %dma_wait3A_355 = tpu.memref_squeeze %dma_wait3A_354 : memref<1x128x128xf32, #tpu.memory_space<vmem>> -> memref<128x128xf32, #tpu.memory_space<vmem>>
        %dma_wait3A_356 = arith.constant 0 : i32
        %dma_wait3A_357 = tpu.memref_slice %arg9[%dma_wait3A_350, %dma_wait3A_356] : memref<4x128xi32, #tpu.memory_space<vmem>> -> memref<1x128xi32, #tpu.memory_space<vmem>>
        %dma_wait3A_358 = tpu.memref_squeeze %dma_wait3A_357 : memref<1x128xi32, #tpu.memory_space<vmem>> -> memref<128xi32, #tpu.memory_space<vmem>>
        %dma_wait3A_359 = arith.constant 0 : i32
        %dma_wait3A_360 = arith.constant 0 : i32
        %dma_wait3A_361 = tpu.memref_slice %arg3[%dma_wait3A_359, %dma_wait3A_360] : memref<10000x128xf32, #tpu.memory_space<hbm>> -> memref<10000x128xf32, #tpu.memory_space<hbm>>
        tpu.wait_indirect_dma semaphore(%arg18 : memref<!tpu.dma_semaphore, #tpu.memory_space<semaphore_mem>>) src(%dma_wait3A_361 : memref<10000x128xf32, #tpu.memory_space<hbm>>) dst(%dma_wait3A_355 : memref<128x128xf32, #tpu.memory_space<vmem>>)
        %run_scoped3A_362 = arith.constant 0 : i32
        %run_scoped3A_363 = arith.constant 2 : i32
        "tpu.region"() ({
          %run_scoped3A_414 = tpu.sem_alloc : memref<!tpu.dma_semaphore, #tpu.memory_space<semaphore_mem>>
          %dma_start3A_415 = arith.constant 0 : i32
          %dma_start3A_416 = arith.constant 0 : i32
          %dma_start3A_417 = tpu.memref_slice %arg11[%run_scoped3A_362, %dma_start3A_415, %dma_start3A_416] : memref<2x128x128xf32, #tpu.memory_space<vmem>> -> memref<1x128x128xf32, #tpu.memory_space<vmem>>
          %dma_start3A_418 = tpu.memref_squeeze %dma_start3A_417 : memref<1x128x128xf32, #tpu.memory_space<vmem>> -> memref<128x128xf32, #tpu.memory_space<vmem>>
          %dma_start3A_419 = arith.constant 0 : i32
          %dma_start3A_420 = tpu.memref_slice %arg10[%run_scoped3A_363, %dma_start3A_419] : memref<4x128xi32, #tpu.memory_space<vmem>> -> memref<1x128xi32, #tpu.memory_space<vmem>>
          %dma_start3A_421 = tpu.memref_squeeze %dma_start3A_420 : memref<1x128xi32, #tpu.memory_space<vmem>> -> memref<128xi32, #tpu.memory_space<vmem>>
          %dma_start3A_422 = arith.constant 0 : i32
          %dma_start3A_423 = arith.constant 0 : i32
          %dma_start3A_424 = tpu.memref_slice %arg12[%dma_start3A_422, %dma_start3A_423] : memref<10112x128xf32, #tpu.memory_space<vmem_shared>> -> memref<10112x128xf32, #tpu.memory_space<vmem_shared>>
          tpu.enqueue_indirect_dma source(%dma_start3A_418 : memref<128x128xf32, #tpu.memory_space<vmem>>) target(%dma_start3A_424 : memref<10112x128xf32, #tpu.memory_space<vmem_shared>>) offsets(%dma_start3A_421 : memref<128xi32, #tpu.memory_space<vmem>>) semaphore(%run_scoped3A_414 : memref<!tpu.dma_semaphore, #tpu.memory_space<semaphore_mem>>) {add = true}
          %dma_wait3A_425 = arith.constant 0 : i32
          %dma_wait3A_426 = arith.constant 0 : i32
          %dma_wait3A_427 = tpu.memref_slice %arg11[%run_scoped3A_362, %dma_wait3A_425, %dma_wait3A_426] : memref<2x128x128xf32, #tpu.memory_space<vmem>> -> memref<1x128x128xf32, #tpu.memory_space<vmem>>
          %dma_wait3A_428 = tpu.memref_squeeze %dma_wait3A_427 : memref<1x128x128xf32, #tpu.memory_space<vmem>> -> memref<128x128xf32, #tpu.memory_space<vmem>>
          %dma_wait3A_429 = arith.constant 0 : i32
          %dma_wait3A_430 = tpu.memref_slice %arg10[%run_scoped3A_363, %dma_wait3A_429] : memref<4x128xi32, #tpu.memory_space<vmem>> -> memref<1x128xi32, #tpu.memory_space<vmem>>
          %dma_wait3A_431 = tpu.memref_squeeze %dma_wait3A_430 : memref<1x128xi32, #tpu.memory_space<vmem>> -> memref<128xi32, #tpu.memory_space<vmem>>
          %dma_wait3A_432 = arith.constant 0 : i32
          %dma_wait3A_433 = arith.constant 0 : i32
          %dma_wait3A_434 = tpu.memref_slice %arg12[%dma_wait3A_432, %dma_wait3A_433] : memref<10112x128xf32, #tpu.memory_space<vmem_shared>> -> memref<10112x128xf32, #tpu.memory_space<vmem_shared>>
          tpu.wait_indirect_dma semaphore(%run_scoped3A_414 : memref<!tpu.dma_semaphore, #tpu.memory_space<semaphore_mem>>) src(%dma_wait3A_428 : memref<128x128xf32, #tpu.memory_space<vmem>>) dst(%dma_wait3A_434 : memref<10112x128xf32, #tpu.memory_space<vmem_shared>>)
          tpu.yield
        }) : () -> ()
        %add3A_364 = arith.constant 4 : i32
        %add3A_365 = arith.addi %mul3A_282, %add3A_364 : i32
        %add3A_366 = arith.constant 0 : i32
        %add3A_367 = arith.addi %add3A_365, %add3A_366 : i32
        %lt3A_368 = arith.constant 160 : i32
        %lt3A_369 = arith.cmpi slt, %add3A_367, %lt3A_368 : i32
        %convert_element_type3A_370 = arith.extui %lt3A_369 : i1 to i32
        %cond3A_371 = arith.constant 0 : i32
        %cond3A_372 = arith.cmpi ne, %convert_element_type3A_370, %cond3A_371 : i32
        scf.if %cond3A_372 {
          %add3A_414 = arith.constant 4 : i32
          %add3A_415 = arith.addi %mul3A_282, %add3A_414 : i32
          %add3A_416 = arith.constant 0 : i32
          %add3A_417 = arith.addi %add3A_415, %add3A_416 : i32
          %dma_wait3A_418 = arith.constant 0 : i32
          %dma_wait3A_419 = arith.constant 0 : i32
          %dma_wait3A_420 = tpu.memref_slice %arg9[%dma_wait3A_418, %dma_wait3A_419] : memref<4x128xi32, #tpu.memory_space<vmem>> -> memref<1x128xi32, #tpu.memory_space<vmem>>
          %dma_wait3A_421 = tpu.memref_squeeze %dma_wait3A_420 : memref<1x128xi32, #tpu.memory_space<vmem>> -> memref<128xi32, #tpu.memory_space<vmem>>
          %dma_wait3A_422 = arith.constant 0 : i32
          %dma_wait3A_423 = tpu.memref_slice %arg4[%arg1, %add3A_417, %dma_wait3A_422] : memref<16x160x128xi32, #tpu.memory_space<hbm>> -> memref<1x1x128xi32, #tpu.memory_space<hbm>>
          %dma_wait3A_424 = tpu.memref_squeeze %dma_wait3A_423 : memref<1x1x128xi32, #tpu.memory_space<hbm>> -> memref<128xi32, #tpu.memory_space<hbm>>
          %dma_wait3A_425 = arith.constant 0 : i32
          %dma_wait3A_426 = tpu.memref_slice %arg9[%dma_wait3A_418, %dma_wait3A_425] : memref<4x128xi32, #tpu.memory_space<vmem>> -> memref<1x128xi32, #tpu.memory_space<vmem>>
          %dma_wait3A_427 = tpu.memref_squeeze %dma_wait3A_426 : memref<1x128xi32, #tpu.memory_space<vmem>> -> memref<128xi32, #tpu.memory_space<vmem>>
          %dma_wait3A_428 = arith.constant 0 : i32
          %dma_wait3A_429 = tpu.memref_slice %arg4[%arg1, %add3A_417, %dma_wait3A_428] : memref<16x160x128xi32, #tpu.memory_space<hbm>> -> memref<1x1x128xi32, #tpu.memory_space<hbm>>
          %dma_wait3A_430 = tpu.memref_squeeze %dma_wait3A_429 : memref<1x1x128xi32, #tpu.memory_space<hbm>> -> memref<128xi32, #tpu.memory_space<hbm>>
          tpu.wait_dma2 semaphore(%arg13 : memref<!tpu.dma_semaphore, #tpu.memory_space<semaphore_mem>>) src(%dma_wait3A_430 : memref<128xi32, #tpu.memory_space<hbm>>) dst(%dma_wait3A_427 : memref<128xi32, #tpu.memory_space<vmem>>)
          %dma_wait3A_431 = arith.constant 0 : i32
          %dma_wait3A_432 = arith.constant 0 : i32
          %dma_wait3A_433 = tpu.memref_slice %arg10[%dma_wait3A_431, %dma_wait3A_432] : memref<4x128xi32, #tpu.memory_space<vmem>> -> memref<1x128xi32, #tpu.memory_space<vmem>>
          %dma_wait3A_434 = tpu.memref_squeeze %dma_wait3A_433 : memref<1x128xi32, #tpu.memory_space<vmem>> -> memref<128xi32, #tpu.memory_space<vmem>>
          %dma_wait3A_435 = arith.constant 0 : i32
          %dma_wait3A_436 = tpu.memref_slice %arg5[%arg1, %add3A_417, %dma_wait3A_435] : memref<16x160x128xi32, #tpu.memory_space<hbm>> -> memref<1x1x128xi32, #tpu.memory_space<hbm>>
          %dma_wait3A_437 = tpu.memref_squeeze %dma_wait3A_436 : memref<1x1x128xi32, #tpu.memory_space<hbm>> -> memref<128xi32, #tpu.memory_space<hbm>>
          %dma_wait3A_438 = arith.constant 0 : i32
          %dma_wait3A_439 = tpu.memref_slice %arg10[%dma_wait3A_431, %dma_wait3A_438] : memref<4x128xi32, #tpu.memory_space<vmem>> -> memref<1x128xi32, #tpu.memory_space<vmem>>
          %dma_wait3A_440 = tpu.memref_squeeze %dma_wait3A_439 : memref<1x128xi32, #tpu.memory_space<vmem>> -> memref<128xi32, #tpu.memory_space<vmem>>
          %dma_wait3A_441 = arith.constant 0 : i32
          %dma_wait3A_442 = tpu.memref_slice %arg5[%arg1, %add3A_417, %dma_wait3A_441] : memref<16x160x128xi32, #tpu.memory_space<hbm>> -> memref<1x1x128xi32, #tpu.memory_space<hbm>>
          %dma_wait3A_443 = tpu.memref_squeeze %dma_wait3A_442 : memref<1x1x128xi32, #tpu.memory_space<hbm>> -> memref<128xi32, #tpu.memory_space<hbm>>
          tpu.wait_dma2 semaphore(%arg13 : memref<!tpu.dma_semaphore, #tpu.memory_space<semaphore_mem>>) src(%dma_wait3A_443 : memref<128xi32, #tpu.memory_space<hbm>>) dst(%dma_wait3A_440 : memref<128xi32, #tpu.memory_space<vmem>>)
          %dma_start3A_444 = arith.constant 0 : i32
          %dma_start3A_445 = arith.constant 0 : i32
          %dma_start3A_446 = arith.constant 0 : i32
          %dma_start3A_447 = arith.constant 0 : i32
          %dma_start3A_448 = tpu.memref_slice %arg11[%dma_start3A_445, %dma_start3A_446, %dma_start3A_447] : memref<2x128x128xf32, #tpu.memory_space<vmem>> -> memref<1x128x128xf32, #tpu.memory_space<vmem>>
          %dma_start3A_449 = tpu.memref_squeeze %dma_start3A_448 : memref<1x128x128xf32, #tpu.memory_space<vmem>> -> memref<128x128xf32, #tpu.memory_space<vmem>>
          %dma_start3A_450 = arith.constant 0 : i32
          %dma_start3A_451 = tpu.memref_slice %arg9[%dma_start3A_444, %dma_start3A_450] : memref<4x128xi32, #tpu.memory_space<vmem>> -> memref<1x128xi32, #tpu.memory_space<vmem>>
          %dma_start3A_452 = tpu.memref_squeeze %dma_start3A_451 : memref<1x128xi32, #tpu.memory_space<vmem>> -> memref<128xi32, #tpu.memory_space<vmem>>
          %dma_start3A_453 = arith.constant 0 : i32
          %dma_start3A_454 = arith.constant 0 : i32
          %dma_start3A_455 = tpu.memref_slice %arg3[%dma_start3A_453, %dma_start3A_454] : memref<10000x128xf32, #tpu.memory_space<hbm>> -> memref<10000x128xf32, #tpu.memory_space<hbm>>
          tpu.enqueue_indirect_dma source(%dma_start3A_455 : memref<10000x128xf32, #tpu.memory_space<hbm>>) target(%dma_start3A_449 : memref<128x128xf32, #tpu.memory_space<vmem>>) offsets(%dma_start3A_452 : memref<128xi32, #tpu.memory_space<vmem>>) semaphore(%arg18 : memref<!tpu.dma_semaphore, #tpu.memory_space<semaphore_mem>>)
        } else {
        }
        %dma_wait3A_373 = arith.constant 3 : i32
        %dma_wait3A_374 = arith.constant 1 : i32
        %dma_wait3A_375 = arith.constant 0 : i32
        %dma_wait3A_376 = arith.constant 0 : i32
        %dma_wait3A_377 = tpu.memref_slice %arg11[%dma_wait3A_374, %dma_wait3A_375, %dma_wait3A_376] : memref<2x128x128xf32, #tpu.memory_space<vmem>> -> memref<1x128x128xf32, #tpu.memory_space<vmem>>
        %dma_wait3A_378 = tpu.memref_squeeze %dma_wait3A_377 : memref<1x128x128xf32, #tpu.memory_space<vmem>> -> memref<128x128xf32, #tpu.memory_space<vmem>>
        %dma_wait3A_379 = arith.constant 0 : i32
        %dma_wait3A_380 = tpu.memref_slice %arg9[%dma_wait3A_373, %dma_wait3A_379] : memref<4x128xi32, #tpu.memory_space<vmem>> -> memref<1x128xi32, #tpu.memory_space<vmem>>
        %dma_wait3A_381 = tpu.memref_squeeze %dma_wait3A_380 : memref<1x128xi32, #tpu.memory_space<vmem>> -> memref<128xi32, #tpu.memory_space<vmem>>
        %dma_wait3A_382 = arith.constant 0 : i32
        %dma_wait3A_383 = arith.constant 0 : i32
        %dma_wait3A_384 = tpu.memref_slice %arg3[%dma_wait3A_382, %dma_wait3A_383] : memref<10000x128xf32, #tpu.memory_space<hbm>> -> memref<10000x128xf32, #tpu.memory_space<hbm>>
        tpu.wait_indirect_dma semaphore(%arg19 : memref<!tpu.dma_semaphore, #tpu.memory_space<semaphore_mem>>) src(%dma_wait3A_384 : memref<10000x128xf32, #tpu.memory_space<hbm>>) dst(%dma_wait3A_378 : memref<128x128xf32, #tpu.memory_space<vmem>>)
        %run_scoped3A_385 = arith.constant 1 : i32
        %run_scoped3A_386 = arith.constant 3 : i32
        "tpu.region"() ({
          %run_scoped3A_414 = tpu.sem_alloc : memref<!tpu.dma_semaphore, #tpu.memory_space<semaphore_mem>>
          %dma_start3A_415 = arith.constant 0 : i32
          %dma_start3A_416 = arith.constant 0 : i32
          %dma_start3A_417 = tpu.memref_slice %arg11[%run_scoped3A_385, %dma_start3A_415, %dma_start3A_416] : memref<2x128x128xf32, #tpu.memory_space<vmem>> -> memref<1x128x128xf32, #tpu.memory_space<vmem>>
          %dma_start3A_418 = tpu.memref_squeeze %dma_start3A_417 : memref<1x128x128xf32, #tpu.memory_space<vmem>> -> memref<128x128xf32, #tpu.memory_space<vmem>>
          %dma_start3A_419 = arith.constant 0 : i32
          %dma_start3A_420 = tpu.memref_slice %arg10[%run_scoped3A_386, %dma_start3A_419] : memref<4x128xi32, #tpu.memory_space<vmem>> -> memref<1x128xi32, #tpu.memory_space<vmem>>
          %dma_start3A_421 = tpu.memref_squeeze %dma_start3A_420 : memref<1x128xi32, #tpu.memory_space<vmem>> -> memref<128xi32, #tpu.memory_space<vmem>>
          %dma_start3A_422 = arith.constant 0 : i32
          %dma_start3A_423 = arith.constant 0 : i32
          %dma_start3A_424 = tpu.memref_slice %arg12[%dma_start3A_422, %dma_start3A_423] : memref<10112x128xf32, #tpu.memory_space<vmem_shared>> -> memref<10112x128xf32, #tpu.memory_space<vmem_shared>>
          tpu.enqueue_indirect_dma source(%dma_start3A_418 : memref<128x128xf32, #tpu.memory_space<vmem>>) target(%dma_start3A_424 : memref<10112x128xf32, #tpu.memory_space<vmem_shared>>) offsets(%dma_start3A_421 : memref<128xi32, #tpu.memory_space<vmem>>) semaphore(%run_scoped3A_414 : memref<!tpu.dma_semaphore, #tpu.memory_space<semaphore_mem>>) {add = true}
          %dma_wait3A_425 = arith.constant 0 : i32
          %dma_wait3A_426 = arith.constant 0 : i32
          %dma_wait3A_427 = tpu.memref_slice %arg11[%run_scoped3A_385, %dma_wait3A_425, %dma_wait3A_426] : memref<2x128x128xf32, #tpu.memory_space<vmem>> -> memref<1x128x128xf32, #tpu.memory_space<vmem>>
          %dma_wait3A_428 = tpu.memref_squeeze %dma_wait3A_427 : memref<1x128x128xf32, #tpu.memory_space<vmem>> -> memref<128x128xf32, #tpu.memory_space<vmem>>
          %dma_wait3A_429 = arith.constant 0 : i32
          %dma_wait3A_430 = tpu.memref_slice %arg10[%run_scoped3A_386, %dma_wait3A_429] : memref<4x128xi32, #tpu.memory_space<vmem>> -> memref<1x128xi32, #tpu.memory_space<vmem>>
          %dma_wait3A_431 = tpu.memref_squeeze %dma_wait3A_430 : memref<1x128xi32, #tpu.memory_space<vmem>> -> memref<128xi32, #tpu.memory_space<vmem>>
          %dma_wait3A_432 = arith.constant 0 : i32
          %dma_wait3A_433 = arith.constant 0 : i32
          %dma_wait3A_434 = tpu.memref_slice %arg12[%dma_wait3A_432, %dma_wait3A_433] : memref<10112x128xf32, #tpu.memory_space<vmem_shared>> -> memref<10112x128xf32, #tpu.memory_space<vmem_shared>>
          tpu.wait_indirect_dma semaphore(%run_scoped3A_414 : memref<!tpu.dma_semaphore, #tpu.memory_space<semaphore_mem>>) src(%dma_wait3A_428 : memref<128x128xf32, #tpu.memory_space<vmem>>) dst(%dma_wait3A_434 : memref<10112x128xf32, #tpu.memory_space<vmem_shared>>)
          tpu.yield
        }) : () -> ()
        %add3A_387 = arith.constant 4 : i32
        %add3A_388 = arith.addi %mul3A_282, %add3A_387 : i32
        %add3A_389 = arith.constant 1 : i32
        %add3A_390 = arith.addi %add3A_388, %add3A_389 : i32
        %lt3A_391 = arith.constant 160 : i32
        %lt3A_392 = arith.cmpi slt, %add3A_390, %lt3A_391 : i32
        %convert_element_type3A_393 = arith.extui %lt3A_392 : i1 to i32
        %cond3A_394 = arith.constant 0 : i32
        %cond3A_395 = arith.cmpi ne, %convert_element_type3A_393, %cond3A_394 : i32
        scf.if %cond3A_395 {
          %add3A_414 = arith.constant 4 : i32
          %add3A_415 = arith.addi %mul3A_282, %add3A_414 : i32
          %add3A_416 = arith.constant 1 : i32
          %add3A_417 = arith.addi %add3A_415, %add3A_416 : i32
          %dma_wait3A_418 = arith.constant 1 : i32
          %dma_wait3A_419 = arith.constant 0 : i32
          %dma_wait3A_420 = tpu.memref_slice %arg9[%dma_wait3A_418, %dma_wait3A_419] : memref<4x128xi32, #tpu.memory_space<vmem>> -> memref<1x128xi32, #tpu.memory_space<vmem>>
          %dma_wait3A_421 = tpu.memref_squeeze %dma_wait3A_420 : memref<1x128xi32, #tpu.memory_space<vmem>> -> memref<128xi32, #tpu.memory_space<vmem>>
          %dma_wait3A_422 = arith.constant 0 : i32
          %dma_wait3A_423 = tpu.memref_slice %arg4[%arg1, %add3A_417, %dma_wait3A_422] : memref<16x160x128xi32, #tpu.memory_space<hbm>> -> memref<1x1x128xi32, #tpu.memory_space<hbm>>
          %dma_wait3A_424 = tpu.memref_squeeze %dma_wait3A_423 : memref<1x1x128xi32, #tpu.memory_space<hbm>> -> memref<128xi32, #tpu.memory_space<hbm>>
          %dma_wait3A_425 = arith.constant 0 : i32
          %dma_wait3A_426 = tpu.memref_slice %arg9[%dma_wait3A_418, %dma_wait3A_425] : memref<4x128xi32, #tpu.memory_space<vmem>> -> memref<1x128xi32, #tpu.memory_space<vmem>>
          %dma_wait3A_427 = tpu.memref_squeeze %dma_wait3A_426 : memref<1x128xi32, #tpu.memory_space<vmem>> -> memref<128xi32, #tpu.memory_space<vmem>>
          %dma_wait3A_428 = arith.constant 0 : i32
          %dma_wait3A_429 = tpu.memref_slice %arg4[%arg1, %add3A_417, %dma_wait3A_428] : memref<16x160x128xi32, #tpu.memory_space<hbm>> -> memref<1x1x128xi32, #tpu.memory_space<hbm>>
          %dma_wait3A_430 = tpu.memref_squeeze %dma_wait3A_429 : memref<1x1x128xi32, #tpu.memory_space<hbm>> -> memref<128xi32, #tpu.memory_space<hbm>>
          tpu.wait_dma2 semaphore(%arg14 : memref<!tpu.dma_semaphore, #tpu.memory_space<semaphore_mem>>) src(%dma_wait3A_430 : memref<128xi32, #tpu.memory_space<hbm>>) dst(%dma_wait3A_427 : memref<128xi32, #tpu.memory_space<vmem>>)
          %dma_wait3A_431 = arith.constant 1 : i32
          %dma_wait3A_432 = arith.constant 0 : i32
          %dma_wait3A_433 = tpu.memref_slice %arg10[%dma_wait3A_431, %dma_wait3A_432] : memref<4x128xi32, #tpu.memory_space<vmem>> -> memref<1x128xi32, #tpu.memory_space<vmem>>
          %dma_wait3A_434 = tpu.memref_squeeze %dma_wait3A_433 : memref<1x128xi32, #tpu.memory_space<vmem>> -> memref<128xi32, #tpu.memory_space<vmem>>
          %dma_wait3A_435 = arith.constant 0 : i32
          %dma_wait3A_436 = tpu.memref_slice %arg5[%arg1, %add3A_417, %dma_wait3A_435] : memref<16x160x128xi32, #tpu.memory_space<hbm>> -> memref<1x1x128xi32, #tpu.memory_space<hbm>>
          %dma_wait3A_437 = tpu.memref_squeeze %dma_wait3A_436 : memref<1x1x128xi32, #tpu.memory_space<hbm>> -> memref<128xi32, #tpu.memory_space<hbm>>
          %dma_wait3A_438 = arith.constant 0 : i32
          %dma_wait3A_439 = tpu.memref_slice %arg10[%dma_wait3A_431, %dma_wait3A_438] : memref<4x128xi32, #tpu.memory_space<vmem>> -> memref<1x128xi32, #tpu.memory_space<vmem>>
          %dma_wait3A_440 = tpu.memref_squeeze %dma_wait3A_439 : memref<1x128xi32, #tpu.memory_space<vmem>> -> memref<128xi32, #tpu.memory_space<vmem>>
          %dma_wait3A_441 = arith.constant 0 : i32
          %dma_wait3A_442 = tpu.memref_slice %arg5[%arg1, %add3A_417, %dma_wait3A_441] : memref<16x160x128xi32, #tpu.memory_space<hbm>> -> memref<1x1x128xi32, #tpu.memory_space<hbm>>
          %dma_wait3A_443 = tpu.memref_squeeze %dma_wait3A_442 : memref<1x1x128xi32, #tpu.memory_space<hbm>> -> memref<128xi32, #tpu.memory_space<hbm>>
          tpu.wait_dma2 semaphore(%arg14 : memref<!tpu.dma_semaphore, #tpu.memory_space<semaphore_mem>>) src(%dma_wait3A_443 : memref<128xi32, #tpu.memory_space<hbm>>) dst(%dma_wait3A_440 : memref<128xi32, #tpu.memory_space<vmem>>)
          %dma_start3A_444 = arith.constant 1 : i32
          %dma_start3A_445 = arith.constant 1 : i32
          %dma_start3A_446 = arith.constant 0 : i32
          %dma_start3A_447 = arith.constant 0 : i32
          %dma_start3A_448 = tpu.memref_slice %arg11[%dma_start3A_445, %dma_start3A_446, %dma_start3A_447] : memref<2x128x128xf32, #tpu.memory_space<vmem>> -> memref<1x128x128xf32, #tpu.memory_space<vmem>>
          %dma_start3A_449 = tpu.memref_squeeze %dma_start3A_448 : memref<1x128x128xf32, #tpu.memory_space<vmem>> -> memref<128x128xf32, #tpu.memory_space<vmem>>
          %dma_start3A_450 = arith.constant 0 : i32
          %dma_start3A_451 = tpu.memref_slice %arg9[%dma_start3A_444, %dma_start3A_450] : memref<4x128xi32, #tpu.memory_space<vmem>> -> memref<1x128xi32, #tpu.memory_space<vmem>>
          %dma_start3A_452 = tpu.memref_squeeze %dma_start3A_451 : memref<1x128xi32, #tpu.memory_space<vmem>> -> memref<128xi32, #tpu.memory_space<vmem>>
          %dma_start3A_453 = arith.constant 0 : i32
          %dma_start3A_454 = arith.constant 0 : i32
          %dma_start3A_455 = tpu.memref_slice %arg3[%dma_start3A_453, %dma_start3A_454] : memref<10000x128xf32, #tpu.memory_space<hbm>> -> memref<10000x128xf32, #tpu.memory_space<hbm>>
          tpu.enqueue_indirect_dma source(%dma_start3A_455 : memref<10000x128xf32, #tpu.memory_space<hbm>>) target(%dma_start3A_449 : memref<128x128xf32, #tpu.memory_space<vmem>>) offsets(%dma_start3A_452 : memref<128xi32, #tpu.memory_space<vmem>>) semaphore(%arg19 : memref<!tpu.dma_semaphore, #tpu.memory_space<semaphore_mem>>)
        } else {
        }
        %add3A_396 = arith.constant 6 : i32
        %add3A_397 = arith.addi %mul3A_282, %add3A_396 : i32
        %add3A_398 = arith.constant 0 : i32
        %add3A_399 = arith.addi %add3A_397, %add3A_398 : i32
        %lt3A_400 = arith.constant 160 : i32
        %lt3A_401 = arith.cmpi slt, %add3A_399, %lt3A_400 : i32
        %convert_element_type3A_402 = arith.extui %lt3A_401 : i1 to i32
        %cond3A_403 = arith.constant 0 : i32
        %cond3A_404 = arith.cmpi ne, %convert_element_type3A_402, %cond3A_403 : i32
        scf.if %cond3A_404 {
          %add3A_414 = arith.constant 6 : i32
          %add3A_415 = arith.addi %mul3A_282, %add3A_414 : i32
          %add3A_416 = arith.constant 0 : i32
          %add3A_417 = arith.addi %add3A_415, %add3A_416 : i32
          %dma_start3A_418 = arith.constant 2 : i32
          %dma_start3A_419 = arith.constant 0 : i32
          %dma_start3A_420 = tpu.memref_slice %arg9[%dma_start3A_418, %dma_start3A_419] : memref<4x128xi32, #tpu.memory_space<vmem>> -> memref<1x128xi32, #tpu.memory_space<vmem>>
          %dma_start3A_421 = tpu.memref_squeeze %dma_start3A_420 : memref<1x128xi32, #tpu.memory_space<vmem>> -> memref<128xi32, #tpu.memory_space<vmem>>
          %dma_start3A_422 = arith.constant 0 : i32
          %dma_start3A_423 = tpu.memref_slice %arg4[%arg1, %add3A_417, %dma_start3A_422] : memref<16x160x128xi32, #tpu.memory_space<hbm>> -> memref<1x1x128xi32, #tpu.memory_space<hbm>>
          %dma_start3A_424 = tpu.memref_squeeze %dma_start3A_423 : memref<1x1x128xi32, #tpu.memory_space<hbm>> -> memref<128xi32, #tpu.memory_space<hbm>>
          %dma_start3A_425 = arith.constant 0 : i32
          %dma_start3A_426 = tpu.memref_slice %arg9[%dma_start3A_418, %dma_start3A_425] : memref<4x128xi32, #tpu.memory_space<vmem>> -> memref<1x128xi32, #tpu.memory_space<vmem>>
          %dma_start3A_427 = tpu.memref_squeeze %dma_start3A_426 : memref<1x128xi32, #tpu.memory_space<vmem>> -> memref<128xi32, #tpu.memory_space<vmem>>
          %dma_start3A_428 = arith.constant 0 : i32
          %dma_start3A_429 = tpu.memref_slice %arg4[%arg1, %add3A_417, %dma_start3A_428] : memref<16x160x128xi32, #tpu.memory_space<hbm>> -> memref<1x1x128xi32, #tpu.memory_space<hbm>>
          %dma_start3A_430 = tpu.memref_squeeze %dma_start3A_429 : memref<1x1x128xi32, #tpu.memory_space<hbm>> -> memref<128xi32, #tpu.memory_space<hbm>>
          tpu.enqueue_dma source(%dma_start3A_430 : memref<128xi32, #tpu.memory_space<hbm>>) target(%dma_start3A_427 : memref<128xi32, #tpu.memory_space<vmem>>) target_semaphore(%arg15 : memref<!tpu.dma_semaphore, #tpu.memory_space<semaphore_mem>>)
          %dma_start3A_431 = arith.constant 2 : i32
          %dma_start3A_432 = arith.constant 0 : i32
          %dma_start3A_433 = tpu.memref_slice %arg10[%dma_start3A_431, %dma_start3A_432] : memref<4x128xi32, #tpu.memory_space<vmem>> -> memref<1x128xi32, #tpu.memory_space<vmem>>
          %dma_start3A_434 = tpu.memref_squeeze %dma_start3A_433 : memref<1x128xi32, #tpu.memory_space<vmem>> -> memref<128xi32, #tpu.memory_space<vmem>>
          %dma_start3A_435 = arith.constant 0 : i32
          %dma_start3A_436 = tpu.memref_slice %arg5[%arg1, %add3A_417, %dma_start3A_435] : memref<16x160x128xi32, #tpu.memory_space<hbm>> -> memref<1x1x128xi32, #tpu.memory_space<hbm>>
          %dma_start3A_437 = tpu.memref_squeeze %dma_start3A_436 : memref<1x1x128xi32, #tpu.memory_space<hbm>> -> memref<128xi32, #tpu.memory_space<hbm>>
          %dma_start3A_438 = arith.constant 0 : i32
          %dma_start3A_439 = tpu.memref_slice %arg10[%dma_start3A_431, %dma_start3A_438] : memref<4x128xi32, #tpu.memory_space<vmem>> -> memref<1x128xi32, #tpu.memory_space<vmem>>
          %dma_start3A_440 = tpu.memref_squeeze %dma_start3A_439 : memref<1x128xi32, #tpu.memory_space<vmem>> -> memref<128xi32, #tpu.memory_space<vmem>>
          %dma_start3A_441 = arith.constant 0 : i32
          %dma_start3A_442 = tpu.memref_slice %arg5[%arg1, %add3A_417, %dma_start3A_441] : memref<16x160x128xi32, #tpu.memory_space<hbm>> -> memref<1x1x128xi32, #tpu.memory_space<hbm>>
          %dma_start3A_443 = tpu.memref_squeeze %dma_start3A_442 : memref<1x1x128xi32, #tpu.memory_space<hbm>> -> memref<128xi32, #tpu.memory_space<hbm>>
          tpu.enqueue_dma source(%dma_start3A_443 : memref<128xi32, #tpu.memory_space<hbm>>) target(%dma_start3A_440 : memref<128xi32, #tpu.memory_space<vmem>>) target_semaphore(%arg15 : memref<!tpu.dma_semaphore, #tpu.memory_space<semaphore_mem>>)
          %add3A_444 = arith.constant 6 : i32
          %add3A_445 = arith.addi %mul3A_282, %add3A_444 : i32
          %add3A_446 = arith.constant 0 : i32
          %add3A_447 = arith.addi %add3A_445, %add3A_446 : i32
          %dma_wait3A_448 = arith.constant 2 : i32
          %dma_wait3A_449 = arith.constant 0 : i32
          %dma_wait3A_450 = tpu.memref_slice %arg9[%dma_wait3A_448, %dma_wait3A_449] : memref<4x128xi32, #tpu.memory_space<vmem>> -> memref<1x128xi32, #tpu.memory_space<vmem>>
          %dma_wait3A_451 = tpu.memref_squeeze %dma_wait3A_450 : memref<1x128xi32, #tpu.memory_space<vmem>> -> memref<128xi32, #tpu.memory_space<vmem>>
          %dma_wait3A_452 = arith.constant 0 : i32
          %dma_wait3A_453 = tpu.memref_slice %arg4[%arg1, %add3A_447, %dma_wait3A_452] : memref<16x160x128xi32, #tpu.memory_space<hbm>> -> memref<1x1x128xi32, #tpu.memory_space<hbm>>
          %dma_wait3A_454 = tpu.memref_squeeze %dma_wait3A_453 : memref<1x1x128xi32, #tpu.memory_space<hbm>> -> memref<128xi32, #tpu.memory_space<hbm>>
          %dma_wait3A_455 = arith.constant 0 : i32
          %dma_wait3A_456 = tpu.memref_slice %arg9[%dma_wait3A_448, %dma_wait3A_455] : memref<4x128xi32, #tpu.memory_space<vmem>> -> memref<1x128xi32, #tpu.memory_space<vmem>>
          %dma_wait3A_457 = tpu.memref_squeeze %dma_wait3A_456 : memref<1x128xi32, #tpu.memory_space<vmem>> -> memref<128xi32, #tpu.memory_space<vmem>>
          %dma_wait3A_458 = arith.constant 0 : i32
          %dma_wait3A_459 = tpu.memref_slice %arg4[%arg1, %add3A_447, %dma_wait3A_458] : memref<16x160x128xi32, #tpu.memory_space<hbm>> -> memref<1x1x128xi32, #tpu.memory_space<hbm>>
          %dma_wait3A_460 = tpu.memref_squeeze %dma_wait3A_459 : memref<1x1x128xi32, #tpu.memory_space<hbm>> -> memref<128xi32, #tpu.memory_space<hbm>>
          tpu.wait_dma2 semaphore(%arg15 : memref<!tpu.dma_semaphore, #tpu.memory_space<semaphore_mem>>) src(%dma_wait3A_460 : memref<128xi32, #tpu.memory_space<hbm>>) dst(%dma_wait3A_457 : memref<128xi32, #tpu.memory_space<vmem>>)
          %dma_wait3A_461 = arith.constant 2 : i32
          %dma_wait3A_462 = arith.constant 0 : i32
          %dma_wait3A_463 = tpu.memref_slice %arg10[%dma_wait3A_461, %dma_wait3A_462] : memref<4x128xi32, #tpu.memory_space<vmem>> -> memref<1x128xi32, #tpu.memory_space<vmem>>
          %dma_wait3A_464 = tpu.memref_squeeze %dma_wait3A_463 : memref<1x128xi32, #tpu.memory_space<vmem>> -> memref<128xi32, #tpu.memory_space<vmem>>
          %dma_wait3A_465 = arith.constant 0 : i32
          %dma_wait3A_466 = tpu.memref_slice %arg5[%arg1, %add3A_447, %dma_wait3A_465] : memref<16x160x128xi32, #tpu.memory_space<hbm>> -> memref<1x1x128xi32, #tpu.memory_space<hbm>>
          %dma_wait3A_467 = tpu.memref_squeeze %dma_wait3A_466 : memref<1x1x128xi32, #tpu.memory_space<hbm>> -> memref<128xi32, #tpu.memory_space<hbm>>
          %dma_wait3A_468 = arith.constant 0 : i32
          %dma_wait3A_469 = tpu.memref_slice %arg10[%dma_wait3A_461, %dma_wait3A_468] : memref<4x128xi32, #tpu.memory_space<vmem>> -> memref<1x128xi32, #tpu.memory_space<vmem>>
          %dma_wait3A_470 = tpu.memref_squeeze %dma_wait3A_469 : memref<1x128xi32, #tpu.memory_space<vmem>> -> memref<128xi32, #tpu.memory_space<vmem>>
          %dma_wait3A_471 = arith.constant 0 : i32
          %dma_wait3A_472 = tpu.memref_slice %arg5[%arg1, %add3A_447, %dma_wait3A_471] : memref<16x160x128xi32, #tpu.memory_space<hbm>> -> memref<1x1x128xi32, #tpu.memory_space<hbm>>
          %dma_wait3A_473 = tpu.memref_squeeze %dma_wait3A_472 : memref<1x1x128xi32, #tpu.memory_space<hbm>> -> memref<128xi32, #tpu.memory_space<hbm>>
          tpu.wait_dma2 semaphore(%arg15 : memref<!tpu.dma_semaphore, #tpu.memory_space<semaphore_mem>>) src(%dma_wait3A_473 : memref<128xi32, #tpu.memory_space<hbm>>) dst(%dma_wait3A_470 : memref<128xi32, #tpu.memory_space<vmem>>)
        } else {
        }
        %add3A_405 = arith.constant 6 : i32
        %add3A_406 = arith.addi %mul3A_282, %add3A_405 : i32
        %add3A_407 = arith.constant 1 : i32
        %add3A_408 = arith.addi %add3A_406, %add3A_407 : i32
        %lt3A_409 = arith.constant 160 : i32
        %lt3A_410 = arith.cmpi slt, %add3A_408, %lt3A_409 : i32
        %convert_element_type3A_411 = arith.extui %lt3A_410 : i1 to i32
        %cond3A_412 = arith.constant 0 : i32
        %cond3A_413 = arith.cmpi ne, %convert_element_type3A_411, %cond3A_412 : i32
        scf.if %cond3A_413 {
          %add3A_414 = arith.constant 6 : i32
          %add3A_415 = arith.addi %mul3A_282, %add3A_414 : i32
          %add3A_416 = arith.constant 1 : i32
          %add3A_417 = arith.addi %add3A_415, %add3A_416 : i32
          %dma_start3A_418 = arith.constant 3 : i32
          %dma_start3A_419 = arith.constant 0 : i32
          %dma_start3A_420 = tpu.memref_slice %arg9[%dma_start3A_418, %dma_start3A_419] : memref<4x128xi32, #tpu.memory_space<vmem>> -> memref<1x128xi32, #tpu.memory_space<vmem>>
          %dma_start3A_421 = tpu.memref_squeeze %dma_start3A_420 : memref<1x128xi32, #tpu.memory_space<vmem>> -> memref<128xi32, #tpu.memory_space<vmem>>
          %dma_start3A_422 = arith.constant 0 : i32
          %dma_start3A_423 = tpu.memref_slice %arg4[%arg1, %add3A_417, %dma_start3A_422] : memref<16x160x128xi32, #tpu.memory_space<hbm>> -> memref<1x1x128xi32, #tpu.memory_space<hbm>>
          %dma_start3A_424 = tpu.memref_squeeze %dma_start3A_423 : memref<1x1x128xi32, #tpu.memory_space<hbm>> -> memref<128xi32, #tpu.memory_space<hbm>>
          %dma_start3A_425 = arith.constant 0 : i32
          %dma_start3A_426 = tpu.memref_slice %arg9[%dma_start3A_418, %dma_start3A_425] : memref<4x128xi32, #tpu.memory_space<vmem>> -> memref<1x128xi32, #tpu.memory_space<vmem>>
          %dma_start3A_427 = tpu.memref_squeeze %dma_start3A_426 : memref<1x128xi32, #tpu.memory_space<vmem>> -> memref<128xi32, #tpu.memory_space<vmem>>
          %dma_start3A_428 = arith.constant 0 : i32
          %dma_start3A_429 = tpu.memref_slice %arg4[%arg1, %add3A_417, %dma_start3A_428] : memref<16x160x128xi32, #tpu.memory_space<hbm>> -> memref<1x1x128xi32, #tpu.memory_space<hbm>>
          %dma_start3A_430 = tpu.memref_squeeze %dma_start3A_429 : memref<1x1x128xi32, #tpu.memory_space<hbm>> -> memref<128xi32, #tpu.memory_space<hbm>>
          tpu.enqueue_dma source(%dma_start3A_430 : memref<128xi32, #tpu.memory_space<hbm>>) target(%dma_start3A_427 : memref<128xi32, #tpu.memory_space<vmem>>) target_semaphore(%arg16 : memref<!tpu.dma_semaphore, #tpu.memory_space<semaphore_mem>>)
          %dma_start3A_431 = arith.constant 3 : i32
          %dma_start3A_432 = arith.constant 0 : i32
          %dma_start3A_433 = tpu.memref_slice %arg10[%dma_start3A_431, %dma_start3A_432] : memref<4x128xi32, #tpu.memory_space<vmem>> -> memref<1x128xi32, #tpu.memory_space<vmem>>
          %dma_start3A_434 = tpu.memref_squeeze %dma_start3A_433 : memref<1x128xi32, #tpu.memory_space<vmem>> -> memref<128xi32, #tpu.memory_space<vmem>>
          %dma_start3A_435 = arith.constant 0 : i32
          %dma_start3A_436 = tpu.memref_slice %arg5[%arg1, %add3A_417, %dma_start3A_435] : memref<16x160x128xi32, #tpu.memory_space<hbm>> -> memref<1x1x128xi32, #tpu.memory_space<hbm>>
          %dma_start3A_437 = tpu.memref_squeeze %dma_start3A_436 : memref<1x1x128xi32, #tpu.memory_space<hbm>> -> memref<128xi32, #tpu.memory_space<hbm>>
          %dma_start3A_438 = arith.constant 0 : i32
          %dma_start3A_439 = tpu.memref_slice %arg10[%dma_start3A_431, %dma_start3A_438] : memref<4x128xi32, #tpu.memory_space<vmem>> -> memref<1x128xi32, #tpu.memory_space<vmem>>
          %dma_start3A_440 = tpu.memref_squeeze %dma_start3A_439 : memref<1x128xi32, #tpu.memory_space<vmem>> -> memref<128xi32, #tpu.memory_space<vmem>>
          %dma_start3A_441 = arith.constant 0 : i32
          %dma_start3A_442 = tpu.memref_slice %arg5[%arg1, %add3A_417, %dma_start3A_441] : memref<16x160x128xi32, #tpu.memory_space<hbm>> -> memref<1x1x128xi32, #tpu.memory_space<hbm>>
          %dma_start3A_443 = tpu.memref_squeeze %dma_start3A_442 : memref<1x1x128xi32, #tpu.memory_space<hbm>> -> memref<128xi32, #tpu.memory_space<hbm>>
          tpu.enqueue_dma source(%dma_start3A_443 : memref<128xi32, #tpu.memory_space<hbm>>) target(%dma_start3A_440 : memref<128xi32, #tpu.memory_space<vmem>>) target_semaphore(%arg16 : memref<!tpu.dma_semaphore, #tpu.memory_space<semaphore_mem>>)
          %add3A_444 = arith.constant 6 : i32
          %add3A_445 = arith.addi %mul3A_282, %add3A_444 : i32
          %add3A_446 = arith.constant 1 : i32
          %add3A_447 = arith.addi %add3A_445, %add3A_446 : i32
          %dma_wait3A_448 = arith.constant 3 : i32
          %dma_wait3A_449 = arith.constant 0 : i32
          %dma_wait3A_450 = tpu.memref_slice %arg9[%dma_wait3A_448, %dma_wait3A_449] : memref<4x128xi32, #tpu.memory_space<vmem>> -> memref<1x128xi32, #tpu.memory_space<vmem>>
          %dma_wait3A_451 = tpu.memref_squeeze %dma_wait3A_450 : memref<1x128xi32, #tpu.memory_space<vmem>> -> memref<128xi32, #tpu.memory_space<vmem>>
          %dma_wait3A_452 = arith.constant 0 : i32
          %dma_wait3A_453 = tpu.memref_slice %arg4[%arg1, %add3A_447, %dma_wait3A_452] : memref<16x160x128xi32, #tpu.memory_space<hbm>> -> memref<1x1x128xi32, #tpu.memory_space<hbm>>
          %dma_wait3A_454 = tpu.memref_squeeze %dma_wait3A_453 : memref<1x1x128xi32, #tpu.memory_space<hbm>> -> memref<128xi32, #tpu.memory_space<hbm>>
          %dma_wait3A_455 = arith.constant 0 : i32
          %dma_wait3A_456 = tpu.memref_slice %arg9[%dma_wait3A_448, %dma_wait3A_455] : memref<4x128xi32, #tpu.memory_space<vmem>> -> memref<1x128xi32, #tpu.memory_space<vmem>>
          %dma_wait3A_457 = tpu.memref_squeeze %dma_wait3A_456 : memref<1x128xi32, #tpu.memory_space<vmem>> -> memref<128xi32, #tpu.memory_space<vmem>>
          %dma_wait3A_458 = arith.constant 0 : i32
          %dma_wait3A_459 = tpu.memref_slice %arg4[%arg1, %add3A_447, %dma_wait3A_458] : memref<16x160x128xi32, #tpu.memory_space<hbm>> -> memref<1x1x128xi32, #tpu.memory_space<hbm>>
          %dma_wait3A_460 = tpu.memref_squeeze %dma_wait3A_459 : memref<1x1x128xi32, #tpu.memory_space<hbm>> -> memref<128xi32, #tpu.memory_space<hbm>>
          tpu.wait_dma2 semaphore(%arg16 : memref<!tpu.dma_semaphore, #tpu.memory_space<semaphore_mem>>) src(%dma_wait3A_460 : memref<128xi32, #tpu.memory_space<hbm>>) dst(%dma_wait3A_457 : memref<128xi32, #tpu.memory_space<vmem>>)
          %dma_wait3A_461 = arith.constant 3 : i32
          %dma_wait3A_462 = arith.constant 0 : i32
          %dma_wait3A_463 = tpu.memref_slice %arg10[%dma_wait3A_461, %dma_wait3A_462] : memref<4x128xi32, #tpu.memory_space<vmem>> -> memref<1x128xi32, #tpu.memory_space<vmem>>
          %dma_wait3A_464 = tpu.memref_squeeze %dma_wait3A_463 : memref<1x128xi32, #tpu.memory_space<vmem>> -> memref<128xi32, #tpu.memory_space<vmem>>
          %dma_wait3A_465 = arith.constant 0 : i32
          %dma_wait3A_466 = tpu.memref_slice %arg5[%arg1, %add3A_447, %dma_wait3A_465] : memref<16x160x128xi32, #tpu.memory_space<hbm>> -> memref<1x1x128xi32, #tpu.memory_space<hbm>>
          %dma_wait3A_467 = tpu.memref_squeeze %dma_wait3A_466 : memref<1x1x128xi32, #tpu.memory_space<hbm>> -> memref<128xi32, #tpu.memory_space<hbm>>
          %dma_wait3A_468 = arith.constant 0 : i32
          %dma_wait3A_469 = tpu.memref_slice %arg10[%dma_wait3A_461, %dma_wait3A_468] : memref<4x128xi32, #tpu.memory_space<vmem>> -> memref<1x128xi32, #tpu.memory_space<vmem>>
          %dma_wait3A_470 = tpu.memref_squeeze %dma_wait3A_469 : memref<1x128xi32, #tpu.memory_space<vmem>> -> memref<128xi32, #tpu.memory_space<vmem>>
          %dma_wait3A_471 = arith.constant 0 : i32
          %dma_wait3A_472 = tpu.memref_slice %arg5[%arg1, %add3A_447, %dma_wait3A_471] : memref<16x160x128xi32, #tpu.memory_space<hbm>> -> memref<1x1x128xi32, #tpu.memory_space<hbm>>
          %dma_wait3A_473 = tpu.memref_squeeze %dma_wait3A_472 : memref<1x1x128xi32, #tpu.memory_space<hbm>> -> memref<128xi32, #tpu.memory_space<hbm>>
          tpu.wait_dma2 semaphore(%arg16 : memref<!tpu.dma_semaphore, #tpu.memory_space<semaphore_mem>>) src(%dma_wait3A_473 : memref<128xi32, #tpu.memory_space<hbm>>) dst(%dma_wait3A_470 : memref<128xi32, #tpu.memory_space<vmem>>)
        } else {
        }
      }
      %scan3A_279 = arith.constant 40 : i32
    } else {
    }
    %barrier3A = arith.constant 0 : index
    tpu.barrier barrier_id(%barrier3A)
    %eq3A_16 = arith.constant 0 : i32
    %eq3A_17 = arith.cmpi eq, %arg0, %eq3A_16 : i32
    %convert_element_type3A_18 = arith.extui %eq3A_17 : i1 to i32
    %cond3A_19 = arith.constant 0 : i32
    %cond3A_20 = arith.cmpi ne, %convert_element_type3A_18, %cond3A_19 : i32
    scf.if %cond3A_20 {
      %mul3A_26 = arith.constant 632 : i32
      %mul3A_27 = arith.muli %arg1, %mul3A_26 : i32
      %mul3A_28 = arith.constant 632 : i32
      %mul3A_29 = arith.muli %arg1, %mul3A_28 : i32
      "tpu.region"() ({
        %run_scoped3A = tpu.sem_alloc : memref<!tpu.dma_semaphore, #tpu.memory_space<semaphore_mem>>
        %dma_start3A_30 = arith.constant 0 : i32
        %dma_start3A_31 = tpu.memref_slice %arg7[%mul3A_29, %dma_start3A_30] : memref<10112x128xf32, #tpu.memory_space<hbm>> -> memref<632x128xf32, #tpu.memory_space<hbm>>
        %dma_start3A_32 = arith.constant 0 : i32
        %dma_start3A_33 = tpu.memref_slice %arg12[%mul3A_27, %dma_start3A_32] : memref<10112x128xf32, #tpu.memory_space<vmem_shared>> -> memref<632x128xf32, #tpu.memory_space<vmem_shared>>
        tpu.enqueue_dma source(%dma_start3A_33 : memref<632x128xf32, #tpu.memory_space<vmem_shared>>) target(%dma_start3A_31 : memref<632x128xf32, #tpu.memory_space<hbm>>) target_semaphore(%run_scoped3A : memref<!tpu.dma_semaphore, #tpu.memory_space<semaphore_mem>>)
        %dma_wait3A_34 = arith.constant 0 : i32
        %dma_wait3A_35 = tpu.memref_slice %arg7[%mul3A_29, %dma_wait3A_34] : memref<10112x128xf32, #tpu.memory_space<hbm>> -> memref<632x128xf32, #tpu.memory_space<hbm>>
        %dma_wait3A_36 = arith.constant 0 : i32
        %dma_wait3A_37 = tpu.memref_slice %arg12[%mul3A_27, %dma_wait3A_36] : memref<10112x128xf32, #tpu.memory_space<vmem_shared>> -> memref<632x128xf32, #tpu.memory_space<vmem_shared>>
        tpu.wait_dma2 semaphore(%run_scoped3A : memref<!tpu.dma_semaphore, #tpu.memory_space<semaphore_mem>>) src(%dma_wait3A_37 : memref<632x128xf32, #tpu.memory_space<vmem_shared>>) dst(%dma_wait3A_35 : memref<632x128xf32, #tpu.memory_space<hbm>>)
        tpu.yield
      }) : () -> ()
    } else {
    }
    %eq3A_21 = arith.constant 1 : i32
    %eq3A_22 = arith.cmpi eq, %arg0, %eq3A_21 : i32
    %convert_element_type3A_23 = arith.extui %eq3A_22 : i1 to i32
    %cond3A_24 = arith.constant 0 : i32
    %cond3A_25 = arith.cmpi ne, %convert_element_type3A_23, %cond3A_24 : i32
    scf.if %cond3A_25 {
      %mul3A_26 = arith.constant 632 : i32
      %mul3A_27 = arith.muli %arg1, %mul3A_26 : i32
      %mul3A_28 = arith.constant 632 : i32
      %mul3A_29 = arith.muli %arg1, %mul3A_28 : i32
      "tpu.region"() ({
        %run_scoped3A = tpu.sem_alloc : memref<!tpu.dma_semaphore, #tpu.memory_space<semaphore_mem>>
        %dma_start3A_30 = arith.constant 0 : i32
        %dma_start3A_31 = tpu.memref_slice %arg8[%mul3A_29, %dma_start3A_30] : memref<10112x128xf32, #tpu.memory_space<hbm>> -> memref<632x128xf32, #tpu.memory_space<hbm>>
        %dma_start3A_32 = arith.constant 0 : i32
        %dma_start3A_33 = tpu.memref_slice %arg12[%mul3A_27, %dma_start3A_32] : memref<10112x128xf32, #tpu.memory_space<vmem_shared>> -> memref<632x128xf32, #tpu.memory_space<vmem_shared>>
        tpu.enqueue_dma source(%dma_start3A_33 : memref<632x128xf32, #tpu.memory_space<vmem_shared>>) target(%dma_start3A_31 : memref<632x128xf32, #tpu.memory_space<hbm>>) target_semaphore(%run_scoped3A : memref<!tpu.dma_semaphore, #tpu.memory_space<semaphore_mem>>)
        %dma_wait3A_34 = arith.constant 0 : i32
        %dma_wait3A_35 = tpu.memref_slice %arg8[%mul3A_29, %dma_wait3A_34] : memref<10112x128xf32, #tpu.memory_space<hbm>> -> memref<632x128xf32, #tpu.memory_space<hbm>>
        %dma_wait3A_36 = arith.constant 0 : i32
        %dma_wait3A_37 = tpu.memref_slice %arg12[%mul3A_27, %dma_wait3A_36] : memref<10112x128xf32, #tpu.memory_space<vmem_shared>> -> memref<632x128xf32, #tpu.memory_space<vmem_shared>>
        tpu.wait_dma2 semaphore(%run_scoped3A : memref<!tpu.dma_semaphore, #tpu.memory_space<semaphore_mem>>) src(%dma_wait3A_37 : memref<632x128xf32, #tpu.memory_space<vmem_shared>>) dst(%dma_wait3A_35 : memref<632x128xf32, #tpu.memory_space<hbm>>)
        tpu.yield
      }) : () -> ()
    } else {
    }
    return
  }
}

module attributes {stable_mosaic.version = 14 : i64} {
  func.func @_pre_body(%arg0: i32, %arg1: memref<1000x128xf32, #tpu.memory_space<vmem>>, %arg2: memref<128x128xf32, #tpu.memory_space<vmem>>, %arg3: memref<128x128xf32, #tpu.memory_space<vmem>>, %arg4: memref<1x128xf32, #tpu.memory_space<vmem>>, %arg5: memref<1000x128xf32, #tpu.memory_space<vmem>>, %arg6: memref<1000x128xf32, #tpu.memory_space<vmem>>, %arg7: memref<1000x128xf32, #tpu.memory_space<vmem>>) attributes {dimension_semantics = [#tpu.dimension_semantics<arbitrary>], iteration_bounds = array<i64: 10>, scalar_prefetch = 0 : i64, scratch_operands = 0 : i64, tpu.core_type = #tpu.core_type<tc>, window_params = [{transform_indices = @transform_0, window_bounds = array<i64: 1000, 128>}, {pipeline_mode = #tpu.pipeline_mode<synchronous>, transform_indices = @transform_1, window_bounds = array<i64: 128, 128>}, {pipeline_mode = #tpu.pipeline_mode<synchronous>, transform_indices = @transform_2, window_bounds = array<i64: 128, 128>}, {pipeline_mode = #tpu.pipeline_mode<synchronous>, transform_indices = @transform_3, window_bounds = array<i64: 1, 128>}, {transform_indices = @transform_4, window_bounds = array<i64: 1000, 128>}, {transform_indices = @transform_5, window_bounds = array<i64: 1000, 128>}, {transform_indices = @transform_6, window_bounds = array<i64: 1000, 128>}]} {
    %get3A = arith.constant 0 : index
    %get3A_0 = arith.constant 0 : index
    %get3A_1 = vector.load %arg1[%get3A, %get3A_0] : memref<1000x128xf32, #tpu.memory_space<vmem>>, vector<1000x128xf32>
    %get3A_2 = arith.constant 0 : index
    %get3A_3 = arith.constant 0 : index
    %get3A_4 = vector.load %arg2[%get3A_2, %get3A_3] : memref<128x128xf32, #tpu.memory_space<vmem>>, vector<128x128xf32>
    %dot_general3A = arith.constant dense<0.000000e+00> : vector<1000x128xf32>
    %dot_general3A_5 = tpu.matmul %get3A_1, %get3A_4, %dot_general3A {dimension_numbers = #tpu.dot_dimension_numbers<[1], [0], [0], [1], [0, 0, 1, 1], [], []>, transpose_lhs_hint = false} : vector<1000x128xf32>, vector<128x128xf32>, vector<1000x128xf32> -> vector<1000x128xf32>
    %get3A_6 = arith.constant 0 : index
    %get3A_7 = arith.constant 0 : index
    %get3A_8 = vector.load %arg4[%get3A_6, %get3A_7] : memref<1x128xf32, #tpu.memory_space<vmem>>, vector<1x128xf32>
    %add3A = vector.broadcast %get3A_8 : vector<1x128xf32> to vector<1000x128xf32>
    %add3A_9 = arith.addf %dot_general3A_5, %add3A : vector<1000x128xf32>
    %swap3A = arith.constant 0 : index
    %swap3A_10 = arith.constant 0 : index
    %swap3A_11 = vector.load %arg5[%swap3A, %swap3A_10] : memref<1000x128xf32, #tpu.memory_space<vmem>>, vector<1000x128xf32>
    tpu.vector_store %arg5[%swap3A, %swap3A_10], %add3A_9 {strides = array<i32>} : memref<1000x128xf32, #tpu.memory_space<vmem>>, vector<1000x128xf32>,
    %get3A_12 = arith.constant 0 : index
    %get3A_13 = arith.constant 0 : index
    %get3A_14 = vector.load %arg3[%get3A_12, %get3A_13] : memref<128x128xf32, #tpu.memory_space<vmem>>, vector<128x128xf32>
    %dot_general3A_15 = arith.constant dense<0.000000e+00> : vector<1000x128xf32>
    %dot_general3A_16 = tpu.matmul %get3A_1, %get3A_14, %dot_general3A_15 {dimension_numbers = #tpu.dot_dimension_numbers<[1], [0], [0], [1], [0, 0, 1, 1], [], []>, transpose_lhs_hint = false} : vector<1000x128xf32>, vector<128x128xf32>, vector<1000x128xf32> -> vector<1000x128xf32>
    %swap3A_17 = arith.constant 0 : index
    %swap3A_18 = arith.constant 0 : index
    %swap3A_19 = vector.load %arg6[%swap3A_17, %swap3A_18] : memref<1000x128xf32, #tpu.memory_space<vmem>>, vector<1000x128xf32>
    tpu.vector_store %arg6[%swap3A_17, %swap3A_18], %dot_general3A_16 {strides = array<i32>} : memref<1000x128xf32, #tpu.memory_space<vmem>>, vector<1000x128xf32>,
    %mul3A = arith.mulf %dot_general3A_16, %dot_general3A_16 : vector<1000x128xf32>
    %swap3A_20 = arith.constant 0 : index
    %swap3A_21 = arith.constant 0 : index
    %swap3A_22 = vector.load %arg7[%swap3A_20, %swap3A_21] : memref<1000x128xf32, #tpu.memory_space<vmem>>, vector<1000x128xf32>
    tpu.vector_store %arg7[%swap3A_20, %swap3A_21], %mul3A {strides = array<i32>} : memref<1000x128xf32, #tpu.memory_space<vmem>>, vector<1000x128xf32>,
    return
  }
  func.func @transform_0(%arg0: i32) -> (i32, i32) {
    %c0_i32 = arith.constant 0 : i32
    %c0_i32_0 = arith.constant 0 : i32
    return %arg0, %c0_i32 : i32, i32
  }
  func.func @transform_1(%arg0: i32) -> (i32, i32) {
    %c0_i32 = arith.constant 0 : i32
    %c0_i32_0 = arith.constant 0 : i32
    %c0_i32_1 = arith.constant 0 : i32
    return %c0_i32, %c0_i32_0 : i32, i32
  }
  func.func @transform_2(%arg0: i32) -> (i32, i32) {
    %c0_i32 = arith.constant 0 : i32
    %c0_i32_0 = arith.constant 0 : i32
    %c0_i32_1 = arith.constant 0 : i32
    return %c0_i32, %c0_i32_0 : i32, i32
  }
  func.func @transform_3(%arg0: i32) -> (i32, i32) {
    %c0_i32 = arith.constant 0 : i32
    %c0_i32_0 = arith.constant 0 : i32
    %c0_i32_1 = arith.constant 0 : i32
    return %c0_i32, %c0_i32_0 : i32, i32
  }
  func.func @transform_4(%arg0: i32) -> (i32, i32) {
    %c0_i32 = arith.constant 0 : i32
    %c0_i32_0 = arith.constant 0 : i32
    return %arg0, %c0_i32 : i32, i32
  }
  func.func @transform_5(%arg0: i32) -> (i32, i32) {
    %c0_i32 = arith.constant 0 : i32
    %c0_i32_0 = arith.constant 0 : i32
    return %arg0, %c0_i32 : i32, i32
  }
  func.func @transform_6(%arg0: i32) -> (i32, i32) {
    %c0_i32 = arith.constant 0 : i32
    %c0_i32_0 = arith.constant 0 : i32
    return %arg0, %c0_i32 : i32, i32
  }
}

module attributes {stable_mosaic.version = 14 : i64} {
  func.func @_avg_body(%arg0: memref<80x128xf32, #tpu.memory_space<vmem>>, %arg1: memref<1x1xf32, #tpu.memory_space<vmem>>) attributes {dimension_semantics = [], scalar_prefetch = 0 : i64, scratch_operands = 0 : i64, tpu.core_type = #tpu.core_type<tc>} {
    %get3A = arith.constant 0 : index
    %get3A_0 = arith.constant 0 : index
    %get3A_1 = vector.load %arg0[%get3A, %get3A_0] : memref<80x128xf32, #tpu.memory_space<vmem>>, vector<80x128xf32>
    %add3A = arith.constant 1.000000e+00 : f32
    %add3A_2 = vector.broadcast %add3A : f32 to vector<80x128xf32>
    %add3A_3 = arith.addf %get3A_1, %add3A_2 : vector<80x128xf32>
    %log3A = math.log %add3A_3 : vector<80x128xf32>
    %reduce_sum3A = vector.shape_cast %log3A : vector<80x128xf32> to vector<1x80x128xf32>
    %reduce_sum3A_4 = arith.constant dense<0.000000e+00> : vector<1xf32>
    %reduce_sum3A_5 = vector.multi_reduction <add>, %reduce_sum3A, %reduce_sum3A_4 [1, 2] : vector<1x80x128xf32> to vector<1xf32>
    %reduce_sum3A_6 = vector.shape_cast %reduce_sum3A_5 : vector<1xf32> to vector<1x1x1xf32>
    %reduce_sum3A_7 = vector.extract %reduce_sum3A_6[0, 0, 0] : f32 from vector<1x1x1xf32>
    %broadcast_in_dim3A = vector.broadcast %reduce_sum3A_7 : f32 to vector<1x1xf32>
    %div3A = arith.constant 1.000000e+04 : f32
    %div3A_8 = vector.broadcast %div3A : f32 to vector<1x1xf32>
    %div3A_9 = arith.divf %broadcast_in_dim3A, %div3A_8 : vector<1x1xf32>
    %swap3A = arith.constant 0 : index
    %swap3A_10 = arith.constant 0 : index
    %swap3A_11 = vector.load %arg1[%swap3A, %swap3A_10] : memref<1x1xf32, #tpu.memory_space<vmem>>, vector<1x1xf32>
    tpu.vector_store %arg1[%swap3A, %swap3A_10], %div3A_9 {strides = array<i32>} : memref<1x1xf32, #tpu.memory_space<vmem>>, vector<1x1xf32>,
    return
  }
}

module attributes {stable_mosaic.version = 14 : i64} {
  func.func @_post_body(%arg0: i32, %arg1: memref<1000x128xf32, #tpu.memory_space<vmem>>, %arg2: memref<1000x128xf32, #tpu.memory_space<vmem>>, %arg3: memref<1000x128xf32, #tpu.memory_space<vmem>>, %arg4: memref<1000x128xf32, #tpu.memory_space<vmem>>, %arg5: memref<1000x128xf32, #tpu.memory_space<vmem>>, %arg6: memref<1000x128xf32, #tpu.memory_space<vmem>>, %arg7: memref<1000x1xf32, #tpu.memory_space<vmem>>, %arg8: memref<1x1xf32, #tpu.memory_space<vmem>>, %arg9: memref<1664x128xf32, #tpu.memory_space<vmem>>, %arg10: memref<1x128xf32, #tpu.memory_space<vmem>>, %arg11: memref<128x128xf32, #tpu.memory_space<vmem>>, %arg12: memref<1x128xf32, #tpu.memory_space<vmem>>, %arg13: memref<1000x128xf32, #tpu.memory_space<vmem>>, %arg14: memref<8x128xf32, #tpu.memory_space<vmem>>) attributes {dimension_semantics = [#tpu.dimension_semantics<arbitrary>], iteration_bounds = array<i64: 10>, scalar_prefetch = 0 : i64, scratch_operands = 0 : i64, tpu.core_type = #tpu.core_type<tc>, window_params = [{transform_indices = @transform_0, window_bounds = array<i64: 1000, 128>}, {transform_indices = @transform_1, window_bounds = array<i64: 1000, 128>}, {transform_indices = @transform_2, window_bounds = array<i64: 1000, 128>}, {transform_indices = @transform_3, window_bounds = array<i64: 1000, 128>}, {transform_indices = @transform_4, window_bounds = array<i64: 1000, 128>}, {transform_indices = @transform_5, window_bounds = array<i64: 1000, 128>}, {transform_indices = @transform_6, window_bounds = array<i64: 1000, 1>}, {pipeline_mode = #tpu.pipeline_mode<synchronous>, transform_indices = @transform_7, window_bounds = array<i64: 1, 1>}, {pipeline_mode = #tpu.pipeline_mode<synchronous>, transform_indices = @transform_8, window_bounds = array<i64: 1664, 128>}, {pipeline_mode = #tpu.pipeline_mode<synchronous>, transform_indices = @transform_9, window_bounds = array<i64: 1, 128>}, {pipeline_mode = #tpu.pipeline_mode<synchronous>, transform_indices = @transform_10, window_bounds = array<i64: 128, 128>}, {pipeline_mode = #tpu.pipeline_mode<synchronous>, transform_indices = @transform_11, window_bounds = array<i64: 1, 128>}, {transform_indices = @transform_12, window_bounds = array<i64: 1000, 128>}, {pipeline_mode = #tpu.pipeline_mode<synchronous>, transform_indices = @transform_13, window_bounds = array<i64: 8, 128>}]} {
    %get3A = arith.constant 0 : index
    %get3A_0 = arith.constant 0 : index
    %get3A_1 = vector.load %arg7[%get3A, %get3A_0] : memref<1000x1xf32, #tpu.memory_space<vmem>>, vector<1000x1xf32>
    %max3A = arith.constant 1.000000e+00 : f32
    %max3A_2 = vector.broadcast %max3A : f32 to vector<1000x1xf32>
    %max3A_3 = arith.maximumf %get3A_1, %max3A_2 : vector<1000x1xf32>
    %get3A_4 = arith.constant 0 : index
    %get3A_5 = arith.constant 0 : index
    %get3A_6 = vector.load %arg2[%get3A_4, %get3A_5] : memref<1000x128xf32, #tpu.memory_space<vmem>>, vector<1000x128xf32>
    %get3A_7 = arith.constant 0 : index
    %get3A_8 = arith.constant 0 : index
    %get3A_9 = vector.load %arg3[%get3A_7, %get3A_8] : memref<1000x128xf32, #tpu.memory_space<vmem>>, vector<1000x128xf32>
    %mul3A = vector.broadcast %get3A_1 : vector<1000x1xf32> to vector<1000x128xf32>
    %mul3A_10 = arith.mulf %mul3A, %get3A_6 : vector<1000x128xf32>
    %add3A = arith.addf %mul3A_10, %get3A_9 : vector<1000x128xf32>
    %div3A = vector.broadcast %max3A_3 : vector<1000x1xf32> to vector<1000x128xf32>
    %div3A_11 = arith.divf %add3A, %div3A : vector<1000x128xf32>
    %mul3A_12 = vector.broadcast %get3A_1 : vector<1000x1xf32> to vector<1000x128xf32>
    %mul3A_13 = arith.mulf %mul3A_12, %get3A_6 : vector<1000x128xf32>
    %mul3A_14 = arith.mulf %mul3A_13, %get3A_6 : vector<1000x128xf32>
    %mul3A_15 = arith.constant 2.000000e+00 : f32
    %mul3A_16 = vector.broadcast %mul3A_15 : f32 to vector<1000x128xf32>
    %mul3A_17 = arith.mulf %mul3A_16, %get3A_6 : vector<1000x128xf32>
    %mul3A_18 = arith.mulf %mul3A_17, %get3A_9 : vector<1000x128xf32>
    %add3A_19 = arith.addf %mul3A_14, %mul3A_18 : vector<1000x128xf32>
    %get3A_20 = arith.constant 0 : index
    %get3A_21 = arith.constant 0 : index
    %get3A_22 = vector.load %arg4[%get3A_20, %get3A_21] : memref<1000x128xf32, #tpu.memory_space<vmem>>, vector<1000x128xf32>
    %add3A_23 = arith.addf %add3A_19, %get3A_22 : vector<1000x128xf32>
    %div3A_24 = vector.broadcast %max3A_3 : vector<1000x1xf32> to vector<1000x128xf32>
    %div3A_25 = arith.divf %add3A_23, %div3A_24 : vector<1000x128xf32>
    %mul3A_26 = arith.mulf %div3A_11, %div3A_11 : vector<1000x128xf32>
    %sub3A = arith.subf %div3A_25, %mul3A_26 : vector<1000x128xf32>
    %max3A_27 = arith.constant 0.000000e+00 : f32
    %max3A_28 = vector.broadcast %max3A_27 : f32 to vector<1000x128xf32>
    %max3A_29 = arith.maximumf %sub3A, %max3A_28 : vector<1000x128xf32>
    %add3A_30 = arith.constant 9.99999974E-6 : f32
    %add3A_31 = vector.broadcast %add3A_30 : f32 to vector<1000x128xf32>
    %add3A_32 = arith.addf %max3A_29, %add3A_31 : vector<1000x128xf32>
    %sqrt3A = math.sqrt %add3A_32 : vector<1000x128xf32>
    %gt3A = arith.constant 0.000000e+00 : f32
    %gt3A_33 = vector.broadcast %gt3A : f32 to vector<1000x1xf32>
    %gt3A_34 = arith.cmpf ogt, %get3A_1, %gt3A_33 : vector<1000x1xf32>
    %get3A_35 = arith.constant 0 : index
    %get3A_36 = arith.constant 0 : index
    %get3A_37 = vector.load %arg5[%get3A_35, %get3A_36] : memref<1000x128xf32, #tpu.memory_space<vmem>>, vector<1000x128xf32>
    %add3A_38 = arith.addf %get3A_6, %get3A_37 : vector<1000x128xf32>
    %jit3A = arith.constant 0.000000e+00 : f32
    %broadcast_in_dim3A = vector.shape_cast %gt3A_34 : vector<1000x1xi1> to vector<1000x1xi1>
    %broadcast_in_dim3A_39 = vector.broadcast %broadcast_in_dim3A : vector<1000x1xi1> to vector<1000x128xi1>
    %broadcast_in_dim3A_40 = vector.broadcast %jit3A : f32 to vector<1000x128xf32>
    %select_n3A = arith.select %broadcast_in_dim3A_39, %add3A_38, %broadcast_in_dim3A_40 : vector<1000x128xi1>, vector<1000x128xf32>
    %get3A_41 = arith.constant 0 : index
    %get3A_42 = arith.constant 0 : index
    %get3A_43 = vector.load %arg6[%get3A_41, %get3A_42] : memref<1000x128xf32, #tpu.memory_space<vmem>>, vector<1000x128xf32>
    %add3A_44 = arith.addf %get3A_6, %get3A_43 : vector<1000x128xf32>
    %jit3A_45 = arith.constant 0.000000e+00 : f32
    %broadcast_in_dim3A_46 = vector.shape_cast %gt3A_34 : vector<1000x1xi1> to vector<1000x1xi1>
    %broadcast_in_dim3A_47 = vector.broadcast %broadcast_in_dim3A_46 : vector<1000x1xi1> to vector<1000x128xi1>
    %broadcast_in_dim3A_48 = vector.broadcast %jit3A_45 : f32 to vector<1000x128xf32>
    %select_n3A_49 = arith.select %broadcast_in_dim3A_47, %add3A_44, %broadcast_in_dim3A_48 : vector<1000x128xi1>, vector<1000x128xf32>
    %add3A_50 = arith.constant 1.000000e+00 : f32
    %add3A_51 = vector.broadcast %add3A_50 : f32 to vector<1000x1xf32>
    %add3A_52 = arith.addf %max3A_3, %add3A_51 : vector<1000x1xf32>
    %log3A = math.log %add3A_52 : vector<1000x1xf32>
    %get3A_53 = arith.constant 0 : index
    %get3A_54 = arith.constant 0 : index
    %get3A_55 = vector.load %arg8[%get3A_53, %get3A_54] : memref<1x1xf32, #tpu.memory_space<vmem>>, vector<1x1xf32>
    %get3A_56 = vector.extract %get3A_55[0, 0] : f32 from vector<1x1xf32>
    %div3A_57 = vector.broadcast %get3A_56 : f32 to vector<1000x1xf32>
    %div3A_58 = arith.divf %log3A, %div3A_57 : vector<1000x1xf32>
    %div3A_59 = vector.broadcast %get3A_56 : f32 to vector<1000x1xf32>
    %div3A_60 = arith.divf %div3A_59, %log3A : vector<1000x1xf32>
    %get3A_61 = arith.constant 0 : index
    %get3A_62 = arith.constant 0 : index
    %get3A_63 = vector.load %arg1[%get3A_61, %get3A_62] : memref<1000x128xf32, #tpu.memory_space<vmem>>, vector<1000x128xf32>
    %mul3A_64 = vector.broadcast %div3A_58 : vector<1000x1xf32> to vector<1000x128xf32>
    %mul3A_65 = arith.mulf %mul3A_64, %div3A_11 : vector<1000x128xf32>
    %mul3A_66 = vector.broadcast %div3A_58 : vector<1000x1xf32> to vector<1000x128xf32>
    %mul3A_67 = arith.mulf %mul3A_66, %select_n3A_49 : vector<1000x128xf32>
    %mul3A_68 = vector.broadcast %div3A_58 : vector<1000x1xf32> to vector<1000x128xf32>
    %mul3A_69 = arith.mulf %mul3A_68, %select_n3A : vector<1000x128xf32>
    %mul3A_70 = vector.broadcast %div3A_58 : vector<1000x1xf32> to vector<1000x128xf32>
    %mul3A_71 = arith.mulf %mul3A_70, %sqrt3A : vector<1000x128xf32>
    %mul3A_72 = vector.broadcast %div3A_60 : vector<1000x1xf32> to vector<1000x128xf32>
    %mul3A_73 = arith.mulf %mul3A_72, %div3A_11 : vector<1000x128xf32>
    %mul3A_74 = vector.broadcast %div3A_60 : vector<1000x1xf32> to vector<1000x128xf32>
    %mul3A_75 = arith.mulf %mul3A_74, %select_n3A_49 : vector<1000x128xf32>
    %mul3A_76 = vector.broadcast %div3A_60 : vector<1000x1xf32> to vector<1000x128xf32>
    %mul3A_77 = arith.mulf %mul3A_76, %select_n3A : vector<1000x128xf32>
    %mul3A_78 = vector.broadcast %div3A_60 : vector<1000x1xf32> to vector<1000x128xf32>
    %mul3A_79 = arith.mulf %mul3A_78, %sqrt3A : vector<1000x128xf32>
    %concatenate3A = tpu.concatenate %get3A_63, %div3A_11, %select_n3A_49, %select_n3A, %sqrt3A, %mul3A_65, %mul3A_67, %mul3A_69, %mul3A_71, %mul3A_73, %mul3A_75, %mul3A_77, %mul3A_79 in 1 : vector<1000x128xf32>, vector<1000x128xf32>, vector<1000x128xf32>, vector<1000x128xf32>, vector<1000x128xf32>, vector<1000x128xf32>, vector<1000x128xf32>, vector<1000x128xf32>, vector<1000x128xf32>, vector<1000x128xf32>, vector<1000x128xf32>, vector<1000x128xf32>, vector<1000x128xf32> -> vector<1000x1664xf32>
    %get3A_80 = arith.constant 0 : index
    %get3A_81 = arith.constant 0 : index
    %get3A_82 = vector.load %arg9[%get3A_80, %get3A_81] : memref<1664x128xf32, #tpu.memory_space<vmem>>, vector<1664x128xf32>
    %dot_general3A = arith.constant dense<0.000000e+00> : vector<1000x128xf32>
    %dot_general3A_83 = tpu.matmul %concatenate3A, %get3A_82, %dot_general3A {dimension_numbers = #tpu.dot_dimension_numbers<[1], [0], [0], [1], [0, 0, 1, 1], [], []>, transpose_lhs_hint = false} : vector<1000x1664xf32>, vector<1664x128xf32>, vector<1000x128xf32> -> vector<1000x128xf32>
    %get3A_84 = arith.constant 0 : index
    %get3A_85 = arith.constant 0 : index
    %get3A_86 = vector.load %arg10[%get3A_84, %get3A_85] : memref<1x128xf32, #tpu.memory_space<vmem>>, vector<1x128xf32>
    %add3A_87 = vector.broadcast %get3A_86 : vector<1x128xf32> to vector<1000x128xf32>
    %add3A_88 = arith.addf %dot_general3A_83, %add3A_87 : vector<1000x128xf32>
    %get3A_89 = arith.constant 0 : index
    %get3A_90 = arith.constant 0 : index
    %get3A_91 = vector.load %arg11[%get3A_89, %get3A_90] : memref<128x128xf32, #tpu.memory_space<vmem>>, vector<128x128xf32>
    %dot_general3A_92 = arith.constant dense<0.000000e+00> : vector<1000x128xf32>
    %dot_general3A_93 = tpu.matmul %add3A_88, %get3A_91, %dot_general3A_92 {dimension_numbers = #tpu.dot_dimension_numbers<[1], [0], [0], [1], [0, 0, 1, 1], [], []>, transpose_lhs_hint = false} : vector<1000x128xf32>, vector<128x128xf32>, vector<1000x128xf32> -> vector<1000x128xf32>
    %get3A_94 = arith.constant 0 : index
    %get3A_95 = arith.constant 0 : index
    %get3A_96 = vector.load %arg12[%get3A_94, %get3A_95] : memref<1x128xf32, #tpu.memory_space<vmem>>, vector<1x128xf32>
    %add3A_97 = vector.broadcast %get3A_96 : vector<1x128xf32> to vector<1000x128xf32>
    %add3A_98 = arith.addf %dot_general3A_93, %add3A_97 : vector<1000x128xf32>
    %swap3A = arith.constant 0 : index
    %swap3A_99 = arith.constant 0 : index
    %swap3A_100 = vector.load %arg13[%swap3A, %swap3A_99] : memref<1000x128xf32, #tpu.memory_space<vmem>>, vector<1000x128xf32>
    tpu.vector_store %arg13[%swap3A, %swap3A_99], %add3A_98 {strides = array<i32>} : memref<1000x128xf32, #tpu.memory_space<vmem>>, vector<1000x128xf32>,
    %eq3A = arith.constant 0 : i32
    %eq3A_101 = arith.cmpi eq, %arg0, %eq3A : i32
    %convert_element_type3A = arith.extui %eq3A_101 : i1 to i32
    %cond3A = arith.constant 0 : i32
    %cond3A_102 = arith.cmpi ne, %convert_element_type3A, %cond3A : i32
    scf.if %cond3A_102 {
      %broadcast_in_dim3A_123 = arith.constant 0.000000e+00 : f32
      %broadcast_in_dim3A_124 = vector.broadcast %broadcast_in_dim3A_123 : f32 to vector<8x128xf32>
      %swap3A_125 = arith.constant 0 : index
      %swap3A_126 = arith.constant 0 : index
      %swap3A_127 = vector.load %arg14[%swap3A_125, %swap3A_126] : memref<8x128xf32, #tpu.memory_space<vmem>>, vector<8x128xf32>
      tpu.vector_store %arg14[%swap3A_125, %swap3A_126], %broadcast_in_dim3A_124 {strides = array<i32>} : memref<8x128xf32, #tpu.memory_space<vmem>>, vector<8x128xf32>,
    } else {
    }
    %get3A_103 = arith.constant 0 : index
    %get3A_104 = arith.constant 0 : index
    %get3A_105 = vector.load %arg14[%get3A_103, %get3A_104] : memref<8x128xf32, #tpu.memory_space<vmem>>, vector<1x128xf32>
    %reduce_sum3A = arith.constant dense<0.000000e+00> : vector<128xf32>
    %reduce_sum3A_106 = vector.multi_reduction <add>, %add3A_98, %reduce_sum3A [0] : vector<1000x128xf32> to vector<128xf32>
    %broadcast_in_dim3A_107 = vector.shape_cast %reduce_sum3A_106 : vector<128xf32> to vector<1x128xf32>
    %add3A_108 = arith.addf %get3A_105, %broadcast_in_dim3A_107 : vector<1x128xf32>
    %swap3A_109 = arith.constant 0 : index
    %swap3A_110 = arith.constant 0 : index
    %swap3A_111 = vector.load %arg14[%swap3A_109, %swap3A_110] : memref<8x128xf32, #tpu.memory_space<vmem>>, vector<1x128xf32>
    tpu.vector_store %arg14[%swap3A_109, %swap3A_110], %add3A_108 {strides = array<i32>} : memref<8x128xf32, #tpu.memory_space<vmem>>, vector<1x128xf32>,
    %get3A_112 = arith.constant 1 : index
    %get3A_113 = arith.constant 0 : index
    %get3A_114 = vector.load %arg14[%get3A_112, %get3A_113] : memref<8x128xf32, #tpu.memory_space<vmem>>, vector<1x128xf32>
    %mul3A_115 = arith.mulf %add3A_98, %add3A_98 : vector<1000x128xf32>
    %reduce_sum3A_116 = arith.constant dense<0.000000e+00> : vector<128xf32>
    %reduce_sum3A_117 = vector.multi_reduction <add>, %mul3A_115, %reduce_sum3A_116 [0] : vector<1000x128xf32> to vector<128xf32>
    %broadcast_in_dim3A_118 = vector.shape_cast %reduce_sum3A_117 : vector<128xf32> to vector<1x128xf32>
    %add3A_119 = arith.addf %get3A_114, %broadcast_in_dim3A_118 : vector<1x128xf32>
    %swap3A_120 = arith.constant 1 : index
    %swap3A_121 = arith.constant 0 : index
    %swap3A_122 = vector.load %arg14[%swap3A_120, %swap3A_121] : memref<8x128xf32, #tpu.memory_space<vmem>>, vector<1x128xf32>
    tpu.vector_store %arg14[%swap3A_120, %swap3A_121], %add3A_119 {strides = array<i32>} : memref<8x128xf32, #tpu.memory_space<vmem>>, vector<1x128xf32>,
    return
  }
  func.func @transform_0(%arg0: i32) -> (i32, i32) {
    %c0_i32 = arith.constant 0 : i32
    %c0_i32_0 = arith.constant 0 : i32
    return %arg0, %c0_i32 : i32, i32
  }
  func.func @transform_1(%arg0: i32) -> (i32, i32) {
    %c0_i32 = arith.constant 0 : i32
    %c0_i32_0 = arith.constant 0 : i32
    return %arg0, %c0_i32 : i32, i32
  }
  func.func @transform_2(%arg0: i32) -> (i32, i32) {
    %c0_i32 = arith.constant 0 : i32
    %c0_i32_0 = arith.constant 0 : i32
    return %arg0, %c0_i32 : i32, i32
  }
  func.func @transform_3(%arg0: i32) -> (i32, i32) {
    %c0_i32 = arith.constant 0 : i32
    %c0_i32_0 = arith.constant 0 : i32
    return %arg0, %c0_i32 : i32, i32
  }
  func.func @transform_4(%arg0: i32) -> (i32, i32) {
    %c0_i32 = arith.constant 0 : i32
    %c0_i32_0 = arith.constant 0 : i32
    return %arg0, %c0_i32 : i32, i32
  }
  func.func @transform_5(%arg0: i32) -> (i32, i32) {
    %c0_i32 = arith.constant 0 : i32
    %c0_i32_0 = arith.constant 0 : i32
    return %arg0, %c0_i32 : i32, i32
  }
  func.func @transform_6(%arg0: i32) -> (i32, i32) {
    %c0_i32 = arith.constant 0 : i32
    %c0_i32_0 = arith.constant 0 : i32
    return %arg0, %c0_i32 : i32, i32
  }
  func.func @transform_7(%arg0: i32) -> (i32, i32) {
    %c0_i32 = arith.constant 0 : i32
    %c0_i32_0 = arith.constant 0 : i32
    %c0_i32_1 = arith.constant 0 : i32
    return %c0_i32, %c0_i32_0 : i32, i32
  }
  func.func @transform_8(%arg0: i32) -> (i32, i32) {
    %c0_i32 = arith.constant 0 : i32
    %c0_i32_0 = arith.constant 0 : i32
    %c0_i32_1 = arith.constant 0 : i32
    return %c0_i32, %c0_i32_0 : i32, i32
  }
  func.func @transform_9(%arg0: i32) -> (i32, i32) {
    %c0_i32 = arith.constant 0 : i32
    %c0_i32_0 = arith.constant 0 : i32
    %c0_i32_1 = arith.constant 0 : i32
    return %c0_i32, %c0_i32_0 : i32, i32
  }
  func.func @transform_10(%arg0: i32) -> (i32, i32) {
    %c0_i32 = arith.constant 0 : i32
    %c0_i32_0 = arith.constant 0 : i32
    %c0_i32_1 = arith.constant 0 : i32
    return %c0_i32, %c0_i32_0 : i32, i32
  }
  func.func @transform_11(%arg0: i32) -> (i32, i32) {
    %c0_i32 = arith.constant 0 : i32
    %c0_i32_0 = arith.constant 0 : i32
    %c0_i32_1 = arith.constant 0 : i32
    return %c0_i32, %c0_i32_0 : i32, i32
  }
  func.func @transform_12(%arg0: i32) -> (i32, i32) {
    %c0_i32 = arith.constant 0 : i32
    %c0_i32_0 = arith.constant 0 : i32
    return %arg0, %c0_i32 : i32, i32
  }
  func.func @transform_13(%arg0: i32) -> (i32, i32) {
    %c0_i32 = arith.constant 0 : i32
    %c0_i32_0 = arith.constant 0 : i32
    %c0_i32_1 = arith.constant 0 : i32
    return %c0_i32, %c0_i32_0 : i32, i32
  }
}

module attributes {stable_mosaic.version = 14 : i64} {
  func.func @_h1_body(%arg0: i32, %arg1: memref<1000x128xf32, #tpu.memory_space<vmem>>, %arg2: memref<1000x128xf32, #tpu.memory_space<vmem>>, %arg3: memref<8x128xf32, #tpu.memory_space<vmem>>, %arg4: memref<1x128xf32, #tpu.memory_space<vmem>>, %arg5: memref<1x128xf32, #tpu.memory_space<vmem>>, %arg6: memref<1000x128xf32, #tpu.memory_space<vmem>>, %arg7: memref<8x128xf32, #tpu.memory_space<vmem>>) attributes {dimension_semantics = [#tpu.dimension_semantics<arbitrary>], iteration_bounds = array<i64: 10>, scalar_prefetch = 0 : i64, scratch_operands = 0 : i64, tpu.core_type = #tpu.core_type<tc>, window_params = [{transform_indices = @transform_0, window_bounds = array<i64: 1000, 128>}, {transform_indices = @transform_1, window_bounds = array<i64: 1000, 128>}, {pipeline_mode = #tpu.pipeline_mode<synchronous>, transform_indices = @transform_2, window_bounds = array<i64: 8, 128>}, {pipeline_mode = #tpu.pipeline_mode<synchronous>, transform_indices = @transform_3, window_bounds = array<i64: 1, 128>}, {pipeline_mode = #tpu.pipeline_mode<synchronous>, transform_indices = @transform_4, window_bounds = array<i64: 1, 128>}, {transform_indices = @transform_5, window_bounds = array<i64: 1000, 128>}, {pipeline_mode = #tpu.pipeline_mode<synchronous>, transform_indices = @transform_6, window_bounds = array<i64: 8, 128>}]} {
    %get3A = arith.constant 0 : index
    %get3A_0 = arith.constant 0 : index
    %get3A_1 = vector.load %arg3[%get3A, %get3A_0] : memref<8x128xf32, #tpu.memory_space<vmem>>, vector<1x128xf32>
    %div3A = arith.constant 1.000000e+04 : f32
    %div3A_2 = vector.broadcast %div3A : f32 to vector<1x128xf32>
    %div3A_3 = arith.divf %get3A_1, %div3A_2 : vector<1x128xf32>
    %get3A_4 = arith.constant 1 : index
    %get3A_5 = arith.constant 0 : index
    %get3A_6 = vector.load %arg3[%get3A_4, %get3A_5] : memref<8x128xf32, #tpu.memory_space<vmem>>, vector<1x128xf32>
    %div3A_7 = arith.constant 1.000000e+04 : f32
    %div3A_8 = vector.broadcast %div3A_7 : f32 to vector<1x128xf32>
    %div3A_9 = arith.divf %get3A_6, %div3A_8 : vector<1x128xf32>
    %mul3A = arith.mulf %div3A_3, %div3A_3 : vector<1x128xf32>
    %sub3A = arith.subf %div3A_9, %mul3A : vector<1x128xf32>
    %add3A = arith.constant 9.99999974E-6 : f32
    %add3A_10 = vector.broadcast %add3A : f32 to vector<1x128xf32>
    %add3A_11 = arith.addf %sub3A, %add3A_10 : vector<1x128xf32>
    %rsqrt3A = math.rsqrt %add3A_11 : vector<1x128xf32>
    %get3A_12 = arith.constant 0 : index
    %get3A_13 = arith.constant 0 : index
    %get3A_14 = vector.load %arg1[%get3A_12, %get3A_13] : memref<1000x128xf32, #tpu.memory_space<vmem>>, vector<1000x128xf32>
    %sub3A_15 = vector.broadcast %div3A_3 : vector<1x128xf32> to vector<1000x128xf32>
    %sub3A_16 = arith.subf %get3A_14, %sub3A_15 : vector<1000x128xf32>
    %mul3A_17 = vector.broadcast %rsqrt3A : vector<1x128xf32> to vector<1000x128xf32>
    %mul3A_18 = arith.mulf %sub3A_16, %mul3A_17 : vector<1000x128xf32>
    %get3A_19 = arith.constant 0 : index
    %get3A_20 = arith.constant 0 : index
    %get3A_21 = vector.load %arg4[%get3A_19, %get3A_20] : memref<1x128xf32, #tpu.memory_space<vmem>>, vector<1x128xf32>
    %mul3A_22 = vector.broadcast %get3A_21 : vector<1x128xf32> to vector<1000x128xf32>
    %mul3A_23 = arith.mulf %mul3A_18, %mul3A_22 : vector<1000x128xf32>
    %get3A_24 = arith.constant 0 : index
    %get3A_25 = arith.constant 0 : index
    %get3A_26 = vector.load %arg5[%get3A_24, %get3A_25] : memref<1x128xf32, #tpu.memory_space<vmem>>, vector<1x128xf32>
    %add3A_27 = vector.broadcast %get3A_26 : vector<1x128xf32> to vector<1000x128xf32>
    %add3A_28 = arith.addf %mul3A_23, %add3A_27 : vector<1000x128xf32>
    %max3A = arith.constant 0.000000e+00 : f32
    %max3A_29 = vector.broadcast %max3A : f32 to vector<1000x128xf32>
    %max3A_30 = arith.maximumf %add3A_28, %max3A_29 : vector<1000x128xf32>
    %get3A_31 = arith.constant 0 : index
    %get3A_32 = arith.constant 0 : index
    %get3A_33 = vector.load %arg2[%get3A_31, %get3A_32] : memref<1000x128xf32, #tpu.memory_space<vmem>>, vector<1000x128xf32>
    %add3A_34 = arith.addf %max3A_30, %get3A_33 : vector<1000x128xf32>
    %swap3A = arith.constant 0 : index
    %swap3A_35 = arith.constant 0 : index
    %swap3A_36 = vector.load %arg6[%swap3A, %swap3A_35] : memref<1000x128xf32, #tpu.memory_space<vmem>>, vector<1000x128xf32>
    tpu.vector_store %arg6[%swap3A, %swap3A_35], %add3A_34 {strides = array<i32>} : memref<1000x128xf32, #tpu.memory_space<vmem>>, vector<1000x128xf32>,
    %eq3A = arith.constant 0 : i32
    %eq3A_37 = arith.cmpi eq, %arg0, %eq3A : i32
    %convert_element_type3A = arith.extui %eq3A_37 : i1 to i32
    %cond3A = arith.constant 0 : i32
    %cond3A_38 = arith.cmpi ne, %convert_element_type3A, %cond3A : i32
    scf.if %cond3A_38 {
      %broadcast_in_dim3A_58 = arith.constant 0.000000e+00 : f32
      %broadcast_in_dim3A_59 = vector.broadcast %broadcast_in_dim3A_58 : f32 to vector<8x128xf32>
      %swap3A_60 = arith.constant 0 : index
      %swap3A_61 = arith.constant 0 : index
      %swap3A_62 = vector.load %arg7[%swap3A_60, %swap3A_61] : memref<8x128xf32, #tpu.memory_space<vmem>>, vector<8x128xf32>
      tpu.vector_store %arg7[%swap3A_60, %swap3A_61], %broadcast_in_dim3A_59 {strides = array<i32>} : memref<8x128xf32, #tpu.memory_space<vmem>>, vector<8x128xf32>,
    } else {
    }
    %get3A_39 = arith.constant 0 : index
    %get3A_40 = arith.constant 0 : index
    %get3A_41 = vector.load %arg7[%get3A_39, %get3A_40] : memref<8x128xf32, #tpu.memory_space<vmem>>, vector<1x128xf32>
    %reduce_sum3A = arith.constant dense<0.000000e+00> : vector<128xf32>
    %reduce_sum3A_42 = vector.multi_reduction <add>, %add3A_34, %reduce_sum3A [0] : vector<1000x128xf32> to vector<128xf32>
    %broadcast_in_dim3A = vector.shape_cast %reduce_sum3A_42 : vector<128xf32> to vector<1x128xf32>
    %add3A_43 = arith.addf %get3A_41, %broadcast_in_dim3A : vector<1x128xf32>
    %swap3A_44 = arith.constant 0 : index
    %swap3A_45 = arith.constant 0 : index
    %swap3A_46 = vector.load %arg7[%swap3A_44, %swap3A_45] : memref<8x128xf32, #tpu.memory_space<vmem>>, vector<1x128xf32>
    tpu.vector_store %arg7[%swap3A_44, %swap3A_45], %add3A_43 {strides = array<i32>} : memref<8x128xf32, #tpu.memory_space<vmem>>, vector<1x128xf32>,
    %get3A_47 = arith.constant 1 : index
    %get3A_48 = arith.constant 0 : index
    %get3A_49 = vector.load %arg7[%get3A_47, %get3A_48] : memref<8x128xf32, #tpu.memory_space<vmem>>, vector<1x128xf32>
    %mul3A_50 = arith.mulf %add3A_34, %add3A_34 : vector<1000x128xf32>
    %reduce_sum3A_51 = arith.constant dense<0.000000e+00> : vector<128xf32>
    %reduce_sum3A_52 = vector.multi_reduction <add>, %mul3A_50, %reduce_sum3A_51 [0] : vector<1000x128xf32> to vector<128xf32>
    %broadcast_in_dim3A_53 = vector.shape_cast %reduce_sum3A_52 : vector<128xf32> to vector<1x128xf32>
    %add3A_54 = arith.addf %get3A_49, %broadcast_in_dim3A_53 : vector<1x128xf32>
    %swap3A_55 = arith.constant 1 : index
    %swap3A_56 = arith.constant 0 : index
    %swap3A_57 = vector.load %arg7[%swap3A_55, %swap3A_56] : memref<8x128xf32, #tpu.memory_space<vmem>>, vector<1x128xf32>
    tpu.vector_store %arg7[%swap3A_55, %swap3A_56], %add3A_54 {strides = array<i32>} : memref<8x128xf32, #tpu.memory_space<vmem>>, vector<1x128xf32>,
    return
  }
  func.func @transform_0(%arg0: i32) -> (i32, i32) {
    %c0_i32 = arith.constant 0 : i32
    %c0_i32_0 = arith.constant 0 : i32
    return %arg0, %c0_i32 : i32, i32
  }
  func.func @transform_1(%arg0: i32) -> (i32, i32) {
    %c0_i32 = arith.constant 0 : i32
    %c0_i32_0 = arith.constant 0 : i32
    return %arg0, %c0_i32 : i32, i32
  }
  func.func @transform_2(%arg0: i32) -> (i32, i32) {
    %c0_i32 = arith.constant 0 : i32
    %c0_i32_0 = arith.constant 0 : i32
    %c0_i32_1 = arith.constant 0 : i32
    return %c0_i32, %c0_i32_0 : i32, i32
  }
  func.func @transform_3(%arg0: i32) -> (i32, i32) {
    %c0_i32 = arith.constant 0 : i32
    %c0_i32_0 = arith.constant 0 : i32
    %c0_i32_1 = arith.constant 0 : i32
    return %c0_i32, %c0_i32_0 : i32, i32
  }
  func.func @transform_4(%arg0: i32) -> (i32, i32) {
    %c0_i32 = arith.constant 0 : i32
    %c0_i32_0 = arith.constant 0 : i32
    %c0_i32_1 = arith.constant 0 : i32
    return %c0_i32, %c0_i32_0 : i32, i32
  }
  func.func @transform_5(%arg0: i32) -> (i32, i32) {
    %c0_i32 = arith.constant 0 : i32
    %c0_i32_0 = arith.constant 0 : i32
    return %arg0, %c0_i32 : i32, i32
  }
  func.func @transform_6(%arg0: i32) -> (i32, i32) {
    %c0_i32 = arith.constant 0 : i32
    %c0_i32_0 = arith.constant 0 : i32
    %c0_i32_1 = arith.constant 0 : i32
    return %c0_i32, %c0_i32_0 : i32, i32
  }
}

module attributes {stable_mosaic.version = 14 : i64} {
  func.func @_ffn_body(%arg0: i32, %arg1: memref<1000x128xf32, #tpu.memory_space<vmem>>, %arg2: memref<8x128xf32, #tpu.memory_space<vmem>>, %arg3: memref<1x128xf32, #tpu.memory_space<vmem>>, %arg4: memref<1x128xf32, #tpu.memory_space<vmem>>, %arg5: memref<128x256xf32, #tpu.memory_space<vmem>>, %arg6: memref<1x256xf32, #tpu.memory_space<vmem>>, %arg7: memref<256x128xf32, #tpu.memory_space<vmem>>, %arg8: memref<1x128xf32, #tpu.memory_space<vmem>>, %arg9: memref<1000x128xf32, #tpu.memory_space<vmem>>, %arg10: memref<8x128xf32, #tpu.memory_space<vmem>>) attributes {dimension_semantics = [#tpu.dimension_semantics<arbitrary>], iteration_bounds = array<i64: 10>, scalar_prefetch = 0 : i64, scratch_operands = 0 : i64, tpu.core_type = #tpu.core_type<tc>, window_params = [{transform_indices = @transform_0, window_bounds = array<i64: 1000, 128>}, {pipeline_mode = #tpu.pipeline_mode<synchronous>, transform_indices = @transform_1, window_bounds = array<i64: 8, 128>}, {pipeline_mode = #tpu.pipeline_mode<synchronous>, transform_indices = @transform_2, window_bounds = array<i64: 1, 128>}, {pipeline_mode = #tpu.pipeline_mode<synchronous>, transform_indices = @transform_3, window_bounds = array<i64: 1, 128>}, {pipeline_mode = #tpu.pipeline_mode<synchronous>, transform_indices = @transform_4, window_bounds = array<i64: 128, 256>}, {pipeline_mode = #tpu.pipeline_mode<synchronous>, transform_indices = @transform_5, window_bounds = array<i64: 1, 256>}, {pipeline_mode = #tpu.pipeline_mode<synchronous>, transform_indices = @transform_6, window_bounds = array<i64: 256, 128>}, {pipeline_mode = #tpu.pipeline_mode<synchronous>, transform_indices = @transform_7, window_bounds = array<i64: 1, 128>}, {transform_indices = @transform_8, window_bounds = array<i64: 1000, 128>}, {pipeline_mode = #tpu.pipeline_mode<synchronous>, transform_indices = @transform_9, window_bounds = array<i64: 8, 128>}]} {
    %get3A = arith.constant 0 : index
    %get3A_0 = arith.constant 0 : index
    %get3A_1 = vector.load %arg2[%get3A, %get3A_0] : memref<8x128xf32, #tpu.memory_space<vmem>>, vector<1x128xf32>
    %div3A = arith.constant 1.000000e+04 : f32
    %div3A_2 = vector.broadcast %div3A : f32 to vector<1x128xf32>
    %div3A_3 = arith.divf %get3A_1, %div3A_2 : vector<1x128xf32>
    %get3A_4 = arith.constant 1 : index
    %get3A_5 = arith.constant 0 : index
    %get3A_6 = vector.load %arg2[%get3A_4, %get3A_5] : memref<8x128xf32, #tpu.memory_space<vmem>>, vector<1x128xf32>
    %div3A_7 = arith.constant 1.000000e+04 : f32
    %div3A_8 = vector.broadcast %div3A_7 : f32 to vector<1x128xf32>
    %div3A_9 = arith.divf %get3A_6, %div3A_8 : vector<1x128xf32>
    %mul3A = arith.mulf %div3A_3, %div3A_3 : vector<1x128xf32>
    %sub3A = arith.subf %div3A_9, %mul3A : vector<1x128xf32>
    %add3A = arith.constant 9.99999974E-6 : f32
    %add3A_10 = vector.broadcast %add3A : f32 to vector<1x128xf32>
    %add3A_11 = arith.addf %sub3A, %add3A_10 : vector<1x128xf32>
    %rsqrt3A = math.rsqrt %add3A_11 : vector<1x128xf32>
    %get3A_12 = arith.constant 0 : index
    %get3A_13 = arith.constant 0 : index
    %get3A_14 = vector.load %arg1[%get3A_12, %get3A_13] : memref<1000x128xf32, #tpu.memory_space<vmem>>, vector<1000x128xf32>
    %sub3A_15 = vector.broadcast %div3A_3 : vector<1x128xf32> to vector<1000x128xf32>
    %sub3A_16 = arith.subf %get3A_14, %sub3A_15 : vector<1000x128xf32>
    %mul3A_17 = vector.broadcast %rsqrt3A : vector<1x128xf32> to vector<1000x128xf32>
    %mul3A_18 = arith.mulf %sub3A_16, %mul3A_17 : vector<1000x128xf32>
    %get3A_19 = arith.constant 0 : index
    %get3A_20 = arith.constant 0 : index
    %get3A_21 = vector.load %arg3[%get3A_19, %get3A_20] : memref<1x128xf32, #tpu.memory_space<vmem>>, vector<1x128xf32>
    %mul3A_22 = vector.broadcast %get3A_21 : vector<1x128xf32> to vector<1000x128xf32>
    %mul3A_23 = arith.mulf %mul3A_18, %mul3A_22 : vector<1000x128xf32>
    %get3A_24 = arith.constant 0 : index
    %get3A_25 = arith.constant 0 : index
    %get3A_26 = vector.load %arg4[%get3A_24, %get3A_25] : memref<1x128xf32, #tpu.memory_space<vmem>>, vector<1x128xf32>
    %add3A_27 = vector.broadcast %get3A_26 : vector<1x128xf32> to vector<1000x128xf32>
    %add3A_28 = arith.addf %mul3A_23, %add3A_27 : vector<1000x128xf32>
    %get3A_29 = arith.constant 0 : index
    %get3A_30 = arith.constant 0 : index
    %get3A_31 = vector.load %arg5[%get3A_29, %get3A_30] : memref<128x256xf32, #tpu.memory_space<vmem>>, vector<128x256xf32>
    %dot_general3A = arith.constant dense<0.000000e+00> : vector<1000x256xf32>
    %dot_general3A_32 = tpu.matmul %add3A_28, %get3A_31, %dot_general3A {dimension_numbers = #tpu.dot_dimension_numbers<[1], [0], [0], [1], [0, 0, 1, 1], [], []>, transpose_lhs_hint = false} : vector<1000x128xf32>, vector<128x256xf32>, vector<1000x256xf32> -> vector<1000x256xf32>
    %get3A_33 = arith.constant 0 : index
    %get3A_34 = arith.constant 0 : index
    %get3A_35 = vector.load %arg6[%get3A_33, %get3A_34] : memref<1x256xf32, #tpu.memory_space<vmem>>, vector<1x256xf32>
    %add3A_36 = vector.broadcast %get3A_35 : vector<1x256xf32> to vector<1000x256xf32>
    %add3A_37 = arith.addf %dot_general3A_32, %add3A_36 : vector<1000x256xf32>
    %max3A = arith.constant 0.000000e+00 : f32
    %max3A_38 = vector.broadcast %max3A : f32 to vector<1000x256xf32>
    %max3A_39 = arith.maximumf %add3A_37, %max3A_38 : vector<1000x256xf32>
    %get3A_40 = arith.constant 0 : index
    %get3A_41 = arith.constant 0 : index
    %get3A_42 = vector.load %arg7[%get3A_40, %get3A_41] : memref<256x128xf32, #tpu.memory_space<vmem>>, vector<256x128xf32>
    %dot_general3A_43 = arith.constant dense<0.000000e+00> : vector<1000x128xf32>
    %dot_general3A_44 = tpu.matmul %max3A_39, %get3A_42, %dot_general3A_43 {dimension_numbers = #tpu.dot_dimension_numbers<[1], [0], [0], [1], [0, 0, 1, 1], [], []>, transpose_lhs_hint = false} : vector<1000x256xf32>, vector<256x128xf32>, vector<1000x128xf32> -> vector<1000x128xf32>
    %get3A_45 = arith.constant 0 : index
    %get3A_46 = arith.constant 0 : index
    %get3A_47 = vector.load %arg8[%get3A_45, %get3A_46] : memref<1x128xf32, #tpu.memory_space<vmem>>, vector<1x128xf32>
    %add3A_48 = vector.broadcast %get3A_47 : vector<1x128xf32> to vector<1000x128xf32>
    %add3A_49 = arith.addf %dot_general3A_44, %add3A_48 : vector<1000x128xf32>
    %add3A_50 = arith.addf %get3A_14, %add3A_49 : vector<1000x128xf32>
    %swap3A = arith.constant 0 : index
    %swap3A_51 = arith.constant 0 : index
    %swap3A_52 = vector.load %arg9[%swap3A, %swap3A_51] : memref<1000x128xf32, #tpu.memory_space<vmem>>, vector<1000x128xf32>
    tpu.vector_store %arg9[%swap3A, %swap3A_51], %add3A_50 {strides = array<i32>} : memref<1000x128xf32, #tpu.memory_space<vmem>>, vector<1000x128xf32>,
    %eq3A = arith.constant 0 : i32
    %eq3A_53 = arith.cmpi eq, %arg0, %eq3A : i32
    %convert_element_type3A = arith.extui %eq3A_53 : i1 to i32
    %cond3A = arith.constant 0 : i32
    %cond3A_54 = arith.cmpi ne, %convert_element_type3A, %cond3A : i32
    scf.if %cond3A_54 {
      %broadcast_in_dim3A_74 = arith.constant 0.000000e+00 : f32
      %broadcast_in_dim3A_75 = vector.broadcast %broadcast_in_dim3A_74 : f32 to vector<8x128xf32>
      %swap3A_76 = arith.constant 0 : index
      %swap3A_77 = arith.constant 0 : index
      %swap3A_78 = vector.load %arg10[%swap3A_76, %swap3A_77] : memref<8x128xf32, #tpu.memory_space<vmem>>, vector<8x128xf32>
      tpu.vector_store %arg10[%swap3A_76, %swap3A_77], %broadcast_in_dim3A_75 {strides = array<i32>} : memref<8x128xf32, #tpu.memory_space<vmem>>, vector<8x128xf32>,
    } else {
    }
    %get3A_55 = arith.constant 0 : index
    %get3A_56 = arith.constant 0 : index
    %get3A_57 = vector.load %arg10[%get3A_55, %get3A_56] : memref<8x128xf32, #tpu.memory_space<vmem>>, vector<1x128xf32>
    %reduce_sum3A = arith.constant dense<0.000000e+00> : vector<128xf32>
    %reduce_sum3A_58 = vector.multi_reduction <add>, %add3A_50, %reduce_sum3A [0] : vector<1000x128xf32> to vector<128xf32>
    %broadcast_in_dim3A = vector.shape_cast %reduce_sum3A_58 : vector<128xf32> to vector<1x128xf32>
    %add3A_59 = arith.addf %get3A_57, %broadcast_in_dim3A : vector<1x128xf32>
    %swap3A_60 = arith.constant 0 : index
    %swap3A_61 = arith.constant 0 : index
    %swap3A_62 = vector.load %arg10[%swap3A_60, %swap3A_61] : memref<8x128xf32, #tpu.memory_space<vmem>>, vector<1x128xf32>
    tpu.vector_store %arg10[%swap3A_60, %swap3A_61], %add3A_59 {strides = array<i32>} : memref<8x128xf32, #tpu.memory_space<vmem>>, vector<1x128xf32>,
    %get3A_63 = arith.constant 1 : index
    %get3A_64 = arith.constant 0 : index
    %get3A_65 = vector.load %arg10[%get3A_63, %get3A_64] : memref<8x128xf32, #tpu.memory_space<vmem>>, vector<1x128xf32>
    %mul3A_66 = arith.mulf %add3A_50, %add3A_50 : vector<1000x128xf32>
    %reduce_sum3A_67 = arith.constant dense<0.000000e+00> : vector<128xf32>
    %reduce_sum3A_68 = vector.multi_reduction <add>, %mul3A_66, %reduce_sum3A_67 [0] : vector<1000x128xf32> to vector<128xf32>
    %broadcast_in_dim3A_69 = vector.shape_cast %reduce_sum3A_68 : vector<128xf32> to vector<1x128xf32>
    %add3A_70 = arith.addf %get3A_65, %broadcast_in_dim3A_69 : vector<1x128xf32>
    %swap3A_71 = arith.constant 1 : index
    %swap3A_72 = arith.constant 0 : index
    %swap3A_73 = vector.load %arg10[%swap3A_71, %swap3A_72] : memref<8x128xf32, #tpu.memory_space<vmem>>, vector<1x128xf32>
    tpu.vector_store %arg10[%swap3A_71, %swap3A_72], %add3A_70 {strides = array<i32>} : memref<8x128xf32, #tpu.memory_space<vmem>>, vector<1x128xf32>,
    return
  }
  func.func @transform_0(%arg0: i32) -> (i32, i32) {
    %c0_i32 = arith.constant 0 : i32
    %c0_i32_0 = arith.constant 0 : i32
    return %arg0, %c0_i32 : i32, i32
  }
  func.func @transform_1(%arg0: i32) -> (i32, i32) {
    %c0_i32 = arith.constant 0 : i32
    %c0_i32_0 = arith.constant 0 : i32
    %c0_i32_1 = arith.constant 0 : i32
    return %c0_i32, %c0_i32_0 : i32, i32
  }
  func.func @transform_2(%arg0: i32) -> (i32, i32) {
    %c0_i32 = arith.constant 0 : i32
    %c0_i32_0 = arith.constant 0 : i32
    %c0_i32_1 = arith.constant 0 : i32
    return %c0_i32, %c0_i32_0 : i32, i32
  }
  func.func @transform_3(%arg0: i32) -> (i32, i32) {
    %c0_i32 = arith.constant 0 : i32
    %c0_i32_0 = arith.constant 0 : i32
    %c0_i32_1 = arith.constant 0 : i32
    return %c0_i32, %c0_i32_0 : i32, i32
  }
  func.func @transform_4(%arg0: i32) -> (i32, i32) {
    %c0_i32 = arith.constant 0 : i32
    %c0_i32_0 = arith.constant 0 : i32
    %c0_i32_1 = arith.constant 0 : i32
    return %c0_i32, %c0_i32_0 : i32, i32
  }
  func.func @transform_5(%arg0: i32) -> (i32, i32) {
    %c0_i32 = arith.constant 0 : i32
    %c0_i32_0 = arith.constant 0 : i32
    %c0_i32_1 = arith.constant 0 : i32
    return %c0_i32, %c0_i32_0 : i32, i32
  }
  func.func @transform_6(%arg0: i32) -> (i32, i32) {
    %c0_i32 = arith.constant 0 : i32
    %c0_i32_0 = arith.constant 0 : i32
    %c0_i32_1 = arith.constant 0 : i32
    return %c0_i32, %c0_i32_0 : i32, i32
  }
  func.func @transform_7(%arg0: i32) -> (i32, i32) {
    %c0_i32 = arith.constant 0 : i32
    %c0_i32_0 = arith.constant 0 : i32
    %c0_i32_1 = arith.constant 0 : i32
    return %c0_i32, %c0_i32_0 : i32, i32
  }
  func.func @transform_8(%arg0: i32) -> (i32, i32) {
    %c0_i32 = arith.constant 0 : i32
    %c0_i32_0 = arith.constant 0 : i32
    return %arg0, %c0_i32 : i32, i32
  }
  func.func @transform_9(%arg0: i32) -> (i32, i32) {
    %c0_i32 = arith.constant 0 : i32
    %c0_i32_0 = arith.constant 0 : i32
    %c0_i32_1 = arith.constant 0 : i32
    return %c0_i32, %c0_i32_0 : i32, i32
  }
}

module attributes {stable_mosaic.version = 14 : i64} {
  func.func @_fin_body(%arg0: i32, %arg1: memref<1000x128xf32, #tpu.memory_space<vmem>>, %arg2: memref<8x128xf32, #tpu.memory_space<vmem>>, %arg3: memref<1x128xf32, #tpu.memory_space<vmem>>, %arg4: memref<1x128xf32, #tpu.memory_space<vmem>>, %arg5: memref<1000x128xf32, #tpu.memory_space<vmem>>) attributes {dimension_semantics = [#tpu.dimension_semantics<arbitrary>], iteration_bounds = array<i64: 10>, scalar_prefetch = 0 : i64, scratch_operands = 0 : i64, tpu.core_type = #tpu.core_type<tc>, window_params = [{transform_indices = @transform_0, window_bounds = array<i64: 1000, 128>}, {pipeline_mode = #tpu.pipeline_mode<synchronous>, transform_indices = @transform_1, window_bounds = array<i64: 8, 128>}, {pipeline_mode = #tpu.pipeline_mode<synchronous>, transform_indices = @transform_2, window_bounds = array<i64: 1, 128>}, {pipeline_mode = #tpu.pipeline_mode<synchronous>, transform_indices = @transform_3, window_bounds = array<i64: 1, 128>}, {transform_indices = @transform_4, window_bounds = array<i64: 1000, 128>}]} {
    %get3A = arith.constant 0 : index
    %get3A_0 = arith.constant 0 : index
    %get3A_1 = vector.load %arg2[%get3A, %get3A_0] : memref<8x128xf32, #tpu.memory_space<vmem>>, vector<1x128xf32>
    %div3A = arith.constant 1.000000e+04 : f32
    %div3A_2 = vector.broadcast %div3A : f32 to vector<1x128xf32>
    %div3A_3 = arith.divf %get3A_1, %div3A_2 : vector<1x128xf32>
    %get3A_4 = arith.constant 1 : index
    %get3A_5 = arith.constant 0 : index
    %get3A_6 = vector.load %arg2[%get3A_4, %get3A_5] : memref<8x128xf32, #tpu.memory_space<vmem>>, vector<1x128xf32>
    %div3A_7 = arith.constant 1.000000e+04 : f32
    %div3A_8 = vector.broadcast %div3A_7 : f32 to vector<1x128xf32>
    %div3A_9 = arith.divf %get3A_6, %div3A_8 : vector<1x128xf32>
    %mul3A = arith.mulf %div3A_3, %div3A_3 : vector<1x128xf32>
    %sub3A = arith.subf %div3A_9, %mul3A : vector<1x128xf32>
    %add3A = arith.constant 9.99999974E-6 : f32
    %add3A_10 = vector.broadcast %add3A : f32 to vector<1x128xf32>
    %add3A_11 = arith.addf %sub3A, %add3A_10 : vector<1x128xf32>
    %rsqrt3A = math.rsqrt %add3A_11 : vector<1x128xf32>
    %get3A_12 = arith.constant 0 : index
    %get3A_13 = arith.constant 0 : index
    %get3A_14 = vector.load %arg1[%get3A_12, %get3A_13] : memref<1000x128xf32, #tpu.memory_space<vmem>>, vector<1000x128xf32>
    %sub3A_15 = vector.broadcast %div3A_3 : vector<1x128xf32> to vector<1000x128xf32>
    %sub3A_16 = arith.subf %get3A_14, %sub3A_15 : vector<1000x128xf32>
    %mul3A_17 = vector.broadcast %rsqrt3A : vector<1x128xf32> to vector<1000x128xf32>
    %mul3A_18 = arith.mulf %sub3A_16, %mul3A_17 : vector<1000x128xf32>
    %get3A_19 = arith.constant 0 : index
    %get3A_20 = arith.constant 0 : index
    %get3A_21 = vector.load %arg3[%get3A_19, %get3A_20] : memref<1x128xf32, #tpu.memory_space<vmem>>, vector<1x128xf32>
    %mul3A_22 = vector.broadcast %get3A_21 : vector<1x128xf32> to vector<1000x128xf32>
    %mul3A_23 = arith.mulf %mul3A_18, %mul3A_22 : vector<1000x128xf32>
    %get3A_24 = arith.constant 0 : index
    %get3A_25 = arith.constant 0 : index
    %get3A_26 = vector.load %arg4[%get3A_24, %get3A_25] : memref<1x128xf32, #tpu.memory_space<vmem>>, vector<1x128xf32>
    %add3A_27 = vector.broadcast %get3A_26 : vector<1x128xf32> to vector<1000x128xf32>
    %add3A_28 = arith.addf %mul3A_23, %add3A_27 : vector<1000x128xf32>
    %swap3A = arith.constant 0 : index
    %swap3A_29 = arith.constant 0 : index
    %swap3A_30 = vector.load %arg5[%swap3A, %swap3A_29] : memref<1000x128xf32, #tpu.memory_space<vmem>>, vector<1000x128xf32>
    tpu.vector_store %arg5[%swap3A, %swap3A_29], %add3A_28 {strides = array<i32>} : memref<1000x128xf32, #tpu.memory_space<vmem>>, vector<1000x128xf32>,
    return
  }
  func.func @transform_0(%arg0: i32) -> (i32, i32) {
    %c0_i32 = arith.constant 0 : i32
    %c0_i32_0 = arith.constant 0 : i32
    return %arg0, %c0_i32 : i32, i32
  }
  func.func @transform_1(%arg0: i32) -> (i32, i32) {
    %c0_i32 = arith.constant 0 : i32
    %c0_i32_0 = arith.constant 0 : i32
    %c0_i32_1 = arith.constant 0 : i32
    return %c0_i32, %c0_i32_0 : i32, i32
  }
  func.func @transform_2(%arg0: i32) -> (i32, i32) {
    %c0_i32 = arith.constant 0 : i32
    %c0_i32_0 = arith.constant 0 : i32
    %c0_i32_1 = arith.constant 0 : i32
    return %c0_i32, %c0_i32_0 : i32, i32
  }
  func.func @transform_3(%arg0: i32) -> (i32, i32) {
    %c0_i32 = arith.constant 0 : i32
    %c0_i32_0 = arith.constant 0 : i32
    %c0_i32_1 = arith.constant 0 : i32
    return %c0_i32, %c0_i32_0 : i32, i32
  }
  func.func @transform_4(%arg0: i32) -> (i32, i32) {
    %c0_i32 = arith.constant 0 : i32
    %c0_i32_0 = arith.constant 0 : i32
    return %arg0, %c0_i32 : i32, i32
  }
}

</mosaic_0001>

<sc_bundles>
// kernel: kernel.9.cloned.1.call-start
scs
__scs_entry_jumppad:
0x0: {  	(pc) =	sbr.rel $0x88, $3  }
0x1: {  	(tag) =	ssettag $0x0;
	lr =	simm.s32 $0x1  }
0x2: {  	[smem:$0x3F8F] =	sst lr;
	_ =	strace $0xD0000000  }
0x3: {  	_ = 	snop  }
0x4: {  	_ = 	snop  }
0x5: {  	_ = 	snop  }
0x6: {  	_ = 	snop  }
0x7: {  	_ = 	snop  }
__scs_overlays_trampoline_lowered:
0x8: {  	[smem:$0x3F9E] =	sst s0  }
0x9: {  	[smem:$0x3F9F] =	sst s1  }
0xa: {  	[smem:$0x3FA0] =	sst s2  }
0xb: {  	[smem:$0x3FA1] =	sst s3  }
0xc: {  	[smem:$0x3FA2] =	sst s4  }
0xd: {  	[smem:$0x3FA3] =	sst s5  }
0xe: {  	[smem:$0x3FA4] =	sst s6  }
0xf: {  	[smem:$0x3FA5] =	sst s7  }
0x10: {  	[smem:$0x3FA6] =	sst s8  }
0x11: {  	[smem:$0x3FA7] =	sst s9;
	s0 =	simm.s32 @!p0 $0x0  }
0x12: {  	s1 =	sld [smem:$0x3F8D];
	s0 =	simm.s32 @p0 $0x1  }
0x13: {  	[smem:$0x3FA8] =	sst s0;
	s0 =	simm.s32 @!p1 $0x0  }
0x14: {  	s2 =	sld [smem:$0x3F8C];
	s0 =	simm.s32 @p1 $0x1  }
0x15: {  	[smem:$0x3FA9] =	sst s0;
	s0 =	simm.s32 @!p2 $0x0  }
0x16: {  	s3 =	sld [smem:$0x3FDB];
	s0 =	simm.s32 @p2 $0x1  }
0x17: {  	s4 =	simm.s32 $0x1BF5;
	[smem:$0x3FAB] =	sst s0  }
0x18: {  	s0 =	sld [smem:$0x3F8E];
	_ =	swait.ge [sflag:s4], $0x0  }
0x19: {  	s7 =	sld [smem:$0x3F8F]  }
0x1a: {  	s8 =	sadd.s32 $0xFFFFE003, lr  }
0x1b: {  	s9 =	sadd.s32 $0xFFFFFEF7, lr;
	s5 =	simm.s32 $0xFFFFFFFF;
	p2 =	slt.u32 s8, $0xFFFFF086  }
0x1c: {  	p1 =	slt.u32 s9, $0xF7A;
	s5 =	simm.s32 @!p2 $0x0  }
0x1d: {  	s5 =	simm.s32 @p1 $0x1;
	p0 =	seq.s32 s7, s2  }
0x1e: {  	s7 =	smul.u32 @!p0 $0xF7A, s2;
	p2 =	seq.s32 @!p0 s5, $0x0  }
0x1f: {  	s9 =	smul.u32 $0xF7A, s1;
	s8 =	simm.s32 @!p0 $0x1BF5;
	p2 =	por !p2, p0  }
0x20: {  	[sflag:s8] =	ssyncset.s32 @!p0 $0xFFFFF086;
	s6 =	sadd.s32 @!p0 s3, s7;
	s7 =	simm.s32 @!p0 $0x108  }
0x21: {  	s3 =	sadd.s32 s3, s9;
	s6 =	sadd.s32 @!p0 $0x88, s6;
	s7 =	simm.s32 @p2 $0x1082  }
0x22: {  	[simem:s7], [sflag:s8] =	dma.local @!p0 [hbm:s6], $0xF7A  }
0x23: {  	s9 =	sor.u32 $0xD0000000, s2;
	s6 =	simm.s32 $0x108;
	_ =	swait.ge @!p0 [sflag:s8], $0x0  }
0x24: {  	s3 =	sadd.s32 $0x88, s3;
	s6 =	simm.s32 @!p1 $0x1082;
	[sflag:s4] =	ssyncset.s32 $0xFFFFF086  }
0x25: {  	[simem:s6], [sflag:s4] =	dma.local [hbm:s3], $0xF7A  }
0x26: {  	[smem:$0x3F8F] =	sst s1;
	(tag) =	ssettag s2;
	_ =	strace s9  }
0x27: {  	s1 =	sld [smem:$0x3F9F]  }
0x28: {  	s2 =	sld [smem:$0x3FA0]  }
0x29: {  	s4 =	sld [smem:$0x3FA2]  }
0x2a: {  	p0 =	seq.s32 s5, $0x0;
	s5 =	sld [smem:$0x3FA3]  }
0x2b: {  	s6 =	sld [smem:$0x3FA4]  }
0x2c: {  	s7 =	sld [smem:$0x3FA5]  }
0x2d: {  	s3 =	simm.s32 $0x108;
	s8 =	sld [smem:$0x3FA6]  }
0x2e: {  	s3 =	simm.s32 @!p0 $0x1082;
	s9 =	sld [smem:$0x3FA7]  }
0x2f: {  	lr =	sadd.s32 s0, s3;
	s0 =	sld [smem:$0x3F9E]  }
0x30: {  	s3 =	sld [smem:$0x3FA1]  }
0x31: {  	[smem:$0x3FAA] =	sst s10  }
0x32: {  	s10 =	sld [smem:$0x3FA8];
	_ =	sdelay $0x3  }
0x33: {  	p0 =	seq.s32 s10, $0x1;
	s10 =	sld [smem:$0x3FAA];
	_ =	sdelay $0x3  }
0x34: {  	[smem:$0x3FAA] =	sst s10  }
0x35: {  	s10 =	sld [smem:$0x3FA9];
	_ =	sdelay $0x3  }
0x36: {  	p1 =	seq.s32 s10, $0x1;
	s10 =	sld [smem:$0x3FAA];
	_ =	sdelay $0x3  }
0x37: {  	[smem:$0x3FAA] =	sst s10  }
0x38: {  	s10 =	sld [smem:$0x3FAB]  }
0x39: {  	_ = 	snop;
	(pc) =	sbr.ind lr, $3  }
0x3a: {  	_ = 	snop  }
0x3b: {  	_ = 	snop  }
0x3c: {  	p2 =	seq.s32 s10, $0x1;
	s10 =	sld [smem:$0x3FAA]  }
0x3d: {  	_ =	shalt  }
0x3e: {  	_ =	shalt  }
0x3f: {  	_ =	shalt  }
0x40: {  	_ =	shalt  }
0x41: {  	_ =	shalt  }
0x42: {  	_ =	shalt  }
0x43: {  	_ =	shalt  }
0x44: {  	_ =	shalt  }
0x45: {  	_ =	shalt  }
0x46: {  	_ =	shalt  }
0x47: {  	_ =	shalt  }
0x48: {  	_ =	shalt  }
0x49: {  	_ =	shalt  }
0x4a: {  	_ =	shalt  }
0x4b: {  	_ =	shalt  }
0x4c: {  	_ =	shalt  }
0x4d: {  	_ =	shalt  }
0x4e: {  	_ =	shalt  }
0x4f: {  	_ =	shalt  }
0x50: {  	_ =	shalt  }
0x51: {  	_ =	shalt  }
0x52: {  	_ =	shalt  }
0x53: {  	_ =	shalt  }
0x54: {  	_ =	shalt  }
0x55: {  	_ =	shalt  }
0x56: {  	_ =	shalt  }
0x57: {  	_ =	shalt  }
0x58: {  	_ =	shalt  }
0x59: {  	_ =	shalt  }
0x5a: {  	_ =	shalt  }
0x5b: {  	_ =	shalt  }
0x5c: {  	_ =	shalt  }
0x5d: {  	_ =	shalt  }
0x5e: {  	_ =	shalt  }
0x5f: {  	_ =	shalt  }
0x60: {  	_ =	shalt  }
0x61: {  	_ =	shalt  }
0x62: {  	_ =	shalt  }
0x63: {  	_ =	shalt  }
0x64: {  	_ =	shalt  }
0x65: {  	_ =	shalt  }
0x66: {  	_ =	shalt  }
0x67: {  	_ =	shalt  }
0x68: {  	_ =	shalt  }
0x69: {  	_ =	shalt  }
0x6a: {  	_ =	shalt  }
0x6b: {  	_ =	shalt  }
0x6c: {  	_ =	shalt  }
0x6d: {  	_ =	shalt  }
0x6e: {  	_ =	shalt  }
0x6f: {  	_ =	shalt  }
0x70: {  	_ =	shalt  }
0x71: {  	_ =	shalt  }
0x72: {  	_ =	shalt  }
0x73: {  	_ =	shalt  }
0x74: {  	_ =	shalt  }
0x75: {  	_ =	shalt  }
0x76: {  	_ =	shalt  }
0x77: {  	_ =	shalt  }
0x78: {  	_ =	shalt  }
0x79: {  	_ =	shalt  }
0x7a: {  	_ =	shalt  }
0x7b: {  	_ =	shalt  }
0x7c: {  	_ =	shalt  }
0x7d: {  	_ =	shalt  }
0x7e: {  	_ =	shalt  }
0x7f: {  	_ =	shalt  }
0x80: {  	_ =	shalt  }
0x81: {  	_ =	shalt  }
0x82: {  	_ =	shalt  }
0x83: {  	_ =	shalt  }
0x84: {  	_ =	shalt  }
0x85: {  	_ =	shalt  }
0x86: {  	_ =	shalt  }
0x87: {  	_ =	shalt  }
.Lfunc_end0:
.L_simem_size_0:
called_computation.3_lowered:
.L_overlay_start_0:
0x88: {  	s2 =	sld [smem:$0x3FD9]  }
0x89: {  	s3 =	sld [smem:$0x3FFE];
	_ =	sdelay $0x1  }
0x8a: {  	s1 =	srdreg.scid  }
0x8b: {  	s0 =	sand.u32 $0x1, s1  }
0x8c: {  	s17 =	sshll.u32 s0, $0xA;
	s2 =	sadd.s32 s3, s2  }
0x8d: {  	s2 =	sadd.s32 s2, s17  }
0x8e: {  	[smem:$0x3FB6] =	sst s2  }
0x8f: {  	_ = 	snop  }
0x90: {  	(tm) =	ssettm $0x1  }
0x91: {  	s18 =	sld [smem:$0x3FFB];
	_ =	sdelay $0x3  }
0x92: {  	_ =	strace s18  }
0x93: {  	s2 =	sld [smem:$0x3FFC];
	_ =	sdelay $0x3  }
0x94: {  	_ =	strace s2  }
0x95: {  	s2 =	sld [smem:$0x3FFD];
	_ =	sdelay $0x3  }
0x96: {  	_ =	strace s2  }
0x97: {  	_ =	strace $0x8FFFFFFF  }
0x98: {  	s19 =	sld [smem:$0x3FDB];
	_ =	sdelay $0x1  }
0x99: {  	s20 =	simm.s32 $_scs_section_size  }
0x9a: {  	s4 =	simm.s32 $_size__tile_overlayer_lowered;
	s5 =	simm.s32 $_tile_overlayer_lowered  }
0x9b: {  	s6 =	simm.s32 $0x1BFF;
	s21 =	sshll.u32 s5, $0x1;
	s3 =	sadd.s32 s20, s19  }
0x9c: {  	s22 =	simm.s32 $0x0;
	s4 =	sshll.u32 s4, $0x1;
	s5 =	sadd.s32 s21, s3  }
0x9d: {  	[timem:s22], [sflag:s6] =	dma.local [hbm:s5], s4  }
0x9e: {  	_ =	swait.ge [sflag:s6], s4  }
0x9f: {  	s4 =	ssub.s32 $0x0, s4;
	[sflag:s6] =	ssyncset.done $0x0  }
0xa0: {  	[sflag:s6] =	ssyncadd.s32 s4;
	_ =	sdelay $0x1  }
0xa1: {  	s23 =	simm.s32 $0x1B8B  }
0xa2: {  	_ =	swait.ge [sflag:s23], $0x1  }
0xa3: {  	[sflag:s23] =	ssyncset.done $0x0  }
0xa4: {  	[sflag:s23] =	ssyncadd.s32 $0xFFFFFFFF  }
0xa5: {  	s4 =	sld [smem:$0x0]  }
0xa6: {  	s5 =	sand.u32 $0xFFFFFFFE, s1  }
0xa7: {  	p0 =	sne.s32 s1, s5  }
0xa8: {  	s5 =	sshll.u32 @p0 s5, $0xE  }
0xa9: {  	s5 =	sadd.s32 @p0 $0x11B8D, s5;
	s6 =	sshll.u32 @p0 s4, $0x11  }
0xaa: {  	s5 =	sor.u32 @p0 s6, s5  }
0xab: {  	[sflag:s5] =	ssyncadd.remote.s32 @p0 $0x1;
	_ =	sdelay $0x1  }
0xac: {  	s5 =	simm.s32 @p0 $0x1B8D  }
0xad: {  	_ =	swait.eq @p0 [sflag:s5], $0x1  }
0xae: {  	[sflag:s5] =	ssyncadd.s32 @p0 $0xFFFFFFFF  }
0xaf: {  	s6 =	sshll.u32 @!p0 s1, $0xE  }
0xb0: {  	s6 =	sor.u32 @!p0 $0x4000, s6;
	s5 =	simm.s32 @!p0 $0x1B8D  }
0xb1: {  	s4 =	sshll.u32 @!p0 s4, $0x11;
	s6 =	sadd.s32 @!p0 $0x11B8D, s6;
	_ =	swait.eq @!p0 [sflag:s5], $0x1  }
0xb2: {  	s4 =	sor.u32 @!p0 s4, s6;
	[sflag:s5] =	ssyncadd.s32 @!p0 $0xFFFFFFFF  }
0xb3: {  	s25 =	simm.s32 $0x1B8E;
	s24 =	sld [smem:$0x3FFE];
	[sflag:s4] =	ssyncadd.remote.s32 @!p0 $0x1  }
0xb4: {  	s26 =	simm.s32 $execute0_lowered;
	[smem:$0x3FD2] =	sst s25  }
0xb5: {  	s5 =	sshll.u32 s26, $0x1;
	_ =	strace $0x8000004F;
	[dreg:$0x1] =	wrdreg $0xFFFFFFFF  }
0xb6: {  	s28 =	simm.s32 $_size_execute0_lowered;
	s3 =	sadd.s32 s3, s5;
	[dreg:$0x0] =	wrdreg $0x0  }
0xb7: {  	s5 =	sshll.u32 s28, $0x1;
	[dreg:$0x2] =	wrdreg s3  }
0xb8: {  	[dreg:$0x3] =	wrdreg s5  }
0xb9: {  	[dreg:$0x4] =	wrdreg $0xC0  }
0xba: {  	_ =	task [dreg:s22], $0x5FFFF  }
0xbb: {  	[dreg:$0x1] =	wrdreg $0xFFFFFFFF  }
0xbc: {  	[dreg:$0x0] =	wrdreg $0x60  }
0xbd: {  	[dreg:$0x2] =	wrdreg s24  }
0xbe: {  	[dreg:$0x3] =	wrdreg $0x84000  }
0xbf: {  	[dreg:$0x4] =	wrdreg $0xE  }
0xc0: {  	_ =	task.clear_ibuf [dreg:s22], $0x5FFFF;
	_ =	strace $0x9000004F  }
0xc1: {  	s29 =	simm.s32 $0xE;
	_ =	strace $0x80000051  }
0xc2: {  	_ =	swait.ge [sflag:s29], $0x1  }
0xc3: {  	[sflag:s29] =	ssyncadd.s32 $0xFFFFFFFF  }
0xc4: {  	_ =	strace $0x90000051  }
0xc5: {  	_ =	sfence  }
0xc6: {  	s30 =	sld [smem:$0x0];
	_ =	sdelay $0x2  }
0xc7: {  	s31 =	sshll.u32 s1, $0xD;
	s1 =	sshrl.u32 s1, $0x2  }
0xc8: {  	s4 =	sand.u32 $0x4000, s31;
	s1 =	sadd.s32 s1, s30  }
0xc9: {  	s0 =	sor.u32 s4, s0;
	s1 =	sshll.u32 s1, $0x11  }
0xca: {  	s0 =	sor.u32 s1, s0  }
0xcb: {  	s0 =	sadd.s32 $0x8F2B, s0  }
0xcc: {  	[sflag:s0] =	ssyncadd.remote.s32 $0x1  }
0xcd: {  	_ =	sfence.sel $0xFFFF  }
0xce: {  	[dreg:$0x0] =	wrdreg $0xFFFFFFFF;
	(pc) =	sbr.abs _section_cstart, $3  }
0xcf: {  	[dreg:$0x1] =	wrdreg $0xFFFFFFFF  }
0xd0: {  	_ =	task.clear_ibuf [dreg:s22], $0x2FFFF;
	_ =	strace $0x9FFFFFFF  }
0xd1: {  	(tm) =	ssettm $0x7FFFFFFF  }
tec
execute0_lowered:
.L_overlay_start_1:
0x0: {  	(tag) =	ssettag $0x1  }
0x1: {  	s0 =	rddreg [dreg:$0x0]  }
0x2: {  	s1 =	rddreg [dreg:$0x1];
	s3 =	simm.s32 $0x0  }
0x3: {  	s13 =	stileid.u32;
	s2 =	srdreg.scid;
	s28 =	simm.s32 $0x80  }
0x4: {  	s29 =	simm.s32 $0x280;
	s30 =	simm.s32 $0x100;
	s31 =	simm.s32 $0x300  }
0x5: {  	[smem:$0x7FF] =	sst s3;
	s4 =	sadd.s32 $0x37200, s0;
	s5 =	sadd.s32 $0x5E400, s0  }
0x6: {  	s6 =	smul.u32 $0x2780, s13;
	s7 =	sadd.s32 $0xD200, s0;
	s8 =	sadd.s32 $0xAA1800, s0  }
0x7: {  	s2 =	sand.u32 $0x1, s2;
	s11 =	smul.u32 $0x4F000, s13;
	s10 =	sadd.s32 $0xAD3000, s0  }
0x8: {  	s16 =	sshll.u32 s13, $0x6;
	_ =	strace $0x80000050;
	[dreg:$0x4] =	wrdreg s10  }
0x9: {  	s9 =	ssub.s32 $0x2, s2;
	s10 =	smul.u32 $0x5000, s13;
	[dreg:$0x7] =	wrdreg s16  }
0xa: {  	s18 =	sor.u32 $0x1C05, s16;
	p0 =	sne.s32 s2, $0x0;
	s2 =	simm.s32 $0x380  }
0xb: {  	s16 =	simm.s32 $0x6;
	[dreg:$0x3] =	wrdreg s6;
	s6 =	sadd.s32 s6, s0  }
0xc: {  	s12 =	sshrl.u32 s9, $0x1;
	s0 =	sadd.s32 $0xAFA800, s0;
	s15 =	sshrl.u32 s11, $0x2  }
0xd: {  	[dreg:$0x9] =	wrdreg s18;
	s11 =	simm.s32 $0x2;
	s18 =	simm.s32 $0x7  }
0xe: {  	[dreg:$0x5] =	wrdreg s0;
	s14 =	ssub.s32 s9, s12;
	s9 =	sadd.s32 s15, s1  }
0xf: {  	s17 =	sshrl.u32 s10, $0x3;
	s6 =	sadd.s32 $0xAAB800, s6;
	[dreg:$0x6] =	wrdreg s9  }
0x10: {  	s12 =	simm.s32 $0x4;
	s15 =	simm.s32 $0x4400;
	[dreg:$0x8] =	wrdreg s6  }
0x11: {  	s19 =	sor.u32 $0x10, s17;
	s20 =	sadd.s32 s7, s17;
	s21 =	sadd.s32 s8, s17  }
0x12: {  	s23 =	sor.u32 $0x20, s17;
	s9 =	sor.u32 $0x30, s17;
	[dreg:$0xa] =	wrdreg s20  }
0x13: {  	s0 =	smax.u32 s14, $0x1;
	s14 =	simm.s32 $0x400;
	[dreg:$0xb] =	wrdreg s21  }
0x14: {  	s17 =	simm.s32 $0x8;
	s22 =	sadd.s32 s7, s19;
	[dreg:$0x12] =	wrdreg s0  }
0x15: {  	s6 =	sadd.s32 s8, s19;
	s24 =	sadd.s32 s7, s23;
	[dreg:$0xc] =	wrdreg s22  }
.Ltmp0:
0x16: {  	s25 =	sadd.s32 s7, s9;
	[dreg:$0xd] =	wrdreg s6;
	(pc) =	sbr.rel .LBB2_1-.Ltmp0, $4  }
0x17: {  	s26 =	sadd.s32 s8, s9;
	s0 =	simm.s32 $0x180;
	[dreg:$0xe] =	wrdreg s24  }
0x18: {  	s9 =	simm.s32 $0x1;
	s19 =	simm.s32 $0x0;
	[dreg:$0x10] =	wrdreg s25  }
0x19: {  	s6 =	sadd.s32 s8, s23;
	[dreg:$0x11] =	wrdreg s26;
	s25 =	simm.s32 $0x5  }
0x1a: {  	s26 =	simm.s32 $0x200;
	[dreg:$0xf] =	wrdreg s6;
	s6 =	simm.s32 $0x3  }
.LBB2_8:
0x1b: {  	s20 =	rddreg [dreg:$0x5]  }
.LBB2_9:
0x1c: {  	s21 =	rddreg [dreg:$0x3];
	[bflag:$0x0] =	sbarrier.arrive $0xFFFF  }
0x1d: {  	s23 =	rddreg [dreg:$0x7]  }
0x1e: {  	s20 =	sadd.s32 s20, s21;
	s21 =	sor.u32 $0x1C08, s23  }
0x1f: {  	[hbm:s20], [sflag:s21] =	dma.local [spmem:s13], $0x2780  }
0x20: {  	_ =	swait.ge [sflag:s17], $0x2780  }
0x21: {  	s19 =	sadd.s32 $0x1, s19;
	s24 =	rddreg [dreg:$0x12]  }
0x22: {  	p1 =	sne.s32 s19, s24  }
.Ltmp1:
0x23: {  	_ = 	snop;
	(pc) =	sbr.rel @!p1 .LBB2_10-.Ltmp1, $3  }
0x24: {  	_ =	sdelay $0x1  }
0x25: {  	[sflag:s17] =	ssyncset.done $0x0  }
0x26: {  	[sflag:s17] =	ssyncadd.s32 $0xFFFFD880  }
.LBB2_1:
0x27: {  	s13 =	rddreg [dreg:$0x6]  }
0x28: {  	s20 =	rddreg [dreg:$0x8]  }
0x29: {  	s21 =	rddreg [dreg:$0x9];
	s13 =	sshrl.u32 s13, $0x3  }
0x2a: {  	[spmem:s13], [sflag:s21] =	dma.local [hbm:s20], $0x2780  }
0x2b: {  	_ =	swait.ge [sflag:s25], $0x2780  }
0x2c: {  	[sflag:s25] =	ssyncset.done $0x0  }
0x2d: {  	s21 =	rddreg [dreg:$0xa];
	[sflag:s25] =	ssyncadd.s32 $0xFFFFD880  }
0x2e: {  	[tilespmem:s3], [sflag:$0x1] =	stream.linear.gather [hbm4b:s21+s3], $0x80, $0x38;
	[tilespmem:$0x1C000] =	vst v63  }
0x2f: {  	s22 =	rddreg [dreg:$0xb]  }
0x30: {  	[tilespmem:s26], [sflag:$0x1] =	stream.linear.gather [hbm4b:s22+s3], $0x80, $0x38;
	[tilespmem:$0x1C000] =	vst v63  }
0x31: {  	s23 =	rddreg [dreg:$0xc]  }
0x32: {  	[tilespmem:s28], [sflag:$0x2] =	stream.linear.gather [hbm4b:s23+s3], $0x80, $0x38;
	[tilespmem:$0x1C000] =	vst v63  }
0x33: {  	s24 =	rddreg [dreg:$0xd]  }
0x34: {  	[tilespmem:s29], [sflag:$0x2] =	stream.linear.gather [hbm4b:s24+s3], $0x80, $0x38;
	[tilespmem:$0x1C000] =	vst v63  }
0x35: {  	s21 =	rddreg [dreg:$0xe]  }
0x36: {  	[tilespmem:s30], [sflag:$0x3] =	stream.linear.gather [hbm4b:s21+s3], $0x80, $0x38;
	[tilespmem:$0x1C000] =	vst v63  }
0x37: {  	s22 =	rddreg [dreg:$0xf]  }
0x38: {  	[tilespmem:s31], [sflag:$0x3] =	stream.linear.gather [hbm4b:s22+s3], $0x80, $0x38;
	[tilespmem:$0x1C000] =	vst v63  }
0x39: {  	s23 =	rddreg [dreg:$0x10]  }
0x3a: {  	[tilespmem:s0], [sflag:$0x4] =	stream.linear.gather [hbm4b:s23+s3], $0x80, $0x38;
	[tilespmem:$0x1C000] =	vst v63  }
0x3b: {  	s24 =	rddreg [dreg:$0x11]  }
0x3c: {  	[tilespmem:s2], [sflag:$0x4] =	stream.linear.gather [hbm4b:s24+s3], $0x80, $0x38;
	[tilespmem:$0x1C000] =	vst v63  }
0x3d: {  	_ =	swait.ge [sflag:s9], $0x80  }
0x3e: {  	[sflag:s9] =	ssyncset.done $0x0  }
0x3f: {  	[sflag:s9] =	ssyncadd.s32 $0xFFFFFF80  }
0x40: {  	_ =	swait.ge [sflag:s9], $0x80  }
0x41: {  	[sflag:s9] =	ssyncset.done $0x0  }
0x42: {  	[sflag:s9] =	ssyncadd.s32 $0xFFFFFF80  }
0x43: {  	_ =	swait.ge [sflag:s11], $0x80  }
0x44: {  	[sflag:s11] =	ssyncset.done $0x0  }
0x45: {  	[sflag:s11] =	ssyncadd.s32 $0xFFFFFF80  }
0x46: {  	_ =	swait.ge [sflag:s11], $0x80  }
0x47: {  	[sflag:s11] =	ssyncset.done $0x0  }
0x48: {  	[sflag:s11] =	ssyncadd.s32 $0xFFFFFF80  }
0x49: {  	_ =	swait.ge [sflag:s6], $0x80  }
0x4a: {  	[sflag:s6] =	ssyncset.done $0x0  }
0x4b: {  	[sflag:s6] =	ssyncadd.s32 $0xFFFFFF80  }
0x4c: {  	_ =	swait.ge [sflag:s6], $0x80  }
0x4d: {  	[sflag:s6] =	ssyncset.done $0x0  }
0x4e: {  	[sflag:s6] =	ssyncadd.s32 $0xFFFFFF80  }
0x4f: {  	_ =	swait.ge [sflag:s12], $0x80  }
.Ltmp2:
0x50: {  	[sflag:s12] =	ssyncset.done $0x0;
	(pc) =	sbr.rel @p0 .LBB2_6-.Ltmp2, $4  }
0x51: {  	[sflag:s12] =	ssyncadd.s32 $0xFFFFFF80  }
0x52: {  	_ =	swait.ge [sflag:s12], $0x80  }
0x53: {  	[sflag:s12] =	ssyncset.done $0x0  }
0x54: {  	[sflag:s12] =	ssyncadd.s32 $0xFFFFFF80  }
0x55: {  	[tilespmem:s14], [sflag:$0x6] =	stream.indirect.gather [hbm4b:s4+s28], $0x80, s3, s28, $0xb8;
	[tilespmem:$0x1C000] =	vst v63  }
0x56: {  	_ = 	snop  }
0x57: {  	[tilespmem:s15], [sflag:$0x7] =	stream.indirect.gather [hbm4b:s4+s28], $0x80, s28, s28, $0xb8;
	[tilespmem:$0x1C000] =	vst v63  }
0x58: {  	s20 =	simm.s32 $0x380;
	[bflag:$0x0] =	sbarrier.arrive $0xFFFF  }
.LBB2_3:
0x59: {  	_ =	swait.ge [sflag:s16], $0x4000  }
0x5a: {  	[sflag:s16] =	ssyncset.done $0x0  }
0x5b: {  	[sflag:s16] =	ssyncadd.s32 $0xFFFFC000  }
0x5c: {  	[spmem:s1] =	stream.indirect.scatter.add.f32 [tilespmem:s14], [sflag:$0x8], $0x80, s26, s28, $0xb8;
	[tilespmem:$0x1C000] =	vst v63  }
0x5d: {  	_ =	swait.ge [sflag:s17], $0x4000  }
0x5e: {  	[sflag:s17] =	ssyncset.done $0x0  }
0x5f: {  	[sflag:s17] =	ssyncadd.s32 $0xFFFFC000  }
0x60: {  	[tilespmem:s14], [sflag:$0x6] =	stream.indirect.gather [hbm4b:s4+s28], $0x80, s30, s28, $0xb8;
	[tilespmem:$0x1C000] =	vst v63  }
0x61: {  	_ =	swait.ge [sflag:s18], $0x4000  }
0x62: {  	[sflag:s18] =	ssyncset.done $0x0  }
0x63: {  	[sflag:s18] =	ssyncadd.s32 $0xFFFFC000  }
0x64: {  	[spmem:s1] =	stream.indirect.scatter.add.f32 [tilespmem:s15], [sflag:$0x8], $0x80, s29, s28, $0xb8;
	[tilespmem:$0x1C000] =	vst v63  }
0x65: {  	_ =	swait.ge [sflag:s17], $0x4000  }
0x66: {  	p1 =	seq.s32 s20, $0x5180;
	[sflag:s17] =	ssyncset.done $0x0  }
0x67: {  	s21 =	simm.s32 @p1 $0x6;
	[sflag:s17] =	ssyncadd.s32 $0xFFFFC000  }
0x68: {  	[tilespmem:s15], [sflag:$0x7] =	stream.indirect.gather [hbm4b:s4+s28], $0x80, s0, s28, $0xb8;
	[tilespmem:$0x1C000] =	vst v63  }
0x69: {  	_ =	swait.ge @p1 [sflag:s21], $0x4000  }
0x6a: {  	s22 =	simm.s32 @p1 $0x300;
	[sflag:s21] =	ssyncset.done @p1 $0x0  }
0x6b: {  	s23 =	simm.s32 @p1 $0x400;
	[sflag:s21] =	ssyncadd.s32 @p1 $0xFFFFC000;
	s21 =	simm.s32 @p1 $0x80  }
0x6c: {  	[spmem:s1] =	stream.indirect.scatter.add.f32 @p1 [tilespmem:s23], [sflag:$0x8], $0x80, s22, s21, $0xb8;
	[tilespmem:$0x1C000] =	vst v63  }
0x6d: {  	s21 =	sadd.s32 @!p1 $0xFFFFFE80, s20  }
0x6e: {  	s22 =	sand.u32 @!p1 $0xFC00, s21  }
0x6f: {  	s23 =	simm.s32 @p1 $0x8;
	s21 =	sand.u32 @!p1 $0x200, s21;
	s22 =	sadd.s32 @!p1 s10, s22  }
0x70: {  	_ =	swait.ge @p1 [sflag:s23], $0x4000;
	s21 =	sor.u32 @!p1 s21, s22  }
0x71: {  	[sflag:s23] =	ssyncset.done @p1 $0x0;
	s21 =	sshrl.u32 @!p1 s21, $0x3  }
0x72: {  	[sflag:s23] =	ssyncadd.s32 @p1 $0xFFFFC000;
	s23 =	simm.s32 @!p1 $0x0;
	s22 =	sadd.s32 @!p1 s7, s21  }
0x73: {  	[tilespmem:s23], [sflag:$0x1] =	stream.linear.gather @!p1 [hbm4b:s22+s23], $0x80, $0x38;
	[tilespmem:$0x1C000] =	vst v63  }
0x74: {  	s21 =	sadd.s32 @!p1 s8, s21;
	s22 =	simm.s32 @!p1 $0x200  }
0x75: {  	[tilespmem:s22], [sflag:$0x1] =	stream.linear.gather @!p1 [hbm4b:s21+s23], $0x80, $0x38;
	[tilespmem:$0x1C000] =	vst v63  }
0x76: {  	s21 =	sadd.s32 @!p1 $0xFFFFFF00, s20  }
0x77: {  	s22 =	sand.u32 @!p1 $0xFC00, s21  }
0x78: {  	s21 =	sand.u32 @!p1 $0x280, s21;
	s22 =	sadd.s32 @!p1 s10, s22  }
0x79: {  	s21 =	sor.u32 @!p1 s21, s22  }
0x7a: {  	s21 =	sshrl.u32 @!p1 s21, $0x3  }
0x7b: {  	s24 =	simm.s32 @!p1 $0x80;
	s22 =	sadd.s32 @!p1 s7, s21  }
0x7c: {  	[tilespmem:s24], [sflag:$0x2] =	stream.linear.gather @!p1 [hbm4b:s22+s23], $0x80, $0x38;
	[tilespmem:$0x1C000] =	vst v63  }
0x7d: {  	s21 =	sadd.s32 @!p1 s8, s21;
	s22 =	simm.s32 @!p1 $0x280  }
0x7e: {  	[tilespmem:s22], [sflag:$0x2] =	stream.linear.gather @!p1 [hbm4b:s21+s23], $0x80, $0x38;
	[tilespmem:$0x1C000] =	vst v63  }
0x7f: {  	s21 =	simm.s32 @!p1 $0x6  }
0x80: {  	_ =	swait.ge @!p1 [sflag:s21], $0x4000  }
0x81: {  	[sflag:s21] =	ssyncset.done @!p1 $0x0  }
0x82: {  	s22 =	simm.s32 @!p1 $0x400;
	[sflag:s21] =	ssyncadd.s32 @!p1 $0xFFFFC000;
	s21 =	simm.s32 @!p1 $0x300  }
0x83: {  	[spmem:s1] =	stream.indirect.scatter.add.f32 @!p1 [tilespmem:s22], [sflag:$0x8], $0x80, s21, s24, $0xb8;
	[tilespmem:$0x1C000] =	vst v63  }
0x84: {  	s21 =	simm.s32 @!p1 $0x8  }
0x85: {  	_ =	swait.ge @!p1 [sflag:s21], $0x4000  }
0x86: {  	[sflag:s21] =	ssyncset.done @!p1 $0x0  }
0x87: {  	[sflag:s21] =	ssyncadd.s32 @!p1 $0xFFFFC000;
	s21 =	simm.s32 @!p1 $0x1  }
0x88: {  	_ =	swait.ge @!p1 [sflag:s21], $0x80  }
0x89: {  	[sflag:s21] =	ssyncset.done @!p1 $0x0  }
0x8a: {  	[sflag:s21] =	ssyncadd.s32 @!p1 $0xFFFFFF80  }
0x8b: {  	_ =	swait.ge @!p1 [sflag:s21], $0x80  }
0x8c: {  	[sflag:s21] =	ssyncset.done @!p1 $0x0  }
0x8d: {  	[sflag:s21] =	ssyncadd.s32 @!p1 $0xFFFFFF80  }
0x8e: {  	[tilespmem:s22], [sflag:$0x6] =	stream.indirect.gather @!p1 [hbm4b:s4+s24], $0x80, s23, s24, $0xb8;
	[tilespmem:$0x1C000] =	vst v63  }
0x8f: {  	_ =	swait.ge [sflag:s18], $0x4000  }
0x90: {  	[sflag:s18] =	ssyncset.done $0x0  }
.Ltmp3:
0x91: {  	[sflag:s18] =	ssyncadd.s32 $0xFFFFC000;
	(pc) =	sbr.rel @p1 .LBB2_4-.Ltmp3, $4  }
0x92: {  	[spmem:s1] =	stream.indirect.scatter.add.f32 [tilespmem:s15], [sflag:$0x8], $0x80, s2, s28, $0xb8;
	[tilespmem:$0x1C000] =	vst v63  }
0x93: {  	_ =	swait.ge [sflag:s17], $0x4000  }
0x94: {  	[sflag:s17] =	ssyncset.done $0x0  }
0x95: {  	[sflag:s17] =	ssyncadd.s32 $0xFFFFC000  }
0x96: {  	_ =	swait.ge [sflag:s11], $0x80  }
0x97: {  	s21 =	sadd.s32 $0xFFFFFF80, s20;
	[sflag:s11] =	ssyncset.done $0x0  }
0x98: {  	s22 =	sand.u32 $0xFC00, s21;
	[sflag:s11] =	ssyncadd.s32 $0xFFFFFF80  }
0x99: {  	s21 =	sand.u32 $0x300, s21;
	s22 =	sadd.s32 s10, s22;
	_ =	swait.ge [sflag:s11], $0x80  }
0x9a: {  	s21 =	sor.u32 s21, s22;
	[sflag:s11] =	ssyncset.done $0x0  }
0x9b: {  	s21 =	sshrl.u32 s21, $0x3;
	[sflag:s11] =	ssyncadd.s32 $0xFFFFFF80  }
0x9c: {  	[tilespmem:s15], [sflag:$0x7] =	stream.indirect.gather [hbm4b:s4+s28], $0x80, s28, s28, $0xb8;
	[tilespmem:$0x1C000] =	vst v63  }
0x9d: {  	s24 =	sadd.s32 s7, s21  }
0x9e: {  	[tilespmem:s30], [sflag:$0x3] =	stream.linear.gather [hbm4b:s24+s3], $0x80, $0x38;
	[tilespmem:$0x1C000] =	vst v63  }
0x9f: {  	s21 =	sadd.s32 s8, s21  }
0xa0: {  	[tilespmem:s31], [sflag:$0x3] =	stream.linear.gather [hbm4b:s21+s3], $0x80, $0x38;
	[tilespmem:$0x1C000] =	vst v63  }
0xa1: {  	_ =	swait.ge [sflag:s6], $0x80  }
0xa2: {  	s22 =	sand.u32 $0xFC00, s20;
	[sflag:s6] =	ssyncset.done $0x0  }
0xa3: {  	s23 =	sand.u32 $0x380, s20;
	s21 =	sadd.s32 s10, s22;
	[sflag:s6] =	ssyncadd.s32 $0xFFFFFF80  }
0xa4: {  	s21 =	sor.u32 s23, s21;
	_ =	swait.ge [sflag:s6], $0x80  }
0xa5: {  	s21 =	sshrl.u32 s21, $0x3;
	[sflag:s6] =	ssyncset.done $0x0  }
0xa6: {  	s24 =	sadd.s32 s7, s21;
	[sflag:s6] =	ssyncadd.s32 $0xFFFFFF80  }
0xa7: {  	[tilespmem:s0], [sflag:$0x4] =	stream.linear.gather [hbm4b:s24+s3], $0x80, $0x38;
	[tilespmem:$0x1C000] =	vst v63  }
0xa8: {  	s21 =	sadd.s32 s8, s21  }
0xa9: {  	[tilespmem:s2], [sflag:$0x4] =	stream.linear.gather [hbm4b:s21+s3], $0x80, $0x38;
	[tilespmem:$0x1C000] =	vst v63  }
0xaa: {  	_ =	swait.ge [sflag:s12], $0x80  }
.Ltmp4:
0xab: {  	[sflag:s12] =	ssyncset.done $0x0;
	(pc) =	sbr.rel .LBB2_3-.Ltmp4, $4  }
0xac: {  	[sflag:s12] =	ssyncadd.s32 $0xFFFFFF80  }
0xad: {  	_ =	swait.ge [sflag:s12], $0x80  }
0xae: {  	[sflag:s12] =	ssyncset.done $0x0  }
0xaf: {  	s20 =	sadd.s32 $0x200, s20;
	[sflag:s12] =	ssyncadd.s32 $0xFFFFFF80  }
.LBB2_6:
0xb0: {  	[tilespmem:s14], [sflag:$0x6] =	stream.indirect.gather [hbm4b:s5+s28], $0x80, s3, s28, $0xb8;
	[tilespmem:$0x1C000] =	vst v63  }
0xb1: {  	_ = 	snop  }
0xb2: {  	[tilespmem:s15], [sflag:$0x7] =	stream.indirect.gather [hbm4b:s5+s28], $0x80, s28, s28, $0xb8;
	[tilespmem:$0x1C000] =	vst v63  }
0xb3: {  	s20 =	simm.s32 $0x380;
	[bflag:$0x0] =	sbarrier.arrive $0xFFFF  }
.LBB2_7:
0xb4: {  	_ =	swait.ge [sflag:s16], $0x4000  }
0xb5: {  	[sflag:s16] =	ssyncset.done $0x0  }
0xb6: {  	[sflag:s16] =	ssyncadd.s32 $0xFFFFC000  }
0xb7: {  	[spmem:s1] =	stream.indirect.scatter.add.f32 [tilespmem:s14], [sflag:$0x8], $0x80, s26, s28, $0xb8;
	[tilespmem:$0x1C000] =	vst v63  }
0xb8: {  	_ =	swait.ge [sflag:s17], $0x4000  }
0xb9: {  	[sflag:s17] =	ssyncset.done $0x0  }
0xba: {  	[sflag:s17] =	ssyncadd.s32 $0xFFFFC000  }
0xbb: {  	[tilespmem:s14], [sflag:$0x6] =	stream.indirect.gather [hbm4b:s5+s28], $0x80, s30, s28, $0xb8;
	[tilespmem:$0x1C000] =	vst v63  }
0xbc: {  	_ =	swait.ge [sflag:s18], $0x4000  }
0xbd: {  	[sflag:s18] =	ssyncset.done $0x0  }
0xbe: {  	[sflag:s18] =	ssyncadd.s32 $0xFFFFC000  }
0xbf: {  	[spmem:s1] =	stream.indirect.scatter.add.f32 [tilespmem:s15], [sflag:$0x8], $0x80, s29, s28, $0xb8;
	[tilespmem:$0x1C000] =	vst v63  }
0xc0: {  	_ =	swait.ge [sflag:s17], $0x4000  }
0xc1: {  	p1 =	seq.s32 s20, $0x5180;
	[sflag:s17] =	ssyncset.done $0x0  }
0xc2: {  	s21 =	simm.s32 @p1 $0x6;
	[sflag:s17] =	ssyncadd.s32 $0xFFFFC000  }
0xc3: {  	[tilespmem:s15], [sflag:$0x7] =	stream.indirect.gather [hbm4b:s5+s28], $0x80, s0, s28, $0xb8;
	[tilespmem:$0x1C000] =	vst v63  }
0xc4: {  	_ =	swait.ge @p1 [sflag:s21], $0x4000  }
0xc5: {  	s22 =	simm.s32 @p1 $0x300;
	[sflag:s21] =	ssyncset.done @p1 $0x0  }
0xc6: {  	s23 =	simm.s32 @p1 $0x400;
	[sflag:s21] =	ssyncadd.s32 @p1 $0xFFFFC000;
	s21 =	simm.s32 @p1 $0x80  }
0xc7: {  	[spmem:s1] =	stream.indirect.scatter.add.f32 @p1 [tilespmem:s23], [sflag:$0x8], $0x80, s22, s21, $0xb8;
	[tilespmem:$0x1C000] =	vst v63  }
0xc8: {  	s21 =	sadd.s32 @!p1 $0xFFFFFE80, s20  }
0xc9: {  	s22 =	sand.u32 @!p1 $0xFC00, s21  }
0xca: {  	s23 =	simm.s32 @p1 $0x8;
	s21 =	sand.u32 @!p1 $0x200, s21;
	s22 =	sadd.s32 @!p1 s10, s22  }
0xcb: {  	_ =	swait.ge @p1 [sflag:s23], $0x4000;
	s21 =	sor.u32 @!p1 s21, s22  }
0xcc: {  	[sflag:s23] =	ssyncset.done @p1 $0x0;
	s21 =	sshrl.u32 @!p1 s21, $0x3  }
0xcd: {  	[sflag:s23] =	ssyncadd.s32 @p1 $0xFFFFC000;
	s23 =	simm.s32 @!p1 $0x0;
	s22 =	sadd.s32 @!p1 s7, s21  }
0xce: {  	[tilespmem:s23], [sflag:$0x1] =	stream.linear.gather @!p1 [hbm4b:s22+s23], $0x80, $0x38;
	[tilespmem:$0x1C000] =	vst v63  }
0xcf: {  	s21 =	sadd.s32 @!p1 s8, s21;
	s22 =	simm.s32 @!p1 $0x200  }
0xd0: {  	[tilespmem:s22], [sflag:$0x1] =	stream.linear.gather @!p1 [hbm4b:s21+s23], $0x80, $0x38;
	[tilespmem:$0x1C000] =	vst v63  }
0xd1: {  	s21 =	sadd.s32 @!p1 $0xFFFFFF00, s20  }
0xd2: {  	s22 =	sand.u32 @!p1 $0xFC00, s21  }
0xd3: {  	s21 =	sand.u32 @!p1 $0x280, s21;
	s22 =	sadd.s32 @!p1 s10, s22  }
0xd4: {  	s21 =	sor.u32 @!p1 s21, s22  }
0xd5: {  	s21 =	sshrl.u32 @!p1 s21, $0x3  }
0xd6: {  	s24 =	simm.s32 @!p1 $0x80;
	s22 =	sadd.s32 @!p1 s7, s21  }
0xd7: {  	[tilespmem:s24], [sflag:$0x2] =	stream.linear.gather @!p1 [hbm4b:s22+s23], $0x80, $0x38;
	[tilespmem:$0x1C000] =	vst v63  }
0xd8: {  	s21 =	sadd.s32 @!p1 s8, s21;
	s22 =	simm.s32 @!p1 $0x280  }
0xd9: {  	[tilespmem:s22], [sflag:$0x2] =	stream.linear.gather @!p1 [hbm4b:s21+s23], $0x80, $0x38;
	[tilespmem:$0x1C000] =	vst v63  }
0xda: {  	s21 =	simm.s32 @!p1 $0x6  }
0xdb: {  	_ =	swait.ge @!p1 [sflag:s21], $0x4000  }
0xdc: {  	[sflag:s21] =	ssyncset.done @!p1 $0x0  }
0xdd: {  	s22 =	simm.s32 @!p1 $0x400;
	[sflag:s21] =	ssyncadd.s32 @!p1 $0xFFFFC000;
	s21 =	simm.s32 @!p1 $0x300  }
0xde: {  	[spmem:s1] =	stream.indirect.scatter.add.f32 @!p1 [tilespmem:s22], [sflag:$0x8], $0x80, s21, s24, $0xb8;
	[tilespmem:$0x1C000] =	vst v63  }
0xdf: {  	s21 =	simm.s32 @!p1 $0x8  }
0xe0: {  	_ =	swait.ge @!p1 [sflag:s21], $0x4000  }
0xe1: {  	[sflag:s21] =	ssyncset.done @!p1 $0x0  }
0xe2: {  	[sflag:s21] =	ssyncadd.s32 @!p1 $0xFFFFC000;
	s21 =	simm.s32 @!p1 $0x1  }
0xe3: {  	_ =	swait.ge @!p1 [sflag:s21], $0x80  }
0xe4: {  	[sflag:s21] =	ssyncset.done @!p1 $0x0  }
0xe5: {  	[sflag:s21] =	ssyncadd.s32 @!p1 $0xFFFFFF80  }
0xe6: {  	_ =	swait.ge @!p1 [sflag:s21], $0x80  }
0xe7: {  	[sflag:s21] =	ssyncset.done @!p1 $0x0  }
0xe8: {  	[sflag:s21] =	ssyncadd.s32 @!p1 $0xFFFFFF80  }
0xe9: {  	[tilespmem:s22], [sflag:$0x6] =	stream.indirect.gather @!p1 [hbm4b:s5+s24], $0x80, s23, s24, $0xb8;
	[tilespmem:$0x1C000] =	vst v63  }
0xea: {  	_ =	swait.ge [sflag:s18], $0x4000  }
0xeb: {  	[sflag:s18] =	ssyncset.done $0x0  }
.Ltmp5:
0xec: {  	[sflag:s18] =	ssyncadd.s32 $0xFFFFC000;
	(pc) =	sbr.rel @p1 .LBB2_8-.Ltmp5, $4  }
0xed: {  	[spmem:s1] =	stream.indirect.scatter.add.f32 [tilespmem:s15], [sflag:$0x8], $0x80, s2, s28, $0xb8;
	[tilespmem:$0x1C000] =	vst v63  }
0xee: {  	_ =	swait.ge [sflag:s17], $0x4000  }
0xef: {  	[sflag:s17] =	ssyncset.done $0x0  }
0xf0: {  	[sflag:s17] =	ssyncadd.s32 $0xFFFFC000  }
0xf1: {  	_ =	swait.ge [sflag:s11], $0x80  }
0xf2: {  	s21 =	sadd.s32 $0xFFFFFF80, s20;
	[sflag:s11] =	ssyncset.done $0x0  }
0xf3: {  	s22 =	sand.u32 $0xFC00, s21;
	[sflag:s11] =	ssyncadd.s32 $0xFFFFFF80  }
0xf4: {  	s21 =	sand.u32 $0x300, s21;
	s22 =	sadd.s32 s10, s22;
	_ =	swait.ge [sflag:s11], $0x80  }
0xf5: {  	s21 =	sor.u32 s21, s22;
	[sflag:s11] =	ssyncset.done $0x0  }
0xf6: {  	s21 =	sshrl.u32 s21, $0x3;
	[sflag:s11] =	ssyncadd.s32 $0xFFFFFF80  }
0xf7: {  	[tilespmem:s15], [sflag:$0x7] =	stream.indirect.gather [hbm4b:s5+s28], $0x80, s28, s28, $0xb8;
	[tilespmem:$0x1C000] =	vst v63  }
0xf8: {  	s24 =	sadd.s32 s7, s21  }
0xf9: {  	[tilespmem:s30], [sflag:$0x3] =	stream.linear.gather [hbm4b:s24+s3], $0x80, $0x38;
	[tilespmem:$0x1C000] =	vst v63  }
0xfa: {  	s21 =	sadd.s32 s8, s21  }
0xfb: {  	[tilespmem:s31], [sflag:$0x3] =	stream.linear.gather [hbm4b:s21+s3], $0x80, $0x38;
	[tilespmem:$0x1C000] =	vst v63  }
0xfc: {  	_ =	swait.ge [sflag:s6], $0x80  }
0xfd: {  	s22 =	sand.u32 $0xFC00, s20;
	[sflag:s6] =	ssyncset.done $0x0  }
0xfe: {  	s23 =	sand.u32 $0x380, s20;
	s21 =	sadd.s32 s10, s22;
	[sflag:s6] =	ssyncadd.s32 $0xFFFFFF80  }
0xff: {  	s21 =	sor.u32 s23, s21;
	_ =	swait.ge [sflag:s6], $0x80  }
0x100: {  	s21 =	sshrl.u32 s21, $0x3;
	[sflag:s6] =	ssyncset.done $0x0  }
0x101: {  	s24 =	sadd.s32 s7, s21;
	[sflag:s6] =	ssyncadd.s32 $0xFFFFFF80  }
0x102: {  	[tilespmem:s0], [sflag:$0x4] =	stream.linear.gather [hbm4b:s24+s3], $0x80, $0x38;
	[tilespmem:$0x1C000] =	vst v63  }
0x103: {  	s21 =	sadd.s32 s8, s21  }
0x104: {  	[tilespmem:s2], [sflag:$0x4] =	stream.linear.gather [hbm4b:s21+s3], $0x80, $0x38;
	[tilespmem:$0x1C000] =	vst v63  }
0x105: {  	_ =	swait.ge [sflag:s12], $0x80  }
.Ltmp6:
0x106: {  	[sflag:s12] =	ssyncset.done $0x0;
	(pc) =	sbr.rel .LBB2_7-.Ltmp6, $4  }
0x107: {  	[sflag:s12] =	ssyncadd.s32 $0xFFFFFF80  }
0x108: {  	_ =	swait.ge [sflag:s12], $0x80  }
0x109: {  	[sflag:s12] =	ssyncset.done $0x0  }
0x10a: {  	s20 =	sadd.s32 $0x200, s20;
	[sflag:s12] =	ssyncadd.s32 $0xFFFFFF80  }
.LBB2_4:
.Ltmp7:
0x10b: {  	(pc) =	sbr.rel .LBB2_9-.Ltmp7, $2  }
0x10c: {  	_ =	sdelay $0x2  }
0x10d: {  	s20 =	rddreg [dreg:$0x4]  }
.LBB2_10:
0x10e: {  	_ =	sfence.sel $0x180000  }
0x10f: {  	[bflag:$0x0] =	sbarrier.arrive $0xFFFF  }
0x110: {  	_ =	strace $0x90000050  }
0x111: {  	s0 =	stileid.u32;
	[bflag:$0x2] =	sbarrier.arrive $0xFFFF  }
0x112: {  	p0 =	sne.s32 s0, $0x0;
	s0 =	rddreg [dreg:$0x2]  }
0x113: {  	s0 =	sadd.s32 @!p0 $0x100000, s0  }
0x114: {  	[sflag:s0] =	ssyncadd.tile.s32 @!p0 $0x1;
	_ =	shalt  }
.Lfunc_end2:
_tile_overlayer_lowered:
.L_overlay_start_2:
0x115: {  	(tag) =	ssettag $0x2  }
0x116: {  	s0 =	rddreg [dreg:$0x0];
	s2 =	stileid.u32  }
0x117: {  	s1 =	rddreg [dreg:$0x1];
	p0 =	sne.s32 s2, $0x0  }
0x118: {  	s3 =	rddreg [dreg:$0x2];
	[bflag:$0x3] =	sbarrier.arrive $0xFFFF;
	s2 =	simm.s32 @!p0 $0x1C08  }
0x119: {  	[timem:s3], [sflag:s2] =	dma.local @!p0 [hbm:s0], s1  }
0x11a: {  	s0 =	simm.s32 @!p0 $0x8  }
0x11b: {  	_ =	swait.ge @!p0 [sflag:s0], s1  }
0x11c: {  	s1 =	ssub.s32 @!p0 $0x0, s1;
	[sflag:s0] =	ssyncset.done @!p0 $0x0  }
0x11d: {  	[sflag:s0] =	ssyncadd.s32 @!p0 s1  }
0x11e: {  	[bflag:$0x3] =	sbarrier.arrive $0xFFFF  }
0x11f: {  	_ =	shalt  }

// kernel: scatter_offload_async_start.1
scs
__scs_entry_jumppad:
0x0: {  	(pc) =	sbr.rel $0x88, $3  }
0x1: {  	(tag) =	ssettag $0x0;
	lr =	simm.s32 $0x1  }
0x2: {  	[smem:$0x3F8F] =	sst lr;
	_ =	strace $0xD0000000  }
0x3: {  	_ = 	snop  }
0x4: {  	_ = 	snop  }
0x5: {  	_ = 	snop  }
0x6: {  	_ = 	snop  }
0x7: {  	_ = 	snop  }
__scs_overlays_trampoline_lowered:
0x8: {  	[smem:$0x3F9E] =	sst s0  }
0x9: {  	[smem:$0x3F9F] =	sst s1  }
0xa: {  	[smem:$0x3FA0] =	sst s2  }
0xb: {  	[smem:$0x3FA1] =	sst s3  }
0xc: {  	[smem:$0x3FA2] =	sst s4  }
0xd: {  	[smem:$0x3FA3] =	sst s5  }
0xe: {  	[smem:$0x3FA4] =	sst s6  }
0xf: {  	[smem:$0x3FA5] =	sst s7  }
0x10: {  	[smem:$0x3FA6] =	sst s8  }
0x11: {  	[smem:$0x3FA7] =	sst s9;
	s0 =	simm.s32 @!p0 $0x0  }
0x12: {  	s1 =	sld [smem:$0x3F8D];
	s0 =	simm.s32 @p0 $0x1  }
0x13: {  	[smem:$0x3FA8] =	sst s0;
	s0 =	simm.s32 @!p1 $0x0  }
0x14: {  	s2 =	sld [smem:$0x3F8C];
	s0 =	simm.s32 @p1 $0x1  }
0x15: {  	[smem:$0x3FA9] =	sst s0;
	s0 =	simm.s32 @!p2 $0x0  }
0x16: {  	s3 =	sld [smem:$0x3FDB];
	s0 =	simm.s32 @p2 $0x1  }
0x17: {  	s4 =	simm.s32 $0x1BF5;
	[smem:$0x3FAB] =	sst s0  }
0x18: {  	s0 =	sld [smem:$0x3F8E];
	_ =	swait.ge [sflag:s4], $0x0  }
0x19: {  	s7 =	sld [smem:$0x3F8F]  }
0x1a: {  	s8 =	sadd.s32 $0xFFFFE003, lr  }
0x1b: {  	s9 =	sadd.s32 $0xFFFFFEF7, lr;
	s5 =	simm.s32 $0xFFFFFFFF;
	p2 =	slt.u32 s8, $0xFFFFF086  }
0x1c: {  	p1 =	slt.u32 s9, $0xF7A;
	s5 =	simm.s32 @!p2 $0x0  }
0x1d: {  	s5 =	simm.s32 @p1 $0x1;
	p0 =	seq.s32 s7, s2  }
0x1e: {  	s7 =	smul.u32 @!p0 $0xF7A, s2;
	p2 =	seq.s32 @!p0 s5, $0x0  }
0x1f: {  	s9 =	smul.u32 $0xF7A, s1;
	s8 =	simm.s32 @!p0 $0x1BF5;
	p2 =	por !p2, p0  }
0x20: {  	[sflag:s8] =	ssyncset.s32 @!p0 $0xFFFFF086;
	s6 =	sadd.s32 @!p0 s3, s7;
	s7 =	simm.s32 @!p0 $0x108  }
0x21: {  	s3 =	sadd.s32 s3, s9;
	s6 =	sadd.s32 @!p0 $0x88, s6;
	s7 =	simm.s32 @p2 $0x1082  }
0x22: {  	[simem:s7], [sflag:s8] =	dma.local @!p0 [hbm:s6], $0xF7A  }
0x23: {  	s9 =	sor.u32 $0xD0000000, s2;
	s6 =	simm.s32 $0x108;
	_ =	swait.ge @!p0 [sflag:s8], $0x0  }
0x24: {  	s3 =	sadd.s32 $0x88, s3;
	s6 =	simm.s32 @!p1 $0x1082;
	[sflag:s4] =	ssyncset.s32 $0xFFFFF086  }
0x25: {  	[simem:s6], [sflag:s4] =	dma.local [hbm:s3], $0xF7A  }
0x26: {  	[smem:$0x3F8F] =	sst s1;
	(tag) =	ssettag s2;
	_ =	strace s9  }
0x27: {  	s1 =	sld [smem:$0x3F9F]  }
0x28: {  	s2 =	sld [smem:$0x3FA0]  }
0x29: {  	s4 =	sld [smem:$0x3FA2]  }
0x2a: {  	p0 =	seq.s32 s5, $0x0;
	s5 =	sld [smem:$0x3FA3]  }
0x2b: {  	s6 =	sld [smem:$0x3FA4]  }
0x2c: {  	s7 =	sld [smem:$0x3FA5]  }
0x2d: {  	s3 =	simm.s32 $0x108;
	s8 =	sld [smem:$0x3FA6]  }
0x2e: {  	s3 =	simm.s32 @!p0 $0x1082;
	s9 =	sld [smem:$0x3FA7]  }
0x2f: {  	lr =	sadd.s32 s0, s3;
	s0 =	sld [smem:$0x3F9E]  }
0x30: {  	s3 =	sld [smem:$0x3FA1]  }
0x31: {  	[smem:$0x3FAA] =	sst s10  }
0x32: {  	s10 =	sld [smem:$0x3FA8];
	_ =	sdelay $0x3  }
0x33: {  	p0 =	seq.s32 s10, $0x1;
	s10 =	sld [smem:$0x3FAA];
	_ =	sdelay $0x3  }
0x34: {  	[smem:$0x3FAA] =	sst s10  }
0x35: {  	s10 =	sld [smem:$0x3FA9];
	_ =	sdelay $0x3  }
0x36: {  	p1 =	seq.s32 s10, $0x1;
	s10 =	sld [smem:$0x3FAA];
	_ =	sdelay $0x3  }
0x37: {  	[smem:$0x3FAA] =	sst s10  }
0x38: {  	s10 =	sld [smem:$0x3FAB]  }
0x39: {  	_ = 	snop;
	(pc) =	sbr.ind lr, $3  }
0x3a: {  	_ = 	snop  }
0x3b: {  	_ = 	snop  }
0x3c: {  	p2 =	seq.s32 s10, $0x1;
	s10 =	sld [smem:$0x3FAA]  }
0x3d: {  	_ =	shalt  }
0x3e: {  	_ =	shalt  }
0x3f: {  	_ =	shalt  }
0x40: {  	_ =	shalt  }
0x41: {  	_ =	shalt  }
0x42: {  	_ =	shalt  }
0x43: {  	_ =	shalt  }
0x44: {  	_ =	shalt  }
0x45: {  	_ =	shalt  }
0x46: {  	_ =	shalt  }
0x47: {  	_ =	shalt  }
0x48: {  	_ =	shalt  }
0x49: {  	_ =	shalt  }
0x4a: {  	_ =	shalt  }
0x4b: {  	_ =	shalt  }
0x4c: {  	_ =	shalt  }
0x4d: {  	_ =	shalt  }
0x4e: {  	_ =	shalt  }
0x4f: {  	_ =	shalt  }
0x50: {  	_ =	shalt  }
0x51: {  	_ =	shalt  }
0x52: {  	_ =	shalt  }
0x53: {  	_ =	shalt  }
0x54: {  	_ =	shalt  }
0x55: {  	_ =	shalt  }
0x56: {  	_ =	shalt  }
0x57: {  	_ =	shalt  }
0x58: {  	_ =	shalt  }
0x59: {  	_ =	shalt  }
0x5a: {  	_ =	shalt  }
0x5b: {  	_ =	shalt  }
0x5c: {  	_ =	shalt  }
0x5d: {  	_ =	shalt  }
0x5e: {  	_ =	shalt  }
0x5f: {  	_ =	shalt  }
0x60: {  	_ =	shalt  }
0x61: {  	_ =	shalt  }
0x62: {  	_ =	shalt  }
0x63: {  	_ =	shalt  }
0x64: {  	_ =	shalt  }
0x65: {  	_ =	shalt  }
0x66: {  	_ =	shalt  }
0x67: {  	_ =	shalt  }
0x68: {  	_ =	shalt  }
0x69: {  	_ =	shalt  }
0x6a: {  	_ =	shalt  }
0x6b: {  	_ =	shalt  }
0x6c: {  	_ =	shalt  }
0x6d: {  	_ =	shalt  }
0x6e: {  	_ =	shalt  }
0x6f: {  	_ =	shalt  }
0x70: {  	_ =	shalt  }
0x71: {  	_ =	shalt  }
0x72: {  	_ =	shalt  }
0x73: {  	_ =	shalt  }
0x74: {  	_ =	shalt  }
0x75: {  	_ =	shalt  }
0x76: {  	_ =	shalt  }
0x77: {  	_ =	shalt  }
0x78: {  	_ =	shalt  }
0x79: {  	_ =	shalt  }
0x7a: {  	_ =	shalt  }
0x7b: {  	_ =	shalt  }
0x7c: {  	_ =	shalt  }
0x7d: {  	_ =	shalt  }
0x7e: {  	_ =	shalt  }
0x7f: {  	_ =	shalt  }
0x80: {  	_ =	shalt  }
0x81: {  	_ =	shalt  }
0x82: {  	_ =	shalt  }
0x83: {  	_ =	shalt  }
0x84: {  	_ =	shalt  }
0x85: {  	_ =	shalt  }
0x86: {  	_ =	shalt  }
0x87: {  	_ =	shalt  }
.Lfunc_end0:
.L_simem_size_0:
called_computation.1_lowered:
.L_overlay_start_0:
0x88: {  	s2 =	sld [smem:$0x3FD9]  }
0x89: {  	s3 =	sld [smem:$0x3FFE];
	_ =	sdelay $0x1  }
0x8a: {  	s1 =	srdreg.scid  }
0x8b: {  	s0 =	sand.u32 $0x1, s1  }
0x8c: {  	s12 =	sshll.u32 s0, $0xA;
	s2 =	sadd.s32 s3, s2  }
0x8d: {  	s2 =	sadd.s32 s2, s12  }
0x8e: {  	[smem:$0x3FB6] =	sst s2  }
0x8f: {  	_ = 	snop  }
0x90: {  	(tm) =	ssettm $0x1  }
0x91: {  	s13 =	sld [smem:$0x3FFB];
	_ =	sdelay $0x3  }
0x92: {  	_ =	strace s13  }
0x93: {  	s2 =	sld [smem:$0x3FFC];
	_ =	sdelay $0x3  }
0x94: {  	_ =	strace s2  }
0x95: {  	s2 =	sld [smem:$0x3FFD];
	_ =	sdelay $0x3  }
0x96: {  	_ =	strace s2  }
0x97: {  	_ =	strace $0x8FFFFFFF  }
0x98: {  	s14 =	sld [smem:$0x3FDB];
	_ =	sdelay $0x1  }
0x99: {  	s15 =	simm.s32 $_scs_section_size  }
0x9a: {  	s4 =	simm.s32 $_size__tile_overlayer_lowered;
	s5 =	simm.s32 $_tile_overlayer_lowered  }
0x9b: {  	s19 =	simm.s32 $0x1BFF;
	s17 =	sshll.u32 s5, $0x1;
	s6 =	sadd.s32 s15, s14  }
0x9c: {  	s20 =	simm.s32 $0x0;
	s16 =	sshll.u32 s4, $0x1;
	s18 =	sadd.s32 s17, s6  }
0x9d: {  	[timem:s20], [sflag:s19] =	dma.local [hbm:s18], s16  }
0x9e: {  	_ =	swait.ge [sflag:s19], s16  }
0x9f: {  	s3 =	ssub.s32 $0x0, s16;
	[sflag:s19] =	ssyncset.done $0x0  }
0xa0: {  	[sflag:s19] =	ssyncadd.s32 s3;
	_ =	sdelay $0x1  }
0xa1: {  	s21 =	simm.s32 $0x1B8B  }
0xa2: {  	_ =	swait.ge [sflag:s21], $0x1  }
0xa3: {  	[sflag:s21] =	ssyncset.done $0x0  }
0xa4: {  	[sflag:s21] =	ssyncadd.s32 $0xFFFFFFFF  }
0xa5: {  	s3 =	sld [smem:$0x0]  }
0xa6: {  	s4 =	sand.u32 $0xFFFFFFFE, s1  }
0xa7: {  	p0 =	sne.s32 s1, s4  }
0xa8: {  	s4 =	sshll.u32 @p0 s4, $0xE  }
0xa9: {  	s5 =	sadd.s32 @p0 $0x11B8D, s4;
	s7 =	sshll.u32 @p0 s3, $0x11  }
0xaa: {  	s5 =	sor.u32 @p0 s7, s5  }
0xab: {  	[sflag:s5] =	ssyncadd.remote.s32 @p0 $0x1;
	_ =	sdelay $0x1  }
0xac: {  	s5 =	simm.s32 @p0 $0x1B8D  }
0xad: {  	_ =	swait.eq @p0 [sflag:s5], $0x1  }
0xae: {  	[sflag:s5] =	ssyncadd.s32 @p0 $0xFFFFFFFF  }
0xaf: {  	s7 =	sshll.u32 @!p0 s1, $0xE  }
0xb0: {  	s7 =	sor.u32 @!p0 $0x4000, s7;
	s5 =	simm.s32 @!p0 $0x1B8D  }
0xb1: {  	s9 =	sshll.u32 @!p0 s3, $0x11;
	s8 =	sadd.s32 @!p0 $0x11B8D, s7;
	_ =	swait.eq @!p0 [sflag:s5], $0x1  }
0xb2: {  	[sflag:s5] =	ssyncadd.s32 @!p0 $0xFFFFFFFF;
	s5 =	sor.u32 @!p0 s9, s8  }
0xb3: {  	s23 =	simm.s32 $0x1B8E;
	s22 =	sld [smem:$0x3FFE];
	[sflag:s5] =	ssyncadd.remote.s32 @!p0 $0x1  }
0xb4: {  	s24 =	simm.s32 $execute0_lowered;
	[smem:$0x3FD2] =	sst s23  }
0xb5: {  	s8 =	sshll.u32 s24, $0x1;
	_ =	strace $0x80000052;
	[dreg:$0x1] =	wrdreg $0xFFFFFFFF  }
0xb6: {  	s25 =	simm.s32 $_size_execute0_lowered;
	s8 =	sadd.s32 s6, s8;
	[dreg:$0x0] =	wrdreg $0x0  }
0xb7: {  	s9 =	sshll.u32 s25, $0x1;
	[dreg:$0x2] =	wrdreg s8  }
0xb8: {  	[dreg:$0x3] =	wrdreg s9  }
0xb9: {  	[dreg:$0x4] =	wrdreg $0xC0  }
0xba: {  	s26 =	simm.s32 $execute1_lowered;
	_ =	task [dreg:s20], $0x5FFFF  }
0xbb: {  	s8 =	sshll.u32 s26, $0x1;
	[dreg:$0x1] =	wrdreg $0xFFFFFFFF  }
0xbc: {  	s6 =	sadd.s32 s6, s8;
	[dreg:$0x0] =	wrdreg $0x60  }
0xbd: {  	[dreg:$0x2] =	wrdreg s6  }
0xbe: {  	[dreg:$0x3] =	wrdreg s22  }
0xbf: {  	[dreg:$0x4] =	wrdreg $0xA  }
0xc0: {  	_ =	task.clear_ibuf [dreg:s20], $0x5FFFF;
	_ =	strace $0x90000052  }
0xc1: {  	s28 =	simm.s32 $0xA;
	_ =	strace $0x80000054  }
0xc2: {  	_ =	swait.ge [sflag:s28], $0x1  }
0xc3: {  	[sflag:s28] =	ssyncadd.s32 $0xFFFFFFFF  }
0xc4: {  	_ =	strace $0x90000054  }
0xc5: {  	s6 =	sld [smem:$0x0];
	_ =	sdelay $0x3  }
0xc6: {  	s4 =	sadd.s32 @p0 $0x11BF3, s4;
	s8 =	sshll.u32 @p0 s6, $0x11  }
0xc7: {  	s4 =	sor.u32 @p0 s8, s4  }
0xc8: {  	[sflag:s4] =	ssyncadd.remote.s32 @p0 $0x1;
	_ =	sdelay $0x1  }
0xc9: {  	s4 =	simm.s32 @p0 $0x1BF3  }
0xca: {  	_ =	swait.eq @p0 [sflag:s4], $0x1  }
0xcb: {  	[sflag:s4] =	ssyncadd.s32 @p0 $0xFFFFFFFF;
	_ =	sdelay $0x1  }
0xcc: {  	s4 =	simm.s32 @!p0 $0x1BF3  }
0xcd: {  	s7 =	sadd.s32 @!p0 $0x11BF3, s7;
	s6 =	sshll.u32 @!p0 s6, $0x11;
	_ =	swait.eq @!p0 [sflag:s4], $0x1  }
0xce: {  	[sflag:s4] =	ssyncadd.s32 @!p0 $0xFFFFFFFF;
	s4 =	sor.u32 @!p0 s6, s7  }
0xcf: {  	[sflag:s4] =	ssyncadd.remote.s32 @!p0 $0x1  }
0xd0: {  	_ =	strace $0x80000055;
	[dreg:$0x1] =	wrdreg $0xFFFFFFFF  }
0xd1: {  	[dreg:$0x0] =	wrdreg $0x2030  }
0xd2: {  	[dreg:$0x2] =	wrdreg s22  }
0xd3: {  	[dreg:$0x3] =	wrdreg s1  }
0xd4: {  	[dreg:$0x4] =	wrdreg s3  }
0xd5: {  	[dreg:$0x5] =	wrdreg $0xB  }
0xd6: {  	_ =	task.clear_ibuf [dreg:s20], $0x6FFFF;
	_ =	strace $0x90000055  }
0xd7: {  	s29 =	simm.s32 $0xB;
	_ =	strace $0x80000057  }
0xd8: {  	_ =	swait.ge [sflag:s29], $0x1  }
0xd9: {  	[sflag:s29] =	ssyncadd.s32 $0xFFFFFFFF  }
0xda: {  	_ =	strace $0x90000057  }
0xdb: {  	_ =	sfence  }
0xdc: {  	s30 =	sld [smem:$0x0];
	_ =	sdelay $0x2  }
0xdd: {  	s31 =	sshll.u32 s1, $0xD;
	s1 =	sshrl.u32 s1, $0x2  }
0xde: {  	s4 =	sand.u32 $0x4000, s31;
	s1 =	sadd.s32 s1, s30  }
0xdf: {  	s0 =	sor.u32 s4, s0;
	s1 =	sshll.u32 s1, $0x11  }
0xe0: {  	s0 =	sor.u32 s1, s0  }
0xe1: {  	s0 =	sadd.s32 $0x8F2B, s0  }
0xe2: {  	[sflag:s0] =	ssyncadd.remote.s32 $0x1  }
0xe3: {  	_ =	sfence.sel $0xFFFF  }
0xe4: {  	[dreg:$0x0] =	wrdreg $0xFFFFFFFF;
	(pc) =	sbr.abs _section_cstart, $3  }
0xe5: {  	[dreg:$0x1] =	wrdreg $0xFFFFFFFF  }
0xe6: {  	_ =	task.clear_ibuf [dreg:s20], $0x2FFFF;
	_ =	strace $0x9FFFFFFF  }
0xe7: {  	(tm) =	ssettm $0x7FFFFFFF  }
tec
execute0_lowered:
.L_overlay_start_1:
0x0: {  	(tag) =	ssettag $0x1  }
0x1: {  	s2 =	rddreg [dreg:$0x0]  }
0x2: {  	s4 =	rddreg [dreg:$0x1]  }
0x3: {  	s0 =	rddreg [dreg:$0x2];
	s3 =	stileid.u32  }
0x4: {  	[bflag:$0x3] =	sbarrier.arrive $0xFFFF;
	s1 =	simm.s32 $_size_execute1_lowered;
	s29 =	srdreg.scid  }
0x5: {  	s7 =	simm.s32 $0x2;
	s8 =	simm.s32 $0x0;
	p0 =	sne.s32 s3, $0x0  }
0x6: {  	s1 =	sshll.u32 s1, $0x1;
	s5 =	simm.s32 @!p0 $0x1C3F;
	s6 =	simm.s32 @!p0 $0x4060  }
0x7: {  	[timem:s6], [sflag:s5] =	dma.local @!p0 [hbm:s2], s1  }
0x8: {  	s12 =	simm.s32 $0x0;
	s10 =	simm.s32 $0x0;
	s2 =	sshll.u32 s29, $0x7  }
.Ltmp0:
0x9: {  	s3 =	sshll.u32 s3, $0x8;
	s30 =	sand.u32 $0x80, s2;
	(pc) =	sbr.rel .LBB2_1-.Ltmp0, $4  }
0xa: {  	s11 =	simm.s32 $0x0;
	_ =	strace $0x80000053;
	s3 =	sor.u32 s3, s30  }
0xb: {  	s5 =	simm.s32 $0x1;
	s2 =	sadd.s32 $0xA53400, s4;
	s31 =	ssub.s32 $0x2700, s3  }
0xc: {  	s4 =	sadd.s32 $0xB22000, s4;
	[sflag:s5] =	ssyncpa.u1 $0x0;
	s6 =	sshrl.u32 s31, $0xC  }
0xd: {  	[sflag:s7] =	ssyncpa.u1 $0x0;
	s9 =	smov.u32 s3;
	s7 =	sadd.s32 $0x2, s6  }
.LBB2_4:
0xe: {  	_ = 	snop  }
.LBB2_7:
0xf: {  	_ =	sdelay $0x3  }
0x10: {  	[tilespmem:v0+s16+$0x0 ss:$0x1] =	vst.idx.msk @p1 $0xffff, v2  }
0x11: {  	v56 =	vld.idx.msk [tilespmem:v1+s15+$0x0 ss:$0x1], $0xffff;
	s24 =	sor.u32 $0x70, s15;
	[tilespmem:v0+s17+$0x0 ss:$0x1] =	vst.idx.msk @p1 $0xffff, v4  }
0x12: {  	s25 =	sor.u32 $0x10, s15;
	[tilespmem:v0+s18+$0x0 ss:$0x1] =	vst.idx.msk @p1 $0xffff, v3;
	v57 =	vld.idx.msk [tilespmem:v1+s24+$0x0 ss:$0x1], $0xffff  }
0x13: {  	s26 =	sor.u32 $0x20, s15;
	[tilespmem:v0+s19+$0x0 ss:$0x1] =	vst.idx.msk @p1 $0xffff, v5;
	v58 =	vld.idx.msk [tilespmem:v1+s25+$0x0 ss:$0x1], $0xffff  }
0x14: {  	s28 =	sor.u32 $0x30, s15;
	[tilespmem:v0+s20+$0x0 ss:$0x1] =	vst.idx.msk @p1 $0xffff, v6;
	v59 =	vld.idx.msk [tilespmem:v1+s26+$0x0 ss:$0x1], $0xffff  }
0x15: {  	s29 =	sor.u32 $0x40, s15;
	[tilespmem:v0+s21+$0x0 ss:$0x1] =	vst.idx.msk @p1 $0xffff, v7;
	v60 =	vld.idx.msk [tilespmem:v1+s28+$0x0 ss:$0x1], $0xffff  }
0x16: {  	s30 =	sor.u32 $0x50, s15;
	v61 =	vld.idx.msk [tilespmem:v1+s29+$0x0 ss:$0x1], $0xffff;
	[tilespmem:v0+s15+$0x0 ss:$0x1] =	vst.idx.msk $0xffff, v56  }
0x17: {  	s31 =	sor.u32 $0x60, s15;
	v62 =	vld.idx.msk [tilespmem:v1+s30+$0x0 ss:$0x1], $0xffff;
	[tilespmem:v0+s24+$0x0 ss:$0x1] =	vst.idx.msk $0xffff, v57  }
0x18: {  	v63 =	vld.idx.msk [tilespmem:v1+s31+$0x0 ss:$0x1], $0xffff;
	[tilespmem:v0+s25+$0x0 ss:$0x1] =	vst.idx.msk $0xffff, v58  }
0x19: {  	[tilespmem:v0+s26+$0x0 ss:$0x1] =	vst.idx.msk $0xffff, v59  }
0x1a: {  	[tilespmem:v0+s28+$0x0 ss:$0x1] =	vst.idx.msk $0xffff, v60  }
0x1b: {  	[tilespmem:v0+s29+$0x0 ss:$0x1] =	vst.idx.msk $0xffff, v61  }
0x1c: {  	[tilespmem:v0+s30+$0x0 ss:$0x1] =	vst.idx.msk $0xffff, v62  }
0x1d: {  	[tilespmem:v0+s31+$0x0 ss:$0x1] =	vst.idx.msk $0xffff, v63  }
.LBB2_8:
0x1e: {  	s15 =	sand.u32 $0x1FFFFFF, s10  }
0x1f: {  	s16 =	smulhi.u32 $0x1A36E2F, s15;
	_ =	sdelay $0x1  }
0x20: {  	s16 =	sshrl.u32 s16, $0x6  }
0x21: {  	s16 =	smul.u32 $0x2710, s16;
	_ =	sdelay $0x1  }
0x22: {  	s15 =	ssub.s32 s15, s16  }
0x23: {  	s15 =	sshll.u32 s15, $0x4  }
0x24: {  	s15 =	sadd.s32 s4, s15  }
0x25: {  	[hbm4b:s15+s8] =	stream.linear.scatter [tilespmem:s14], [sflag:$0x2], s13, $0x38;
	[tilespmem:$0x10000] =	vst v63  }
.LBB2_9:
0x26: {  	p1 =	slt.u32 s11, $0x2  }
0x27: {  	p2 =	sgt.s32 @!p1 s12, $0x2690  }
0x28: {  	s13 =	smov.u32 s12;
	s14 =	sshra.s32 @!p1 s12, $0x1F;
	p2 =	por !p2, p1  }
0x29: {  	s12 =	sand.u32 @!p1 s14, s12;
	s13 =	simm.s32 @p2 $0x2690  }
0x2a: {  	s12 =	ssub.s32 @!p1 s13, s12  }
0x2b: {  	s12 =	sadd.s32 @!p1 $0xFFFFD970, s12  }
0x2c: {  	s13 =	sshll.u32 @!p1 s12, $0x9  }
0x2d: {  	p2 =	sgt.s32 @!p1 s12, $0x7F;
	s12 =	ssub.s32 @!p1 $0x10000, s13  }
0x2e: {  	s14 =	sadd.s32 $0x1000, s9;
	p2 =	por !p2, p1;
	s12 =	sshrl.u32 @!p1 s12, $0x2  }
0x2f: {  	s12 =	simm.s32 @!p2 $0x0;
	p2 =	sgt.s32 s14, $0x270F  }
0x30: {  	s14 =	smov.u32 @p2 s3;
	p2 =	sne.s32 s11, s7  }
.Ltmp1:
0x31: {  	_ = 	snop;
	(pc) =	sbr.rel @!p2 .LBB2_10-.Ltmp1, $4  }
0x32: {  	s13 =	simm.s32 @!p1 $0x2  }
0x33: {  	_ =	swait.ge @!p1 [sflag:s13], s12;
	s15 =	ssub.s32 @!p1 $0x0, s12  }
0x34: {  	s12 =	smov.u32 s10;
	s11 =	sadd.s32 $0x1, s11;
	[sflag:s13] =	ssyncset.done @!p1 $0x0  }
0x35: {  	s10 =	smov.u32 s9;
	s9 =	smov.u32 s14;
	[sflag:s13] =	ssyncadd.s32 @!p1 s15  }
.LBB2_1:
0x36: {  	p1 =	sgt.u32 s11, s6  }
0x37: {  	s13 =	sand.u32 @!p1 $0x1FFFFFF, s9  }
0x38: {  	p2 =	sgt.s32 @!p1 s9, $0x2690;
	s14 =	smulhi.u32 @!p1 $0x1A36E2F, s13  }
0x39: {  	s15 =	smov.u32 s9;
	s16 =	sshra.s32 @!p1 s9, $0x1F;
	p2 =	por !p2, p1  }
0x3a: {  	s16 =	sand.u32 @!p1 s16, s9;
	s15 =	simm.s32 @p2 $0x2690;
	s14 =	sshrl.u32 @!p1 s14, $0x6  }
0x3b: {  	s15 =	ssub.s32 @!p1 s15, s16;
	s14 =	smul.u32 @!p1 $0x2710, s14  }
0x3c: {  	s16 =	sxor.u32 @!p1 $0xFFFFFFFF, s11;
	s15 =	sadd.s32 @!p1 $0xFFFFD970, s15  }
0x3d: {  	s16 =	sshll.u32 @!p1 s16, $0xE;
	s13 =	ssub.s32 @!p1 s13, s14;
	s14 =	sshll.u32 @!p1 s15, $0x9  }
0x3e: {  	s16 =	sand.u32 @!p1 $0x4000, s16;
	p2 =	sgt.s32 @!p1 s15, $0x7F;
	s14 =	ssub.s32 @!p1 $0x10000, s14  }
0x3f: {  	p2 =	por !p2, p1;
	s13 =	sshll.u32 @!p1 s13, $0x4;
	s14 =	sshrl.u32 @!p1 s14, $0x2  }
0x40: {  	s15 =	simm.s32 @!p1 $0x0;
	s13 =	sadd.s32 @!p1 s2, s13;
	s14 =	simm.s32 @!p2 $0x0  }
0x41: {  	[tilespmem:s16], [sflag:$0x1] =	stream.linear.gather @!p1 [hbm4b:s13+s15], s14, $0x38;
	[tilespmem:$0x10000] =	vst v63  }
0x42: {  	p1 =	seq.s32 s11, $0x0  }
0x43: {  	p2 =	sge.u32 @!p1 s11, s7  }
0x44: {  	p1 =	por p1, p2  }
.Ltmp2:
0x45: {  	_ = 	snop;
	(pc) =	sbr.rel @p1 .LBB2_9-.Ltmp2, $1  }
0x46: {  	_ =	sdelay $0x3  }
0x47: {  	p1 =	sgt.s32 s10, $0x2690;
	s13 =	smov.u32 s10;
	s14 =	sshra.s32 s10, $0x1F  }
0x48: {  	s13 =	simm.s32 @!p1 $0x2690;
	s14 =	sand.u32 s14, s10  }
0x49: {  	s13 =	ssub.s32 s13, s14  }
0x4a: {  	s13 =	sadd.s32 $0xFFFFD970, s13  }
0x4b: {  	s31 =	sshll.u32 s13, $0x9  }
0x4c: {  	s14 =	ssub.s32 $0x10000, s31  }
0x4d: {  	p1 =	sgt.s32 s13, $0x7F;
	s13 =	sshrl.u32 s14, $0x2;
	s14 =	sadd.s32 $0x80, s10  }
0x4e: {  	s13 =	simm.s32 @p1 $0x0;
	p1 =	slt.s32 s14, $0x2710  }
0x4f: {  	s14 =	simm.s32 @!p1 $0x2710  }
0x50: {  	s16 =	ssub.s32 s14, s10  }
0x51: {  	p1 =	slt.s32 s16, $0x1  }
.Ltmp3:
0x52: {  	_ = 	snop;
	(pc) =	sbr.rel @p1 .LBB2_8-.Ltmp3, $4  }
0x53: {  	_ = 	snop  }
0x54: {  	s15 =	sshll.u32 s11, $0xE;
	_ =	swait.ge [sflag:s5], s13  }
0x55: {  	s15 =	sand.u32 $0x4000, s15;
	s17 =	ssub.s32 $0x0, s13;
	[sflag:s5] =	ssyncset.done $0x0  }
0x56: {  	s14 =	sor.u32 $0x8000, s15;
	[sflag:s5] =	ssyncadd.s32 s17  }
0x57: {  	p2 =	sne.s32 s16, $0x1  }
.Ltmp4:
0x58: {  	v1 =	vmov s15;
	v0 =	vmov s14;
	(pc) =	sbr.rel @!p2 .LBB2_4-.Ltmp4, $3  }
0x59: {  	_ =	sdelay $0x1  }
0x5a: {  	s17 =	simm.s32 $0x0  }
0x5b: {  	s23 =	sadd.s32 $0xFFFFFFFF, s16;
	p1 =	por $0x0, $0x0;
	s15 =	sand.u32 $0x3F80, s17  }
0x5c: {  	_ =	sdelay $0x3  }
0x5d: {  	v6 =	vld.idx.msk [tilespmem:v1+s15+$0x0 ss:$0x1], $0xffff;
	s24 =	sor.u32 $0x70, s15  }
0x5e: {  	s16 =	sor.u32 $0x10, s15;
	v8 =	vld.idx.msk [tilespmem:v1+s24+$0x0 ss:$0x1], $0xffff  }
0x5f: {  	s17 =	sor.u32 $0x20, s15;
	p2 =	sne.s32 s23, $0x1;
	v2 =	vld.idx.msk [tilespmem:v1+s16+$0x0 ss:$0x1], $0xffff  }
.Ltmp5:
0x60: {  	s18 =	sor.u32 $0x30, s15;
	v4 =	vld.idx.msk [tilespmem:v1+s17+$0x0 ss:$0x1], $0xffff;
	(pc) =	sbr.rel @!p2 .LBB2_7-.Ltmp5, $4  }
0x61: {  	s19 =	sor.u32 $0x40, s15;
	v3 =	vld.idx.msk [tilespmem:v1+s18+$0x0 ss:$0x1], $0xffff  }
0x62: {  	s21 =	sor.u32 $0x60, s15;
	v5 =	vld.idx.msk [tilespmem:v1+s19+$0x0 ss:$0x1], $0xffff  }
0x63: {  	s20 =	sor.u32 $0x50, s15;
	s22 =	simm.s32 $0x80;
	v7 =	vld.idx.msk [tilespmem:v1+s21+$0x0 ss:$0x1], $0xffff;
	[tilespmem:v0+s15+$0x0 ss:$0x1] =	vst.idx.msk $0xffff, v6  }
0x64: {  	s23 =	sadd.s32 $0xFFFFFFFF, s23;
	p1 =	por $0x1, $0x1;
	v6 =	vld.idx.msk [tilespmem:v1+s20+$0x0 ss:$0x1], $0xffff;
	s15 =	sand.u32 $0x3F80, s22;
	[tilespmem:v0+s24+$0x0 ss:$0x1] =	vst.idx.msk $0xffff, v8  }
.LBB2_6:
0x65: {  	p2 =	sne.s32 s23, $0x1;
	v8 =	vld.idx.msk [tilespmem:v1+s15+$0x0 ss:$0x1], $0xffff;
	s24 =	sor.u32 $0x70, s15;
	[tilespmem:v0+s16+$0x0 ss:$0x1] =	vst.idx.msk $0xffff, v2;
	s16 =	sor.u32 $0x10, s15  }
0x66: {  	s25 =	sor.u32 $0x30, s15;
	s26 =	sor.u32 $0x40, s15;
	v9 =	vld.idx.msk [tilespmem:v1+s24+$0x0 ss:$0x1], $0xffff;
	[tilespmem:v0+s17+$0x0 ss:$0x1] =	vst.idx.msk $0xffff, v4;
	s17 =	sor.u32 $0x20, s15  }
0x67: {  	s28 =	sor.u32 $0x50, s15;
	s29 =	sor.u32 $0x60, s15;
	v2 =	vld.idx.msk [tilespmem:v1+s16+$0x0 ss:$0x1], $0xffff;
	[tilespmem:v0+s18+$0x0 ss:$0x1] =	vst.idx.msk $0xffff, v3;
	s18 =	smov.u32 s25  }
.Ltmp6:
0x68: {  	v4 =	vld.idx.msk [tilespmem:v1+s17+$0x0 ss:$0x1], $0xffff;
	[tilespmem:v0+s19+$0x0 ss:$0x1] =	vst.idx.msk $0xffff, v5;
	s19 =	smov.u32 s26;
	(pc) =	sbr.rel @p2 .LBB2_6-.Ltmp6, $4  }
0x69: {  	v3 =	vld.idx.msk [tilespmem:v1+s18+$0x0 ss:$0x1], $0xffff;
	[tilespmem:v0+s20+$0x0 ss:$0x1] =	vst.idx.msk $0xffff, v6;
	s20 =	smov.u32 s28  }
0x6a: {  	v5 =	vld.idx.msk [tilespmem:v1+s19+$0x0 ss:$0x1], $0xffff;
	[tilespmem:v0+s21+$0x0 ss:$0x1] =	vst.idx.msk $0xffff, v7;
	s21 =	smov.u32 s29  }
0x6b: {  	s22 =	sadd.s32 $0x80, s22;
	[tilespmem:v0+s15+$0x0 ss:$0x1] =	vst.idx.msk $0xffff, v8;
	v6 =	vld.idx.msk [tilespmem:v1+s20+$0x0 ss:$0x1], $0xffff  }
0x6c: {  	s23 =	sadd.s32 $0xFFFFFFFF, s23;
	s15 =	sand.u32 $0x3F80, s22;
	v7 =	vld.idx.msk [tilespmem:v1+s21+$0x0 ss:$0x1], $0xffff;
	[tilespmem:v0+s24+$0x0 ss:$0x1] =	vst.idx.msk $0xffff, v9  }
.Ltmp7:
0x6d: {  	_ = 	snop;
	(pc) =	sbr.rel .LBB2_7-.Ltmp7, $1  }
0x6e: {  	_ =	sdelay $0x3  }
.LBB2_10:
0x6f: {  	_ =	sfence.sel $0x180000  }
0x70: {  	s2 =	simm.s32 $0x1;
	[bflag:$0x0] =	sbarrier.arrive $0xFFFF  }
0x71: {  	s31 =	simm.s32 $0x2;
	[sflag:s2] =	ssyncpa.u1 $0x1  }
0x72: {  	[sflag:s31] =	ssyncpa.u1 $0x1  }
0x73: {  	_ =	strace $0x90000053  }
0x74: {  	s0 =	sadd.s32 @!p0 $0x100000, s0;
	[bflag:$0x2] =	sbarrier.arrive $0xFFFF  }
0x75: {  	[sflag:s0] =	ssyncadd.tile.s32 @!p0 $0x1;
	s0 =	simm.s32 @!p0 $0x3F  }
0x76: {  	_ =	swait.ge @!p0 [sflag:s0], s1  }
0x77: {  	s1 =	ssub.s32 @!p0 $0x0, s1;
	[sflag:s0] =	ssyncset.done @!p0 $0x0  }
0x78: {  	[sflag:s0] =	ssyncadd.s32 @!p0 s1  }
0x79: {  	[bflag:$0x3] =	sbarrier.arrive $0xFFFF  }
0x7a: {  	_ =	shalt  }
.Lfunc_end2:
execute1_lowered:
.L_overlay_start_2:
0x7b: {  	(tag) =	ssettag $0x2  }
0x7c: {  	s2 =	rddreg [dreg:$0x0]  }
0x7d: {  	s3 =	rddreg [dreg:$0x1];
	_ =	strace $0x80000056;
	s0 =	simm.s32 $0x1  }
0x7e: {  	v0 =	vimm.s32 $0x0;
	[sflag:s0] =	ssyncpa.u1 $0x0;
	s0 =	simm.s32 $0x108  }
0x7f: {  	[tilespmem:s0+$0x70] =	vst v0  }
0x80: {  	[tilespmem:s0+$0x60] =	vst v0  }
0x81: {  	[tilespmem:s0+$0x50] =	vst v0  }
0x82: {  	[tilespmem:s0+$0x40] =	vst v0  }
0x83: {  	[tilespmem:s0+$0x30] =	vst v0  }
0x84: {  	s1 =	sadd.s32 $0xB22000, s2;
	s15 =	sadd.s32 $0x23600, s2;
	s6 =	sadd.s32 $0x567600, s2;
	[tilespmem:s0+$0x20] =	vst v0  }
0x85: {  	s14 =	sadd.s32 $0x2D400, s2;
	s5 =	sand.u32 $0x1, s3;
	s3 =	simm.s32 $0x40;
	[tilespmem:s0+$0x10] =	vst v0  }
.LBB3_1:
0x86: {  	s3 =	sadd.s32 $0x40, s3;
	[tilespmem:s0+$0x0] =	vst v0;
	s0 =	sadd.s32 $0x80, s0  }
0x87: {  	p0 =	slt.u32 s3, $0x3C40;
	[tilespmem:s0+$0x70] =	vst v0  }
0x88: {  	[tilespmem:s0+$0x60] =	vst v0  }
.Ltmp8:
0x89: {  	[tilespmem:s0+$0x50] =	vst v0;
	(pc) =	sbr.rel @p0 .LBB3_1-.Ltmp8, $4  }
0x8a: {  	[tilespmem:s0+$0x40] =	vst v0  }
0x8b: {  	[tilespmem:s0+$0x30] =	vst v0  }
0x8c: {  	[tilespmem:s0+$0x20] =	vst v0  }
0x8d: {  	[tilespmem:s0+$0x10] =	vst v0  }
0x8e: {  	s9 =	stileid.u32  }
0x8f: {  	s2 =	smul.u32 $0x29, s9  }
0x90: {  	s3 =	smin.u32 s9, $0xB  }
0x91: {  	s2 =	sadd.s32 s3, s2  }
0x92: {  	p0 =	slt.u32 s9, $0xB;
	s7 =	smul.u32 $0xF0, s2;
	s2 =	simm.s32 $0x2760  }
0x93: {  	s2 =	simm.s32 @!p0 $0x2670  }
0x94: {  	s2 =	sadd.s32 s2, s7  }
0x95: {  	s8 =	smin.u32 s2, $0x27100  }
0x96: {  	s2 =	ssub.s32 s8, s7  }
0x97: {  	p0 =	sgt.s32 s2, $0x0  }
0x98: {  	s29 =	simm.s32 $0x2;
	s10 =	simm.s32 $0x9;
	s2 =	simm.s32 @!p0 $0x0  }
0x99: {  	s4 =	simm.s32 $0xA;
	s11 =	simm.s32 $0xB;
	s28 =	smulhi.u32 $0x88888889, s2  }
0x9a: {  	[dreg:$0x4] =	wrdreg s5;
	s31 =	smul.u32 $0x4E20, s5;
	s12 =	simm.s32 $0x1  }
0x9b: {  	s22 =	simm.s32 $0x0;
	s18 =	simm.s32 $0xC;
	s30 =	sshrl.u32 s28, $0x7  }
0x9c: {  	s20 =	simm.s32 $0x0;
	s21 =	simm.s32 $0x0;
	s3 =	smul.u32 $0xF0, s30  }
.Ltmp9:
0x9d: {  	[tilespmem:s0+$0x0] =	vst v0;
	v0 =	vimm.s32 $0xFFFFFFFF;
	[sflag:s29] =	ssyncpa.u1 $0x0;
	s16 =	sshll.u32 s9, $0x8;
	(pc) =	sbr.rel .LBB3_3-.Ltmp9, $4  }
0x9e: {  	[tilespmem:$0xF208] =	vst v0;
	[sflag:s10] =	ssyncpa.u1 $0x0;
	p0 =	sne.s32 s2, s3;
	s2 =	simm.s32 $0x1  }
0x9f: {  	s14 =	sadd.s32 s31, s14;
	[sflag:s4] =	ssyncpa.u1 $0x0;
	s2 =	simm.s32 @!p0 $0x0  }
0xa0: {  	s15 =	sadd.s32 s31, s15;
	[sflag:s11] =	ssyncpa.u1 $0x0;
	s13 =	sadd.s32 s2, s30  }
0xa1: {  	v0 =	vlaneseq.u32;
	s19 =	smov.u32 s7;
	p0 =	por $0x0, $0x0;
	s17 =	sadd.s32 $0x1, s13  }
.LBB3_18:
0xa2: {  	s0 =	sshrl.u32 s31, $0x2  }
.LBB3_20:
0xa3: {  	_ =	swait.ge [sflag:s18], s0  }
0xa4: {  	s31 =	ssub.s32 $0x0, s0;
	v1 =	vmov s24;
	vm0 =	veq.s32 v0, $0x0;
	[sflag:s18] =	ssyncset.done $0x0  }
0xa5: {  	vm15 =	veq.s32 v0, $0x2;
	v1 =	vsel vm0, s30, v1;
	[sflag:s18] =	ssyncadd.s32 s31  }
0xa6: {  	v1 =	vsel vm15, s22, v1;
	[sflag:s18] =	ssyncpa.u1 $0x1  }
0xa7: {  	[tilespmem:$0xF208] =	vst v1  }
.LBB3_21:
0xa8: {  	s0 =	sadd.s32 $0xF0, s19  }
0xa9: {  	s2 =	smov.u32 s7;
	p1 =	slt.s32 s0, s8  }
0xaa: {  	s2 =	smov.u32 @p1 s0;
	p1 =	sne.s32 s21, s17  }
.Ltmp10:
0xab: {  	_ = 	snop;
	(pc) =	sbr.rel @!p1 .LBB3_22-.Ltmp10, $3  }
0xac: {  	_ =	sdelay $0x1  }
0xad: {  	s22 =	smov.u32 s20;
	s31 =	sadd.s32 $0x1, s21;
	s20 =	smov.u32 s19  }
0xae: {  	p0 =	por !p0, !p0;
	s21 =	smov.u32 s31;
	s19 =	smov.u32 s2  }
.LBB3_3:
0xaf: {  	p1 =	sge.u32 s21, s13  }
0xb0: {  	s0 =	smulhi.u32 @!p1 $0xAAAAAAAB, s21  }
0xb1: {  	s2 =	smov.u32 s19;
	p2 =	sgt.s32 @!p1 s19, $0x27010  }
0xb2: {  	s3 =	sshra.s32 @!p1 s19, $0x1F;
	p2 =	por !p2, p1;
	s0 =	sshrl.u32 @!p1 s0, $0x1  }
0xb3: {  	s3 =	sand.u32 @!p1 s3, s19;
	s2 =	simm.s32 @p2 $0x27010;
	s0 =	smul.u32 @!p1 $0x3, s0  }
0xb4: {  	s2 =	ssub.s32 @!p1 s2, s3  }
0xb5: {  	s2 =	sadd.s32 @!p1 $0xFFFD8FF0, s2;
	s0 =	ssub.s32 @!p1 s21, s0  }
0xb6: {  	s3 =	sshll.u32 @!p1 s2, $0x2;
	p2 =	sgt.s32 @!p1 s2, $0xEF;
	s0 =	smul.u32 @!p1 $0x3C0, s0  }
0xb7: {  	s4 =	sand.u32 @!p1 $0x7, s19;
	s2 =	ssub.s32 @!p1 $0x3C0, s3;
	p2 =	por !p2, p1  }
0xb8: {  	s3 =	sshrl.u32 @!p1 s19, $0x3;
	s2 =	sshrl.u32 @!p1 s2, $0x2;
	s0 =	sshrl.u32 @!p1 s0, $0x2  }
0xb9: {  	s3 =	sadd.s32 @!p1 s3, s14;
	s2 =	simm.s32 @!p2 $0x0;
	s0 =	sadd.s32 @!p1 $0x10248, s0  }
0xba: {  	[tilespmem:s0], [sflag:$0xA] =	stream.linear.gather @!p1 [hbm4b:s3+s4], s2, $0x38;
	[tilespmem:$0x1F6F8] =	vst v63  }
0xbb: {  	s0 =	sadd.s32 $0xFFFFFFFF, s21  }
0xbc: {  	p1 =	sge.u32 s0, s13  }
0xbd: {  	p2 =	sgt.s32 @!p1 s20, $0x27010  }
0xbe: {  	s2 =	smov.u32 s20;
	s3 =	sshra.s32 @!p1 s20, $0x1F;
	p2 =	por !p2, p1  }
0xbf: {  	s3 =	sand.u32 @!p1 s3, s20;
	s2 =	simm.s32 @p2 $0x27010  }
0xc0: {  	s2 =	ssub.s32 @!p1 s2, s3  }
0xc1: {  	s2 =	sadd.s32 @!p1 $0xFFFD8FF0, s2  }
0xc2: {  	s4 =	sand.u32 @!p1 $0x1, s0;
	s3 =	sshll.u32 @!p1 s2, $0x2  }
0xc3: {  	p2 =	sgt.s32 @!p1 s2, $0xEF;
	s2 =	ssub.s32 @!p1 $0x3C0, s3;
	s3 =	smulhi.u32 @!p1 $0xAAAAAAAB, s0  }
0xc4: {  	s23 =	smul.u32 @!p1 $0x3C0, s4;
	p2 =	por !p2, p1;
	s2 =	sshrl.u32 @!p1 s2, $0x2  }
0xc5: {  	s5 =	simm.s32 @!p1 $0xA;
	s2 =	simm.s32 @!p2 $0x0;
	s3 =	sshrl.u32 @!p1 s3, $0x1  }
0xc6: {  	s23 =	sshrl.u32 @!p1 s23, $0x2;
	_ =	swait.ge @!p1 [sflag:s5], s2;
	s3 =	smul.u32 @!p1 $0x3, s3  }
0xc7: {  	s23 =	sadd.s32 @!p1 $0x10518, s23;
	s24 =	ssub.s32 @!p1 $0x0, s2;
	[sflag:s5] =	ssyncset.done @!p1 $0x0  }
0xc8: {  	[sflag:s5] =	ssyncadd.s32 @!p1 s24;
	s5 =	sshrl.u32 @!p1 s20, $0x3;
	s0 =	ssub.s32 @!p1 s0, s3  }
0xc9: {  	s24 =	sand.u32 @!p1 $0x7, s20;
	s5 =	sadd.s32 @!p1 s5, s15;
	s0 =	smul.u32 @!p1 $0x3C0, s0  }
0xca: {  	[tilespmem:s23], [sflag:$0xB] =	stream.linear.gather @!p1 [hbm4b:s5+s24], s2, $0x38;
	[tilespmem:$0x1F6F8] =	vst v63  }
0xcb: {  	s3 =	ssub.s32 @!p1 $0x27100, s20;
	s2 =	smul.u32 @!p1 $0x1E000, s4  }
0xcc: {  	p2 =	slt.s32 @!p1 s3, $0xF0  }
0xcd: {  	p2 =	por !p2, p1;
	s0 =	sshrl.u32 @!p1 s0, $0x2;
	s2 =	sshrl.u32 @!p1 s2, $0x2  }
0xce: {  	s3 =	simm.s32 @p2 $0xF0;
	s0 =	sadd.s32 @!p1 $0x10248, s0;
	s2 =	sor.u32 @!p1 $0x106F8, s2  }
0xcf: {  	[tilespmem:s2], [sflag:$0x9] =	stream.indirect.gather @!p1 [hbm4b:s6+s3], $0x80, s0, s3, $0xb8;
	[tilespmem:$0x1F6F8] =	vst v63  }
0xd0: {  	p1 =	slt.u32 s21, $0x2  }
.Ltmp11:
0xd1: {  	_ = 	snop;
	(pc) =	sbr.rel @p1 .LBB3_21-.Ltmp11, $1  }
0xd2: {  	_ =	sdelay $0x3  }
0xd3: {  	p1 =	sgt.s32 s22, $0x27010  }
0xd4: {  	s0 =	smov.u32 s22;
	s2 =	sshra.s32 s22, $0x1F;
	s3 =	ssub.s32 $0x27100, s22  }
0xd5: {  	s0 =	simm.s32 @!p1 $0x27010;
	s2 =	sand.u32 s2, s22;
	p1 =	slt.s32 s3, $0xF0  }
0xd6: {  	s0 =	ssub.s32 s0, s2;
	s3 =	simm.s32 @!p1 $0xF0  }
0xd7: {  	s0 =	sadd.s32 $0xFFFD8FF0, s0;
	s25 =	sshll.u32 s3, $0x7  }
0xd8: {  	s26 =	sshll.u32 s0, $0x2;
	s2 =	sand.u32 $0x3FFFFF80, s25  }
0xd9: {  	p1 =	sgt.s32 s0, $0xEF;
	s29 =	ssub.s32 $0x3C0, s26;
	_ =	swait.ge [sflag:s10], s2  }
0xda: {  	s2 =	ssub.s32 $0x0, s2;
	[sflag:s10] =	ssyncset.done $0x0;
	s0 =	sshrl.u32 s29, $0x2  }
0xdb: {  	[sflag:s10] =	ssyncadd.s32 s2;
	s0 =	simm.s32 @p1 $0x0  }
0xdc: {  	_ =	swait.ge [sflag:s11], s0  }
0xdd: {  	s0 =	ssub.s32 $0x0, s0;
	[sflag:s11] =	ssyncset.done $0x0  }
0xde: {  	[sflag:s11] =	ssyncadd.s32 s0  }
0xdf: {  	v1 =	vld [tilespmem:$0xF208];
	_ =	sdelay $0x4  }
0xe0: {  	(v2sf) =	vpush v1, $0x0  }
0xe1: {  	(v2sf) =	vpush v1, $0x1  }
0xe2: {  	(v2sf) =	vpush v1, $0x2;
	_ =	sdelay $0x3  }
0xe3: {  	s0 =	sadd.s32 $0xF0, s22  }
0xe4: {  	s2 =	ssub.s32 $0x4E200, s22;
	p1 =	slt.s32 s8, s0  }
0xe5: {  	s0 =	smov.u32 @p1 s8;
	p1 =	sgt.s32 s2, $0x0  }
0xe6: {  	s26 =	ssub.s32 s0, s22;
	s2 =	simm.s32 @!p1 $0x0  }
0xe7: {  	p1 =	slt.s32 s2, s26  }
0xe8: {  	s26 =	smov.u32 @p1 s2  }
0xe9: {  	s25 =	simm.s32 $0x1;
	p1 =	slt.s32 s26, $0x1  }
.Ltmp12:
0xea: {  	s25 =	simm.s32 @!p0 $0x0;
	(pc) =	sbr.rel @p1 .LBB3_8-.Ltmp12, $4  }
0xeb: {  	s31 =	smul.u32 $0x3C0, s25  }
0xec: {  	s28 =	spop (v2sf)  }
0xed: {  	s0 =	sshrl.u32 s31, $0x2;
	s30 =	spop (v2sf)  }
0xee: {  	s23 =	sadd.s32 $0x10518, s0;
	s22 =	spop (v2sf)  }
0xef: {  	s0 =	smin.u32 s26, $0x10  }
0xf0: {  	v1 =	vmov s0  }
0xf1: {  	p2 =	sgt.s32 s26, $0x10;
	vm1 =	vgt.u32 v1, v0  }
.Ltmp13:
0xf2: {  	_ = 	snop;
	(pc) =	sbr.rel @!p2 .LBB3_7-.Ltmp13, $2  }
0xf3: {  	_ =	sdelay $0x2  }
0xf4: {  	s4 =	simm.s32 $0x10;
	s24 =	sadd.s32 $0xFFFFFFF0, s26;
	s0 =	smov.u32 s23;
	vm0 =	vmmov vm1  }
.LBB3_6:
0xf5: {  	s2 =	smin.u32 s24, $0x10;
	s4 =	sadd.s32 $0x10, s4;
	v1 =	vld.msk [tilespmem:s0+$0x0 ss:$0x1], vm1  }
0xf6: {  	v2 =	vmov s2;
	p2 =	slt.s32 s4, s26  }
0xf7: {  	vm1 =	vgt.u32 v2, v0  }
.Ltmp14:
0xf8: {  	(pc) =	sbr.rel @p2 .LBB3_6-.Ltmp14, $3  }
0xf9: {  	_ =	sdelay $0x1  }
0xfa: {  	v1 =	vshll.u32 v1, $0x4  }
0xfb: {  	s24 =	sadd.s32 $0xFFFFFFF0, s24;
	[tilespmem:s0+$0x0] =	vst.msk vm0, v1;
	s0 =	sadd.s32 $0x10, s0;
	vm0 =	vmmov vm1  }
.LBB3_7:
0xfc: {  	_ =	sdelay $0x4  }
0xfd: {  	v1 =	vld.msk [tilespmem:s0+$0x0 ss:$0x1], vm1;
	_ =	sdelay $0x4  }
0xfe: {  	v1 =	vshll.u32 v1, $0x4  }
0xff: {  	[tilespmem:s0+$0x0] =	vst.msk vm0, v1  }
.LBB3_8:
0x100: {  	s0 =	sand.u32 $0x1, s21  }
0x101: {  	s2 =	smul.u32 $0x7800, s0  }
0x102: {  	p2 =	sne.s32 s30, $0xFFFFFFFF  }
0x103: {  	v1 =	vld @!p2 [tilespmem:s2+$0x106F8];
	_ =	sdelay $0x2  }
0x104: {  	s0 =	smul.u32 $0xF0, s0;
	_ =	sdelay $0x1  }
0x105: {  	v2 =	vld.msk @!p2 [tilespmem:s0+$0x10518], $0x1;
	[tilespmem:$0x108] =	vst @!p2 v1  }
0x106: {  	v1 =	vld @!p2 [tilespmem:s2+$0x10708];
	_ =	sdelay $0x4  }
0x107: {  	[tilespmem:$0x118] =	vst @!p2 v1  }
0x108: {  	v1 =	vld @!p2 [tilespmem:s2+$0x10718];
	_ =	sdelay $0x4  }
0x109: {  	[tilespmem:$0x128] =	vst @!p2 v1  }
0x10a: {  	v1 =	vld @!p2 [tilespmem:s2+$0x10728];
	_ =	sdelay $0x4  }
0x10b: {  	[tilespmem:$0x138] =	vst @!p2 v1  }
0x10c: {  	v1 =	vld @!p2 [tilespmem:s2+$0x10738];
	_ =	sdelay $0x4  }
0x10d: {  	[tilespmem:$0x148] =	vst @!p2 v1  }
0x10e: {  	(v2sf) =	vpush @!p2 v2, $0x0;
	v1 =	vld @!p2 [tilespmem:s2+$0x10748];
	_ =	sdelay $0x4  }
0x10f: {  	[tilespmem:$0x158] =	vst @!p2 v1  }
0x110: {  	v1 =	vld @!p2 [tilespmem:s2+$0x10758];
	_ =	sdelay $0x4  }
0x111: {  	[tilespmem:$0x168] =	vst @!p2 v1  }
0x112: {  	v1 =	vld @!p2 [tilespmem:s2+$0x10768]  }
.Ltmp15:
0x113: {  	_ = 	snop;
	(pc) =	sbr.rel @p1 .LBB3_19-.Ltmp15, $4  }
0x114: {  	_ = 	snop  }
0x115: {  	s29 =	spop @!p2 (v2sf)  }
0x116: {  	s22 =	simm.s32 @!p2 $0x0;
	s24 =	smov.u32 s29  }
0x117: {  	s29 =	smov.u32 @p2 s28;
	s24 =	smov.u32 @p2 s30;
	[tilespmem:$0x178] =	vst @!p2 v1;
	[sflag:s18] =	ssyncpa.u1 $0x0  }
0x118: {  	v1 =	vld.msk [tilespmem:s23+$0x0], $0x1;
	_ =	sdelay $0x4  }
0x119: {  	(v2sf) =	vpush v1, $0x0;
	_ =	sdelay $0xe  }
0x11a: {  	s2 =	smul.u32 $0x1E000, s25;
	s0 =	spop (v2sf)  }
0x11b: {  	s26 =	ssub.s32 $0x0, s26;
	p1 =	seq.s32 s29, s0  }
0x11c: {  	s30 =	sadd.s32 $0x1, s26;
	s2 =	sshrl.u32 s2, $0x2;
	p2 =	sgt.s32 @!p1 s29, $0x0  }
0x11d: {  	s25 =	sor.u32 $0x10738, s2;
	s2 =	smov.u32 s29;
	p2 =	por !p2, p1  }
0x11e: {  	s2 =	simm.s32 @p2 $0x0;
	p2 =	seq.s32 s30, $0x0  }
.Ltmp16:
0x11f: {  	_ = 	snop;
	(pc) =	sbr.rel @p2 .LBB3_11-.Ltmp16, $4  }
0x120: {  	_ = 	snop  }
0x121: {  	s28 =	simm.s32 $0x0;
	s31 =	sadd.s32 $0x1, s23;
	s2 =	smin.u32 @!p1 s2, $0x270F0  }
0x122: {  	s4 =	simm.s32 @!p1 $0x1;
	s5 =	simm.s32 @!p1 $0x7988;
	s3 =	sand.u32 @!p1 $0x3FFF8, s2  }
0x123: {  	s4 =	smov.u32 @p1 s28;
	s2 =	sand.u32 @!p1 $0x7, s2;
	s3 =	sadd.s32 @!p1 s1, s3  }
.LBB3_10:
0x124: {  	s9 =	smov.u32 s4  }
0x125: {  	[tilespmem:s5], [sflag:$0x2] =	stream.linear.gather @!p1 [hbm4b:s3+s2], $0x80, $0x38;
	[tilespmem:$0x1F6F8] =	vst v63  }
0x126: {  	s30 =	sadd.s32 $0x1, s30;
	s2 =	smov.u32 s0;
	v1 =	vld.msk [tilespmem:s31+$0x0], $0x1  }
0x127: {  	p2 =	seq.s32 s30, $0x0;
	_ =	sdelay $0x3  }
0x128: {  	(v2sf) =	vpush v1, $0x0;
	_ =	sdelay $0xe  }
0x129: {  	s0 =	spop (v2sf)  }
0x12a: {  	p1 =	seq.s32 s2, s0  }
0x12b: {  	p3 =	sgt.s32 @!p1 s2, $0x0;
	s3 =	sshll.u32 @!p1 s4, $0x9;
	s4 =	sadd.s32 @!p1 $0x1, s4  }
.Ltmp17:
0x12c: {  	p3 =	por !p3, p1;
	s3 =	sshra.s32 @!p1 s3, $0x2;
	(pc) =	sbr.rel @!p2 .LBB3_10-.Ltmp17, $4  }
0x12d: {  	s4 =	smov.u32 @p1 s9;
	s2 =	simm.s32 @p3 $0x0;
	s5 =	sadd.s32 @!p1 $0x7988, s3  }
0x12e: {  	s2 =	smin.u32 @!p1 s2, $0x270F0  }
0x12f: {  	s3 =	sand.u32 @!p1 $0x3FFF8, s2;
	s2 =	sand.u32 @!p1 $0x7, s2  }
0x130: {  	s31 =	sadd.s32 $0x1, s31;
	s3 =	sadd.s32 @!p1 s1, s3  }
.LBB3_11:
0x131: {  	[tilespmem:s5], [sflag:$0x2] =	stream.linear.gather @!p1 [hbm4b:s3+s2], $0x80, $0x38;
	[tilespmem:$0x1F6F8] =	vst v63  }
.Ltmp18:
0x132: {  	s0 =	sshll.u32 s4, $0x7;
	(pc) =	sbr.rel .LBB3_12-.Ltmp18, $4  }
0x133: {  	s30 =	simm.s32 $0x2;
	s0 =	sand.u32 $0x3FFFFF80, s0  }
0x134: {  	_ =	swait.ge [sflag:s30], s0  }
0x135: {  	s0 =	ssub.s32 $0x0, s0;
	[sflag:s30] =	ssyncset.done $0x0  }
0x136: {  	s31 =	simm.s32 $0x0;
	[sflag:s30] =	ssyncadd.s32 s0  }
.LBB3_13:
0x137: {  	s0 =	sshra.s32 s0, $0x2;
	v1 =	vld [tilespmem:s25+$0xFFFFFFC0]  }
0x138: {  	v2 =	vld [tilespmem:s0+$0x108];
	_ =	sdelay $0x4  }
0x139: {  	v1 =	vmax.f32 v1, v2  }
0x13a: {  	v2 =	vld [tilespmem:s0+$0x118];
	[tilespmem:s0+$0x108] =	vst v1  }
0x13b: {  	v1 =	vld [tilespmem:s25+$0xFFFFFFD0];
	_ =	sdelay $0x4  }
0x13c: {  	v1 =	vmax.f32 v1, v2  }
0x13d: {  	v2 =	vld [tilespmem:s0+$0x128];
	[tilespmem:s0+$0x118] =	vst v1  }
0x13e: {  	v1 =	vld [tilespmem:s25+$0xFFFFFFE0];
	_ =	sdelay $0x4  }
0x13f: {  	v1 =	vmax.f32 v1, v2  }
0x140: {  	v2 =	vld [tilespmem:s0+$0x138];
	[tilespmem:s0+$0x128] =	vst v1  }
0x141: {  	v1 =	vld [tilespmem:s25+$0xFFFFFFF0];
	_ =	sdelay $0x4  }
0x142: {  	v1 =	vmax.f32 v1, v2  }
0x143: {  	v2 =	vld [tilespmem:s0+$0x148];
	[tilespmem:s0+$0x138] =	vst v1  }
0x144: {  	v1 =	vld [tilespmem:s25+$0x0];
	_ =	sdelay $0x4  }
0x145: {  	v1 =	vmax.f32 v1, v2  }
0x146: {  	v2 =	vld [tilespmem:s0+$0x158];
	[tilespmem:s0+$0x148] =	vst v1  }
0x147: {  	v1 =	vld [tilespmem:s25+$0x10];
	_ =	sdelay $0x4  }
0x148: {  	v1 =	vmax.f32 v1, v2  }
0x149: {  	v2 =	vld [tilespmem:s0+$0x168];
	[tilespmem:s0+$0x158] =	vst v1  }
0x14a: {  	v1 =	vld [tilespmem:s25+$0x20];
	_ =	sdelay $0x4  }
0x14b: {  	v1 =	vmax.f32 v1, v2  }
0x14c: {  	v2 =	vld [tilespmem:s0+$0x178];
	[tilespmem:s0+$0x168] =	vst v1  }
0x14d: {  	v1 =	vld [tilespmem:s25+$0x30];
	_ =	sdelay $0x4  }
0x14e: {  	v1 =	vmax.f32 v1, v2  }
0x14f: {  	[tilespmem:s0+$0x178] =	vst v1  }
.LBB3_17:
0x150: {  	s26 =	sadd.s32 $0x1, s26  }
0x151: {  	p1 =	seq.s32 s26, $0x0  }
.Ltmp19:
0x152: {  	_ = 	snop;
	(pc) =	sbr.rel @p1 .LBB3_18-.Ltmp19, $2  }
0x153: {  	_ =	sdelay $0x2  }
0x154: {  	s23 =	sadd.s32 $0x1, s23;
	s25 =	sadd.s32 $0x80, s25;
	s29 =	smov.u32 s30  }
.LBB3_12:
0x155: {  	v1 =	vld.msk [tilespmem:s23+$0x0], $0x1;
	_ =	sdelay $0x4  }
0x156: {  	(v2sf) =	vpush v1, $0x0;
	_ =	sdelay $0xe  }
0x157: {  	s30 =	spop (v2sf)  }
0x158: {  	p1 =	sne.s32 s29, s30  }
.Ltmp20:
0x159: {  	_ = 	snop;
	(pc) =	sbr.rel @!p1 .LBB3_13-.Ltmp20, $2  }
0x15a: {  	_ =	sdelay $0x2  }
0x15b: {  	s0 =	sshll.u32 s22, $0x9  }
0x15c: {  	p1 =	seq.s32 s29, s24  }
.Ltmp21:
0x15d: {  	_ = 	snop;
	(pc) =	sbr.rel @!p1 .LBB3_15-.Ltmp21, $1  }
0x15e: {  	_ =	sdelay $0x3  }
0x15f: {  	s0 =	sshra.s32 s0, $0x2  }
.Ltmp22:
0x160: {  	s0 =	sadd.s32 $0x108, s0;
	(pc) =	sbr.rel .LBB3_16-.Ltmp22, $4  }
0x161: {  	[spmem:s16] =	stream.linear.scatter [tilespmem:s0], [sflag:$0x1], $0x80, $0x38;
	[tilespmem:$0x1F6F8] =	vst v63  }
0x162: {  	_ =	swait.ge [sflag:s12], $0x80  }
0x163: {  	[sflag:s12] =	ssyncset.done $0x0  }
0x164: {  	[sflag:s12] =	ssyncadd.s32 $0xFFFFFF80  }
.LBB3_15:
0x165: {  	s2 =	sshll.u32 s28, $0x9;
	s0 =	sshra.s32 s0, $0x2  }
0x166: {  	s2 =	sshra.s32 s2, $0x2;
	v2 =	vld [tilespmem:s0+$0x108]  }
0x167: {  	v1 =	vld [tilespmem:s2+$0x7988];
	_ =	sdelay $0x4  }
0x168: {  	v1 =	vmax.f32 v1, v2  }
0x169: {  	v2 =	vld [tilespmem:s0+$0x118];
	[tilespmem:s0+$0x108] =	vst v1  }
0x16a: {  	v1 =	vld [tilespmem:s2+$0x7998];
	_ =	sdelay $0x4  }
0x16b: {  	v1 =	vmax.f32 v1, v2  }
0x16c: {  	v2 =	vld [tilespmem:s0+$0x128];
	[tilespmem:s0+$0x118] =	vst v1  }
0x16d: {  	v1 =	vld [tilespmem:s2+$0x79A8];
	_ =	sdelay $0x4  }
0x16e: {  	v1 =	vmax.f32 v1, v2  }
0x16f: {  	v2 =	vld [tilespmem:s0+$0x138];
	[tilespmem:s0+$0x128] =	vst v1  }
0x170: {  	v1 =	vld [tilespmem:s2+$0x79B8];
	_ =	sdelay $0x4  }
0x171: {  	v1 =	vmax.f32 v1, v2  }
0x172: {  	v2 =	vld [tilespmem:s0+$0x148];
	[tilespmem:s0+$0x138] =	vst v1  }
0x173: {  	v1 =	vld [tilespmem:s2+$0x79C8];
	_ =	sdelay $0x4  }
0x174: {  	v1 =	vmax.f32 v1, v2  }
0x175: {  	v2 =	vld [tilespmem:s0+$0x158];
	[tilespmem:s0+$0x148] =	vst v1  }
0x176: {  	v1 =	vld [tilespmem:s2+$0x79D8];
	_ =	sdelay $0x4  }
0x177: {  	v1 =	vmax.f32 v1, v2  }
0x178: {  	v2 =	vld [tilespmem:s0+$0x168];
	[tilespmem:s0+$0x158] =	vst v1  }
0x179: {  	v1 =	vld [tilespmem:s2+$0x79E8];
	_ =	sdelay $0x4  }
0x17a: {  	v1 =	vmax.f32 v1, v2  }
0x17b: {  	v2 =	vld [tilespmem:s0+$0x178];
	[tilespmem:s0+$0x168] =	vst v1  }
0x17c: {  	v1 =	vld [tilespmem:s2+$0x79F8];
	_ =	sdelay $0x3  }
0x17d: {  	p1 =	sgt.u32 s29, $0x270F0  }
0x17e: {  	s2 =	sand.u32 @!p1 $0x3FFF8, s29;
	v1 =	vmax.f32 v1, v2  }
0x17f: {  	s3 =	sadd.s32 $0x108, s0;
	[tilespmem:s0+$0x178] =	vst v1;
	s0 =	sadd.s32 @!p1 s1, s2;
	s2 =	sand.u32 @!p1 $0x7, s29  }
0x180: {  	[hbm4b:s0+s2] =	stream.linear.scatter @!p1 [tilespmem:s3], [sflag:$0xC], $0x80, $0x38;
	[tilespmem:$0x1F6F8] =	vst v63  }
0x181: {  	s0 =	simm.s32 $0x0  }
0x182: {  	s0 =	simm.s32 @!p1 $0x200  }
0x183: {  	s31 =	sadd.s32 s0, s31  }
.LBB3_16:
0x184: {  	s0 =	sadd.s32 $0x1, s22  }
0x185: {  	s2 =	smulhi.u32 $0x88888889, s0;
	_ =	sdelay $0x1  }
0x186: {  	v1 =	vld [tilespmem:s25+$0xFFFFFFC0];
	s2 =	sshrl.u32 s2, $0x7  }
0x187: {  	s2 =	smul.u32 $0xF0, s2;
	_ =	sdelay $0x1  }
0x188: {  	s22 =	ssub.s32 s0, s2  }
0x189: {  	s0 =	sshll.u32 s22, $0x7  }
0x18a: {  	[tilespmem:s0+$0x108] =	vst v1  }
0x18b: {  	v1 =	vld [tilespmem:s25+$0xFFFFFFD0];
	_ =	sdelay $0x4  }
0x18c: {  	[tilespmem:s0+$0x118] =	vst v1  }
0x18d: {  	v1 =	vld [tilespmem:s25+$0xFFFFFFE0];
	_ =	sdelay $0x4  }
0x18e: {  	[tilespmem:s0+$0x128] =	vst v1  }
0x18f: {  	v1 =	vld [tilespmem:s25+$0xFFFFFFF0];
	_ =	sdelay $0x4  }
0x190: {  	[tilespmem:s0+$0x138] =	vst v1  }
0x191: {  	v1 =	vld [tilespmem:s25+$0x0];
	_ =	sdelay $0x4  }
0x192: {  	[tilespmem:s0+$0x148] =	vst v1  }
0x193: {  	v1 =	vld [tilespmem:s25+$0x10];
	_ =	sdelay $0x4  }
0x194: {  	[tilespmem:s0+$0x158] =	vst v1  }
0x195: {  	v1 =	vld [tilespmem:s25+$0x20];
	_ =	sdelay $0x4  }
0x196: {  	[tilespmem:s0+$0x168] =	vst v1  }
0x197: {  	v1 =	vld [tilespmem:s25+$0x30]  }
.Ltmp23:
0x198: {  	_ = 	snop;
	(pc) =	sbr.rel .LBB3_17-.Ltmp23, $2  }
0x199: {  	_ =	sdelay $0x2  }
0x19a: {  	s28 =	sadd.s32 $0x1, s28;
	[tilespmem:s0+$0x178] =	vst v1  }
.LBB3_19:
.Ltmp24:
0x19b: {  	(pc) =	sbr.rel .LBB3_20-.Ltmp24, $4  }
0x19c: {  	_ = 	snop  }
0x19d: {  	s0 =	simm.s32 $0x2  }
0x19e: {  	_ =	swait.ge [sflag:s0], $0x0  }
0x19f: {  	s30 =	smov.u32 s29;
	[sflag:s0] =	ssyncset.done $0x0;
	s0 =	simm.s32 $0x0  }
.LBB3_22:
0x1a0: {  	_ =	sfence.sel $0x180000  }
0x1a1: {  	s0 =	simm.s32 $0x9;
	[bflag:$0x0] =	sbarrier.arrive $0xFFFF  }
0x1a2: {  	s24 =	simm.s32 $0xA;
	[sflag:s0] =	ssyncpa.u1 $0x1  }
0x1a3: {  	s25 =	simm.s32 $0xB;
	[sflag:s24] =	ssyncpa.u1 $0x1  }
0x1a4: {  	s26 =	simm.s32 $0x2;
	[sflag:s25] =	ssyncpa.u1 $0x1  }
0x1a5: {  	[sflag:s26] =	ssyncpa.u1 $0x1  }
0x1a6: {  	v0 =	vld [tilespmem:$0xF208];
	_ =	sdelay $0x4  }
0x1a7: {  	(v2sf) =	vpush v0, $0x0  }
0x1a8: {  	(v2sf) =	vpush v0, $0x1;
	_ =	sdelay $0x1  }
0x1a9: {  	(v2sf) =	vpush v0, $0x2;
	_ =	sdelay $0xb  }
0x1aa: {  	s0 =	spop (v2sf)  }
0x1ab: {  	s2 =	spop (v2sf)  }
0x1ac: {  	s3 =	smov.u32 s0;
	p0 =	sne.s32 s0, s2  }
0x1ad: {  	s4 =	spop (v2sf);
	s3 =	simm.s32 @!p0 $0xFFFFFFFF  }
0x1ae: {  	v2 =	vimm.s32 $0x1;
	v3 =	vlaneseq.u32;
	p0 =	seq.s32 s4, $0xFFFFFFFF;
	v1 =	vmov s3  }
0x1af: {  	s16 =	stileid.u32;
	v0 =	vperm.xlane v0, v2;
	p1 =	sne.s32 @!p0 s0, s2;
	v1 =	vperm.xlane v1, v3  }
0x1b0: {  	vm0 =	vcmask $0x3F04;
	s6 =	simm.s32 $0xF208;
	s0 =	simm.s32 @!p0 $0x1;
	p1 =	por !p1, p0  }
0x1b1: {  	s3 =	sshll.u32 s16, $0x1;
	s2 =	sshll.u32 @!p0 s4, $0x9;
	s0 =	simm.s32 @p1 $0x0;
	v0 =	vsel vm0, v1, v0  }
0x1b2: {  	s5 =	sor.u32 $0x1000, s3;
	s2 =	sshra.s32 @!p0 s2, $0x2;
	s0 =	sor.u32 @!p0 s0, s3;
	[tilespmem:$0xF208] =	vst v0  }
0x1b3: {  	[spmem:s5] =	stream.linear.scatter [tilespmem:s6], [sflag:$0x1], $0x2, $0x38;
	[tilespmem:$0x1F6F8] =	vst v63  }
0x1b4: {  	s2 =	sadd.s32 @!p0 $0x108, s2;
	s0 =	sshll.u32 @!p0 s0, $0x7  }
0x1b5: {  	[spmem:s0] =	stream.linear.scatter @!p0 [tilespmem:s2], [sflag:$0x1], $0x80, $0x38;
	[tilespmem:$0x1F6F8] =	vst v63  }
0x1b6: {  	s0 =	simm.s32 @!p0 $0x82  }
0x1b7: {  	s28 =	simm.s32 $0x1;
	s0 =	simm.s32 @p0 $0x2  }
0x1b8: {  	_ =	swait.ge [sflag:s28], s0  }
0x1b9: {  	s0 =	ssub.s32 $0x0, s0;
	[sflag:s28] =	ssyncset.done $0x0  }
0x1ba: {  	p0 =	sne.s32 s16, $0x0;
	[sflag:s28] =	ssyncadd.s32 s0  }
.Ltmp25:
0x1bb: {  	_ =	sfence.stream.spmem;
	(pc) =	sbr.rel @p0 .LBB3_39-.Ltmp25, $4  }
0x1bc: {  	s29 =	simm.s32 $0x3;
	[bflag:$0x0] =	sbarrier.arrive $0xFFFF  }
0x1bd: {  	s30 =	simm.s32 $0x4;
	[sflag:s29] =	ssyncpa.u1 $0x1  }
0x1be: {  	s31 =	simm.s32 $0x3C;
	[sflag:s30] =	ssyncpa.u1 $0x1  }
0x1bf: {  	s15 =	rddreg [dreg:$0x4];
	[sflag:s31] =	ssyncpa.u1 $0x1  }
0x1c0: {  	_ =	sfence.stream.spmem;
	s0 =	simm.s32 $0x5  }
0x1c1: {  	s2 =	simm.s32 $0x1000;
	s3 =	simm.s32 $0xF218;
	[sflag:s0] =	ssyncpa.u1 $0x0  }
0x1c2: {  	[tilespmem:s3], [sflag:$0x5] =	stream.linear.gather [spmem:s2], $0x20, $0x38;
	[tilespmem:$0x1F6F8] =	vst v63  }
0x1c3: {  	s26 =	simm.s32 $0x0;
	s28 =	simm.s32 $0xF238  }
0x1c4: {  	[tilespmem:s28], [sflag:$0x5] =	stream.linear.gather [spmem:s26], $0x1000, $0x38;
	[tilespmem:$0x1F6F8] =	vst v63  }
0x1c5: {  	_ =	swait.ge [sflag:s0], $0x1020  }
0x1c6: {  	[sflag:s0] =	ssyncset.done $0x0  }
0x1c7: {  	s29 =	simm.s32 $0x0;
	[sflag:s0] =	ssyncadd.s32 $0xFFFFEFE0  }
0x1c8: {  	v0 =	vld.msk [tilespmem:s29+$0xF218], $0x1;
	_ =	sdelay $0x1  }
0x1c9: {  	s30 =	simm.s32 $0x1  }
0x1ca: {  	v1 =	vld.msk [tilespmem:s30+$0xF218], $0x1;
	_ =	sdelay $0x1  }
0x1cb: {  	(v2sf) =	vpush v0, $0x0;
	_ =	sdelay $0x2  }
0x1cc: {  	(v2sf) =	vpush v1, $0x0;
	_ =	sdelay $0x2  }
0x1cd: {  	s31 =	simm.s32 $0x2  }
0x1ce: {  	v0 =	vld.msk [tilespmem:s31+$0xF218], $0x1;
	_ =	sdelay $0x2  }
0x1cf: {  	s4 =	simm.s32 $0xFFFFFFFF;
	s5 =	simm.s32 $0xFFFFFFFF;
	s0 =	simm.s32 $0xC  }
.LBB3_24:
0x1d0: {  	s2 =	smov.u32 s5;
	s3 =	smov.u32 s4  }
0x1d1: {  	s4 =	sshra.s32 s0, $0x2;
	p1 =	sne.s32 s0, $0x7C;
	s0 =	sadd.s32 $0x4, s0;
	(v2sf) =	vpush v0, $0x0  }
0x1d2: {  	v0 =	vld.msk [tilespmem:s4+$0xF218], $0x1  }
.Ltmp26:
0x1d3: {  	(pc) =	sbr.rel @p1 .LBB3_24-.Ltmp26, $4  }
0x1d4: {  	s5 =	spop (v2sf)  }
0x1d5: {  	p2 =	sne.s32 s3, $0xFFFFFFFF;
	s4 =	smov.u32 s5  }
0x1d6: {  	p3 =	seq.s32 s5, $0xFFFFFFFF;
	s4 =	smov.u32 @p2 s3  }
0x1d7: {  	s5 =	smov.u32 @p3 s2;
	s4 =	smov.u32 @p3 s3  }
0x1d8: {  	(v2sf) =	vpush v0, $0x0;
	_ =	sdelay $0x8  }
0x1d9: {  	s0 =	spop (v2sf)  }
0x1da: {  	p1 =	sne.s32 s4, $0xFFFFFFFF;
	s2 =	smov.u32 s0  }
0x1db: {  	s9 =	simm.s32 $0x6;
	p2 =	seq.s32 s0, $0xFFFFFFFF;
	s2 =	smov.u32 @p1 s4  }
0x1dc: {  	s6 =	simm.s32 $0x0;
	s2 =	smov.u32 @p2 s4;
	s3 =	spop (v2sf)  }
0x1dd: {  	s0 =	smov.u32 @p2 s5;
	p1 =	sne.s32 s2, $0xFFFFFFFF;
	s4 =	smov.u32 s3  }
.Ltmp27:
0x1de: {  	p2 =	seq.s32 s3, $0xFFFFFFFF;
	s4 =	smov.u32 @p1 s2;
	(pc) =	sbr.rel .LBB3_26-.Ltmp27, $4  }
0x1df: {  	s10 =	simm.s32 $0xF188;
	s4 =	smov.u32 @p2 s2;
	s7 =	spop (v2sf)  }
0x1e0: {  	s11 =	simm.s32 $0x0;
	p1 =	sne.s32 s4, $0xFFFFFFFF;
	s8 =	smov.u32 s7  }
0x1e1: {  	s3 =	smov.u32 @p2 s0;
	p2 =	seq.s32 s7, $0xFFFFFFFF;
	s8 =	smov.u32 @p1 s4  }
0x1e2: {  	[sflag:s9] =	ssyncpa.u1 $0x0;
	s7 =	smov.u32 @p2 s3;
	s8 =	smov.u32 @p2 s4  }
.LBB3_32:
0x1e3: {  	p1 =	sgt.u32 s12, $0x270F0  }
0x1e4: {  	p2 =	seq.s32 @!p1 s12, s8  }
0x1e5: {  	p1 =	por p1, p2  }
0x1e6: {  	p2 =	sne.s32 @!p1 s12, s7  }
0x1e7: {  	p1 =	por p1, !p2  }
0x1e8: {  	s0 =	sshll.u32 @p1 s11, $0x9  }
0x1e9: {  	s0 =	sand.u32 @!p1 $0x3FFF8, s12  }
0x1ea: {  	s2 =	sand.u32 @!p1 $0x7, s12;
	s0 =	sadd.s32 @!p1 s1, s0  }
0x1eb: {  	[tilespmem:s10], [sflag:$0x6] =	stream.linear.gather @!p1 [hbm4b:s0+s2], $0x80, $0x38;
	[tilespmem:$0x1F6F8] =	vst v63  }
0x1ec: {  	_ =	swait.ge @!p1 [sflag:s9], $0x80  }
0x1ed: {  	[sflag:s9] =	ssyncset.done @!p1 $0x0  }
0x1ee: {  	s0 =	sshll.u32 @!p1 s11, $0x9;
	[sflag:s9] =	ssyncadd.s32 @!p1 $0xFFFFFF80  }
0x1ef: {  	s2 =	sshrl.u32 @!p1 s0, $0x2;
	v1 =	vld @!p1 [tilespmem:$0xF188]  }
0x1f0: {  	v2 =	vld @!p1 [tilespmem:s2+$0xF238];
	_ =	sdelay $0x4  }
0x1f1: {  	v1 =	vmax.f32 @!p1 v1, v2  }
0x1f2: {  	v2 =	vld @!p1 [tilespmem:s2+$0xF248];
	[tilespmem:s2+$0xF238] =	vst @!p1 v1  }
0x1f3: {  	v1 =	vld @!p1 [tilespmem:$0xF198];
	_ =	sdelay $0x4  }
0x1f4: {  	v1 =	vmax.f32 @!p1 v1, v2  }
0x1f5: {  	v2 =	vld @!p1 [tilespmem:s2+$0xF258];
	[tilespmem:s2+$0xF248] =	vst @!p1 v1  }
0x1f6: {  	v1 =	vld @!p1 [tilespmem:$0xF1A8];
	_ =	sdelay $0x4  }
0x1f7: {  	v1 =	vmax.f32 @!p1 v1, v2  }
0x1f8: {  	v2 =	vld @!p1 [tilespmem:s2+$0xF268];
	[tilespmem:s2+$0xF258] =	vst @!p1 v1  }
0x1f9: {  	v1 =	vld @!p1 [tilespmem:$0xF1B8];
	_ =	sdelay $0x4  }
0x1fa: {  	v1 =	vmax.f32 @!p1 v1, v2  }
0x1fb: {  	v2 =	vld @!p1 [tilespmem:s2+$0xF278];
	[tilespmem:s2+$0xF268] =	vst @!p1 v1  }
0x1fc: {  	v1 =	vld @!p1 [tilespmem:$0xF1C8];
	_ =	sdelay $0x4  }
0x1fd: {  	v1 =	vmax.f32 @!p1 v1, v2  }
0x1fe: {  	v2 =	vld @!p1 [tilespmem:s2+$0xF288];
	[tilespmem:s2+$0xF278] =	vst @!p1 v1  }
0x1ff: {  	v1 =	vld @!p1 [tilespmem:$0xF1D8];
	_ =	sdelay $0x4  }
0x200: {  	v1 =	vmax.f32 @!p1 v1, v2  }
0x201: {  	v2 =	vld @!p1 [tilespmem:s2+$0xF298];
	[tilespmem:s2+$0xF288] =	vst @!p1 v1  }
0x202: {  	v1 =	vld @!p1 [tilespmem:$0xF1E8];
	_ =	sdelay $0x4  }
0x203: {  	v1 =	vmax.f32 @!p1 v1, v2  }
0x204: {  	v2 =	vld @!p1 [tilespmem:s2+$0xF2A8];
	[tilespmem:s2+$0xF298] =	vst @!p1 v1  }
0x205: {  	v1 =	vld @!p1 [tilespmem:$0xF1F8];
	_ =	sdelay $0x4  }
0x206: {  	v1 =	vmax.f32 @!p1 v1, v2  }
0x207: {  	[tilespmem:s2+$0xF2A8] =	vst @!p1 v1  }
0x208: {  	s0 =	sshrl.u32 s0, $0x2;
	[tilespmem:s6+$0xF218] =	vst.msk $0x1, v0  }
0x209: {  	v0 =	vld [tilespmem:s0+$0xF238];
	_ =	sdelay $0x2  }
0x20a: {  	s31 =	sshll.u32 s6, $0x9  }
0x20b: {  	s2 =	sshra.s32 s31, $0x2  }
0x20c: {  	[tilespmem:s2+$0xF238] =	vst v0  }
0x20d: {  	v0 =	vld [tilespmem:s0+$0xF248];
	_ =	sdelay $0x4  }
0x20e: {  	[tilespmem:s2+$0xF248] =	vst v0  }
0x20f: {  	v0 =	vld [tilespmem:s0+$0xF258];
	_ =	sdelay $0x4  }
0x210: {  	[tilespmem:s2+$0xF258] =	vst v0  }
0x211: {  	v0 =	vld [tilespmem:s0+$0xF268];
	_ =	sdelay $0x4  }
0x212: {  	[tilespmem:s2+$0xF268] =	vst v0  }
0x213: {  	v0 =	vld [tilespmem:s0+$0xF278];
	_ =	sdelay $0x4  }
0x214: {  	[tilespmem:s2+$0xF278] =	vst v0  }
0x215: {  	v0 =	vld [tilespmem:s0+$0xF288];
	_ =	sdelay $0x4  }
0x216: {  	[tilespmem:s2+$0xF288] =	vst v0  }
0x217: {  	v0 =	vld [tilespmem:s0+$0xF298];
	_ =	sdelay $0x4  }
0x218: {  	[tilespmem:s2+$0xF298] =	vst v0  }
0x219: {  	v0 =	vld [tilespmem:s0+$0xF2A8];
	_ =	sdelay $0x4  }
0x21a: {  	s6 =	sadd.s32 $0x1, s6;
	[tilespmem:s2+$0xF2A8] =	vst v0  }
.LBB3_33:
0x21b: {  	s11 =	sadd.s32 $0x1, s11  }
0x21c: {  	p1 =	sne.s32 s11, $0x20  }
.Ltmp28:
0x21d: {  	_ = 	snop;
	(pc) =	sbr.rel @!p1 .LBB3_34-.Ltmp28, $1  }
0x21e: {  	_ =	sdelay $0x3  }
.LBB3_26:
0x21f: {  	v0 =	vld.msk [tilespmem:s11+$0xF218], $0x1;
	_ =	sdelay $0x4  }
0x220: {  	(v2sf) =	vpush v0, $0x0;
	_ =	sdelay $0xe  }
0x221: {  	s12 =	spop (v2sf)  }
0x222: {  	p1 =	seq.s32 s12, $0xFFFFFFFF  }
.Ltmp29:
0x223: {  	_ = 	snop;
	(pc) =	sbr.rel @p1 .LBB3_33-.Ltmp29, $1  }
0x224: {  	_ =	sdelay $0x3  }
0x225: {  	p1 =	slt.s32 s6, $0x1  }
.Ltmp30:
0x226: {  	_ = 	snop;
	(pc) =	sbr.rel @p1 .LBB3_32-.Ltmp30, $1  }
0x227: {  	_ =	sdelay $0x3  }
0x228: {  	s13 =	simm.s32 $0xF218;
	p1 =	por $0x0, $0x0  }
0x229: {  	v1 =	vld.msk @!p1 [tilespmem:s13+$0x0], $0x1;
	_ =	sdelay $0x4  }
0x22a: {  	(v2sf) =	vpush @!p1 v1, $0x0;
	_ =	sdelay $0xd  }
0x22b: {  	p3 =	sne.s32 s6, $0x1  }
.Ltmp31:
0x22c: {  	s0 =	spop @!p1 (v2sf);
	(pc) =	sbr.rel @!p3 .LBB3_30-.Ltmp31, $4  }
0x22d: {  	p2 =	seq.s32 @!p1 s12, s0  }
0x22e: {  	s14 =	simm.s32 $0x0;
	p2 =	por !p2, p1  }
0x22f: {  	s2 =	simm.s32 $0xFFFFFFFF;
	s14 =	simm.s32 @p2 $0xFFFFFFFF  }
0x230: {  	s0 =	simm.s32 $0x1;
	s14 =	smov.u32 @p1 s2  }
.LBB3_29:
0x231: {  	s2 =	smov.u32 s14;
	p1 =	sne.s32 s14, $0xFFFFFFFF  }
0x232: {  	s13 =	sadd.s32 $0x1, s13;
	s14 =	smov.u32 s0;
	s0 =	sadd.s32 $0x1, s0  }
0x233: {  	p2 =	sne.s32 s6, s0;
	v1 =	vld.msk @!p1 [tilespmem:s13+$0x0], $0x1;
	_ =	sdelay $0x4  }
0x234: {  	(v2sf) =	vpush @!p1 v1, $0x0;
	_ =	sdelay $0xe  }
.Ltmp32:
0x235: {  	s3 =	spop @!p1 (v2sf);
	(pc) =	sbr.rel @p2 .LBB3_29-.Ltmp32, $4  }
0x236: {  	p3 =	seq.s32 @!p1 s12, s3  }
0x237: {  	p3 =	por !p3, p1  }
0x238: {  	s14 =	simm.s32 @p3 $0xFFFFFFFF  }
0x239: {  	s14 =	smov.u32 @p1 s2  }
.LBB3_30:
0x23a: {  	p1 =	seq.s32 s14, $0xFFFFFFFF  }
.Ltmp33:
0x23b: {  	_ = 	snop;
	(pc) =	sbr.rel @p1 .LBB3_32-.Ltmp33, $1  }
0x23c: {  	_ =	sdelay $0x3  }
0x23d: {  	s0 =	sshll.u32 s11, $0x7  }
0x23e: {  	s2 =	sshll.u32 s14, $0x9;
	s0 =	sand.u32 $0x3FFFFF80, s0  }
0x23f: {  	s2 =	sshra.s32 s2, $0x2;
	v0 =	vld [tilespmem:s0+$0xF238]  }
0x240: {  	v1 =	vld [tilespmem:s2+$0xF238];
	_ =	sdelay $0x4  }
0x241: {  	v0 =	vmax.f32 v0, v1  }
0x242: {  	v57 =	vld [tilespmem:s2+$0xF248];
	[tilespmem:s2+$0xF238] =	vst v0  }
0x243: {  	v0 =	vld [tilespmem:s0+$0xF248];
	_ =	sdelay $0x4  }
0x244: {  	v0 =	vmax.f32 v0, v57  }
0x245: {  	v58 =	vld [tilespmem:s2+$0xF258];
	[tilespmem:s2+$0xF248] =	vst v0  }
0x246: {  	v0 =	vld [tilespmem:s0+$0xF258];
	_ =	sdelay $0x4  }
0x247: {  	v0 =	vmax.f32 v0, v58  }
0x248: {  	v59 =	vld [tilespmem:s2+$0xF268];
	[tilespmem:s2+$0xF258] =	vst v0  }
0x249: {  	v0 =	vld [tilespmem:s0+$0xF268];
	_ =	sdelay $0x4  }
0x24a: {  	v0 =	vmax.f32 v0, v59  }
0x24b: {  	v60 =	vld [tilespmem:s2+$0xF278];
	[tilespmem:s2+$0xF268] =	vst v0  }
0x24c: {  	v0 =	vld [tilespmem:s0+$0xF278];
	_ =	sdelay $0x4  }
0x24d: {  	v0 =	vmax.f32 v0, v60  }
0x24e: {  	v61 =	vld [tilespmem:s2+$0xF288];
	[tilespmem:s2+$0xF278] =	vst v0  }
0x24f: {  	v0 =	vld [tilespmem:s0+$0xF288];
	_ =	sdelay $0x4  }
0x250: {  	v0 =	vmax.f32 v0, v61  }
0x251: {  	v62 =	vld [tilespmem:s2+$0xF298];
	[tilespmem:s2+$0xF288] =	vst v0  }
0x252: {  	v0 =	vld [tilespmem:s0+$0xF298];
	_ =	sdelay $0x4  }
0x253: {  	v0 =	vmax.f32 v0, v62  }
0x254: {  	v63 =	vld [tilespmem:s2+$0xF2A8];
	[tilespmem:s2+$0xF298] =	vst v0  }
0x255: {  	v0 =	vld [tilespmem:s0+$0xF2A8];
	_ =	sdelay $0x1  }
.Ltmp34:
0x256: {  	_ = 	snop;
	(pc) =	sbr.rel .LBB3_33-.Ltmp34, $3  }
0x257: {  	_ =	sdelay $0x1  }
0x258: {  	v0 =	vmax.f32 v0, v63  }
0x259: {  	[tilespmem:s2+$0xF2A8] =	vst v0  }
.LBB3_34:
0x25a: {  	s0 =	simm.s32 $0x6;
	p1 =	seq.s32 s6, $0x0  }
0x25b: {  	[sflag:s0] =	ssyncpa.u1 $0x1;
	v0 =	vimm.s32 @p1 $0xFFFFFFFF  }
0x25c: {  	s9 =	sadd.s32 $0xFFFFFFFF, s6;
	[tilespmem:$0x10238] =	vst @p1 v0  }
0x25d: {  	v0 =	vld.msk @!p1 [tilespmem:s9+$0xF218], $0x1;
	_ =	sdelay $0x1  }
0x25e: {  	v1 =	vld.msk @!p1 [tilespmem:$0xF218], $0x1;
	_ =	sdelay $0x2  }
0x25f: {  	p2 =	seq.s32 @!p1 s9, $0x0;
	v0 =	vbroadcast @!p1 v0, $0x0  }
0x260: {  	vm0 =	vmmov @!p1 $0x1;
	p2 =	por !p2, p1  }
0x261: {  	v1 =	vnsel @!p1 vm0, $0xFFFFFFFF, v1;
	vm0 =	vcmask @!p1 $0x308;
	v0 =	vpsel !p2, $0xFFFFFFFF, v0  }
0x262: {  	p2 =	sne.s32 @!p1 s8, s7;
	v0 =	vsel @!p1 vm0, v1, v0  }
0x263: {  	s0 =	simm.s32 @!p1 $0xF238;
	s2 =	simm.s32 @!p1 $0x0;
	p3 =	por !p2, p1;
	[tilespmem:$0x10238] =	vst @!p1 v0  }
0x264: {  	[spmem:s2] =	stream.linear.scatter @!p1 [tilespmem:s0], [sflag:$0x1], $0x80, $0x38;
	[tilespmem:$0x1F6F8] =	vst v63  }
0x265: {  	s0 =	sshll.u32 @!p3 s9, $0x9  }
0x266: {  	s0 =	sshra.s32 @!p3 s0, $0x2  }
0x267: {  	s2 =	simm.s32 @!p3 $0x80;
	s0 =	sadd.s32 @!p3 $0xF238, s0  }
0x268: {  	[spmem:s2] =	stream.linear.scatter @!p3 [tilespmem:s0], [sflag:$0x1], $0x80, $0x38;
	[tilespmem:$0x1F6F8] =	vst v63  }
0x269: {  	s0 =	simm.s32 @!p3 $0x1  }
0x26a: {  	_ =	swait.ge @!p3 [sflag:s0], $0x100  }
0x26b: {  	p1 =	por p2, p1;
	[sflag:s0] =	ssyncset.done @!p3 $0x0  }
0x26c: {  	[sflag:s0] =	ssyncadd.s32 @!p3 $0xFFFFFF00;
	s0 =	simm.s32 @!p1 $0x1  }
0x26d: {  	_ =	swait.ge @!p1 [sflag:s0], $0x80  }
0x26e: {  	s29 =	simm.s32 $0x10238;
	[sflag:s0] =	ssyncset.done @!p1 $0x0  }
0x26f: {  	s30 =	simm.s32 $0x1000;
	s31 =	simm.s32 $0x1;
	[sflag:s0] =	ssyncadd.s32 @!p1 $0xFFFFFF80  }
0x270: {  	[spmem:s30] =	stream.linear.scatter [tilespmem:s29], [sflag:$0x1], $0x10, $0x38;
	[tilespmem:$0x1F6F8] =	vst v63  }
0x271: {  	_ =	swait.ge [sflag:s31], $0x10  }
0x272: {  	[sflag:s31] =	ssyncset.done $0x0  }
0x273: {  	p1 =	seq.s32 s15, $0x0;
	s8 =	rddreg [dreg:$0x1];
	[sflag:s31] =	ssyncadd.s32 $0xFFFFFFF0  }
0x274: {  	s2 =	sshll.u32 @p1 s8, $0xE;
	s7 =	rddreg [dreg:$0x2]  }
0x275: {  	s0 =	sadd.s32 @p1 $0x15C3C, s2;
	s2 =	sshll.u32 @p1 s7, $0x11  }
0x276: {  	_ =	sfence.stream.spmem;
	s0 =	sor.u32 @p1 s2, s0  }
0x277: {  	[sflag:s0] =	ssyncadd.remote.s32 @p1 $0x1;
	s0 =	simm.s32 @p1 $0x4  }
0x278: {  	s3 =	simm.s32 @!p1 $0x3C;
	s2 =	sand.u32 $0xFFFFFFFE, s8;
	_ =	swait.ge @p1 [sflag:s0], $0x22  }
0x279: {  	s4 =	simm.s32 @!p1 $0x0;
	s2 =	sadd.s32 @!p1 $0x4, s2;
	[sflag:s0] =	ssyncset.done @p1 $0x0  }
0x27a: {  	s5 =	simm.s32 @!p1 $0x100;
	[sflag:s0] =	ssyncadd.s32 @p1 $0xFFFFFFDE;
	s0 =	sshll.u32 @!p1 s2, $0x1A  }
0x27b: {  	s2 =	sshll.u32 @!p1 s2, $0xD;
	s0 =	sor.u32 @!p1 s0, s7;
	_ =	swait.eq @!p1 [sflag:s3], $0x1  }
0x27c: {  	s2 =	sor.u32 @!p1 $0x1C04, s2;
	s3 =	simm.s32 @!p1 $0x1C03;
	s0 =	sor.u32 @!p1 $0x80004000, s0  }
0x27d: {  	[spmem:s5], [sflag:s2] =	dma.general @!p1 [spmem:s4], [sflag:s3], length:$0x20, [dreg:$0x0], stride_count:$0x0, ici_dest:s0, dma_misc:DstOpCode:WRITE  }
0x27e: {  	p2 =	slt.s32 s9, $0x2;
	s4 =	simm.s32 @!p1 $0x200;
	s5 =	simm.s32 @!p1 $0x202  }
0x27f: {  	[spmem:s5], [sflag:s2] =	dma.general @!p1 [spmem:s4], [sflag:s3], length:$0x2, [dreg:$0x0], stride_count:$0x0, ici_dest:s0, dma_misc:DstOpCode:WRITE  }
.Ltmp35:
0x280: {  	s0 =	simm.s32 @!p1 $0x3;
	(pc) =	sbr.rel @p2 .LBB3_38-.Ltmp35, $4  }
0x281: {  	s2 =	sshll.u32 @!p1 s8, $0xE;
	_ =	swait.ge @!p1 [sflag:s0], $0x22  }
0x282: {  	s3 =	sshll.u32 @!p1 s7, $0x11;
	s2 =	sadd.s32 @!p1 $0x11C3C, s2;
	[sflag:s0] =	ssyncset.done @!p1 $0x0  }
0x283: {  	[sflag:s0] =	ssyncadd.s32 @!p1 $0xFFFFFFDE;
	s0 =	sor.u32 @!p1 s3, s2  }
0x284: {  	[sflag:s0] =	ssyncadd.remote.s32 @!p1 $0xFFFFFFFF;
	s0 =	simm.s32 $0x0  }
0x285: {  	s0 =	simm.s32 $0xF219  }
0x286: {  	v0 =	vld.msk [tilespmem:s0+$0x0], $0x1;
	_ =	sdelay $0x4  }
0x287: {  	(v2sf) =	vpush v0, $0x0;
	_ =	sdelay $0xb  }
0x288: {  	s31 =	sadd.s32 $0xFFFFFFFE, s6  }
0x289: {  	s0 =	sadd.s32 $0xFFFFFFFF, s31  }
0x28a: {  	p2 =	sne.s32 s0, $0x0  }
.Ltmp36:
0x28b: {  	s2 =	spop (v2sf);
	(pc) =	sbr.rel @!p2 .LBB3_37-.Ltmp36, $4  }
0x28c: {  	s4 =	simm.s32 $0xF2B8;
	s7 =	simm.s32 $0x0;
	p1 =	sgt.u32 s2, $0x270F0  }
0x28d: {  	s5 =	simm.s32 $0x0;
	s6 =	simm.s32 $0xF21A;
	s3 =	sand.u32 @!p1 $0x3FFF8, s2  }
0x28e: {  	s2 =	sand.u32 @!p1 $0x7, s2;
	s7 =	simm.s32 @!p1 $0x200;
	s3 =	sadd.s32 @!p1 s1, s3  }
0x28f: {  	[hbm4b:s3+s2] =	stream.linear.scatter @!p1 [tilespmem:s4], [sflag:$0x5], $0x80, $0x38;
	[tilespmem:$0x1F6F8] =	vst v63  }
.LBB3_36:
0x290: {  	v0 =	vld.msk [tilespmem:s6+$0x0], $0x1;
	s0 =	sadd.s32 $0xFFFFFFFF, s0;
	s5 =	sadd.s32 s5, s7  }
0x291: {  	p1 =	sne.s32 s0, $0x0;
	_ =	sdelay $0x3  }
0x292: {  	(v2sf) =	vpush v0, $0x0;
	_ =	sdelay $0xe  }
.Ltmp37:
0x293: {  	s2 =	spop (v2sf);
	(pc) =	sbr.rel @p1 .LBB3_36-.Ltmp37, $4  }
0x294: {  	s7 =	simm.s32 $0x0;
	p2 =	sgt.u32 s2, $0x270F0  }
0x295: {  	s4 =	sadd.s32 $0x80, s4;
	s7 =	simm.s32 @!p2 $0x200;
	s3 =	sand.u32 @!p2 $0x3FFF8, s2  }
0x296: {  	s6 =	sadd.s32 $0x1, s6;
	s2 =	sand.u32 @!p2 $0x7, s2;
	s3 =	sadd.s32 @!p2 s1, s3  }
0x297: {  	[hbm4b:s3+s2] =	stream.linear.scatter @!p2 [tilespmem:s4], [sflag:$0x5], $0x80, $0x38;
	[tilespmem:$0x1F6F8] =	vst v63  }
.LBB3_37:
0x298: {  	s0 =	sadd.s32 s5, s7  }
0x299: {  	s0 =	sshrl.u32 s0, $0x2  }
.LBB3_38:
0x29a: {  	s2 =	simm.s32 $0x5  }
0x29b: {  	_ =	swait.ge [sflag:s2], s0  }
0x29c: {  	s31 =	ssub.s32 $0x0, s0;
	[sflag:s2] =	ssyncset.done $0x0  }
0x29d: {  	[sflag:s2] =	ssyncadd.s32 s31  }
0x29e: {  	[sflag:s2] =	ssyncpa.u1 $0x1  }
.LBB3_39:
0x29f: {  	s0 =	sor.u32 s15, s16  }
0x2a0: {  	p1 =	sne.s32 s0, $0x0  }
.Ltmp38:
0x2a1: {  	_ = 	snop;
	(pc) =	sbr.rel @p1 .LBB3_54-.Ltmp38, $3  }
0x2a2: {  	_ =	sdelay $0x1  }
0x2a3: {  	[bflag:$0x0] =	sbarrier.arrive $0xFFFF  }
0x2a4: {  	_ =	sfence  }
0x2a5: {  	s0 =	simm.s32 $0x7  }
0x2a6: {  	s2 =	simm.s32 $0x1000;
	s3 =	simm.s32 $0xF218;
	[sflag:s0] =	ssyncpa.u1 $0x0  }
0x2a7: {  	[tilespmem:s3], [sflag:$0x7] =	stream.linear.gather [spmem:s2], $0x20, $0x38;
	[tilespmem:$0x1F6F8] =	vst v63  }
0x2a8: {  	s30 =	simm.s32 $0xF238;
	s2 =	simm.s32 $0x0  }
0x2a9: {  	[tilespmem:s30], [sflag:$0x7] =	stream.linear.gather [spmem:s2], $0x1000, $0x38;
	[tilespmem:$0x1F6F8] =	vst v63  }
.Ltmp39:
0x2aa: {  	_ = 	snop;
	(pc) =	sbr.rel .LBB3_41-.Ltmp39, $4  }
0x2ab: {  	_ =	swait.ge [sflag:s0], $0x1020  }
0x2ac: {  	[sflag:s0] =	ssyncset.done $0x0  }
0x2ad: {  	s31 =	simm.s32 $0x8;
	[sflag:s0] =	ssyncadd.s32 $0xFFFFEFE0  }
0x2ae: {  	s3 =	simm.s32 $0x0;
	[sflag:s31] =	ssyncpa.u1 $0x0  }
.LBB3_47:
0x2af: {  	p1 =	slt.u32 s4, $0x270F1  }
0x2b0: {  	s0 =	sand.u32 @p1 $0x3FFF8, s4  }
0x2b1: {  	s4 =	sand.u32 @p1 $0x7, s4;
	s5 =	simm.s32 @p1 $0xF188;
	s0 =	sadd.s32 @p1 s1, s0  }
0x2b2: {  	[tilespmem:s5], [sflag:$0x8] =	stream.linear.gather @p1 [hbm4b:s0+s4], $0x80, $0x38;
	[tilespmem:$0x1F6F8] =	vst v63  }
0x2b3: {  	s0 =	simm.s32 @p1 $0x8  }
0x2b4: {  	_ =	swait.ge @p1 [sflag:s0], $0x80  }
0x2b5: {  	[sflag:s0] =	ssyncset.done @p1 $0x0  }
0x2b6: {  	[sflag:s0] =	ssyncadd.s32 @p1 $0xFFFFFF80;
	s0 =	sshll.u32 @p1 s3, $0x9  }
0x2b7: {  	s4 =	sshrl.u32 @p1 s0, $0x2;
	v1 =	vld @p1 [tilespmem:$0xF188]  }
0x2b8: {  	v2 =	vld @p1 [tilespmem:s4+$0xF238];
	_ =	sdelay $0x4  }
0x2b9: {  	v1 =	vmax.f32 @p1 v1, v2  }
0x2ba: {  	v2 =	vld @p1 [tilespmem:s4+$0xF248];
	[tilespmem:s4+$0xF238] =	vst @p1 v1  }
0x2bb: {  	v1 =	vld @p1 [tilespmem:$0xF198];
	_ =	sdelay $0x4  }
0x2bc: {  	v1 =	vmax.f32 @p1 v1, v2  }
0x2bd: {  	v2 =	vld @p1 [tilespmem:s4+$0xF258];
	[tilespmem:s4+$0xF248] =	vst @p1 v1  }
0x2be: {  	v1 =	vld @p1 [tilespmem:$0xF1A8];
	_ =	sdelay $0x4  }
0x2bf: {  	v1 =	vmax.f32 @p1 v1, v2  }
0x2c0: {  	v2 =	vld @p1 [tilespmem:s4+$0xF268];
	[tilespmem:s4+$0xF258] =	vst @p1 v1  }
0x2c1: {  	v1 =	vld @p1 [tilespmem:$0xF1B8];
	_ =	sdelay $0x4  }
0x2c2: {  	v1 =	vmax.f32 @p1 v1, v2  }
0x2c3: {  	v2 =	vld @p1 [tilespmem:s4+$0xF278];
	[tilespmem:s4+$0xF268] =	vst @p1 v1  }
0x2c4: {  	v1 =	vld @p1 [tilespmem:$0xF1C8];
	_ =	sdelay $0x4  }
0x2c5: {  	v1 =	vmax.f32 @p1 v1, v2  }
0x2c6: {  	v2 =	vld @p1 [tilespmem:s4+$0xF288];
	[tilespmem:s4+$0xF278] =	vst @p1 v1  }
0x2c7: {  	v1 =	vld @p1 [tilespmem:$0xF1D8];
	_ =	sdelay $0x4  }
0x2c8: {  	v1 =	vmax.f32 @p1 v1, v2  }
0x2c9: {  	v2 =	vld @p1 [tilespmem:s4+$0xF298];
	[tilespmem:s4+$0xF288] =	vst @p1 v1  }
0x2ca: {  	v1 =	vld @p1 [tilespmem:$0xF1E8];
	_ =	sdelay $0x4  }
0x2cb: {  	v1 =	vmax.f32 @p1 v1, v2  }
0x2cc: {  	v2 =	vld @p1 [tilespmem:s4+$0xF2A8];
	[tilespmem:s4+$0xF298] =	vst @p1 v1  }
0x2cd: {  	v1 =	vld @p1 [tilespmem:$0xF1F8];
	_ =	sdelay $0x4  }
0x2ce: {  	s5 =	sshll.u32 @!p1 s3, $0x9;
	v1 =	vmax.f32 @p1 v1, v2  }
0x2cf: {  	s5 =	smov.u32 @p1 s0;
	[tilespmem:s4+$0xF2A8] =	vst @p1 v1  }
0x2d0: {  	s0 =	sshrl.u32 s5, $0x2;
	[tilespmem:s2+$0xF218] =	vst.msk $0x1, v0  }
0x2d1: {  	v0 =	vld [tilespmem:s0+$0xF238];
	_ =	sdelay $0x2  }
0x2d2: {  	s31 =	sshll.u32 s2, $0x9  }
0x2d3: {  	s4 =	sshra.s32 s31, $0x2  }
0x2d4: {  	[tilespmem:s4+$0xF238] =	vst v0  }
0x2d5: {  	v0 =	vld [tilespmem:s0+$0xF248];
	_ =	sdelay $0x4  }
0x2d6: {  	[tilespmem:s4+$0xF248] =	vst v0  }
0x2d7: {  	v0 =	vld [tilespmem:s0+$0xF258];
	_ =	sdelay $0x4  }
0x2d8: {  	[tilespmem:s4+$0xF258] =	vst v0  }
0x2d9: {  	v0 =	vld [tilespmem:s0+$0xF268];
	_ =	sdelay $0x4  }
0x2da: {  	[tilespmem:s4+$0xF268] =	vst v0  }
0x2db: {  	v0 =	vld [tilespmem:s0+$0xF278];
	_ =	sdelay $0x4  }
0x2dc: {  	[tilespmem:s4+$0xF278] =	vst v0  }
0x2dd: {  	v0 =	vld [tilespmem:s0+$0xF288];
	_ =	sdelay $0x4  }
0x2de: {  	[tilespmem:s4+$0xF288] =	vst v0  }
0x2df: {  	v0 =	vld [tilespmem:s0+$0xF298];
	_ =	sdelay $0x4  }
0x2e0: {  	[tilespmem:s4+$0xF298] =	vst v0  }
0x2e1: {  	v0 =	vld [tilespmem:s0+$0xF2A8];
	_ =	sdelay $0x4  }
0x2e2: {  	s2 =	sadd.s32 $0x1, s2;
	[tilespmem:s4+$0xF2A8] =	vst v0  }
.LBB3_48:
0x2e3: {  	s3 =	sadd.s32 $0x1, s3  }
0x2e4: {  	p1 =	sne.s32 s3, $0x20  }
.Ltmp40:
0x2e5: {  	_ = 	snop;
	(pc) =	sbr.rel @!p1 .LBB3_49-.Ltmp40, $1  }
0x2e6: {  	_ =	sdelay $0x3  }
.LBB3_41:
0x2e7: {  	v0 =	vld.msk [tilespmem:s3+$0xF218], $0x1;
	_ =	sdelay $0x4  }
0x2e8: {  	(v2sf) =	vpush v0, $0x0;
	_ =	sdelay $0xe  }
0x2e9: {  	s4 =	spop (v2sf)  }
0x2ea: {  	p1 =	seq.s32 s4, $0xFFFFFFFF  }
.Ltmp41:
0x2eb: {  	_ = 	snop;
	(pc) =	sbr.rel @p1 .LBB3_48-.Ltmp41, $1  }
0x2ec: {  	_ =	sdelay $0x3  }
0x2ed: {  	p1 =	slt.s32 s2, $0x1  }
.Ltmp42:
0x2ee: {  	_ = 	snop;
	(pc) =	sbr.rel @p1 .LBB3_47-.Ltmp42, $1  }
0x2ef: {  	_ =	sdelay $0x3  }
0x2f0: {  	s5 =	simm.s32 $0xF218;
	p1 =	por $0x0, $0x0  }
0x2f1: {  	v1 =	vld.msk @!p1 [tilespmem:s5+$0x0], $0x1;
	_ =	sdelay $0x4  }
0x2f2: {  	(v2sf) =	vpush @!p1 v1, $0x0;
	_ =	sdelay $0xd  }
0x2f3: {  	p3 =	sne.s32 s2, $0x1  }
.Ltmp43:
0x2f4: {  	s0 =	spop @!p1 (v2sf);
	(pc) =	sbr.rel @!p3 .LBB3_45-.Ltmp43, $4  }
0x2f5: {  	p2 =	seq.s32 @!p1 s4, s0  }
0x2f6: {  	s6 =	simm.s32 $0x0;
	p2 =	por !p2, p1  }
0x2f7: {  	s7 =	simm.s32 $0xFFFFFFFF;
	s6 =	simm.s32 @p2 $0xFFFFFFFF  }
0x2f8: {  	s0 =	simm.s32 $0x1;
	s6 =	smov.u32 @p1 s7  }
.LBB3_44:
0x2f9: {  	s7 =	smov.u32 s6;
	p1 =	sne.s32 s6, $0xFFFFFFFF  }
0x2fa: {  	s5 =	sadd.s32 $0x1, s5;
	s6 =	smov.u32 s0;
	s0 =	sadd.s32 $0x1, s0  }
0x2fb: {  	p2 =	sne.s32 s2, s0;
	v1 =	vld.msk @!p1 [tilespmem:s5+$0x0], $0x1;
	_ =	sdelay $0x4  }
0x2fc: {  	(v2sf) =	vpush @!p1 v1, $0x0;
	_ =	sdelay $0xe  }
.Ltmp44:
0x2fd: {  	s8 =	spop @!p1 (v2sf);
	(pc) =	sbr.rel @p2 .LBB3_44-.Ltmp44, $4  }
0x2fe: {  	p3 =	seq.s32 @!p1 s4, s8  }
0x2ff: {  	p3 =	por !p3, p1  }
0x300: {  	s6 =	simm.s32 @p3 $0xFFFFFFFF  }
0x301: {  	s6 =	smov.u32 @p1 s7  }
.LBB3_45:
0x302: {  	p1 =	seq.s32 s6, $0xFFFFFFFF  }
.Ltmp45:
0x303: {  	_ = 	snop;
	(pc) =	sbr.rel @p1 .LBB3_47-.Ltmp45, $1  }
0x304: {  	_ =	sdelay $0x3  }
0x305: {  	s0 =	sshll.u32 s3, $0x7  }
0x306: {  	s4 =	sshll.u32 s6, $0x9;
	s0 =	sand.u32 $0x3FFFFF80, s0  }
0x307: {  	s4 =	sshra.s32 s4, $0x2;
	v0 =	vld [tilespmem:s0+$0xF238]  }
0x308: {  	v1 =	vld [tilespmem:s4+$0xF238];
	_ =	sdelay $0x4  }
0x309: {  	v0 =	vmax.f32 v0, v1  }
0x30a: {  	v57 =	vld [tilespmem:s4+$0xF248];
	[tilespmem:s4+$0xF238] =	vst v0  }
0x30b: {  	v0 =	vld [tilespmem:s0+$0xF248];
	_ =	sdelay $0x4  }
0x30c: {  	v0 =	vmax.f32 v0, v57  }
0x30d: {  	v58 =	vld [tilespmem:s4+$0xF258];
	[tilespmem:s4+$0xF248] =	vst v0  }
0x30e: {  	v0 =	vld [tilespmem:s0+$0xF258];
	_ =	sdelay $0x4  }
0x30f: {  	v0 =	vmax.f32 v0, v58  }
0x310: {  	v59 =	vld [tilespmem:s4+$0xF268];
	[tilespmem:s4+$0xF258] =	vst v0  }
0x311: {  	v0 =	vld [tilespmem:s0+$0xF268];
	_ =	sdelay $0x4  }
0x312: {  	v0 =	vmax.f32 v0, v59  }
0x313: {  	v60 =	vld [tilespmem:s4+$0xF278];
	[tilespmem:s4+$0xF268] =	vst v0  }
0x314: {  	v0 =	vld [tilespmem:s0+$0xF278];
	_ =	sdelay $0x4  }
0x315: {  	v0 =	vmax.f32 v0, v60  }
0x316: {  	v61 =	vld [tilespmem:s4+$0xF288];
	[tilespmem:s4+$0xF278] =	vst v0  }
0x317: {  	v0 =	vld [tilespmem:s0+$0xF288];
	_ =	sdelay $0x4  }
0x318: {  	v0 =	vmax.f32 v0, v61  }
0x319: {  	v62 =	vld [tilespmem:s4+$0xF298];
	[tilespmem:s4+$0xF288] =	vst v0  }
0x31a: {  	v0 =	vld [tilespmem:s0+$0xF298];
	_ =	sdelay $0x4  }
0x31b: {  	v0 =	vmax.f32 v0, v62  }
0x31c: {  	v63 =	vld [tilespmem:s4+$0xF2A8];
	[tilespmem:s4+$0xF298] =	vst v0  }
0x31d: {  	v0 =	vld [tilespmem:s0+$0xF2A8];
	_ =	sdelay $0x1  }
.Ltmp46:
0x31e: {  	_ = 	snop;
	(pc) =	sbr.rel .LBB3_48-.Ltmp46, $3  }
0x31f: {  	_ =	sdelay $0x1  }
0x320: {  	v0 =	vmax.f32 v0, v63  }
0x321: {  	[tilespmem:s4+$0xF2A8] =	vst v0  }
.LBB3_49:
0x322: {  	p1 =	slt.s32 s2, $0x1  }
.Ltmp47:
0x323: {  	_ = 	snop;
	(pc) =	sbr.rel @p1 .LBB3_53-.Ltmp47, $3  }
0x324: {  	_ =	sdelay $0x1  }
0x325: {  	s0 =	simm.s32 $0x8  }
0x326: {  	s3 =	simm.s32 $0x0;
	[sflag:s0] =	ssyncpa.u1 $0x1  }
0x327: {  	s0 =	simm.s32 $0xF218  }
0x328: {  	v0 =	vld.msk [tilespmem:s0+$0x0], $0x1;
	_ =	sdelay $0x4  }
0x329: {  	(v2sf) =	vpush v0, $0x0;
	_ =	sdelay $0xe  }
0x32a: {  	s0 =	sadd.s32 $0xFFFFFFFF, s2;
	s5 =	spop (v2sf)  }
0x32b: {  	p2 =	sne.s32 s0, $0x0;
	p1 =	sgt.u32 s5, $0x270F0  }
.Ltmp48:
0x32c: {  	s6 =	sand.u32 @!p1 $0x3FFF8, s5;
	(pc) =	sbr.rel @!p2 .LBB3_52-.Ltmp48, $4  }
0x32d: {  	s4 =	simm.s32 $0xF238;
	s5 =	sand.u32 @!p1 $0x7, s5;
	s2 =	sadd.s32 @!p1 s1, s6  }
0x32e: {  	[hbm4b:s2+s5] =	stream.linear.scatter @!p1 [tilespmem:s4], [sflag:$0x7], $0x80, $0x38;
	[tilespmem:$0x1F6F8] =	vst v63  }
0x32f: {  	s5 =	simm.s32 $0x0  }
0x330: {  	s2 =	simm.s32 $0xF219;
	s5 =	simm.s32 @!p1 $0x200  }
.LBB3_51:
0x331: {  	v0 =	vld.msk [tilespmem:s2+$0x0], $0x1;
	s0 =	sadd.s32 $0xFFFFFFFF, s0;
	s3 =	sadd.s32 s3, s5  }
0x332: {  	p1 =	sne.s32 s0, $0x0;
	_ =	sdelay $0x3  }
0x333: {  	(v2sf) =	vpush v0, $0x0;
	_ =	sdelay $0xe  }
.Ltmp49:
0x334: {  	s6 =	spop (v2sf);
	(pc) =	sbr.rel @p1 .LBB3_51-.Ltmp49, $4  }
0x335: {  	s5 =	simm.s32 $0x0;
	p2 =	sgt.u32 s6, $0x270F0  }
0x336: {  	s4 =	sadd.s32 $0x80, s4;
	s5 =	simm.s32 @!p2 $0x200;
	s7 =	sand.u32 @!p2 $0x3FFF8, s6  }
0x337: {  	s2 =	sadd.s32 $0x1, s2;
	s6 =	sand.u32 @!p2 $0x7, s6;
	s7 =	sadd.s32 @!p2 s1, s7  }
0x338: {  	[hbm4b:s7+s6] =	stream.linear.scatter @!p2 [tilespmem:s4], [sflag:$0x7], $0x80, $0x38;
	[tilespmem:$0x1F6F8] =	vst v63  }
.LBB3_52:
0x339: {  	s0 =	sadd.s32 s3, s5  }
0x33a: {  	s3 =	sshrl.u32 s0, $0x2  }
.LBB3_53:
0x33b: {  	s0 =	simm.s32 $0x7  }
0x33c: {  	_ =	swait.ge [sflag:s0], s3  }
0x33d: {  	s1 =	ssub.s32 $0x0, s3;
	[sflag:s0] =	ssyncset.done $0x0  }
0x33e: {  	[sflag:s0] =	ssyncadd.s32 s1  }
0x33f: {  	[sflag:s0] =	ssyncpa.u1 $0x1  }
.LBB3_54:
0x340: {  	_ =	sfence;
	s0 =	simm.s32 $0x1  }
0x341: {  	[sflag:s0] =	ssyncpa.u1 $0x1  }
0x342: {  	_ =	strace $0x90000056  }
0x343: {  	[bflag:$0x2] =	sbarrier.arrive $0xFFFF  }
0x344: {  	s0 =	rddreg [dreg:$0x3]  }
0x345: {  	s0 =	sadd.s32 @!p0 $0x100000, s0  }
0x346: {  	[sflag:s0] =	ssyncadd.tile.s32 @!p0 $0x1;
	_ =	shalt  }
.Lfunc_end3:
_tile_overlayer_lowered:
.L_overlay_start_3:
0x347: {  	(tag) =	ssettag $0x3  }
0x348: {  	s0 =	rddreg [dreg:$0x0];
	s2 =	stileid.u32  }
0x349: {  	s1 =	rddreg [dreg:$0x1];
	p0 =	sne.s32 s2, $0x0  }
0x34a: {  	s3 =	rddreg [dreg:$0x2];
	[bflag:$0x3] =	sbarrier.arrive $0xFFFF;
	s2 =	simm.s32 @!p0 $0x1C01  }
0x34b: {  	[timem:s3], [sflag:s2] =	dma.local @!p0 [hbm:s0], s1  }
0x34c: {  	s0 =	simm.s32 @!p0 $0x1  }
0x34d: {  	_ =	swait.ge @!p0 [sflag:s0], s1  }
0x34e: {  	s1 =	ssub.s32 @!p0 $0x0, s1;
	[sflag:s0] =	ssyncset.done @!p0 $0x0  }
0x34f: {  	[sflag:s0] =	ssyncadd.s32 @!p0 s1  }
0x350: {  	[bflag:$0x3] =	sbarrier.arrive $0xFFFF  }
0x351: {  	_ =	shalt  }

// kernel: scatter_offload_async_start.2
scs
__scs_entry_jumppad:
0x0: {  	(pc) =	sbr.rel $0x88, $3  }
0x1: {  	(tag) =	ssettag $0x0;
	lr =	simm.s32 $0x1  }
0x2: {  	[smem:$0x3F8F] =	sst lr;
	_ =	strace $0xD0000000  }
0x3: {  	_ = 	snop  }
0x4: {  	_ = 	snop  }
0x5: {  	_ = 	snop  }
0x6: {  	_ = 	snop  }
0x7: {  	_ = 	snop  }
__scs_overlays_trampoline_lowered:
0x8: {  	[smem:$0x3F9E] =	sst s0  }
0x9: {  	[smem:$0x3F9F] =	sst s1  }
0xa: {  	[smem:$0x3FA0] =	sst s2  }
0xb: {  	[smem:$0x3FA1] =	sst s3  }
0xc: {  	[smem:$0x3FA2] =	sst s4  }
0xd: {  	[smem:$0x3FA3] =	sst s5  }
0xe: {  	[smem:$0x3FA4] =	sst s6  }
0xf: {  	[smem:$0x3FA5] =	sst s7  }
0x10: {  	[smem:$0x3FA6] =	sst s8  }
0x11: {  	[smem:$0x3FA7] =	sst s9;
	s0 =	simm.s32 @!p0 $0x0  }
0x12: {  	s1 =	sld [smem:$0x3F8D];
	s0 =	simm.s32 @p0 $0x1  }
0x13: {  	[smem:$0x3FA8] =	sst s0;
	s0 =	simm.s32 @!p1 $0x0  }
0x14: {  	s2 =	sld [smem:$0x3F8C];
	s0 =	simm.s32 @p1 $0x1  }
0x15: {  	[smem:$0x3FA9] =	sst s0;
	s0 =	simm.s32 @!p2 $0x0  }
0x16: {  	s3 =	sld [smem:$0x3FDB];
	s0 =	simm.s32 @p2 $0x1  }
0x17: {  	s4 =	simm.s32 $0x1BF5;
	[smem:$0x3FAB] =	sst s0  }
0x18: {  	s0 =	sld [smem:$0x3F8E];
	_ =	swait.ge [sflag:s4], $0x0  }
0x19: {  	s7 =	sld [smem:$0x3F8F]  }
0x1a: {  	s8 =	sadd.s32 $0xFFFFE003, lr  }
0x1b: {  	s9 =	sadd.s32 $0xFFFFFEF7, lr;
	s5 =	simm.s32 $0xFFFFFFFF;
	p2 =	slt.u32 s8, $0xFFFFF086  }
0x1c: {  	p1 =	slt.u32 s9, $0xF7A;
	s5 =	simm.s32 @!p2 $0x0  }
0x1d: {  	s5 =	simm.s32 @p1 $0x1;
	p0 =	seq.s32 s7, s2  }
0x1e: {  	s7 =	smul.u32 @!p0 $0xF7A, s2;
	p2 =	seq.s32 @!p0 s5, $0x0  }
0x1f: {  	s9 =	smul.u32 $0xF7A, s1;
	s8 =	simm.s32 @!p0 $0x1BF5;
	p2 =	por !p2, p0  }
0x20: {  	[sflag:s8] =	ssyncset.s32 @!p0 $0xFFFFF086;
	s6 =	sadd.s32 @!p0 s3, s7;
	s7 =	simm.s32 @!p0 $0x108  }
0x21: {  	s3 =	sadd.s32 s3, s9;
	s6 =	sadd.s32 @!p0 $0x88, s6;
	s7 =	simm.s32 @p2 $0x1082  }
0x22: {  	[simem:s7], [sflag:s8] =	dma.local @!p0 [hbm:s6], $0xF7A  }
0x23: {  	s9 =	sor.u32 $0xD0000000, s2;
	s6 =	simm.s32 $0x108;
	_ =	swait.ge @!p0 [sflag:s8], $0x0  }
0x24: {  	s3 =	sadd.s32 $0x88, s3;
	s6 =	simm.s32 @!p1 $0x1082;
	[sflag:s4] =	ssyncset.s32 $0xFFFFF086  }
0x25: {  	[simem:s6], [sflag:s4] =	dma.local [hbm:s3], $0xF7A  }
0x26: {  	[smem:$0x3F8F] =	sst s1;
	(tag) =	ssettag s2;
	_ =	strace s9  }
0x27: {  	s1 =	sld [smem:$0x3F9F]  }
0x28: {  	s2 =	sld [smem:$0x3FA0]  }
0x29: {  	s4 =	sld [smem:$0x3FA2]  }
0x2a: {  	p0 =	seq.s32 s5, $0x0;
	s5 =	sld [smem:$0x3FA3]  }
0x2b: {  	s6 =	sld [smem:$0x3FA4]  }
0x2c: {  	s7 =	sld [smem:$0x3FA5]  }
0x2d: {  	s3 =	simm.s32 $0x108;
	s8 =	sld [smem:$0x3FA6]  }
0x2e: {  	s3 =	simm.s32 @!p0 $0x1082;
	s9 =	sld [smem:$0x3FA7]  }
0x2f: {  	lr =	sadd.s32 s0, s3;
	s0 =	sld [smem:$0x3F9E]  }
0x30: {  	s3 =	sld [smem:$0x3FA1]  }
0x31: {  	[smem:$0x3FAA] =	sst s10  }
0x32: {  	s10 =	sld [smem:$0x3FA8];
	_ =	sdelay $0x3  }
0x33: {  	p0 =	seq.s32 s10, $0x1;
	s10 =	sld [smem:$0x3FAA];
	_ =	sdelay $0x3  }
0x34: {  	[smem:$0x3FAA] =	sst s10  }
0x35: {  	s10 =	sld [smem:$0x3FA9];
	_ =	sdelay $0x3  }
0x36: {  	p1 =	seq.s32 s10, $0x1;
	s10 =	sld [smem:$0x3FAA];
	_ =	sdelay $0x3  }
0x37: {  	[smem:$0x3FAA] =	sst s10  }
0x38: {  	s10 =	sld [smem:$0x3FAB]  }
0x39: {  	_ = 	snop;
	(pc) =	sbr.ind lr, $3  }
0x3a: {  	_ = 	snop  }
0x3b: {  	_ = 	snop  }
0x3c: {  	p2 =	seq.s32 s10, $0x1;
	s10 =	sld [smem:$0x3FAA]  }
0x3d: {  	_ =	shalt  }
0x3e: {  	_ =	shalt  }
0x3f: {  	_ =	shalt  }
0x40: {  	_ =	shalt  }
0x41: {  	_ =	shalt  }
0x42: {  	_ =	shalt  }
0x43: {  	_ =	shalt  }
0x44: {  	_ =	shalt  }
0x45: {  	_ =	shalt  }
0x46: {  	_ =	shalt  }
0x47: {  	_ =	shalt  }
0x48: {  	_ =	shalt  }
0x49: {  	_ =	shalt  }
0x4a: {  	_ =	shalt  }
0x4b: {  	_ =	shalt  }
0x4c: {  	_ =	shalt  }
0x4d: {  	_ =	shalt  }
0x4e: {  	_ =	shalt  }
0x4f: {  	_ =	shalt  }
0x50: {  	_ =	shalt  }
0x51: {  	_ =	shalt  }
0x52: {  	_ =	shalt  }
0x53: {  	_ =	shalt  }
0x54: {  	_ =	shalt  }
0x55: {  	_ =	shalt  }
0x56: {  	_ =	shalt  }
0x57: {  	_ =	shalt  }
0x58: {  	_ =	shalt  }
0x59: {  	_ =	shalt  }
0x5a: {  	_ =	shalt  }
0x5b: {  	_ =	shalt  }
0x5c: {  	_ =	shalt  }
0x5d: {  	_ =	shalt  }
0x5e: {  	_ =	shalt  }
0x5f: {  	_ =	shalt  }
0x60: {  	_ =	shalt  }
0x61: {  	_ =	shalt  }
0x62: {  	_ =	shalt  }
0x63: {  	_ =	shalt  }
0x64: {  	_ =	shalt  }
0x65: {  	_ =	shalt  }
0x66: {  	_ =	shalt  }
0x67: {  	_ =	shalt  }
0x68: {  	_ =	shalt  }
0x69: {  	_ =	shalt  }
0x6a: {  	_ =	shalt  }
0x6b: {  	_ =	shalt  }
0x6c: {  	_ =	shalt  }
0x6d: {  	_ =	shalt  }
0x6e: {  	_ =	shalt  }
0x6f: {  	_ =	shalt  }
0x70: {  	_ =	shalt  }
0x71: {  	_ =	shalt  }
0x72: {  	_ =	shalt  }
0x73: {  	_ =	shalt  }
0x74: {  	_ =	shalt  }
0x75: {  	_ =	shalt  }
0x76: {  	_ =	shalt  }
0x77: {  	_ =	shalt  }
0x78: {  	_ =	shalt  }
0x79: {  	_ =	shalt  }
0x7a: {  	_ =	shalt  }
0x7b: {  	_ =	shalt  }
0x7c: {  	_ =	shalt  }
0x7d: {  	_ =	shalt  }
0x7e: {  	_ =	shalt  }
0x7f: {  	_ =	shalt  }
0x80: {  	_ =	shalt  }
0x81: {  	_ =	shalt  }
0x82: {  	_ =	shalt  }
0x83: {  	_ =	shalt  }
0x84: {  	_ =	shalt  }
0x85: {  	_ =	shalt  }
0x86: {  	_ =	shalt  }
0x87: {  	_ =	shalt  }
.Lfunc_end0:
.L_simem_size_0:
called_computation.2_lowered:
.L_overlay_start_0:
0x88: {  	s2 =	sld [smem:$0x3FD9]  }
0x89: {  	s3 =	sld [smem:$0x3FFE];
	_ =	sdelay $0x1  }
0x8a: {  	s1 =	srdreg.scid  }
0x8b: {  	s0 =	sand.u32 $0x1, s1  }
0x8c: {  	s12 =	sshll.u32 s0, $0xA;
	s2 =	sadd.s32 s3, s2  }
0x8d: {  	s2 =	sadd.s32 s2, s12  }
0x8e: {  	[smem:$0x3FB6] =	sst s2  }
0x8f: {  	_ = 	snop  }
0x90: {  	(tm) =	ssettm $0x1  }
0x91: {  	s13 =	sld [smem:$0x3FFB];
	_ =	sdelay $0x3  }
0x92: {  	_ =	strace s13  }
0x93: {  	s2 =	sld [smem:$0x3FFC];
	_ =	sdelay $0x3  }
0x94: {  	_ =	strace s2  }
0x95: {  	s2 =	sld [smem:$0x3FFD];
	_ =	sdelay $0x3  }
0x96: {  	_ =	strace s2  }
0x97: {  	_ =	strace $0x8FFFFFFF  }
0x98: {  	s14 =	sld [smem:$0x3FDB];
	_ =	sdelay $0x1  }
0x99: {  	s15 =	simm.s32 $_scs_section_size  }
0x9a: {  	s4 =	simm.s32 $_size__tile_overlayer_lowered;
	s5 =	simm.s32 $_tile_overlayer_lowered  }
0x9b: {  	s19 =	simm.s32 $0x1BFF;
	s17 =	sshll.u32 s5, $0x1;
	s6 =	sadd.s32 s15, s14  }
0x9c: {  	s20 =	simm.s32 $0x0;
	s16 =	sshll.u32 s4, $0x1;
	s18 =	sadd.s32 s17, s6  }
0x9d: {  	[timem:s20], [sflag:s19] =	dma.local [hbm:s18], s16  }
0x9e: {  	_ =	swait.ge [sflag:s19], s16  }
0x9f: {  	s3 =	ssub.s32 $0x0, s16;
	[sflag:s19] =	ssyncset.done $0x0  }
0xa0: {  	[sflag:s19] =	ssyncadd.s32 s3;
	_ =	sdelay $0x1  }
0xa1: {  	s21 =	simm.s32 $0x1B8B  }
0xa2: {  	_ =	swait.ge [sflag:s21], $0x1  }
0xa3: {  	[sflag:s21] =	ssyncset.done $0x0  }
0xa4: {  	[sflag:s21] =	ssyncadd.s32 $0xFFFFFFFF  }
0xa5: {  	s3 =	sld [smem:$0x0]  }
0xa6: {  	s4 =	sand.u32 $0xFFFFFFFE, s1  }
0xa7: {  	p0 =	sne.s32 s1, s4  }
0xa8: {  	s4 =	sshll.u32 @p0 s4, $0xE  }
0xa9: {  	s5 =	sadd.s32 @p0 $0x11B8D, s4;
	s7 =	sshll.u32 @p0 s3, $0x11  }
0xaa: {  	s5 =	sor.u32 @p0 s7, s5  }
0xab: {  	[sflag:s5] =	ssyncadd.remote.s32 @p0 $0x1;
	_ =	sdelay $0x1  }
0xac: {  	s5 =	simm.s32 @p0 $0x1B8D  }
0xad: {  	_ =	swait.eq @p0 [sflag:s5], $0x1  }
0xae: {  	[sflag:s5] =	ssyncadd.s32 @p0 $0xFFFFFFFF  }
0xaf: {  	s7 =	sshll.u32 @!p0 s1, $0xE  }
0xb0: {  	s7 =	sor.u32 @!p0 $0x4000, s7;
	s5 =	simm.s32 @!p0 $0x1B8D  }
0xb1: {  	s9 =	sshll.u32 @!p0 s3, $0x11;
	s8 =	sadd.s32 @!p0 $0x11B8D, s7;
	_ =	swait.eq @!p0 [sflag:s5], $0x1  }
0xb2: {  	[sflag:s5] =	ssyncadd.s32 @!p0 $0xFFFFFFFF;
	s5 =	sor.u32 @!p0 s9, s8  }
0xb3: {  	s23 =	simm.s32 $0x1B8E;
	s22 =	sld [smem:$0x3FFE];
	[sflag:s5] =	ssyncadd.remote.s32 @!p0 $0x1  }
0xb4: {  	s24 =	simm.s32 $execute0_lowered;
	[smem:$0x3FD2] =	sst s23  }
0xb5: {  	s8 =	sshll.u32 s24, $0x1;
	_ =	strace $0x80000049;
	[dreg:$0x1] =	wrdreg $0xFFFFFFFF  }
0xb6: {  	s25 =	simm.s32 $_size_execute0_lowered;
	s8 =	sadd.s32 s6, s8;
	[dreg:$0x0] =	wrdreg $0x0  }
0xb7: {  	s9 =	sshll.u32 s25, $0x1;
	[dreg:$0x2] =	wrdreg s8  }
0xb8: {  	[dreg:$0x3] =	wrdreg s9  }
0xb9: {  	[dreg:$0x4] =	wrdreg $0xC0  }
0xba: {  	s26 =	simm.s32 $execute1_lowered;
	_ =	task [dreg:s20], $0x5FFFF  }
0xbb: {  	s8 =	sshll.u32 s26, $0x1;
	[dreg:$0x1] =	wrdreg $0xFFFFFFFF  }
0xbc: {  	s6 =	sadd.s32 s6, s8;
	[dreg:$0x0] =	wrdreg $0x60  }
0xbd: {  	[dreg:$0x2] =	wrdreg s6  }
0xbe: {  	[dreg:$0x3] =	wrdreg s22  }
0xbf: {  	[dreg:$0x4] =	wrdreg $0xC  }
0xc0: {  	_ =	task.clear_ibuf [dreg:s20], $0x5FFFF;
	_ =	strace $0x90000049  }
0xc1: {  	s28 =	simm.s32 $0xC;
	_ =	strace $0x8000004B  }
0xc2: {  	_ =	swait.ge [sflag:s28], $0x1  }
0xc3: {  	[sflag:s28] =	ssyncadd.s32 $0xFFFFFFFF  }
0xc4: {  	_ =	strace $0x9000004B  }
0xc5: {  	s6 =	sld [smem:$0x0];
	_ =	sdelay $0x3  }
0xc6: {  	s4 =	sadd.s32 @p0 $0x11BF3, s4;
	s8 =	sshll.u32 @p0 s6, $0x11  }
0xc7: {  	s4 =	sor.u32 @p0 s8, s4  }
0xc8: {  	[sflag:s4] =	ssyncadd.remote.s32 @p0 $0x1;
	_ =	sdelay $0x1  }
0xc9: {  	s4 =	simm.s32 @p0 $0x1BF3  }
0xca: {  	_ =	swait.eq @p0 [sflag:s4], $0x1  }
0xcb: {  	[sflag:s4] =	ssyncadd.s32 @p0 $0xFFFFFFFF;
	_ =	sdelay $0x1  }
0xcc: {  	s4 =	simm.s32 @!p0 $0x1BF3  }
0xcd: {  	s7 =	sadd.s32 @!p0 $0x11BF3, s7;
	s6 =	sshll.u32 @!p0 s6, $0x11;
	_ =	swait.eq @!p0 [sflag:s4], $0x1  }
0xce: {  	[sflag:s4] =	ssyncadd.s32 @!p0 $0xFFFFFFFF;
	s4 =	sor.u32 @!p0 s6, s7  }
0xcf: {  	[sflag:s4] =	ssyncadd.remote.s32 @!p0 $0x1  }
0xd0: {  	_ =	strace $0x8000004C;
	[dreg:$0x1] =	wrdreg $0xFFFFFFFF  }
0xd1: {  	[dreg:$0x0] =	wrdreg $0x2030  }
0xd2: {  	[dreg:$0x2] =	wrdreg s22  }
0xd3: {  	[dreg:$0x3] =	wrdreg s1  }
0xd4: {  	[dreg:$0x4] =	wrdreg s3  }
0xd5: {  	[dreg:$0x5] =	wrdreg $0xD  }
0xd6: {  	_ =	task.clear_ibuf [dreg:s20], $0x6FFFF;
	_ =	strace $0x9000004C  }
0xd7: {  	s29 =	simm.s32 $0xD;
	_ =	strace $0x8000004E  }
0xd8: {  	_ =	swait.ge [sflag:s29], $0x1  }
0xd9: {  	[sflag:s29] =	ssyncadd.s32 $0xFFFFFFFF  }
0xda: {  	_ =	strace $0x9000004E  }
0xdb: {  	_ =	sfence  }
0xdc: {  	s30 =	sld [smem:$0x0];
	_ =	sdelay $0x2  }
0xdd: {  	s31 =	sshll.u32 s1, $0xD;
	s1 =	sshrl.u32 s1, $0x2  }
0xde: {  	s4 =	sand.u32 $0x4000, s31;
	s1 =	sadd.s32 s1, s30  }
0xdf: {  	s0 =	sor.u32 s4, s0;
	s1 =	sshll.u32 s1, $0x11  }
0xe0: {  	s0 =	sor.u32 s1, s0  }
0xe1: {  	s0 =	sadd.s32 $0x8F2B, s0  }
0xe2: {  	[sflag:s0] =	ssyncadd.remote.s32 $0x1  }
0xe3: {  	_ =	sfence.sel $0xFFFF  }
0xe4: {  	[dreg:$0x0] =	wrdreg $0xFFFFFFFF;
	(pc) =	sbr.abs _section_cstart, $3  }
0xe5: {  	[dreg:$0x1] =	wrdreg $0xFFFFFFFF  }
0xe6: {  	_ =	task.clear_ibuf [dreg:s20], $0x2FFFF;
	_ =	strace $0x9FFFFFFF  }
0xe7: {  	(tm) =	ssettm $0x7FFFFFFF  }
tec
execute0_lowered:
.L_overlay_start_1:
0x0: {  	(tag) =	ssettag $0x1  }
0x1: {  	s2 =	rddreg [dreg:$0x0]  }
0x2: {  	s4 =	rddreg [dreg:$0x1]  }
0x3: {  	s0 =	rddreg [dreg:$0x2];
	s3 =	stileid.u32  }
0x4: {  	[bflag:$0x3] =	sbarrier.arrive $0xFFFF;
	s1 =	simm.s32 $_size_execute1_lowered;
	s29 =	srdreg.scid  }
0x5: {  	s7 =	simm.s32 $0x2;
	s8 =	simm.s32 $0x0;
	p0 =	sne.s32 s3, $0x0  }
0x6: {  	s1 =	sshll.u32 s1, $0x1;
	s5 =	simm.s32 @!p0 $0x1C3F;
	s6 =	simm.s32 @!p0 $0x4060  }
0x7: {  	[timem:s6], [sflag:s5] =	dma.local @!p0 [hbm:s2], s1  }
0x8: {  	s12 =	simm.s32 $0x0;
	s10 =	simm.s32 $0x0;
	s2 =	sshll.u32 s29, $0x7  }
.Ltmp0:
0x9: {  	s3 =	sshll.u32 s3, $0x8;
	s30 =	sand.u32 $0x80, s2;
	(pc) =	sbr.rel .LBB2_1-.Ltmp0, $4  }
0xa: {  	s11 =	simm.s32 $0x0;
	_ =	strace $0x8000004A;
	s3 =	sor.u32 s3, s30  }
0xb: {  	s5 =	simm.s32 $0x1;
	s2 =	sadd.s32 $0xA53400, s4;
	s31 =	ssub.s32 $0x2700, s3  }
0xc: {  	s4 =	sadd.s32 $0xA7A600, s4;
	[sflag:s5] =	ssyncpa.u1 $0x0;
	s6 =	sshrl.u32 s31, $0xC  }
0xd: {  	[sflag:s7] =	ssyncpa.u1 $0x0;
	s9 =	smov.u32 s3;
	s7 =	sadd.s32 $0x2, s6  }
.LBB2_4:
0xe: {  	_ = 	snop  }
.LBB2_7:
0xf: {  	_ =	sdelay $0x3  }
0x10: {  	[tilespmem:v0+s16+$0x0 ss:$0x1] =	vst.idx.msk @p1 $0xffff, v2  }
0x11: {  	v56 =	vld.idx.msk [tilespmem:v1+s15+$0x0 ss:$0x1], $0xffff;
	s24 =	sor.u32 $0x70, s15;
	[tilespmem:v0+s17+$0x0 ss:$0x1] =	vst.idx.msk @p1 $0xffff, v4  }
0x12: {  	s25 =	sor.u32 $0x10, s15;
	[tilespmem:v0+s18+$0x0 ss:$0x1] =	vst.idx.msk @p1 $0xffff, v3;
	v57 =	vld.idx.msk [tilespmem:v1+s24+$0x0 ss:$0x1], $0xffff  }
0x13: {  	s26 =	sor.u32 $0x20, s15;
	[tilespmem:v0+s19+$0x0 ss:$0x1] =	vst.idx.msk @p1 $0xffff, v5;
	v58 =	vld.idx.msk [tilespmem:v1+s25+$0x0 ss:$0x1], $0xffff  }
0x14: {  	s28 =	sor.u32 $0x30, s15;
	[tilespmem:v0+s20+$0x0 ss:$0x1] =	vst.idx.msk @p1 $0xffff, v6;
	v59 =	vld.idx.msk [tilespmem:v1+s26+$0x0 ss:$0x1], $0xffff  }
0x15: {  	s29 =	sor.u32 $0x40, s15;
	[tilespmem:v0+s21+$0x0 ss:$0x1] =	vst.idx.msk @p1 $0xffff, v7;
	v60 =	vld.idx.msk [tilespmem:v1+s28+$0x0 ss:$0x1], $0xffff  }
0x16: {  	s30 =	sor.u32 $0x50, s15;
	v61 =	vld.idx.msk [tilespmem:v1+s29+$0x0 ss:$0x1], $0xffff;
	[tilespmem:v0+s15+$0x0 ss:$0x1] =	vst.idx.msk $0xffff, v56  }
0x17: {  	s31 =	sor.u32 $0x60, s15;
	v62 =	vld.idx.msk [tilespmem:v1+s30+$0x0 ss:$0x1], $0xffff;
	[tilespmem:v0+s24+$0x0 ss:$0x1] =	vst.idx.msk $0xffff, v57  }
0x18: {  	v63 =	vld.idx.msk [tilespmem:v1+s31+$0x0 ss:$0x1], $0xffff;
	[tilespmem:v0+s25+$0x0 ss:$0x1] =	vst.idx.msk $0xffff, v58  }
0x19: {  	[tilespmem:v0+s26+$0x0 ss:$0x1] =	vst.idx.msk $0xffff, v59  }
0x1a: {  	[tilespmem:v0+s28+$0x0 ss:$0x1] =	vst.idx.msk $0xffff, v60  }
0x1b: {  	[tilespmem:v0+s29+$0x0 ss:$0x1] =	vst.idx.msk $0xffff, v61  }
0x1c: {  	[tilespmem:v0+s30+$0x0 ss:$0x1] =	vst.idx.msk $0xffff, v62  }
0x1d: {  	[tilespmem:v0+s31+$0x0 ss:$0x1] =	vst.idx.msk $0xffff, v63  }
.LBB2_8:
0x1e: {  	s15 =	sand.u32 $0x1FFFFFF, s10  }
0x1f: {  	s16 =	smulhi.u32 $0x1A36E2F, s15;
	_ =	sdelay $0x1  }
0x20: {  	s16 =	sshrl.u32 s16, $0x6  }
0x21: {  	s16 =	smul.u32 $0x2710, s16;
	_ =	sdelay $0x1  }
0x22: {  	s15 =	ssub.s32 s15, s16  }
0x23: {  	s15 =	sshll.u32 s15, $0x4  }
0x24: {  	s15 =	sadd.s32 s4, s15  }
0x25: {  	[hbm4b:s15+s8] =	stream.linear.scatter [tilespmem:s14], [sflag:$0x2], s13, $0x38;
	[tilespmem:$0x10000] =	vst v63  }
.LBB2_9:
0x26: {  	p1 =	slt.u32 s11, $0x2  }
0x27: {  	p2 =	sgt.s32 @!p1 s12, $0x2690  }
0x28: {  	s13 =	smov.u32 s12;
	s14 =	sshra.s32 @!p1 s12, $0x1F;
	p2 =	por !p2, p1  }
0x29: {  	s12 =	sand.u32 @!p1 s14, s12;
	s13 =	simm.s32 @p2 $0x2690  }
0x2a: {  	s12 =	ssub.s32 @!p1 s13, s12  }
0x2b: {  	s12 =	sadd.s32 @!p1 $0xFFFFD970, s12  }
0x2c: {  	s13 =	sshll.u32 @!p1 s12, $0x9  }
0x2d: {  	p2 =	sgt.s32 @!p1 s12, $0x7F;
	s12 =	ssub.s32 @!p1 $0x10000, s13  }
0x2e: {  	s14 =	sadd.s32 $0x1000, s9;
	p2 =	por !p2, p1;
	s12 =	sshrl.u32 @!p1 s12, $0x2  }
0x2f: {  	s12 =	simm.s32 @!p2 $0x0;
	p2 =	sgt.s32 s14, $0x270F  }
0x30: {  	s14 =	smov.u32 @p2 s3;
	p2 =	sne.s32 s11, s7  }
.Ltmp1:
0x31: {  	_ = 	snop;
	(pc) =	sbr.rel @!p2 .LBB2_10-.Ltmp1, $4  }
0x32: {  	s13 =	simm.s32 @!p1 $0x2  }
0x33: {  	_ =	swait.ge @!p1 [sflag:s13], s12;
	s15 =	ssub.s32 @!p1 $0x0, s12  }
0x34: {  	s12 =	smov.u32 s10;
	s11 =	sadd.s32 $0x1, s11;
	[sflag:s13] =	ssyncset.done @!p1 $0x0  }
0x35: {  	s10 =	smov.u32 s9;
	s9 =	smov.u32 s14;
	[sflag:s13] =	ssyncadd.s32 @!p1 s15  }
.LBB2_1:
0x36: {  	p1 =	sgt.u32 s11, s6  }
0x37: {  	s13 =	sand.u32 @!p1 $0x1FFFFFF, s9  }
0x38: {  	p2 =	sgt.s32 @!p1 s9, $0x2690;
	s14 =	smulhi.u32 @!p1 $0x1A36E2F, s13  }
0x39: {  	s15 =	smov.u32 s9;
	s16 =	sshra.s32 @!p1 s9, $0x1F;
	p2 =	por !p2, p1  }
0x3a: {  	s16 =	sand.u32 @!p1 s16, s9;
	s15 =	simm.s32 @p2 $0x2690;
	s14 =	sshrl.u32 @!p1 s14, $0x6  }
0x3b: {  	s15 =	ssub.s32 @!p1 s15, s16;
	s14 =	smul.u32 @!p1 $0x2710, s14  }
0x3c: {  	s16 =	sxor.u32 @!p1 $0xFFFFFFFF, s11;
	s15 =	sadd.s32 @!p1 $0xFFFFD970, s15  }
0x3d: {  	s16 =	sshll.u32 @!p1 s16, $0xE;
	s13 =	ssub.s32 @!p1 s13, s14;
	s14 =	sshll.u32 @!p1 s15, $0x9  }
0x3e: {  	s16 =	sand.u32 @!p1 $0x4000, s16;
	p2 =	sgt.s32 @!p1 s15, $0x7F;
	s14 =	ssub.s32 @!p1 $0x10000, s14  }
0x3f: {  	p2 =	por !p2, p1;
	s13 =	sshll.u32 @!p1 s13, $0x4;
	s14 =	sshrl.u32 @!p1 s14, $0x2  }
0x40: {  	s15 =	simm.s32 @!p1 $0x0;
	s13 =	sadd.s32 @!p1 s2, s13;
	s14 =	simm.s32 @!p2 $0x0  }
0x41: {  	[tilespmem:s16], [sflag:$0x1] =	stream.linear.gather @!p1 [hbm4b:s13+s15], s14, $0x38;
	[tilespmem:$0x10000] =	vst v63  }
0x42: {  	p1 =	seq.s32 s11, $0x0  }
0x43: {  	p2 =	sge.u32 @!p1 s11, s7  }
0x44: {  	p1 =	por p1, p2  }
.Ltmp2:
0x45: {  	_ = 	snop;
	(pc) =	sbr.rel @p1 .LBB2_9-.Ltmp2, $1  }
0x46: {  	_ =	sdelay $0x3  }
0x47: {  	p1 =	sgt.s32 s10, $0x2690;
	s13 =	smov.u32 s10;
	s14 =	sshra.s32 s10, $0x1F  }
0x48: {  	s13 =	simm.s32 @!p1 $0x2690;
	s14 =	sand.u32 s14, s10  }
0x49: {  	s13 =	ssub.s32 s13, s14  }
0x4a: {  	s13 =	sadd.s32 $0xFFFFD970, s13  }
0x4b: {  	s31 =	sshll.u32 s13, $0x9  }
0x4c: {  	s14 =	ssub.s32 $0x10000, s31  }
0x4d: {  	p1 =	sgt.s32 s13, $0x7F;
	s13 =	sshrl.u32 s14, $0x2;
	s14 =	sadd.s32 $0x80, s10  }
0x4e: {  	s13 =	simm.s32 @p1 $0x0;
	p1 =	slt.s32 s14, $0x2710  }
0x4f: {  	s14 =	simm.s32 @!p1 $0x2710  }
0x50: {  	s16 =	ssub.s32 s14, s10  }
0x51: {  	p1 =	slt.s32 s16, $0x1  }
.Ltmp3:
0x52: {  	_ = 	snop;
	(pc) =	sbr.rel @p1 .LBB2_8-.Ltmp3, $4  }
0x53: {  	_ = 	snop  }
0x54: {  	s15 =	sshll.u32 s11, $0xE;
	_ =	swait.ge [sflag:s5], s13  }
0x55: {  	s15 =	sand.u32 $0x4000, s15;
	s17 =	ssub.s32 $0x0, s13;
	[sflag:s5] =	ssyncset.done $0x0  }
0x56: {  	s14 =	sor.u32 $0x8000, s15;
	[sflag:s5] =	ssyncadd.s32 s17  }
0x57: {  	p2 =	sne.s32 s16, $0x1  }
.Ltmp4:
0x58: {  	v1 =	vmov s15;
	v0 =	vmov s14;
	(pc) =	sbr.rel @!p2 .LBB2_4-.Ltmp4, $3  }
0x59: {  	_ =	sdelay $0x1  }
0x5a: {  	s17 =	simm.s32 $0x0  }
0x5b: {  	s23 =	sadd.s32 $0xFFFFFFFF, s16;
	p1 =	por $0x0, $0x0;
	s15 =	sand.u32 $0x3F80, s17  }
0x5c: {  	_ =	sdelay $0x3  }
0x5d: {  	v6 =	vld.idx.msk [tilespmem:v1+s15+$0x0 ss:$0x1], $0xffff;
	s24 =	sor.u32 $0x70, s15  }
0x5e: {  	s16 =	sor.u32 $0x10, s15;
	v8 =	vld.idx.msk [tilespmem:v1+s24+$0x0 ss:$0x1], $0xffff  }
0x5f: {  	s17 =	sor.u32 $0x20, s15;
	p2 =	sne.s32 s23, $0x1;
	v2 =	vld.idx.msk [tilespmem:v1+s16+$0x0 ss:$0x1], $0xffff  }
.Ltmp5:
0x60: {  	s18 =	sor.u32 $0x30, s15;
	v4 =	vld.idx.msk [tilespmem:v1+s17+$0x0 ss:$0x1], $0xffff;
	(pc) =	sbr.rel @!p2 .LBB2_7-.Ltmp5, $4  }
0x61: {  	s19 =	sor.u32 $0x40, s15;
	v3 =	vld.idx.msk [tilespmem:v1+s18+$0x0 ss:$0x1], $0xffff  }
0x62: {  	s21 =	sor.u32 $0x60, s15;
	v5 =	vld.idx.msk [tilespmem:v1+s19+$0x0 ss:$0x1], $0xffff  }
0x63: {  	s20 =	sor.u32 $0x50, s15;
	s22 =	simm.s32 $0x80;
	v7 =	vld.idx.msk [tilespmem:v1+s21+$0x0 ss:$0x1], $0xffff;
	[tilespmem:v0+s15+$0x0 ss:$0x1] =	vst.idx.msk $0xffff, v6  }
0x64: {  	s23 =	sadd.s32 $0xFFFFFFFF, s23;
	p1 =	por $0x1, $0x1;
	v6 =	vld.idx.msk [tilespmem:v1+s20+$0x0 ss:$0x1], $0xffff;
	s15 =	sand.u32 $0x3F80, s22;
	[tilespmem:v0+s24+$0x0 ss:$0x1] =	vst.idx.msk $0xffff, v8  }
.LBB2_6:
0x65: {  	p2 =	sne.s32 s23, $0x1;
	v8 =	vld.idx.msk [tilespmem:v1+s15+$0x0 ss:$0x1], $0xffff;
	s24 =	sor.u32 $0x70, s15;
	[tilespmem:v0+s16+$0x0 ss:$0x1] =	vst.idx.msk $0xffff, v2;
	s16 =	sor.u32 $0x10, s15  }
0x66: {  	s25 =	sor.u32 $0x30, s15;
	s26 =	sor.u32 $0x40, s15;
	v9 =	vld.idx.msk [tilespmem:v1+s24+$0x0 ss:$0x1], $0xffff;
	[tilespmem:v0+s17+$0x0 ss:$0x1] =	vst.idx.msk $0xffff, v4;
	s17 =	sor.u32 $0x20, s15  }
0x67: {  	s28 =	sor.u32 $0x50, s15;
	s29 =	sor.u32 $0x60, s15;
	v2 =	vld.idx.msk [tilespmem:v1+s16+$0x0 ss:$0x1], $0xffff;
	[tilespmem:v0+s18+$0x0 ss:$0x1] =	vst.idx.msk $0xffff, v3;
	s18 =	smov.u32 s25  }
.Ltmp6:
0x68: {  	v4 =	vld.idx.msk [tilespmem:v1+s17+$0x0 ss:$0x1], $0xffff;
	[tilespmem:v0+s19+$0x0 ss:$0x1] =	vst.idx.msk $0xffff, v5;
	s19 =	smov.u32 s26;
	(pc) =	sbr.rel @p2 .LBB2_6-.Ltmp6, $4  }
0x69: {  	v3 =	vld.idx.msk [tilespmem:v1+s18+$0x0 ss:$0x1], $0xffff;
	[tilespmem:v0+s20+$0x0 ss:$0x1] =	vst.idx.msk $0xffff, v6;
	s20 =	smov.u32 s28  }
0x6a: {  	v5 =	vld.idx.msk [tilespmem:v1+s19+$0x0 ss:$0x1], $0xffff;
	[tilespmem:v0+s21+$0x0 ss:$0x1] =	vst.idx.msk $0xffff, v7;
	s21 =	smov.u32 s29  }
0x6b: {  	s22 =	sadd.s32 $0x80, s22;
	[tilespmem:v0+s15+$0x0 ss:$0x1] =	vst.idx.msk $0xffff, v8;
	v6 =	vld.idx.msk [tilespmem:v1+s20+$0x0 ss:$0x1], $0xffff  }
0x6c: {  	s23 =	sadd.s32 $0xFFFFFFFF, s23;
	s15 =	sand.u32 $0x3F80, s22;
	v7 =	vld.idx.msk [tilespmem:v1+s21+$0x0 ss:$0x1], $0xffff;
	[tilespmem:v0+s24+$0x0 ss:$0x1] =	vst.idx.msk $0xffff, v9  }
.Ltmp7:
0x6d: {  	_ = 	snop;
	(pc) =	sbr.rel .LBB2_7-.Ltmp7, $1  }
0x6e: {  	_ =	sdelay $0x3  }
.LBB2_10:
0x6f: {  	_ =	sfence.sel $0x180000  }
0x70: {  	s2 =	simm.s32 $0x1;
	[bflag:$0x0] =	sbarrier.arrive $0xFFFF  }
0x71: {  	s31 =	simm.s32 $0x2;
	[sflag:s2] =	ssyncpa.u1 $0x1  }
0x72: {  	[sflag:s31] =	ssyncpa.u1 $0x1  }
0x73: {  	_ =	strace $0x9000004A  }
0x74: {  	s0 =	sadd.s32 @!p0 $0x100000, s0;
	[bflag:$0x2] =	sbarrier.arrive $0xFFFF  }
0x75: {  	[sflag:s0] =	ssyncadd.tile.s32 @!p0 $0x1;
	s0 =	simm.s32 @!p0 $0x3F  }
0x76: {  	_ =	swait.ge @!p0 [sflag:s0], s1  }
0x77: {  	s1 =	ssub.s32 @!p0 $0x0, s1;
	[sflag:s0] =	ssyncset.done @!p0 $0x0  }
0x78: {  	[sflag:s0] =	ssyncadd.s32 @!p0 s1  }
0x79: {  	[bflag:$0x3] =	sbarrier.arrive $0xFFFF  }
0x7a: {  	_ =	shalt  }
.Lfunc_end2:
execute1_lowered:
.L_overlay_start_2:
0x7b: {  	(tag) =	ssettag $0x2  }
0x7c: {  	s2 =	rddreg [dreg:$0x0]  }
0x7d: {  	s3 =	rddreg [dreg:$0x1];
	_ =	strace $0x8000004D;
	s0 =	simm.s32 $0x1  }
0x7e: {  	v0 =	vimm.s32 $0x0;
	[sflag:s0] =	ssyncpa.u1 $0x0;
	s0 =	simm.s32 $0x108  }
0x7f: {  	[tilespmem:s0+$0x70] =	vst v0  }
0x80: {  	[tilespmem:s0+$0x60] =	vst v0  }
0x81: {  	[tilespmem:s0+$0x50] =	vst v0  }
0x82: {  	[tilespmem:s0+$0x40] =	vst v0  }
0x83: {  	[tilespmem:s0+$0x30] =	vst v0  }
0x84: {  	s1 =	sadd.s32 $0xA7A600, s2;
	s15 =	sadd.s32 $0x23600, s2;
	s6 =	sadd.s32 $0x85600, s2;
	[tilespmem:s0+$0x20] =	vst v0  }
0x85: {  	s14 =	sadd.s32 $0x2D400, s2;
	s5 =	sand.u32 $0x1, s3;
	s3 =	simm.s32 $0x40;
	[tilespmem:s0+$0x10] =	vst v0  }
.LBB3_1:
0x86: {  	s3 =	sadd.s32 $0x40, s3;
	[tilespmem:s0+$0x0] =	vst v0;
	s0 =	sadd.s32 $0x80, s0  }
0x87: {  	p0 =	slt.u32 s3, $0x3C40;
	[tilespmem:s0+$0x70] =	vst v0  }
0x88: {  	[tilespmem:s0+$0x60] =	vst v0  }
.Ltmp8:
0x89: {  	[tilespmem:s0+$0x50] =	vst v0;
	(pc) =	sbr.rel @p0 .LBB3_1-.Ltmp8, $4  }
0x8a: {  	[tilespmem:s0+$0x40] =	vst v0  }
0x8b: {  	[tilespmem:s0+$0x30] =	vst v0  }
0x8c: {  	[tilespmem:s0+$0x20] =	vst v0  }
0x8d: {  	[tilespmem:s0+$0x10] =	vst v0  }
0x8e: {  	s9 =	stileid.u32  }
0x8f: {  	s2 =	smul.u32 $0x29, s9  }
0x90: {  	s3 =	smin.u32 s9, $0xB  }
0x91: {  	s2 =	sadd.s32 s3, s2  }
0x92: {  	p0 =	slt.u32 s9, $0xB;
	s7 =	smul.u32 $0xF0, s2;
	s2 =	simm.s32 $0x2760  }
0x93: {  	s2 =	simm.s32 @!p0 $0x2670  }
0x94: {  	s2 =	sadd.s32 s2, s7  }
0x95: {  	s8 =	smin.u32 s2, $0x27100  }
0x96: {  	s2 =	ssub.s32 s8, s7  }
0x97: {  	p0 =	sgt.s32 s2, $0x0  }
0x98: {  	s29 =	simm.s32 $0x2;
	s10 =	simm.s32 $0x9;
	s2 =	simm.s32 @!p0 $0x0  }
0x99: {  	s4 =	simm.s32 $0xA;
	s11 =	simm.s32 $0xB;
	s28 =	smulhi.u32 $0x88888889, s2  }
0x9a: {  	[dreg:$0x4] =	wrdreg s5;
	s31 =	smul.u32 $0x4E20, s5;
	s12 =	simm.s32 $0x1  }
0x9b: {  	s22 =	simm.s32 $0x0;
	s18 =	simm.s32 $0xC;
	s30 =	sshrl.u32 s28, $0x7  }
0x9c: {  	s20 =	simm.s32 $0x0;
	s21 =	simm.s32 $0x0;
	s3 =	smul.u32 $0xF0, s30  }
.Ltmp9:
0x9d: {  	[tilespmem:s0+$0x0] =	vst v0;
	v0 =	vimm.s32 $0xFFFFFFFF;
	[sflag:s29] =	ssyncpa.u1 $0x0;
	s16 =	sshll.u32 s9, $0x8;
	(pc) =	sbr.rel .LBB3_3-.Ltmp9, $4  }
0x9e: {  	[tilespmem:$0xF208] =	vst v0;
	[sflag:s10] =	ssyncpa.u1 $0x0;
	p0 =	sne.s32 s2, s3;
	s2 =	simm.s32 $0x1  }
0x9f: {  	s14 =	sadd.s32 s31, s14;
	[sflag:s4] =	ssyncpa.u1 $0x0;
	s2 =	simm.s32 @!p0 $0x0  }
0xa0: {  	s15 =	sadd.s32 s31, s15;
	[sflag:s11] =	ssyncpa.u1 $0x0;
	s13 =	sadd.s32 s2, s30  }
0xa1: {  	v0 =	vlaneseq.u32;
	s19 =	smov.u32 s7;
	p0 =	por $0x0, $0x0;
	s17 =	sadd.s32 $0x1, s13  }
.LBB3_18:
0xa2: {  	s0 =	sshrl.u32 s31, $0x2  }
.LBB3_20:
0xa3: {  	_ =	swait.ge [sflag:s18], s0  }
0xa4: {  	s31 =	ssub.s32 $0x0, s0;
	v1 =	vmov s24;
	vm0 =	veq.s32 v0, $0x0;
	[sflag:s18] =	ssyncset.done $0x0  }
0xa5: {  	vm15 =	veq.s32 v0, $0x2;
	v1 =	vsel vm0, s30, v1;
	[sflag:s18] =	ssyncadd.s32 s31  }
0xa6: {  	v1 =	vsel vm15, s22, v1;
	[sflag:s18] =	ssyncpa.u1 $0x1  }
0xa7: {  	[tilespmem:$0xF208] =	vst v1  }
.LBB3_21:
0xa8: {  	s0 =	sadd.s32 $0xF0, s19  }
0xa9: {  	s2 =	smov.u32 s7;
	p1 =	slt.s32 s0, s8  }
0xaa: {  	s2 =	smov.u32 @p1 s0;
	p1 =	sne.s32 s21, s17  }
.Ltmp10:
0xab: {  	_ = 	snop;
	(pc) =	sbr.rel @!p1 .LBB3_22-.Ltmp10, $3  }
0xac: {  	_ =	sdelay $0x1  }
0xad: {  	s22 =	smov.u32 s20;
	s31 =	sadd.s32 $0x1, s21;
	s20 =	smov.u32 s19  }
0xae: {  	p0 =	por !p0, !p0;
	s21 =	smov.u32 s31;
	s19 =	smov.u32 s2  }
.LBB3_3:
0xaf: {  	p1 =	sge.u32 s21, s13  }
0xb0: {  	s0 =	smulhi.u32 @!p1 $0xAAAAAAAB, s21  }
0xb1: {  	s2 =	smov.u32 s19;
	p2 =	sgt.s32 @!p1 s19, $0x27010  }
0xb2: {  	s3 =	sshra.s32 @!p1 s19, $0x1F;
	p2 =	por !p2, p1;
	s0 =	sshrl.u32 @!p1 s0, $0x1  }
0xb3: {  	s3 =	sand.u32 @!p1 s3, s19;
	s2 =	simm.s32 @p2 $0x27010;
	s0 =	smul.u32 @!p1 $0x3, s0  }
0xb4: {  	s2 =	ssub.s32 @!p1 s2, s3  }
0xb5: {  	s2 =	sadd.s32 @!p1 $0xFFFD8FF0, s2;
	s0 =	ssub.s32 @!p1 s21, s0  }
0xb6: {  	s3 =	sshll.u32 @!p1 s2, $0x2;
	p2 =	sgt.s32 @!p1 s2, $0xEF;
	s0 =	smul.u32 @!p1 $0x3C0, s0  }
0xb7: {  	s4 =	sand.u32 @!p1 $0x7, s19;
	s2 =	ssub.s32 @!p1 $0x3C0, s3;
	p2 =	por !p2, p1  }
0xb8: {  	s3 =	sshrl.u32 @!p1 s19, $0x3;
	s2 =	sshrl.u32 @!p1 s2, $0x2;
	s0 =	sshrl.u32 @!p1 s0, $0x2  }
0xb9: {  	s3 =	sadd.s32 @!p1 s3, s14;
	s2 =	simm.s32 @!p2 $0x0;
	s0 =	sadd.s32 @!p1 $0x10248, s0  }
0xba: {  	[tilespmem:s0], [sflag:$0xA] =	stream.linear.gather @!p1 [hbm4b:s3+s4], s2, $0x38;
	[tilespmem:$0x1F6F8] =	vst v63  }
0xbb: {  	s0 =	sadd.s32 $0xFFFFFFFF, s21  }
0xbc: {  	p1 =	sge.u32 s0, s13  }
0xbd: {  	p2 =	sgt.s32 @!p1 s20, $0x27010  }
0xbe: {  	s2 =	smov.u32 s20;
	s3 =	sshra.s32 @!p1 s20, $0x1F;
	p2 =	por !p2, p1  }
0xbf: {  	s3 =	sand.u32 @!p1 s3, s20;
	s2 =	simm.s32 @p2 $0x27010  }
0xc0: {  	s2 =	ssub.s32 @!p1 s2, s3  }
0xc1: {  	s2 =	sadd.s32 @!p1 $0xFFFD8FF0, s2  }
0xc2: {  	s4 =	sand.u32 @!p1 $0x1, s0;
	s3 =	sshll.u32 @!p1 s2, $0x2  }
0xc3: {  	p2 =	sgt.s32 @!p1 s2, $0xEF;
	s2 =	ssub.s32 @!p1 $0x3C0, s3;
	s3 =	smulhi.u32 @!p1 $0xAAAAAAAB, s0  }
0xc4: {  	s23 =	smul.u32 @!p1 $0x3C0, s4;
	p2 =	por !p2, p1;
	s2 =	sshrl.u32 @!p1 s2, $0x2  }
0xc5: {  	s5 =	simm.s32 @!p1 $0xA;
	s2 =	simm.s32 @!p2 $0x0;
	s3 =	sshrl.u32 @!p1 s3, $0x1  }
0xc6: {  	s23 =	sshrl.u32 @!p1 s23, $0x2;
	_ =	swait.ge @!p1 [sflag:s5], s2;
	s3 =	smul.u32 @!p1 $0x3, s3  }
0xc7: {  	s23 =	sadd.s32 @!p1 $0x10518, s23;
	s24 =	ssub.s32 @!p1 $0x0, s2;
	[sflag:s5] =	ssyncset.done @!p1 $0x0  }
0xc8: {  	[sflag:s5] =	ssyncadd.s32 @!p1 s24;
	s5 =	sshrl.u32 @!p1 s20, $0x3;
	s0 =	ssub.s32 @!p1 s0, s3  }
0xc9: {  	s24 =	sand.u32 @!p1 $0x7, s20;
	s5 =	sadd.s32 @!p1 s5, s15;
	s0 =	smul.u32 @!p1 $0x3C0, s0  }
0xca: {  	[tilespmem:s23], [sflag:$0xB] =	stream.linear.gather @!p1 [hbm4b:s5+s24], s2, $0x38;
	[tilespmem:$0x1F6F8] =	vst v63  }
0xcb: {  	s3 =	ssub.s32 @!p1 $0x27100, s20;
	s2 =	smul.u32 @!p1 $0x1E000, s4  }
0xcc: {  	p2 =	slt.s32 @!p1 s3, $0xF0  }
0xcd: {  	p2 =	por !p2, p1;
	s0 =	sshrl.u32 @!p1 s0, $0x2;
	s2 =	sshrl.u32 @!p1 s2, $0x2  }
0xce: {  	s3 =	simm.s32 @p2 $0xF0;
	s0 =	sadd.s32 @!p1 $0x10248, s0;
	s2 =	sor.u32 @!p1 $0x106F8, s2  }
0xcf: {  	[tilespmem:s2], [sflag:$0x9] =	stream.indirect.gather @!p1 [hbm4b:s6+s3], $0x80, s0, s3, $0xb8;
	[tilespmem:$0x1F6F8] =	vst v63  }
0xd0: {  	p1 =	slt.u32 s21, $0x2  }
.Ltmp11:
0xd1: {  	_ = 	snop;
	(pc) =	sbr.rel @p1 .LBB3_21-.Ltmp11, $1  }
0xd2: {  	_ =	sdelay $0x3  }
0xd3: {  	p1 =	sgt.s32 s22, $0x27010  }
0xd4: {  	s0 =	smov.u32 s22;
	s2 =	sshra.s32 s22, $0x1F;
	s3 =	ssub.s32 $0x27100, s22  }
0xd5: {  	s0 =	simm.s32 @!p1 $0x27010;
	s2 =	sand.u32 s2, s22;
	p1 =	slt.s32 s3, $0xF0  }
0xd6: {  	s0 =	ssub.s32 s0, s2;
	s3 =	simm.s32 @!p1 $0xF0  }
0xd7: {  	s0 =	sadd.s32 $0xFFFD8FF0, s0;
	s25 =	sshll.u32 s3, $0x7  }
0xd8: {  	s26 =	sshll.u32 s0, $0x2;
	s2 =	sand.u32 $0x3FFFFF80, s25  }
0xd9: {  	p1 =	sgt.s32 s0, $0xEF;
	s29 =	ssub.s32 $0x3C0, s26;
	_ =	swait.ge [sflag:s10], s2  }
0xda: {  	s2 =	ssub.s32 $0x0, s2;
	[sflag:s10] =	ssyncset.done $0x0;
	s0 =	sshrl.u32 s29, $0x2  }
0xdb: {  	[sflag:s10] =	ssyncadd.s32 s2;
	s0 =	simm.s32 @p1 $0x0  }
0xdc: {  	_ =	swait.ge [sflag:s11], s0  }
0xdd: {  	s0 =	ssub.s32 $0x0, s0;
	[sflag:s11] =	ssyncset.done $0x0  }
0xde: {  	[sflag:s11] =	ssyncadd.s32 s0  }
0xdf: {  	v1 =	vld [tilespmem:$0xF208];
	_ =	sdelay $0x4  }
0xe0: {  	(v2sf) =	vpush v1, $0x0  }
0xe1: {  	(v2sf) =	vpush v1, $0x1  }
0xe2: {  	(v2sf) =	vpush v1, $0x2;
	_ =	sdelay $0x3  }
0xe3: {  	s0 =	sadd.s32 $0xF0, s22  }
0xe4: {  	s2 =	ssub.s32 $0x4E200, s22;
	p1 =	slt.s32 s8, s0  }
0xe5: {  	s0 =	smov.u32 @p1 s8;
	p1 =	sgt.s32 s2, $0x0  }
0xe6: {  	s26 =	ssub.s32 s0, s22;
	s2 =	simm.s32 @!p1 $0x0  }
0xe7: {  	p1 =	slt.s32 s2, s26  }
0xe8: {  	s26 =	smov.u32 @p1 s2  }
0xe9: {  	s25 =	simm.s32 $0x1;
	p1 =	slt.s32 s26, $0x1  }
.Ltmp12:
0xea: {  	s25 =	simm.s32 @!p0 $0x0;
	(pc) =	sbr.rel @p1 .LBB3_8-.Ltmp12, $4  }
0xeb: {  	s31 =	smul.u32 $0x3C0, s25  }
0xec: {  	s28 =	spop (v2sf)  }
0xed: {  	s0 =	sshrl.u32 s31, $0x2;
	s30 =	spop (v2sf)  }
0xee: {  	s23 =	sadd.s32 $0x10518, s0;
	s22 =	spop (v2sf)  }
0xef: {  	s0 =	smin.u32 s26, $0x10  }
0xf0: {  	v1 =	vmov s0  }
0xf1: {  	p2 =	sgt.s32 s26, $0x10;
	vm1 =	vgt.u32 v1, v0  }
.Ltmp13:
0xf2: {  	_ = 	snop;
	(pc) =	sbr.rel @!p2 .LBB3_7-.Ltmp13, $2  }
0xf3: {  	_ =	sdelay $0x2  }
0xf4: {  	s4 =	simm.s32 $0x10;
	s24 =	sadd.s32 $0xFFFFFFF0, s26;
	s0 =	smov.u32 s23;
	vm0 =	vmmov vm1  }
.LBB3_6:
0xf5: {  	s2 =	smin.u32 s24, $0x10;
	s4 =	sadd.s32 $0x10, s4;
	v1 =	vld.msk [tilespmem:s0+$0x0 ss:$0x1], vm1  }
0xf6: {  	v2 =	vmov s2;
	p2 =	slt.s32 s4, s26  }
0xf7: {  	vm1 =	vgt.u32 v2, v0  }
.Ltmp14:
0xf8: {  	(pc) =	sbr.rel @p2 .LBB3_6-.Ltmp14, $3  }
0xf9: {  	_ =	sdelay $0x1  }
0xfa: {  	v1 =	vshll.u32 v1, $0x4  }
0xfb: {  	s24 =	sadd.s32 $0xFFFFFFF0, s24;
	[tilespmem:s0+$0x0] =	vst.msk vm0, v1;
	s0 =	sadd.s32 $0x10, s0;
	vm0 =	vmmov vm1  }
.LBB3_7:
0xfc: {  	_ =	sdelay $0x4  }
0xfd: {  	v1 =	vld.msk [tilespmem:s0+$0x0 ss:$0x1], vm1;
	_ =	sdelay $0x4  }
0xfe: {  	v1 =	vshll.u32 v1, $0x4  }
0xff: {  	[tilespmem:s0+$0x0] =	vst.msk vm0, v1  }
.LBB3_8:
0x100: {  	s0 =	sand.u32 $0x1, s21  }
0x101: {  	s2 =	smul.u32 $0x7800, s0  }
0x102: {  	p2 =	sne.s32 s30, $0xFFFFFFFF  }
0x103: {  	v1 =	vld @!p2 [tilespmem:s2+$0x106F8];
	_ =	sdelay $0x2  }
0x104: {  	s0 =	smul.u32 $0xF0, s0;
	_ =	sdelay $0x1  }
0x105: {  	v2 =	vld.msk @!p2 [tilespmem:s0+$0x10518], $0x1;
	[tilespmem:$0x108] =	vst @!p2 v1  }
0x106: {  	v1 =	vld @!p2 [tilespmem:s2+$0x10708];
	_ =	sdelay $0x4  }
0x107: {  	[tilespmem:$0x118] =	vst @!p2 v1  }
0x108: {  	v1 =	vld @!p2 [tilespmem:s2+$0x10718];
	_ =	sdelay $0x4  }
0x109: {  	[tilespmem:$0x128] =	vst @!p2 v1  }
0x10a: {  	v1 =	vld @!p2 [tilespmem:s2+$0x10728];
	_ =	sdelay $0x4  }
0x10b: {  	[tilespmem:$0x138] =	vst @!p2 v1  }
0x10c: {  	v1 =	vld @!p2 [tilespmem:s2+$0x10738];
	_ =	sdelay $0x4  }
0x10d: {  	[tilespmem:$0x148] =	vst @!p2 v1  }
0x10e: {  	(v2sf) =	vpush @!p2 v2, $0x0;
	v1 =	vld @!p2 [tilespmem:s2+$0x10748];
	_ =	sdelay $0x4  }
0x10f: {  	[tilespmem:$0x158] =	vst @!p2 v1  }
0x110: {  	v1 =	vld @!p2 [tilespmem:s2+$0x10758];
	_ =	sdelay $0x4  }
0x111: {  	[tilespmem:$0x168] =	vst @!p2 v1  }
0x112: {  	v1 =	vld @!p2 [tilespmem:s2+$0x10768]  }
.Ltmp15:
0x113: {  	_ = 	snop;
	(pc) =	sbr.rel @p1 .LBB3_19-.Ltmp15, $4  }
0x114: {  	_ = 	snop  }
0x115: {  	s29 =	spop @!p2 (v2sf)  }
0x116: {  	s22 =	simm.s32 @!p2 $0x0;
	s24 =	smov.u32 s29  }
0x117: {  	s29 =	smov.u32 @p2 s28;
	s24 =	smov.u32 @p2 s30;
	[tilespmem:$0x178] =	vst @!p2 v1;
	[sflag:s18] =	ssyncpa.u1 $0x0  }
0x118: {  	v1 =	vld.msk [tilespmem:s23+$0x0], $0x1;
	_ =	sdelay $0x4  }
0x119: {  	(v2sf) =	vpush v1, $0x0;
	_ =	sdelay $0xe  }
0x11a: {  	s2 =	smul.u32 $0x1E000, s25;
	s0 =	spop (v2sf)  }
0x11b: {  	s26 =	ssub.s32 $0x0, s26;
	p1 =	seq.s32 s29, s0  }
0x11c: {  	s30 =	sadd.s32 $0x1, s26;
	s2 =	sshrl.u32 s2, $0x2;
	p2 =	sgt.s32 @!p1 s29, $0x0  }
0x11d: {  	s25 =	sor.u32 $0x10738, s2;
	s2 =	smov.u32 s29;
	p2 =	por !p2, p1  }
0x11e: {  	s2 =	simm.s32 @p2 $0x0;
	p2 =	seq.s32 s30, $0x0  }
.Ltmp16:
0x11f: {  	_ = 	snop;
	(pc) =	sbr.rel @p2 .LBB3_11-.Ltmp16, $4  }
0x120: {  	_ = 	snop  }
0x121: {  	s28 =	simm.s32 $0x0;
	s31 =	sadd.s32 $0x1, s23;
	s2 =	smin.u32 @!p1 s2, $0x270F0  }
0x122: {  	s4 =	simm.s32 @!p1 $0x1;
	s5 =	simm.s32 @!p1 $0x7988;
	s3 =	sand.u32 @!p1 $0x3FFF8, s2  }
0x123: {  	s4 =	smov.u32 @p1 s28;
	s2 =	sand.u32 @!p1 $0x7, s2;
	s3 =	sadd.s32 @!p1 s1, s3  }
.LBB3_10:
0x124: {  	s9 =	smov.u32 s4  }
0x125: {  	[tilespmem:s5], [sflag:$0x2] =	stream.linear.gather @!p1 [hbm4b:s3+s2], $0x80, $0x38;
	[tilespmem:$0x1F6F8] =	vst v63  }
0x126: {  	s30 =	sadd.s32 $0x1, s30;
	s2 =	smov.u32 s0;
	v1 =	vld.msk [tilespmem:s31+$0x0], $0x1  }
0x127: {  	p2 =	seq.s32 s30, $0x0;
	_ =	sdelay $0x3  }
0x128: {  	(v2sf) =	vpush v1, $0x0;
	_ =	sdelay $0xe  }
0x129: {  	s0 =	spop (v2sf)  }
0x12a: {  	p1 =	seq.s32 s2, s0  }
0x12b: {  	p3 =	sgt.s32 @!p1 s2, $0x0;
	s3 =	sshll.u32 @!p1 s4, $0x9;
	s4 =	sadd.s32 @!p1 $0x1, s4  }
.Ltmp17:
0x12c: {  	p3 =	por !p3, p1;
	s3 =	sshra.s32 @!p1 s3, $0x2;
	(pc) =	sbr.rel @!p2 .LBB3_10-.Ltmp17, $4  }
0x12d: {  	s4 =	smov.u32 @p1 s9;
	s2 =	simm.s32 @p3 $0x0;
	s5 =	sadd.s32 @!p1 $0x7988, s3  }
0x12e: {  	s2 =	smin.u32 @!p1 s2, $0x270F0  }
0x12f: {  	s3 =	sand.u32 @!p1 $0x3FFF8, s2;
	s2 =	sand.u32 @!p1 $0x7, s2  }
0x130: {  	s31 =	sadd.s32 $0x1, s31;
	s3 =	sadd.s32 @!p1 s1, s3  }
.LBB3_11:
0x131: {  	[tilespmem:s5], [sflag:$0x2] =	stream.linear.gather @!p1 [hbm4b:s3+s2], $0x80, $0x38;
	[tilespmem:$0x1F6F8] =	vst v63  }
.Ltmp18:
0x132: {  	s0 =	sshll.u32 s4, $0x7;
	(pc) =	sbr.rel .LBB3_12-.Ltmp18, $4  }
0x133: {  	s30 =	simm.s32 $0x2;
	s0 =	sand.u32 $0x3FFFFF80, s0  }
0x134: {  	_ =	swait.ge [sflag:s30], s0  }
0x135: {  	s0 =	ssub.s32 $0x0, s0;
	[sflag:s30] =	ssyncset.done $0x0  }
0x136: {  	s31 =	simm.s32 $0x0;
	[sflag:s30] =	ssyncadd.s32 s0  }
.LBB3_13:
0x137: {  	s0 =	sshra.s32 s0, $0x2;
	v1 =	vld [tilespmem:s25+$0xFFFFFFC0]  }
0x138: {  	v2 =	vld [tilespmem:s0+$0x108];
	_ =	sdelay $0x4  }
0x139: {  	v1 =	vmax.f32 v1, v2  }
0x13a: {  	v2 =	vld [tilespmem:s0+$0x118];
	[tilespmem:s0+$0x108] =	vst v1  }
0x13b: {  	v1 =	vld [tilespmem:s25+$0xFFFFFFD0];
	_ =	sdelay $0x4  }
0x13c: {  	v1 =	vmax.f32 v1, v2  }
0x13d: {  	v2 =	vld [tilespmem:s0+$0x128];
	[tilespmem:s0+$0x118] =	vst v1  }
0x13e: {  	v1 =	vld [tilespmem:s25+$0xFFFFFFE0];
	_ =	sdelay $0x4  }
0x13f: {  	v1 =	vmax.f32 v1, v2  }
0x140: {  	v2 =	vld [tilespmem:s0+$0x138];
	[tilespmem:s0+$0x128] =	vst v1  }
0x141: {  	v1 =	vld [tilespmem:s25+$0xFFFFFFF0];
	_ =	sdelay $0x4  }
0x142: {  	v1 =	vmax.f32 v1, v2  }
0x143: {  	v2 =	vld [tilespmem:s0+$0x148];
	[tilespmem:s0+$0x138] =	vst v1  }
0x144: {  	v1 =	vld [tilespmem:s25+$0x0];
	_ =	sdelay $0x4  }
0x145: {  	v1 =	vmax.f32 v1, v2  }
0x146: {  	v2 =	vld [tilespmem:s0+$0x158];
	[tilespmem:s0+$0x148] =	vst v1  }
0x147: {  	v1 =	vld [tilespmem:s25+$0x10];
	_ =	sdelay $0x4  }
0x148: {  	v1 =	vmax.f32 v1, v2  }
0x149: {  	v2 =	vld [tilespmem:s0+$0x168];
	[tilespmem:s0+$0x158] =	vst v1  }
0x14a: {  	v1 =	vld [tilespmem:s25+$0x20];
	_ =	sdelay $0x4  }
0x14b: {  	v1 =	vmax.f32 v1, v2  }
0x14c: {  	v2 =	vld [tilespmem:s0+$0x178];
	[tilespmem:s0+$0x168] =	vst v1  }
0x14d: {  	v1 =	vld [tilespmem:s25+$0x30];
	_ =	sdelay $0x4  }
0x14e: {  	v1 =	vmax.f32 v1, v2  }
0x14f: {  	[tilespmem:s0+$0x178] =	vst v1  }
.LBB3_17:
0x150: {  	s26 =	sadd.s32 $0x1, s26  }
0x151: {  	p1 =	seq.s32 s26, $0x0  }
.Ltmp19:
0x152: {  	_ = 	snop;
	(pc) =	sbr.rel @p1 .LBB3_18-.Ltmp19, $2  }
0x153: {  	_ =	sdelay $0x2  }
0x154: {  	s23 =	sadd.s32 $0x1, s23;
	s25 =	sadd.s32 $0x80, s25;
	s29 =	smov.u32 s30  }
.LBB3_12:
0x155: {  	v1 =	vld.msk [tilespmem:s23+$0x0], $0x1;
	_ =	sdelay $0x4  }
0x156: {  	(v2sf) =	vpush v1, $0x0;
	_ =	sdelay $0xe  }
0x157: {  	s30 =	spop (v2sf)  }
0x158: {  	p1 =	sne.s32 s29, s30  }
.Ltmp20:
0x159: {  	_ = 	snop;
	(pc) =	sbr.rel @!p1 .LBB3_13-.Ltmp20, $2  }
0x15a: {  	_ =	sdelay $0x2  }
0x15b: {  	s0 =	sshll.u32 s22, $0x9  }
0x15c: {  	p1 =	seq.s32 s29, s24  }
.Ltmp21:
0x15d: {  	_ = 	snop;
	(pc) =	sbr.rel @!p1 .LBB3_15-.Ltmp21, $1  }
0x15e: {  	_ =	sdelay $0x3  }
0x15f: {  	s0 =	sshra.s32 s0, $0x2  }
.Ltmp22:
0x160: {  	s0 =	sadd.s32 $0x108, s0;
	(pc) =	sbr.rel .LBB3_16-.Ltmp22, $4  }
0x161: {  	[spmem:s16] =	stream.linear.scatter [tilespmem:s0], [sflag:$0x1], $0x80, $0x38;
	[tilespmem:$0x1F6F8] =	vst v63  }
0x162: {  	_ =	swait.ge [sflag:s12], $0x80  }
0x163: {  	[sflag:s12] =	ssyncset.done $0x0  }
0x164: {  	[sflag:s12] =	ssyncadd.s32 $0xFFFFFF80  }
.LBB3_15:
0x165: {  	s2 =	sshll.u32 s28, $0x9;
	s0 =	sshra.s32 s0, $0x2  }
0x166: {  	s2 =	sshra.s32 s2, $0x2;
	v2 =	vld [tilespmem:s0+$0x108]  }
0x167: {  	v1 =	vld [tilespmem:s2+$0x7988];
	_ =	sdelay $0x4  }
0x168: {  	v1 =	vmax.f32 v1, v2  }
0x169: {  	v2 =	vld [tilespmem:s0+$0x118];
	[tilespmem:s0+$0x108] =	vst v1  }
0x16a: {  	v1 =	vld [tilespmem:s2+$0x7998];
	_ =	sdelay $0x4  }
0x16b: {  	v1 =	vmax.f32 v1, v2  }
0x16c: {  	v2 =	vld [tilespmem:s0+$0x128];
	[tilespmem:s0+$0x118] =	vst v1  }
0x16d: {  	v1 =	vld [tilespmem:s2+$0x79A8];
	_ =	sdelay $0x4  }
0x16e: {  	v1 =	vmax.f32 v1, v2  }
0x16f: {  	v2 =	vld [tilespmem:s0+$0x138];
	[tilespmem:s0+$0x128] =	vst v1  }
0x170: {  	v1 =	vld [tilespmem:s2+$0x79B8];
	_ =	sdelay $0x4  }
0x171: {  	v1 =	vmax.f32 v1, v2  }
0x172: {  	v2 =	vld [tilespmem:s0+$0x148];
	[tilespmem:s0+$0x138] =	vst v1  }
0x173: {  	v1 =	vld [tilespmem:s2+$0x79C8];
	_ =	sdelay $0x4  }
0x174: {  	v1 =	vmax.f32 v1, v2  }
0x175: {  	v2 =	vld [tilespmem:s0+$0x158];
	[tilespmem:s0+$0x148] =	vst v1  }
0x176: {  	v1 =	vld [tilespmem:s2+$0x79D8];
	_ =	sdelay $0x4  }
0x177: {  	v1 =	vmax.f32 v1, v2  }
0x178: {  	v2 =	vld [tilespmem:s0+$0x168];
	[tilespmem:s0+$0x158] =	vst v1  }
0x179: {  	v1 =	vld [tilespmem:s2+$0x79E8];
	_ =	sdelay $0x4  }
0x17a: {  	v1 =	vmax.f32 v1, v2  }
0x17b: {  	v2 =	vld [tilespmem:s0+$0x178];
	[tilespmem:s0+$0x168] =	vst v1  }
0x17c: {  	v1 =	vld [tilespmem:s2+$0x79F8];
	_ =	sdelay $0x3  }
0x17d: {  	p1 =	sgt.u32 s29, $0x270F0  }
0x17e: {  	s2 =	sand.u32 @!p1 $0x3FFF8, s29;
	v1 =	vmax.f32 v1, v2  }
0x17f: {  	s3 =	sadd.s32 $0x108, s0;
	[tilespmem:s0+$0x178] =	vst v1;
	s0 =	sadd.s32 @!p1 s1, s2;
	s2 =	sand.u32 @!p1 $0x7, s29  }
0x180: {  	[hbm4b:s0+s2] =	stream.linear.scatter @!p1 [tilespmem:s3], [sflag:$0xC], $0x80, $0x38;
	[tilespmem:$0x1F6F8] =	vst v63  }
0x181: {  	s0 =	simm.s32 $0x0  }
0x182: {  	s0 =	simm.s32 @!p1 $0x200  }
0x183: {  	s31 =	sadd.s32 s0, s31  }
.LBB3_16:
0x184: {  	s0 =	sadd.s32 $0x1, s22  }
0x185: {  	s2 =	smulhi.u32 $0x88888889, s0;
	_ =	sdelay $0x1  }
0x186: {  	v1 =	vld [tilespmem:s25+$0xFFFFFFC0];
	s2 =	sshrl.u32 s2, $0x7  }
0x187: {  	s2 =	smul.u32 $0xF0, s2;
	_ =	sdelay $0x1  }
0x188: {  	s22 =	ssub.s32 s0, s2  }
0x189: {  	s0 =	sshll.u32 s22, $0x7  }
0x18a: {  	[tilespmem:s0+$0x108] =	vst v1  }
0x18b: {  	v1 =	vld [tilespmem:s25+$0xFFFFFFD0];
	_ =	sdelay $0x4  }
0x18c: {  	[tilespmem:s0+$0x118] =	vst v1  }
0x18d: {  	v1 =	vld [tilespmem:s25+$0xFFFFFFE0];
	_ =	sdelay $0x4  }
0x18e: {  	[tilespmem:s0+$0x128] =	vst v1  }
0x18f: {  	v1 =	vld [tilespmem:s25+$0xFFFFFFF0];
	_ =	sdelay $0x4  }
0x190: {  	[tilespmem:s0+$0x138] =	vst v1  }
0x191: {  	v1 =	vld [tilespmem:s25+$0x0];
	_ =	sdelay $0x4  }
0x192: {  	[tilespmem:s0+$0x148] =	vst v1  }
0x193: {  	v1 =	vld [tilespmem:s25+$0x10];
	_ =	sdelay $0x4  }
0x194: {  	[tilespmem:s0+$0x158] =	vst v1  }
0x195: {  	v1 =	vld [tilespmem:s25+$0x20];
	_ =	sdelay $0x4  }
0x196: {  	[tilespmem:s0+$0x168] =	vst v1  }
0x197: {  	v1 =	vld [tilespmem:s25+$0x30]  }
.Ltmp23:
0x198: {  	_ = 	snop;
	(pc) =	sbr.rel .LBB3_17-.Ltmp23, $2  }
0x199: {  	_ =	sdelay $0x2  }
0x19a: {  	s28 =	sadd.s32 $0x1, s28;
	[tilespmem:s0+$0x178] =	vst v1  }
.LBB3_19:
.Ltmp24:
0x19b: {  	(pc) =	sbr.rel .LBB3_20-.Ltmp24, $4  }
0x19c: {  	_ = 	snop  }
0x19d: {  	s0 =	simm.s32 $0x2  }
0x19e: {  	_ =	swait.ge [sflag:s0], $0x0  }
0x19f: {  	s30 =	smov.u32 s29;
	[sflag:s0] =	ssyncset.done $0x0;
	s0 =	simm.s32 $0x0  }
.LBB3_22:
0x1a0: {  	_ =	sfence.sel $0x180000  }
0x1a1: {  	s0 =	simm.s32 $0x9;
	[bflag:$0x0] =	sbarrier.arrive $0xFFFF  }
0x1a2: {  	s24 =	simm.s32 $0xA;
	[sflag:s0] =	ssyncpa.u1 $0x1  }
0x1a3: {  	s25 =	simm.s32 $0xB;
	[sflag:s24] =	ssyncpa.u1 $0x1  }
0x1a4: {  	s26 =	simm.s32 $0x2;
	[sflag:s25] =	ssyncpa.u1 $0x1  }
0x1a5: {  	[sflag:s26] =	ssyncpa.u1 $0x1  }
0x1a6: {  	v0 =	vld [tilespmem:$0xF208];
	_ =	sdelay $0x4  }
0x1a7: {  	(v2sf) =	vpush v0, $0x0  }
0x1a8: {  	(v2sf) =	vpush v0, $0x1;
	_ =	sdelay $0x1  }
0x1a9: {  	(v2sf) =	vpush v0, $0x2;
	_ =	sdelay $0xb  }
0x1aa: {  	s0 =	spop (v2sf)  }
0x1ab: {  	s2 =	spop (v2sf)  }
0x1ac: {  	s3 =	smov.u32 s0;
	p0 =	sne.s32 s0, s2  }
0x1ad: {  	s4 =	spop (v2sf);
	s3 =	simm.s32 @!p0 $0xFFFFFFFF  }
0x1ae: {  	v2 =	vimm.s32 $0x1;
	v3 =	vlaneseq.u32;
	p0 =	seq.s32 s4, $0xFFFFFFFF;
	v1 =	vmov s3  }
0x1af: {  	s16 =	stileid.u32;
	v0 =	vperm.xlane v0, v2;
	p1 =	sne.s32 @!p0 s0, s2;
	v1 =	vperm.xlane v1, v3  }
0x1b0: {  	vm0 =	vcmask $0x3F04;
	s6 =	simm.s32 $0xF208;
	s0 =	simm.s32 @!p0 $0x1;
	p1 =	por !p1, p0  }
0x1b1: {  	s3 =	sshll.u32 s16, $0x1;
	s2 =	sshll.u32 @!p0 s4, $0x9;
	s0 =	simm.s32 @p1 $0x0;
	v0 =	vsel vm0, v1, v0  }
0x1b2: {  	s5 =	sor.u32 $0x1000, s3;
	s2 =	sshra.s32 @!p0 s2, $0x2;
	s0 =	sor.u32 @!p0 s0, s3;
	[tilespmem:$0xF208] =	vst v0  }
0x1b3: {  	[spmem:s5] =	stream.linear.scatter [tilespmem:s6], [sflag:$0x1], $0x2, $0x38;
	[tilespmem:$0x1F6F8] =	vst v63  }
0x1b4: {  	s2 =	sadd.s32 @!p0 $0x108, s2;
	s0 =	sshll.u32 @!p0 s0, $0x7  }
0x1b5: {  	[spmem:s0] =	stream.linear.scatter @!p0 [tilespmem:s2], [sflag:$0x1], $0x80, $0x38;
	[tilespmem:$0x1F6F8] =	vst v63  }
0x1b6: {  	s0 =	simm.s32 @!p0 $0x82  }
0x1b7: {  	s28 =	simm.s32 $0x1;
	s0 =	simm.s32 @p0 $0x2  }
0x1b8: {  	_ =	swait.ge [sflag:s28], s0  }
0x1b9: {  	s0 =	ssub.s32 $0x0, s0;
	[sflag:s28] =	ssyncset.done $0x0  }
0x1ba: {  	p0 =	sne.s32 s16, $0x0;
	[sflag:s28] =	ssyncadd.s32 s0  }
.Ltmp25:
0x1bb: {  	_ =	sfence.stream.spmem;
	(pc) =	sbr.rel @p0 .LBB3_39-.Ltmp25, $4  }
0x1bc: {  	s29 =	simm.s32 $0x3;
	[bflag:$0x0] =	sbarrier.arrive $0xFFFF  }
0x1bd: {  	s30 =	simm.s32 $0x4;
	[sflag:s29] =	ssyncpa.u1 $0x1  }
0x1be: {  	s31 =	simm.s32 $0x3C;
	[sflag:s30] =	ssyncpa.u1 $0x1  }
0x1bf: {  	s15 =	rddreg [dreg:$0x4];
	[sflag:s31] =	ssyncpa.u1 $0x1  }
0x1c0: {  	_ =	sfence.stream.spmem;
	s0 =	simm.s32 $0x5  }
0x1c1: {  	s2 =	simm.s32 $0x1000;
	s3 =	simm.s32 $0xF218;
	[sflag:s0] =	ssyncpa.u1 $0x0  }
0x1c2: {  	[tilespmem:s3], [sflag:$0x5] =	stream.linear.gather [spmem:s2], $0x20, $0x38;
	[tilespmem:$0x1F6F8] =	vst v63  }
0x1c3: {  	s26 =	simm.s32 $0x0;
	s28 =	simm.s32 $0xF238  }
0x1c4: {  	[tilespmem:s28], [sflag:$0x5] =	stream.linear.gather [spmem:s26], $0x1000, $0x38;
	[tilespmem:$0x1F6F8] =	vst v63  }
0x1c5: {  	_ =	swait.ge [sflag:s0], $0x1020  }
0x1c6: {  	[sflag:s0] =	ssyncset.done $0x0  }
0x1c7: {  	s29 =	simm.s32 $0x0;
	[sflag:s0] =	ssyncadd.s32 $0xFFFFEFE0  }
0x1c8: {  	v0 =	vld.msk [tilespmem:s29+$0xF218], $0x1;
	_ =	sdelay $0x1  }
0x1c9: {  	s30 =	simm.s32 $0x1  }
0x1ca: {  	v1 =	vld.msk [tilespmem:s30+$0xF218], $0x1;
	_ =	sdelay $0x1  }
0x1cb: {  	(v2sf) =	vpush v0, $0x0;
	_ =	sdelay $0x2  }
0x1cc: {  	(v2sf) =	vpush v1, $0x0;
	_ =	sdelay $0x2  }
0x1cd: {  	s31 =	simm.s32 $0x2  }
0x1ce: {  	v0 =	vld.msk [tilespmem:s31+$0xF218], $0x1;
	_ =	sdelay $0x2  }
0x1cf: {  	s4 =	simm.s32 $0xFFFFFFFF;
	s5 =	simm.s32 $0xFFFFFFFF;
	s0 =	simm.s32 $0xC  }
.LBB3_24:
0x1d0: {  	s2 =	smov.u32 s5;
	s3 =	smov.u32 s4  }
0x1d1: {  	s4 =	sshra.s32 s0, $0x2;
	p1 =	sne.s32 s0, $0x7C;
	s0 =	sadd.s32 $0x4, s0;
	(v2sf) =	vpush v0, $0x0  }
0x1d2: {  	v0 =	vld.msk [tilespmem:s4+$0xF218], $0x1  }
.Ltmp26:
0x1d3: {  	(pc) =	sbr.rel @p1 .LBB3_24-.Ltmp26, $4  }
0x1d4: {  	s5 =	spop (v2sf)  }
0x1d5: {  	p2 =	sne.s32 s3, $0xFFFFFFFF;
	s4 =	smov.u32 s5  }
0x1d6: {  	p3 =	seq.s32 s5, $0xFFFFFFFF;
	s4 =	smov.u32 @p2 s3  }
0x1d7: {  	s5 =	smov.u32 @p3 s2;
	s4 =	smov.u32 @p3 s3  }
0x1d8: {  	(v2sf) =	vpush v0, $0x0;
	_ =	sdelay $0x8  }
0x1d9: {  	s0 =	spop (v2sf)  }
0x1da: {  	p1 =	sne.s32 s4, $0xFFFFFFFF;
	s2 =	smov.u32 s0  }
0x1db: {  	s9 =	simm.s32 $0x6;
	p2 =	seq.s32 s0, $0xFFFFFFFF;
	s2 =	smov.u32 @p1 s4  }
0x1dc: {  	s6 =	simm.s32 $0x0;
	s2 =	smov.u32 @p2 s4;
	s3 =	spop (v2sf)  }
0x1dd: {  	s0 =	smov.u32 @p2 s5;
	p1 =	sne.s32 s2, $0xFFFFFFFF;
	s4 =	smov.u32 s3  }
.Ltmp27:
0x1de: {  	p2 =	seq.s32 s3, $0xFFFFFFFF;
	s4 =	smov.u32 @p1 s2;
	(pc) =	sbr.rel .LBB3_26-.Ltmp27, $4  }
0x1df: {  	s10 =	simm.s32 $0xF188;
	s4 =	smov.u32 @p2 s2;
	s7 =	spop (v2sf)  }
0x1e0: {  	s11 =	simm.s32 $0x0;
	p1 =	sne.s32 s4, $0xFFFFFFFF;
	s8 =	smov.u32 s7  }
0x1e1: {  	s3 =	smov.u32 @p2 s0;
	p2 =	seq.s32 s7, $0xFFFFFFFF;
	s8 =	smov.u32 @p1 s4  }
0x1e2: {  	[sflag:s9] =	ssyncpa.u1 $0x0;
	s7 =	smov.u32 @p2 s3;
	s8 =	smov.u32 @p2 s4  }
.LBB3_32:
0x1e3: {  	p1 =	sgt.u32 s12, $0x270F0  }
0x1e4: {  	p2 =	seq.s32 @!p1 s12, s8  }
0x1e5: {  	p1 =	por p1, p2  }
0x1e6: {  	p2 =	sne.s32 @!p1 s12, s7  }
0x1e7: {  	p1 =	por p1, !p2  }
0x1e8: {  	s0 =	sshll.u32 @p1 s11, $0x9  }
0x1e9: {  	s0 =	sand.u32 @!p1 $0x3FFF8, s12  }
0x1ea: {  	s2 =	sand.u32 @!p1 $0x7, s12;
	s0 =	sadd.s32 @!p1 s1, s0  }
0x1eb: {  	[tilespmem:s10], [sflag:$0x6] =	stream.linear.gather @!p1 [hbm4b:s0+s2], $0x80, $0x38;
	[tilespmem:$0x1F6F8] =	vst v63  }
0x1ec: {  	_ =	swait.ge @!p1 [sflag:s9], $0x80  }
0x1ed: {  	[sflag:s9] =	ssyncset.done @!p1 $0x0  }
0x1ee: {  	s0 =	sshll.u32 @!p1 s11, $0x9;
	[sflag:s9] =	ssyncadd.s32 @!p1 $0xFFFFFF80  }
0x1ef: {  	s2 =	sshrl.u32 @!p1 s0, $0x2;
	v1 =	vld @!p1 [tilespmem:$0xF188]  }
0x1f0: {  	v2 =	vld @!p1 [tilespmem:s2+$0xF238];
	_ =	sdelay $0x4  }
0x1f1: {  	v1 =	vmax.f32 @!p1 v1, v2  }
0x1f2: {  	v2 =	vld @!p1 [tilespmem:s2+$0xF248];
	[tilespmem:s2+$0xF238] =	vst @!p1 v1  }
0x1f3: {  	v1 =	vld @!p1 [tilespmem:$0xF198];
	_ =	sdelay $0x4  }
0x1f4: {  	v1 =	vmax.f32 @!p1 v1, v2  }
0x1f5: {  	v2 =	vld @!p1 [tilespmem:s2+$0xF258];
	[tilespmem:s2+$0xF248] =	vst @!p1 v1  }
0x1f6: {  	v1 =	vld @!p1 [tilespmem:$0xF1A8];
	_ =	sdelay $0x4  }
0x1f7: {  	v1 =	vmax.f32 @!p1 v1, v2  }
0x1f8: {  	v2 =	vld @!p1 [tilespmem:s2+$0xF268];
	[tilespmem:s2+$0xF258] =	vst @!p1 v1  }
0x1f9: {  	v1 =	vld @!p1 [tilespmem:$0xF1B8];
	_ =	sdelay $0x4  }
0x1fa: {  	v1 =	vmax.f32 @!p1 v1, v2  }
0x1fb: {  	v2 =	vld @!p1 [tilespmem:s2+$0xF278];
	[tilespmem:s2+$0xF268] =	vst @!p1 v1  }
0x1fc: {  	v1 =	vld @!p1 [tilespmem:$0xF1C8];
	_ =	sdelay $0x4  }
0x1fd: {  	v1 =	vmax.f32 @!p1 v1, v2  }
0x1fe: {  	v2 =	vld @!p1 [tilespmem:s2+$0xF288];
	[tilespmem:s2+$0xF278] =	vst @!p1 v1  }
0x1ff: {  	v1 =	vld @!p1 [tilespmem:$0xF1D8];
	_ =	sdelay $0x4  }
0x200: {  	v1 =	vmax.f32 @!p1 v1, v2  }
0x201: {  	v2 =	vld @!p1 [tilespmem:s2+$0xF298];
	[tilespmem:s2+$0xF288] =	vst @!p1 v1  }
0x202: {  	v1 =	vld @!p1 [tilespmem:$0xF1E8];
	_ =	sdelay $0x4  }
0x203: {  	v1 =	vmax.f32 @!p1 v1, v2  }
0x204: {  	v2 =	vld @!p1 [tilespmem:s2+$0xF2A8];
	[tilespmem:s2+$0xF298] =	vst @!p1 v1  }
0x205: {  	v1 =	vld @!p1 [tilespmem:$0xF1F8];
	_ =	sdelay $0x4  }
0x206: {  	v1 =	vmax.f32 @!p1 v1, v2  }
0x207: {  	[tilespmem:s2+$0xF2A8] =	vst @!p1 v1  }
0x208: {  	s0 =	sshrl.u32 s0, $0x2;
	[tilespmem:s6+$0xF218] =	vst.msk $0x1, v0  }
0x209: {  	v0 =	vld [tilespmem:s0+$0xF238];
	_ =	sdelay $0x2  }
0x20a: {  	s31 =	sshll.u32 s6, $0x9  }
0x20b: {  	s2 =	sshra.s32 s31, $0x2  }
0x20c: {  	[tilespmem:s2+$0xF238] =	vst v0  }
0x20d: {  	v0 =	vld [tilespmem:s0+$0xF248];
	_ =	sdelay $0x4  }
0x20e: {  	[tilespmem:s2+$0xF248] =	vst v0  }
0x20f: {  	v0 =	vld [tilespmem:s0+$0xF258];
	_ =	sdelay $0x4  }
0x210: {  	[tilespmem:s2+$0xF258] =	vst v0  }
0x211: {  	v0 =	vld [tilespmem:s0+$0xF268];
	_ =	sdelay $0x4  }
0x212: {  	[tilespmem:s2+$0xF268] =	vst v0  }
0x213: {  	v0 =	vld [tilespmem:s0+$0xF278];
	_ =	sdelay $0x4  }
0x214: {  	[tilespmem:s2+$0xF278] =	vst v0  }
0x215: {  	v0 =	vld [tilespmem:s0+$0xF288];
	_ =	sdelay $0x4  }
0x216: {  	[tilespmem:s2+$0xF288] =	vst v0  }
0x217: {  	v0 =	vld [tilespmem:s0+$0xF298];
	_ =	sdelay $0x4  }
0x218: {  	[tilespmem:s2+$0xF298] =	vst v0  }
0x219: {  	v0 =	vld [tilespmem:s0+$0xF2A8];
	_ =	sdelay $0x4  }
0x21a: {  	s6 =	sadd.s32 $0x1, s6;
	[tilespmem:s2+$0xF2A8] =	vst v0  }
.LBB3_33:
0x21b: {  	s11 =	sadd.s32 $0x1, s11  }
0x21c: {  	p1 =	sne.s32 s11, $0x20  }
.Ltmp28:
0x21d: {  	_ = 	snop;
	(pc) =	sbr.rel @!p1 .LBB3_34-.Ltmp28, $1  }
0x21e: {  	_ =	sdelay $0x3  }
.LBB3_26:
0x21f: {  	v0 =	vld.msk [tilespmem:s11+$0xF218], $0x1;
	_ =	sdelay $0x4  }
0x220: {  	(v2sf) =	vpush v0, $0x0;
	_ =	sdelay $0xe  }
0x221: {  	s12 =	spop (v2sf)  }
0x222: {  	p1 =	seq.s32 s12, $0xFFFFFFFF  }
.Ltmp29:
0x223: {  	_ = 	snop;
	(pc) =	sbr.rel @p1 .LBB3_33-.Ltmp29, $1  }
0x224: {  	_ =	sdelay $0x3  }
0x225: {  	p1 =	slt.s32 s6, $0x1  }
.Ltmp30:
0x226: {  	_ = 	snop;
	(pc) =	sbr.rel @p1 .LBB3_32-.Ltmp30, $1  }
0x227: {  	_ =	sdelay $0x3  }
0x228: {  	s13 =	simm.s32 $0xF218;
	p1 =	por $0x0, $0x0  }
0x229: {  	v1 =	vld.msk @!p1 [tilespmem:s13+$0x0], $0x1;
	_ =	sdelay $0x4  }
0x22a: {  	(v2sf) =	vpush @!p1 v1, $0x0;
	_ =	sdelay $0xd  }
0x22b: {  	p3 =	sne.s32 s6, $0x1  }
.Ltmp31:
0x22c: {  	s0 =	spop @!p1 (v2sf);
	(pc) =	sbr.rel @!p3 .LBB3_30-.Ltmp31, $4  }
0x22d: {  	p2 =	seq.s32 @!p1 s12, s0  }
0x22e: {  	s14 =	simm.s32 $0x0;
	p2 =	por !p2, p1  }
0x22f: {  	s2 =	simm.s32 $0xFFFFFFFF;
	s14 =	simm.s32 @p2 $0xFFFFFFFF  }
0x230: {  	s0 =	simm.s32 $0x1;
	s14 =	smov.u32 @p1 s2  }
.LBB3_29:
0x231: {  	s2 =	smov.u32 s14;
	p1 =	sne.s32 s14, $0xFFFFFFFF  }
0x232: {  	s13 =	sadd.s32 $0x1, s13;
	s14 =	smov.u32 s0;
	s0 =	sadd.s32 $0x1, s0  }
0x233: {  	p2 =	sne.s32 s6, s0;
	v1 =	vld.msk @!p1 [tilespmem:s13+$0x0], $0x1;
	_ =	sdelay $0x4  }
0x234: {  	(v2sf) =	vpush @!p1 v1, $0x0;
	_ =	sdelay $0xe  }
.Ltmp32:
0x235: {  	s3 =	spop @!p1 (v2sf);
	(pc) =	sbr.rel @p2 .LBB3_29-.Ltmp32, $4  }
0x236: {  	p3 =	seq.s32 @!p1 s12, s3  }
0x237: {  	p3 =	por !p3, p1  }
0x238: {  	s14 =	simm.s32 @p3 $0xFFFFFFFF  }
0x239: {  	s14 =	smov.u32 @p1 s2  }
.LBB3_30:
0x23a: {  	p1 =	seq.s32 s14, $0xFFFFFFFF  }
.Ltmp33:
0x23b: {  	_ = 	snop;
	(pc) =	sbr.rel @p1 .LBB3_32-.Ltmp33, $1  }
0x23c: {  	_ =	sdelay $0x3  }
0x23d: {  	s0 =	sshll.u32 s11, $0x7  }
0x23e: {  	s2 =	sshll.u32 s14, $0x9;
	s0 =	sand.u32 $0x3FFFFF80, s0  }
0x23f: {  	s2 =	sshra.s32 s2, $0x2;
	v0 =	vld [tilespmem:s0+$0xF238]  }
0x240: {  	v1 =	vld [tilespmem:s2+$0xF238];
	_ =	sdelay $0x4  }
0x241: {  	v0 =	vmax.f32 v0, v1  }
0x242: {  	v57 =	vld [tilespmem:s2+$0xF248];
	[tilespmem:s2+$0xF238] =	vst v0  }
0x243: {  	v0 =	vld [tilespmem:s0+$0xF248];
	_ =	sdelay $0x4  }
0x244: {  	v0 =	vmax.f32 v0, v57  }
0x245: {  	v58 =	vld [tilespmem:s2+$0xF258];
	[tilespmem:s2+$0xF248] =	vst v0  }
0x246: {  	v0 =	vld [tilespmem:s0+$0xF258];
	_ =	sdelay $0x4  }
0x247: {  	v0 =	vmax.f32 v0, v58  }
0x248: {  	v59 =	vld [tilespmem:s2+$0xF268];
	[tilespmem:s2+$0xF258] =	vst v0  }
0x249: {  	v0 =	vld [tilespmem:s0+$0xF268];
	_ =	sdelay $0x4  }
0x24a: {  	v0 =	vmax.f32 v0, v59  }
0x24b: {  	v60 =	vld [tilespmem:s2+$0xF278];
	[tilespmem:s2+$0xF268] =	vst v0  }
0x24c: {  	v0 =	vld [tilespmem:s0+$0xF278];
	_ =	sdelay $0x4  }
0x24d: {  	v0 =	vmax.f32 v0, v60  }
0x24e: {  	v61 =	vld [tilespmem:s2+$0xF288];
	[tilespmem:s2+$0xF278] =	vst v0  }
0x24f: {  	v0 =	vld [tilespmem:s0+$0xF288];
	_ =	sdelay $0x4  }
0x250: {  	v0 =	vmax.f32 v0, v61  }
0x251: {  	v62 =	vld [tilespmem:s2+$0xF298];
	[tilespmem:s2+$0xF288] =	vst v0  }
0x252: {  	v0 =	vld [tilespmem:s0+$0xF298];
	_ =	sdelay $0x4  }
0x253: {  	v0 =	vmax.f32 v0, v62  }
0x254: {  	v63 =	vld [tilespmem:s2+$0xF2A8];
	[tilespmem:s2+$0xF298] =	vst v0  }
0x255: {  	v0 =	vld [tilespmem:s0+$0xF2A8];
	_ =	sdelay $0x1  }
.Ltmp34:
0x256: {  	_ = 	snop;
	(pc) =	sbr.rel .LBB3_33-.Ltmp34, $3  }
0x257: {  	_ =	sdelay $0x1  }
0x258: {  	v0 =	vmax.f32 v0, v63  }
0x259: {  	[tilespmem:s2+$0xF2A8] =	vst v0  }
.LBB3_34:
0x25a: {  	s0 =	simm.s32 $0x6;
	p1 =	seq.s32 s6, $0x0  }
0x25b: {  	[sflag:s0] =	ssyncpa.u1 $0x1;
	v0 =	vimm.s32 @p1 $0xFFFFFFFF  }
0x25c: {  	s9 =	sadd.s32 $0xFFFFFFFF, s6;
	[tilespmem:$0x10238] =	vst @p1 v0  }
0x25d: {  	v0 =	vld.msk @!p1 [tilespmem:s9+$0xF218], $0x1;
	_ =	sdelay $0x1  }
0x25e: {  	v1 =	vld.msk @!p1 [tilespmem:$0xF218], $0x1;
	_ =	sdelay $0x2  }
0x25f: {  	p2 =	seq.s32 @!p1 s9, $0x0;
	v0 =	vbroadcast @!p1 v0, $0x0  }
0x260: {  	vm0 =	vmmov @!p1 $0x1;
	p2 =	por !p2, p1  }
0x261: {  	v1 =	vnsel @!p1 vm0, $0xFFFFFFFF, v1;
	vm0 =	vcmask @!p1 $0x308;
	v0 =	vpsel !p2, $0xFFFFFFFF, v0  }
0x262: {  	p2 =	sne.s32 @!p1 s8, s7;
	v0 =	vsel @!p1 vm0, v1, v0  }
0x263: {  	s0 =	simm.s32 @!p1 $0xF238;
	s2 =	simm.s32 @!p1 $0x0;
	p3 =	por !p2, p1;
	[tilespmem:$0x10238] =	vst @!p1 v0  }
0x264: {  	[spmem:s2] =	stream.linear.scatter @!p1 [tilespmem:s0], [sflag:$0x1], $0x80, $0x38;
	[tilespmem:$0x1F6F8] =	vst v63  }
0x265: {  	s0 =	sshll.u32 @!p3 s9, $0x9  }
0x266: {  	s0 =	sshra.s32 @!p3 s0, $0x2  }
0x267: {  	s2 =	simm.s32 @!p3 $0x80;
	s0 =	sadd.s32 @!p3 $0xF238, s0  }
0x268: {  	[spmem:s2] =	stream.linear.scatter @!p3 [tilespmem:s0], [sflag:$0x1], $0x80, $0x38;
	[tilespmem:$0x1F6F8] =	vst v63  }
0x269: {  	s0 =	simm.s32 @!p3 $0x1  }
0x26a: {  	_ =	swait.ge @!p3 [sflag:s0], $0x100  }
0x26b: {  	p1 =	por p2, p1;
	[sflag:s0] =	ssyncset.done @!p3 $0x0  }
0x26c: {  	[sflag:s0] =	ssyncadd.s32 @!p3 $0xFFFFFF00;
	s0 =	simm.s32 @!p1 $0x1  }
0x26d: {  	_ =	swait.ge @!p1 [sflag:s0], $0x80  }
0x26e: {  	s29 =	simm.s32 $0x10238;
	[sflag:s0] =	ssyncset.done @!p1 $0x0  }
0x26f: {  	s30 =	simm.s32 $0x1000;
	s31 =	simm.s32 $0x1;
	[sflag:s0] =	ssyncadd.s32 @!p1 $0xFFFFFF80  }
0x270: {  	[spmem:s30] =	stream.linear.scatter [tilespmem:s29], [sflag:$0x1], $0x10, $0x38;
	[tilespmem:$0x1F6F8] =	vst v63  }
0x271: {  	_ =	swait.ge [sflag:s31], $0x10  }
0x272: {  	[sflag:s31] =	ssyncset.done $0x0  }
0x273: {  	p1 =	seq.s32 s15, $0x0;
	s8 =	rddreg [dreg:$0x1];
	[sflag:s31] =	ssyncadd.s32 $0xFFFFFFF0  }
0x274: {  	s2 =	sshll.u32 @p1 s8, $0xE;
	s7 =	rddreg [dreg:$0x2]  }
0x275: {  	s0 =	sadd.s32 @p1 $0x15C3C, s2;
	s2 =	sshll.u32 @p1 s7, $0x11  }
0x276: {  	_ =	sfence.stream.spmem;
	s0 =	sor.u32 @p1 s2, s0  }
0x277: {  	[sflag:s0] =	ssyncadd.remote.s32 @p1 $0x1;
	s0 =	simm.s32 @p1 $0x4  }
0x278: {  	s3 =	simm.s32 @!p1 $0x3C;
	s2 =	sand.u32 $0xFFFFFFFE, s8;
	_ =	swait.ge @p1 [sflag:s0], $0x22  }
0x279: {  	s4 =	simm.s32 @!p1 $0x0;
	s2 =	sadd.s32 @!p1 $0x4, s2;
	[sflag:s0] =	ssyncset.done @p1 $0x0  }
0x27a: {  	s5 =	simm.s32 @!p1 $0x100;
	[sflag:s0] =	ssyncadd.s32 @p1 $0xFFFFFFDE;
	s0 =	sshll.u32 @!p1 s2, $0x1A  }
0x27b: {  	s2 =	sshll.u32 @!p1 s2, $0xD;
	s0 =	sor.u32 @!p1 s0, s7;
	_ =	swait.eq @!p1 [sflag:s3], $0x1  }
0x27c: {  	s2 =	sor.u32 @!p1 $0x1C04, s2;
	s3 =	simm.s32 @!p1 $0x1C03;
	s0 =	sor.u32 @!p1 $0x80004000, s0  }
0x27d: {  	[spmem:s5], [sflag:s2] =	dma.general @!p1 [spmem:s4], [sflag:s3], length:$0x20, [dreg:$0x0], stride_count:$0x0, ici_dest:s0, dma_misc:DstOpCode:WRITE  }
0x27e: {  	p2 =	slt.s32 s9, $0x2;
	s4 =	simm.s32 @!p1 $0x200;
	s5 =	simm.s32 @!p1 $0x202  }
0x27f: {  	[spmem:s5], [sflag:s2] =	dma.general @!p1 [spmem:s4], [sflag:s3], length:$0x2, [dreg:$0x0], stride_count:$0x0, ici_dest:s0, dma_misc:DstOpCode:WRITE  }
.Ltmp35:
0x280: {  	s0 =	simm.s32 @!p1 $0x3;
	(pc) =	sbr.rel @p2 .LBB3_38-.Ltmp35, $4  }
0x281: {  	s2 =	sshll.u32 @!p1 s8, $0xE;
	_ =	swait.ge @!p1 [sflag:s0], $0x22  }
0x282: {  	s3 =	sshll.u32 @!p1 s7, $0x11;
	s2 =	sadd.s32 @!p1 $0x11C3C, s2;
	[sflag:s0] =	ssyncset.done @!p1 $0x0  }
0x283: {  	[sflag:s0] =	ssyncadd.s32 @!p1 $0xFFFFFFDE;
	s0 =	sor.u32 @!p1 s3, s2  }
0x284: {  	[sflag:s0] =	ssyncadd.remote.s32 @!p1 $0xFFFFFFFF;
	s0 =	simm.s32 $0x0  }
0x285: {  	s0 =	simm.s32 $0xF219  }
0x286: {  	v0 =	vld.msk [tilespmem:s0+$0x0], $0x1;
	_ =	sdelay $0x4  }
0x287: {  	(v2sf) =	vpush v0, $0x0;
	_ =	sdelay $0xb  }
0x288: {  	s31 =	sadd.s32 $0xFFFFFFFE, s6  }
0x289: {  	s0 =	sadd.s32 $0xFFFFFFFF, s31  }
0x28a: {  	p2 =	sne.s32 s0, $0x0  }
.Ltmp36:
0x28b: {  	s2 =	spop (v2sf);
	(pc) =	sbr.rel @!p2 .LBB3_37-.Ltmp36, $4  }
0x28c: {  	s4 =	simm.s32 $0xF2B8;
	s7 =	simm.s32 $0x0;
	p1 =	sgt.u32 s2, $0x270F0  }
0x28d: {  	s5 =	simm.s32 $0x0;
	s6 =	simm.s32 $0xF21A;
	s3 =	sand.u32 @!p1 $0x3FFF8, s2  }
0x28e: {  	s2 =	sand.u32 @!p1 $0x7, s2;
	s7 =	simm.s32 @!p1 $0x200;
	s3 =	sadd.s32 @!p1 s1, s3  }
0x28f: {  	[hbm4b:s3+s2] =	stream.linear.scatter @!p1 [tilespmem:s4], [sflag:$0x5], $0x80, $0x38;
	[tilespmem:$0x1F6F8] =	vst v63  }
.LBB3_36:
0x290: {  	v0 =	vld.msk [tilespmem:s6+$0x0], $0x1;
	s0 =	sadd.s32 $0xFFFFFFFF, s0;
	s5 =	sadd.s32 s5, s7  }
0x291: {  	p1 =	sne.s32 s0, $0x0;
	_ =	sdelay $0x3  }
0x292: {  	(v2sf) =	vpush v0, $0x0;
	_ =	sdelay $0xe  }
.Ltmp37:
0x293: {  	s2 =	spop (v2sf);
	(pc) =	sbr.rel @p1 .LBB3_36-.Ltmp37, $4  }
0x294: {  	s7 =	simm.s32 $0x0;
	p2 =	sgt.u32 s2, $0x270F0  }
0x295: {  	s4 =	sadd.s32 $0x80, s4;
	s7 =	simm.s32 @!p2 $0x200;
	s3 =	sand.u32 @!p2 $0x3FFF8, s2  }
0x296: {  	s6 =	sadd.s32 $0x1, s6;
	s2 =	sand.u32 @!p2 $0x7, s2;
	s3 =	sadd.s32 @!p2 s1, s3  }
0x297: {  	[hbm4b:s3+s2] =	stream.linear.scatter @!p2 [tilespmem:s4], [sflag:$0x5], $0x80, $0x38;
	[tilespmem:$0x1F6F8] =	vst v63  }
.LBB3_37:
0x298: {  	s0 =	sadd.s32 s5, s7  }
0x299: {  	s0 =	sshrl.u32 s0, $0x2  }
.LBB3_38:
0x29a: {  	s2 =	simm.s32 $0x5  }
0x29b: {  	_ =	swait.ge [sflag:s2], s0  }
0x29c: {  	s31 =	ssub.s32 $0x0, s0;
	[sflag:s2] =	ssyncset.done $0x0  }
0x29d: {  	[sflag:s2] =	ssyncadd.s32 s31  }
0x29e: {  	[sflag:s2] =	ssyncpa.u1 $0x1  }
.LBB3_39:
0x29f: {  	s0 =	sor.u32 s15, s16  }
0x2a0: {  	p1 =	sne.s32 s0, $0x0  }
.Ltmp38:
0x2a1: {  	_ = 	snop;
	(pc) =	sbr.rel @p1 .LBB3_54-.Ltmp38, $3  }
0x2a2: {  	_ =	sdelay $0x1  }
0x2a3: {  	[bflag:$0x0] =	sbarrier.arrive $0xFFFF  }
0x2a4: {  	_ =	sfence  }
0x2a5: {  	s0 =	simm.s32 $0x7  }
0x2a6: {  	s2 =	simm.s32 $0x1000;
	s3 =	simm.s32 $0xF218;
	[sflag:s0] =	ssyncpa.u1 $0x0  }
0x2a7: {  	[tilespmem:s3], [sflag:$0x7] =	stream.linear.gather [spmem:s2], $0x20, $0x38;
	[tilespmem:$0x1F6F8] =	vst v63  }
0x2a8: {  	s30 =	simm.s32 $0xF238;
	s2 =	simm.s32 $0x0  }
0x2a9: {  	[tilespmem:s30], [sflag:$0x7] =	stream.linear.gather [spmem:s2], $0x1000, $0x38;
	[tilespmem:$0x1F6F8] =	vst v63  }
.Ltmp39:
0x2aa: {  	_ = 	snop;
	(pc) =	sbr.rel .LBB3_41-.Ltmp39, $4  }
0x2ab: {  	_ =	swait.ge [sflag:s0], $0x1020  }
0x2ac: {  	[sflag:s0] =	ssyncset.done $0x0  }
0x2ad: {  	s31 =	simm.s32 $0x8;
	[sflag:s0] =	ssyncadd.s32 $0xFFFFEFE0  }
0x2ae: {  	s3 =	simm.s32 $0x0;
	[sflag:s31] =	ssyncpa.u1 $0x0  }
.LBB3_47:
0x2af: {  	p1 =	slt.u32 s4, $0x270F1  }
0x2b0: {  	s0 =	sand.u32 @p1 $0x3FFF8, s4  }
0x2b1: {  	s4 =	sand.u32 @p1 $0x7, s4;
	s5 =	simm.s32 @p1 $0xF188;
	s0 =	sadd.s32 @p1 s1, s0  }
0x2b2: {  	[tilespmem:s5], [sflag:$0x8] =	stream.linear.gather @p1 [hbm4b:s0+s4], $0x80, $0x38;
	[tilespmem:$0x1F6F8] =	vst v63  }
0x2b3: {  	s0 =	simm.s32 @p1 $0x8  }
0x2b4: {  	_ =	swait.ge @p1 [sflag:s0], $0x80  }
0x2b5: {  	[sflag:s0] =	ssyncset.done @p1 $0x0  }
0x2b6: {  	[sflag:s0] =	ssyncadd.s32 @p1 $0xFFFFFF80;
	s0 =	sshll.u32 @p1 s3, $0x9  }
0x2b7: {  	s4 =	sshrl.u32 @p1 s0, $0x2;
	v1 =	vld @p1 [tilespmem:$0xF188]  }
0x2b8: {  	v2 =	vld @p1 [tilespmem:s4+$0xF238];
	_ =	sdelay $0x4  }
0x2b9: {  	v1 =	vmax.f32 @p1 v1, v2  }
0x2ba: {  	v2 =	vld @p1 [tilespmem:s4+$0xF248];
	[tilespmem:s4+$0xF238] =	vst @p1 v1  }
0x2bb: {  	v1 =	vld @p1 [tilespmem:$0xF198];
	_ =	sdelay $0x4  }
0x2bc: {  	v1 =	vmax.f32 @p1 v1, v2  }
0x2bd: {  	v2 =	vld @p1 [tilespmem:s4+$0xF258];
	[tilespmem:s4+$0xF248] =	vst @p1 v1  }
0x2be: {  	v1 =	vld @p1 [tilespmem:$0xF1A8];
	_ =	sdelay $0x4  }
0x2bf: {  	v1 =	vmax.f32 @p1 v1, v2  }
0x2c0: {  	v2 =	vld @p1 [tilespmem:s4+$0xF268];
	[tilespmem:s4+$0xF258] =	vst @p1 v1  }
0x2c1: {  	v1 =	vld @p1 [tilespmem:$0xF1B8];
	_ =	sdelay $0x4  }
0x2c2: {  	v1 =	vmax.f32 @p1 v1, v2  }
0x2c3: {  	v2 =	vld @p1 [tilespmem:s4+$0xF278];
	[tilespmem:s4+$0xF268] =	vst @p1 v1  }
0x2c4: {  	v1 =	vld @p1 [tilespmem:$0xF1C8];
	_ =	sdelay $0x4  }
0x2c5: {  	v1 =	vmax.f32 @p1 v1, v2  }
0x2c6: {  	v2 =	vld @p1 [tilespmem:s4+$0xF288];
	[tilespmem:s4+$0xF278] =	vst @p1 v1  }
0x2c7: {  	v1 =	vld @p1 [tilespmem:$0xF1D8];
	_ =	sdelay $0x4  }
0x2c8: {  	v1 =	vmax.f32 @p1 v1, v2  }
0x2c9: {  	v2 =	vld @p1 [tilespmem:s4+$0xF298];
	[tilespmem:s4+$0xF288] =	vst @p1 v1  }
0x2ca: {  	v1 =	vld @p1 [tilespmem:$0xF1E8];
	_ =	sdelay $0x4  }
0x2cb: {  	v1 =	vmax.f32 @p1 v1, v2  }
0x2cc: {  	v2 =	vld @p1 [tilespmem:s4+$0xF2A8];
	[tilespmem:s4+$0xF298] =	vst @p1 v1  }
0x2cd: {  	v1 =	vld @p1 [tilespmem:$0xF1F8];
	_ =	sdelay $0x4  }
0x2ce: {  	s5 =	sshll.u32 @!p1 s3, $0x9;
	v1 =	vmax.f32 @p1 v1, v2  }
0x2cf: {  	s5 =	smov.u32 @p1 s0;
	[tilespmem:s4+$0xF2A8] =	vst @p1 v1  }
0x2d0: {  	s0 =	sshrl.u32 s5, $0x2;
	[tilespmem:s2+$0xF218] =	vst.msk $0x1, v0  }
0x2d1: {  	v0 =	vld [tilespmem:s0+$0xF238];
	_ =	sdelay $0x2  }
0x2d2: {  	s31 =	sshll.u32 s2, $0x9  }
0x2d3: {  	s4 =	sshra.s32 s31, $0x2  }
0x2d4: {  	[tilespmem:s4+$0xF238] =	vst v0  }
0x2d5: {  	v0 =	vld [tilespmem:s0+$0xF248];
	_ =	sdelay $0x4  }
0x2d6: {  	[tilespmem:s4+$0xF248] =	vst v0  }
0x2d7: {  	v0 =	vld [tilespmem:s0+$0xF258];
	_ =	sdelay $0x4  }
0x2d8: {  	[tilespmem:s4+$0xF258] =	vst v0  }
0x2d9: {  	v0 =	vld [tilespmem:s0+$0xF268];
	_ =	sdelay $0x4  }
0x2da: {  	[tilespmem:s4+$0xF268] =	vst v0  }
0x2db: {  	v0 =	vld [tilespmem:s0+$0xF278];
	_ =	sdelay $0x4  }
0x2dc: {  	[tilespmem:s4+$0xF278] =	vst v0  }
0x2dd: {  	v0 =	vld [tilespmem:s0+$0xF288];
	_ =	sdelay $0x4  }
0x2de: {  	[tilespmem:s4+$0xF288] =	vst v0  }
0x2df: {  	v0 =	vld [tilespmem:s0+$0xF298];
	_ =	sdelay $0x4  }
0x2e0: {  	[tilespmem:s4+$0xF298] =	vst v0  }
0x2e1: {  	v0 =	vld [tilespmem:s0+$0xF2A8];
	_ =	sdelay $0x4  }
0x2e2: {  	s2 =	sadd.s32 $0x1, s2;
	[tilespmem:s4+$0xF2A8] =	vst v0  }
.LBB3_48:
0x2e3: {  	s3 =	sadd.s32 $0x1, s3  }
0x2e4: {  	p1 =	sne.s32 s3, $0x20  }
.Ltmp40:
0x2e5: {  	_ = 	snop;
	(pc) =	sbr.rel @!p1 .LBB3_49-.Ltmp40, $1  }
0x2e6: {  	_ =	sdelay $0x3  }
.LBB3_41:
0x2e7: {  	v0 =	vld.msk [tilespmem:s3+$0xF218], $0x1;
	_ =	sdelay $0x4  }
0x2e8: {  	(v2sf) =	vpush v0, $0x0;
	_ =	sdelay $0xe  }
0x2e9: {  	s4 =	spop (v2sf)  }
0x2ea: {  	p1 =	seq.s32 s4, $0xFFFFFFFF  }
.Ltmp41:
0x2eb: {  	_ = 	snop;
	(pc) =	sbr.rel @p1 .LBB3_48-.Ltmp41, $1  }
0x2ec: {  	_ =	sdelay $0x3  }
0x2ed: {  	p1 =	slt.s32 s2, $0x1  }
.Ltmp42:
0x2ee: {  	_ = 	snop;
	(pc) =	sbr.rel @p1 .LBB3_47-.Ltmp42, $1  }
0x2ef: {  	_ =	sdelay $0x3  }
0x2f0: {  	s5 =	simm.s32 $0xF218;
	p1 =	por $0x0, $0x0  }
0x2f1: {  	v1 =	vld.msk @!p1 [tilespmem:s5+$0x0], $0x1;
	_ =	sdelay $0x4  }
0x2f2: {  	(v2sf) =	vpush @!p1 v1, $0x0;
	_ =	sdelay $0xd  }
0x2f3: {  	p3 =	sne.s32 s2, $0x1  }
.Ltmp43:
0x2f4: {  	s0 =	spop @!p1 (v2sf);
	(pc) =	sbr.rel @!p3 .LBB3_45-.Ltmp43, $4  }
0x2f5: {  	p2 =	seq.s32 @!p1 s4, s0  }
0x2f6: {  	s6 =	simm.s32 $0x0;
	p2 =	por !p2, p1  }
0x2f7: {  	s7 =	simm.s32 $0xFFFFFFFF;
	s6 =	simm.s32 @p2 $0xFFFFFFFF  }
0x2f8: {  	s0 =	simm.s32 $0x1;
	s6 =	smov.u32 @p1 s7  }
.LBB3_44:
0x2f9: {  	s7 =	smov.u32 s6;
	p1 =	sne.s32 s6, $0xFFFFFFFF  }
0x2fa: {  	s5 =	sadd.s32 $0x1, s5;
	s6 =	smov.u32 s0;
	s0 =	sadd.s32 $0x1, s0  }
0x2fb: {  	p2 =	sne.s32 s2, s0;
	v1 =	vld.msk @!p1 [tilespmem:s5+$0x0], $0x1;
	_ =	sdelay $0x4  }
0x2fc: {  	(v2sf) =	vpush @!p1 v1, $0x0;
	_ =	sdelay $0xe  }
.Ltmp44:
0x2fd: {  	s8 =	spop @!p1 (v2sf);
	(pc) =	sbr.rel @p2 .LBB3_44-.Ltmp44, $4  }
0x2fe: {  	p3 =	seq.s32 @!p1 s4, s8  }
0x2ff: {  	p3 =	por !p3, p1  }
0x300: {  	s6 =	simm.s32 @p3 $0xFFFFFFFF  }
0x301: {  	s6 =	smov.u32 @p1 s7  }
.LBB3_45:
0x302: {  	p1 =	seq.s32 s6, $0xFFFFFFFF  }
.Ltmp45:
0x303: {  	_ = 	snop;
	(pc) =	sbr.rel @p1 .LBB3_47-.Ltmp45, $1  }
0x304: {  	_ =	sdelay $0x3  }
0x305: {  	s0 =	sshll.u32 s3, $0x7  }
0x306: {  	s4 =	sshll.u32 s6, $0x9;
	s0 =	sand.u32 $0x3FFFFF80, s0  }
0x307: {  	s4 =	sshra.s32 s4, $0x2;
	v0 =	vld [tilespmem:s0+$0xF238]  }
0x308: {  	v1 =	vld [tilespmem:s4+$0xF238];
	_ =	sdelay $0x4  }
0x309: {  	v0 =	vmax.f32 v0, v1  }
0x30a: {  	v57 =	vld [tilespmem:s4+$0xF248];
	[tilespmem:s4+$0xF238] =	vst v0  }
0x30b: {  	v0 =	vld [tilespmem:s0+$0xF248];
	_ =	sdelay $0x4  }
0x30c: {  	v0 =	vmax.f32 v0, v57  }
0x30d: {  	v58 =	vld [tilespmem:s4+$0xF258];
	[tilespmem:s4+$0xF248] =	vst v0  }
0x30e: {  	v0 =	vld [tilespmem:s0+$0xF258];
	_ =	sdelay $0x4  }
0x30f: {  	v0 =	vmax.f32 v0, v58  }
0x310: {  	v59 =	vld [tilespmem:s4+$0xF268];
	[tilespmem:s4+$0xF258] =	vst v0  }
0x311: {  	v0 =	vld [tilespmem:s0+$0xF268];
	_ =	sdelay $0x4  }
0x312: {  	v0 =	vmax.f32 v0, v59  }
0x313: {  	v60 =	vld [tilespmem:s4+$0xF278];
	[tilespmem:s4+$0xF268] =	vst v0  }
0x314: {  	v0 =	vld [tilespmem:s0+$0xF278];
	_ =	sdelay $0x4  }
0x315: {  	v0 =	vmax.f32 v0, v60  }
0x316: {  	v61 =	vld [tilespmem:s4+$0xF288];
	[tilespmem:s4+$0xF278] =	vst v0  }
0x317: {  	v0 =	vld [tilespmem:s0+$0xF288];
	_ =	sdelay $0x4  }
0x318: {  	v0 =	vmax.f32 v0, v61  }
0x319: {  	v62 =	vld [tilespmem:s4+$0xF298];
	[tilespmem:s4+$0xF288] =	vst v0  }
0x31a: {  	v0 =	vld [tilespmem:s0+$0xF298];
	_ =	sdelay $0x4  }
0x31b: {  	v0 =	vmax.f32 v0, v62  }
0x31c: {  	v63 =	vld [tilespmem:s4+$0xF2A8];
	[tilespmem:s4+$0xF298] =	vst v0  }
0x31d: {  	v0 =	vld [tilespmem:s0+$0xF2A8];
	_ =	sdelay $0x1  }
.Ltmp46:
0x31e: {  	_ = 	snop;
	(pc) =	sbr.rel .LBB3_48-.Ltmp46, $3  }
0x31f: {  	_ =	sdelay $0x1  }
0x320: {  	v0 =	vmax.f32 v0, v63  }
0x321: {  	[tilespmem:s4+$0xF2A8] =	vst v0  }
.LBB3_49:
0x322: {  	p1 =	slt.s32 s2, $0x1  }
.Ltmp47:
0x323: {  	_ = 	snop;
	(pc) =	sbr.rel @p1 .LBB3_53-.Ltmp47, $3  }
0x324: {  	_ =	sdelay $0x1  }
0x325: {  	s0 =	simm.s32 $0x8  }
0x326: {  	s3 =	simm.s32 $0x0;
	[sflag:s0] =	ssyncpa.u1 $0x1  }
0x327: {  	s0 =	simm.s32 $0xF218  }
0x328: {  	v0 =	vld.msk [tilespmem:s0+$0x0], $0x1;
	_ =	sdelay $0x4  }
0x329: {  	(v2sf) =	vpush v0, $0x0;
	_ =	sdelay $0xe  }
0x32a: {  	s0 =	sadd.s32 $0xFFFFFFFF, s2;
	s5 =	spop (v2sf)  }
0x32b: {  	p2 =	sne.s32 s0, $0x0;
	p1 =	sgt.u32 s5, $0x270F0  }
.Ltmp48:
0x32c: {  	s6 =	sand.u32 @!p1 $0x3FFF8, s5;
	(pc) =	sbr.rel @!p2 .LBB3_52-.Ltmp48, $4  }
0x32d: {  	s4 =	simm.s32 $0xF238;
	s5 =	sand.u32 @!p1 $0x7, s5;
	s2 =	sadd.s32 @!p1 s1, s6  }
0x32e: {  	[hbm4b:s2+s5] =	stream.linear.scatter @!p1 [tilespmem:s4], [sflag:$0x7], $0x80, $0x38;
	[tilespmem:$0x1F6F8] =	vst v63  }
0x32f: {  	s5 =	simm.s32 $0x0  }
0x330: {  	s2 =	simm.s32 $0xF219;
	s5 =	simm.s32 @!p1 $0x200  }
.LBB3_51:
0x331: {  	v0 =	vld.msk [tilespmem:s2+$0x0], $0x1;
	s0 =	sadd.s32 $0xFFFFFFFF, s0;
	s3 =	sadd.s32 s3, s5  }
0x332: {  	p1 =	sne.s32 s0, $0x0;
	_ =	sdelay $0x3  }
0x333: {  	(v2sf) =	vpush v0, $0x0;
	_ =	sdelay $0xe  }
.Ltmp49:
0x334: {  	s6 =	spop (v2sf);
	(pc) =	sbr.rel @p1 .LBB3_51-.Ltmp49, $4  }
0x335: {  	s5 =	simm.s32 $0x0;
	p2 =	sgt.u32 s6, $0x270F0  }
0x336: {  	s4 =	sadd.s32 $0x80, s4;
	s5 =	simm.s32 @!p2 $0x200;
	s7 =	sand.u32 @!p2 $0x3FFF8, s6  }
0x337: {  	s2 =	sadd.s32 $0x1, s2;
	s6 =	sand.u32 @!p2 $0x7, s6;
	s7 =	sadd.s32 @!p2 s1, s7  }
0x338: {  	[hbm4b:s7+s6] =	stream.linear.scatter @!p2 [tilespmem:s4], [sflag:$0x7], $0x80, $0x38;
	[tilespmem:$0x1F6F8] =	vst v63  }
.LBB3_52:
0x339: {  	s0 =	sadd.s32 s3, s5  }
0x33a: {  	s3 =	sshrl.u32 s0, $0x2  }
.LBB3_53:
0x33b: {  	s0 =	simm.s32 $0x7  }
0x33c: {  	_ =	swait.ge [sflag:s0], s3  }
0x33d: {  	s1 =	ssub.s32 $0x0, s3;
	[sflag:s0] =	ssyncset.done $0x0  }
0x33e: {  	[sflag:s0] =	ssyncadd.s32 s1  }
0x33f: {  	[sflag:s0] =	ssyncpa.u1 $0x1  }
.LBB3_54:
0x340: {  	_ =	sfence;
	s0 =	simm.s32 $0x1  }
0x341: {  	[sflag:s0] =	ssyncpa.u1 $0x1  }
0x342: {  	_ =	strace $0x9000004D  }
0x343: {  	[bflag:$0x2] =	sbarrier.arrive $0xFFFF  }
0x344: {  	s0 =	rddreg [dreg:$0x3]  }
0x345: {  	s0 =	sadd.s32 @!p0 $0x100000, s0  }
0x346: {  	[sflag:s0] =	ssyncadd.tile.s32 @!p0 $0x1;
	_ =	shalt  }
.Lfunc_end3:
_tile_overlayer_lowered:
.L_overlay_start_3:
0x347: {  	(tag) =	ssettag $0x3  }
0x348: {  	s0 =	rddreg [dreg:$0x0];
	s2 =	stileid.u32  }
0x349: {  	s1 =	rddreg [dreg:$0x1];
	p0 =	sne.s32 s2, $0x0  }
0x34a: {  	s3 =	rddreg [dreg:$0x2];
	[bflag:$0x3] =	sbarrier.arrive $0xFFFF;
	s2 =	simm.s32 @!p0 $0x1C01  }
0x34b: {  	[timem:s3], [sflag:s2] =	dma.local @!p0 [hbm:s0], s1  }
0x34c: {  	s0 =	simm.s32 @!p0 $0x1  }
0x34d: {  	_ =	swait.ge @!p0 [sflag:s0], s1  }
0x34e: {  	s1 =	ssub.s32 @!p0 $0x0, s1;
	[sflag:s0] =	ssyncset.done @!p0 $0x0  }
0x34f: {  	[sflag:s0] =	ssyncadd.s32 @!p0 s1  }
0x350: {  	[bflag:$0x3] =	sbarrier.arrive $0xFFFF  }
0x351: {  	_ =	shalt  }

// kernel: scatter_offload_async_start
scs
__scs_entry_jumppad:
0x0: {  	(pc) =	sbr.rel $0x88, $3  }
0x1: {  	(tag) =	ssettag $0x0;
	lr =	simm.s32 $0x1  }
0x2: {  	[smem:$0x3F8F] =	sst lr;
	_ =	strace $0xD0000000  }
0x3: {  	_ = 	snop  }
0x4: {  	_ = 	snop  }
0x5: {  	_ = 	snop  }
0x6: {  	_ = 	snop  }
0x7: {  	_ = 	snop  }
__scs_overlays_trampoline_lowered:
0x8: {  	[smem:$0x3F9E] =	sst s0  }
0x9: {  	[smem:$0x3F9F] =	sst s1  }
0xa: {  	[smem:$0x3FA0] =	sst s2  }
0xb: {  	[smem:$0x3FA1] =	sst s3  }
0xc: {  	[smem:$0x3FA2] =	sst s4  }
0xd: {  	[smem:$0x3FA3] =	sst s5  }
0xe: {  	[smem:$0x3FA4] =	sst s6  }
0xf: {  	[smem:$0x3FA5] =	sst s7  }
0x10: {  	[smem:$0x3FA6] =	sst s8  }
0x11: {  	[smem:$0x3FA7] =	sst s9;
	s0 =	simm.s32 @!p0 $0x0  }
0x12: {  	s1 =	sld [smem:$0x3F8D];
	s0 =	simm.s32 @p0 $0x1  }
0x13: {  	[smem:$0x3FA8] =	sst s0;
	s0 =	simm.s32 @!p1 $0x0  }
0x14: {  	s2 =	sld [smem:$0x3F8C];
	s0 =	simm.s32 @p1 $0x1  }
0x15: {  	[smem:$0x3FA9] =	sst s0;
	s0 =	simm.s32 @!p2 $0x0  }
0x16: {  	s3 =	sld [smem:$0x3FDB];
	s0 =	simm.s32 @p2 $0x1  }
0x17: {  	s4 =	simm.s32 $0x1BF5;
	[smem:$0x3FAB] =	sst s0  }
0x18: {  	s0 =	sld [smem:$0x3F8E];
	_ =	swait.ge [sflag:s4], $0x0  }
0x19: {  	s7 =	sld [smem:$0x3F8F]  }
0x1a: {  	s8 =	sadd.s32 $0xFFFFE003, lr  }
0x1b: {  	s9 =	sadd.s32 $0xFFFFFEF7, lr;
	s5 =	simm.s32 $0xFFFFFFFF;
	p2 =	slt.u32 s8, $0xFFFFF086  }
0x1c: {  	p1 =	slt.u32 s9, $0xF7A;
	s5 =	simm.s32 @!p2 $0x0  }
0x1d: {  	s5 =	simm.s32 @p1 $0x1;
	p0 =	seq.s32 s7, s2  }
0x1e: {  	s7 =	smul.u32 @!p0 $0xF7A, s2;
	p2 =	seq.s32 @!p0 s5, $0x0  }
0x1f: {  	s9 =	smul.u32 $0xF7A, s1;
	s8 =	simm.s32 @!p0 $0x1BF5;
	p2 =	por !p2, p0  }
0x20: {  	[sflag:s8] =	ssyncset.s32 @!p0 $0xFFFFF086;
	s6 =	sadd.s32 @!p0 s3, s7;
	s7 =	simm.s32 @!p0 $0x108  }
0x21: {  	s3 =	sadd.s32 s3, s9;
	s6 =	sadd.s32 @!p0 $0x88, s6;
	s7 =	simm.s32 @p2 $0x1082  }
0x22: {  	[simem:s7], [sflag:s8] =	dma.local @!p0 [hbm:s6], $0xF7A  }
0x23: {  	s9 =	sor.u32 $0xD0000000, s2;
	s6 =	simm.s32 $0x108;
	_ =	swait.ge @!p0 [sflag:s8], $0x0  }
0x24: {  	s3 =	sadd.s32 $0x88, s3;
	s6 =	simm.s32 @!p1 $0x1082;
	[sflag:s4] =	ssyncset.s32 $0xFFFFF086  }
0x25: {  	[simem:s6], [sflag:s4] =	dma.local [hbm:s3], $0xF7A  }
0x26: {  	[smem:$0x3F8F] =	sst s1;
	(tag) =	ssettag s2;
	_ =	strace s9  }
0x27: {  	s1 =	sld [smem:$0x3F9F]  }
0x28: {  	s2 =	sld [smem:$0x3FA0]  }
0x29: {  	s4 =	sld [smem:$0x3FA2]  }
0x2a: {  	p0 =	seq.s32 s5, $0x0;
	s5 =	sld [smem:$0x3FA3]  }
0x2b: {  	s6 =	sld [smem:$0x3FA4]  }
0x2c: {  	s7 =	sld [smem:$0x3FA5]  }
0x2d: {  	s3 =	simm.s32 $0x108;
	s8 =	sld [smem:$0x3FA6]  }
0x2e: {  	s3 =	simm.s32 @!p0 $0x1082;
	s9 =	sld [smem:$0x3FA7]  }
0x2f: {  	lr =	sadd.s32 s0, s3;
	s0 =	sld [smem:$0x3F9E]  }
0x30: {  	s3 =	sld [smem:$0x3FA1]  }
0x31: {  	[smem:$0x3FAA] =	sst s10  }
0x32: {  	s10 =	sld [smem:$0x3FA8];
	_ =	sdelay $0x3  }
0x33: {  	p0 =	seq.s32 s10, $0x1;
	s10 =	sld [smem:$0x3FAA];
	_ =	sdelay $0x3  }
0x34: {  	[smem:$0x3FAA] =	sst s10  }
0x35: {  	s10 =	sld [smem:$0x3FA9];
	_ =	sdelay $0x3  }
0x36: {  	p1 =	seq.s32 s10, $0x1;
	s10 =	sld [smem:$0x3FAA];
	_ =	sdelay $0x3  }
0x37: {  	[smem:$0x3FAA] =	sst s10  }
0x38: {  	s10 =	sld [smem:$0x3FAB]  }
0x39: {  	_ = 	snop;
	(pc) =	sbr.ind lr, $3  }
0x3a: {  	_ = 	snop  }
0x3b: {  	_ = 	snop  }
0x3c: {  	p2 =	seq.s32 s10, $0x1;
	s10 =	sld [smem:$0x3FAA]  }
0x3d: {  	_ =	shalt  }
0x3e: {  	_ =	shalt  }
0x3f: {  	_ =	shalt  }
0x40: {  	_ =	shalt  }
0x41: {  	_ =	shalt  }
0x42: {  	_ =	shalt  }
0x43: {  	_ =	shalt  }
0x44: {  	_ =	shalt  }
0x45: {  	_ =	shalt  }
0x46: {  	_ =	shalt  }
0x47: {  	_ =	shalt  }
0x48: {  	_ =	shalt  }
0x49: {  	_ =	shalt  }
0x4a: {  	_ =	shalt  }
0x4b: {  	_ =	shalt  }
0x4c: {  	_ =	shalt  }
0x4d: {  	_ =	shalt  }
0x4e: {  	_ =	shalt  }
0x4f: {  	_ =	shalt  }
0x50: {  	_ =	shalt  }
0x51: {  	_ =	shalt  }
0x52: {  	_ =	shalt  }
0x53: {  	_ =	shalt  }
0x54: {  	_ =	shalt  }
0x55: {  	_ =	shalt  }
0x56: {  	_ =	shalt  }
0x57: {  	_ =	shalt  }
0x58: {  	_ =	shalt  }
0x59: {  	_ =	shalt  }
0x5a: {  	_ =	shalt  }
0x5b: {  	_ =	shalt  }
0x5c: {  	_ =	shalt  }
0x5d: {  	_ =	shalt  }
0x5e: {  	_ =	shalt  }
0x5f: {  	_ =	shalt  }
0x60: {  	_ =	shalt  }
0x61: {  	_ =	shalt  }
0x62: {  	_ =	shalt  }
0x63: {  	_ =	shalt  }
0x64: {  	_ =	shalt  }
0x65: {  	_ =	shalt  }
0x66: {  	_ =	shalt  }
0x67: {  	_ =	shalt  }
0x68: {  	_ =	shalt  }
0x69: {  	_ =	shalt  }
0x6a: {  	_ =	shalt  }
0x6b: {  	_ =	shalt  }
0x6c: {  	_ =	shalt  }
0x6d: {  	_ =	shalt  }
0x6e: {  	_ =	shalt  }
0x6f: {  	_ =	shalt  }
0x70: {  	_ =	shalt  }
0x71: {  	_ =	shalt  }
0x72: {  	_ =	shalt  }
0x73: {  	_ =	shalt  }
0x74: {  	_ =	shalt  }
0x75: {  	_ =	shalt  }
0x76: {  	_ =	shalt  }
0x77: {  	_ =	shalt  }
0x78: {  	_ =	shalt  }
0x79: {  	_ =	shalt  }
0x7a: {  	_ =	shalt  }
0x7b: {  	_ =	shalt  }
0x7c: {  	_ =	shalt  }
0x7d: {  	_ =	shalt  }
0x7e: {  	_ =	shalt  }
0x7f: {  	_ =	shalt  }
0x80: {  	_ =	shalt  }
0x81: {  	_ =	shalt  }
0x82: {  	_ =	shalt  }
0x83: {  	_ =	shalt  }
0x84: {  	_ =	shalt  }
0x85: {  	_ =	shalt  }
0x86: {  	_ =	shalt  }
0x87: {  	_ =	shalt  }
.Lfunc_end0:
.L_simem_size_0:
called_computation_lowered:
.L_overlay_start_0:
0x88: {  	s0 =	sld [smem:$0x3FD9]  }
0x89: {  	s1 =	sld [smem:$0x3FFE];
	_ =	sdelay $0x3  }
0x8a: {  	s0 =	sadd.s32 s1, s0  }
0x8b: {  	[smem:$0x3FB6] =	sst s0  }
0x8c: {  	_ = 	snop  }
0x8d: {  	(tm) =	ssettm $0x1  }
0x8e: {  	s15 =	sld [smem:$0x3FFB];
	_ =	sdelay $0x3  }
0x8f: {  	_ =	strace s15  }
0x90: {  	s0 =	sld [smem:$0x3FFC];
	_ =	sdelay $0x3  }
0x91: {  	_ =	strace s0  }
0x92: {  	s0 =	sld [smem:$0x3FFD];
	_ =	sdelay $0x3  }
0x93: {  	_ =	strace s0  }
0x94: {  	_ =	strace $0x8FFFFFFF  }
0x95: {  	s16 =	sld [smem:$0x3FDB];
	_ =	sdelay $0x1  }
0x96: {  	s17 =	simm.s32 $_scs_section_size  }
0x97: {  	s2 =	simm.s32 $_size__tile_overlayer_lowered;
	s3 =	simm.s32 $_tile_overlayer_lowered  }
0x98: {  	s20 =	simm.s32 $0x1BFF;
	s19 =	sshll.u32 s3, $0x1;
	s0 =	sadd.s32 s17, s16  }
0x99: {  	s4 =	simm.s32 $0x0;
	s18 =	sshll.u32 s2, $0x1;
	s2 =	sadd.s32 s19, s0  }
0x9a: {  	[timem:s4], [sflag:s20] =	dma.local [hbm:s2], s18  }
0x9b: {  	_ =	swait.ge [sflag:s20], s18  }
0x9c: {  	s1 =	ssub.s32 $0x0, s18;
	[sflag:s20] =	ssyncset.done $0x0  }
0x9d: {  	[sflag:s20] =	ssyncadd.s32 s1;
	_ =	sdelay $0x1  }
0x9e: {  	s21 =	simm.s32 $0x1B8B  }
0x9f: {  	_ =	swait.ge [sflag:s21], $0x1  }
0xa0: {  	[sflag:s21] =	ssyncset.done $0x0  }
0xa1: {  	s23 =	simm.s32 $0x1B8E;
	s22 =	sld [smem:$0x3FFE];
	[sflag:s21] =	ssyncadd.s32 $0xFFFFFFFF  }
0xa2: {  	s24 =	simm.s32 $execute0_lowered;
	[smem:$0x3FD2] =	sst s23  }
0xa3: {  	s2 =	sshll.u32 s24, $0x1;
	_ =	strace $0x80000046;
	[dreg:$0x1] =	wrdreg $0xFFFFFFFF  }
0xa4: {  	s25 =	simm.s32 $_size_execute0_lowered;
	s0 =	sadd.s32 s0, s2;
	[dreg:$0x0] =	wrdreg $0x0  }
0xa5: {  	s2 =	sshll.u32 s25, $0x1;
	[dreg:$0x2] =	wrdreg s0  }
0xa6: {  	[dreg:$0x3] =	wrdreg s2  }
0xa7: {  	[dreg:$0x4] =	wrdreg $0xC0  }
0xa8: {  	_ =	task [dreg:s4], $0x5FFFF  }
0xa9: {  	[dreg:$0x1] =	wrdreg $0xFFFFFFFF  }
0xaa: {  	[dreg:$0x0] =	wrdreg $0x60  }
0xab: {  	[dreg:$0x2] =	wrdreg s22  }
0xac: {  	[dreg:$0x3] =	wrdreg $0x9  }
0xad: {  	_ =	task.clear_ibuf [dreg:s4], $0x4FFFF;
	_ =	strace $0x90000046  }
0xae: {  	s26 =	simm.s32 $0x9;
	_ =	strace $0x80000048  }
0xaf: {  	_ =	swait.ge [sflag:s26], $0x1  }
0xb0: {  	[sflag:s26] =	ssyncadd.s32 $0xFFFFFFFF  }
0xb1: {  	_ =	strace $0x90000048  }
0xb2: {  	_ =	sfence  }
0xb3: {  	s28 =	sld [smem:$0x0];
	_ =	sdelay $0x1  }
0xb4: {  	s29 =	srdreg.scid  }
0xb5: {  	s30 =	sshll.u32 s29, $0xD;
	s31 =	sshrl.u32 s29, $0x2  }
0xb6: {  	s1 =	sand.u32 $0x1, s29;
	s2 =	sand.u32 $0x4000, s30;
	s0 =	sadd.s32 s31, s28  }
0xb7: {  	s1 =	sor.u32 s2, s1;
	s0 =	sshll.u32 s0, $0x11  }
0xb8: {  	s0 =	sor.u32 s0, s1  }
0xb9: {  	s0 =	sadd.s32 $0x8F2B, s0  }
0xba: {  	[sflag:s0] =	ssyncadd.remote.s32 $0x1  }
0xbb: {  	_ =	sfence.sel $0xFFFF  }
0xbc: {  	[dreg:$0x0] =	wrdreg $0xFFFFFFFF;
	(pc) =	sbr.abs _section_cstart, $3  }
0xbd: {  	[dreg:$0x1] =	wrdreg $0xFFFFFFFF  }
0xbe: {  	_ =	task.clear_ibuf [dreg:s4], $0x2FFFF;
	_ =	strace $0x9FFFFFFF  }
0xbf: {  	(tm) =	ssettm $0x7FFFFFFF  }
tec
execute0_lowered:
.L_overlay_start_1:
0x0: {  	(tag) =	ssettag $0x1  }
0x1: {  	s7 =	rddreg [dreg:$0x0]  }
0x2: {  	s0 =	rddreg [dreg:$0x1];
	_ =	strace $0x80000047  }
0x3: {  	s3 =	stileid.u32;
	s4 =	simm.s32 $0x3E;
	s1 =	sadd.s32 $0x20E00, s7  }
0x4: {  	p0 =	sne.s32 s3, $0x0;
	[sflag:s4] =	ssyncpa.u1 $0x0;
	s29 =	smin.u32 s3, $0x8  }
0x5: {  	s30 =	sshll.u32 s3, $0x1;
	s2 =	simm.s32 @!p0 $0x1C3E;
	s5 =	simm.s32 @!p0 $0x0  }
0x6: {  	[spmem:s5], [sflag:s2] =	dma.local @!p0 [hbm:s1], $0x500  }
0x7: {  	s2 =	sadd.s32 s29, s30  }
0x8: {  	p1 =	slt.u32 s3, $0x8;
	s3 =	simm.s32 $0x5DC0;
	s2 =	smul.u32 $0x1F40, s2  }
0x9: {  	s3 =	simm.s32 @!p1 $0x3E80  }
0xa: {  	s3 =	sadd.s32 s3, s2  }
0xb: {  	s3 =	smin.u32 s3, $0x4E200  }
0xc: {  	s8 =	ssub.s32 s3, s2  }
0xd: {  	p1 =	sgt.s32 s8, $0x0  }
0xe: {  	s8 =	simm.s32 @!p1 $0x0  }
0xf: {  	s5 =	simm.s32 @!p0 $0x3E;
	s31 =	smulhi.u32 $0x10624DD3, s8  }
0x10: {  	_ =	swait.ge @!p0 [sflag:s5], $0x500  }
0x11: {  	s6 =	simm.s32 $0x2;
	[sflag:s5] =	ssyncset.done @!p0 $0x0;
	s9 =	sshrl.u32 s31, $0x9  }
0x12: {  	s11 =	simm.s32 $0x0;
	[sflag:s5] =	ssyncadd.s32 @!p0 $0xFFFFFB00;
	s10 =	smul.u32 $0x1F40, s9  }
.Ltmp0:
0x13: {  	s5 =	sadd.s32 $0x3400, s7;
	[bflag:$0x0] =	sbarrier.arrive $0xFFFF;
	(pc) =	sbr.rel .LBB2_1-.Ltmp0, $4  }
0x14: {  	s7 =	sadd.s32 $0xA49600, s7;
	[sflag:s4] =	ssyncpa.u1 $0x1;
	s4 =	simm.s32 $0x1  }
0x15: {  	[sflag:s4] =	ssyncpa.u1 $0x0;
	p1 =	sne.s32 s8, s10;
	s8 =	simm.s32 $0x1  }
0x16: {  	(ifvalue) =	ssetifvalue $0x2800;
	[sflag:s6] =	ssyncpa.u1 $0x0;
	s8 =	simm.s32 @!p1 $0x0  }
0x17: {  	vm0 =	vmmov $0xffff;
	s10 =	smov.u32 s2;
	s8 =	sadd.s32 s8, s9;
	s9 =	simm.s32 $0x0  }
.LBB2_5:
0x18: {  	p2 =	sne.s32 s11, s8  }
.Ltmp1:
0x19: {  	_ = 	snop;
	(pc) =	sbr.rel @!p2 .LBB2_6-.Ltmp1, $4  }
0x1a: {  	_ = 	snop  }
0x1b: {  	s12 =	sadd.s32 $0x1F40, s10  }
0x1c: {  	s10 =	smov.u32 s2;
	s13 =	sadd.s32 $0x1, s11;
	p1 =	slt.s32 s12, s3  }
0x1d: {  	s11 =	smov.u32 s13;
	s10 =	smov.u32 @p1 s12  }
.LBB2_1:
0x1e: {  	p1 =	sge.u32 s11, s8  }
0x1f: {  	s12 =	sxor.u32 @!p1 $0xFFFFFFFF, s11  }
0x20: {  	s12 =	sand.u32 @!p1 $0x1, s12  }
0x21: {  	s12 =	smul.u32 @!p1 $0x1F40, s12  }
0x22: {  	s13 =	sshrl.u32 @!p1 s10, $0x3  }
0x23: {  	s16 =	sand.u32 @!p1 $0x7, s10;
	s14 =	sadd.s32 @!p1 s5, s13;
	s15 =	sadd.s32 @!p1 $0x280, s12  }
0x24: {  	[tilespmem:s15], [sflag:$0x2] =	stream.linear.gather @!p1 [hbm4b:s14+s16], $0x1F40, $0x38;
	[tilespmem:$0x7F80] =	vst v63  }
0x25: {  	s13 =	sadd.s32 @!p1 s7, s13;
	s12 =	sadd.s32 @!p1 $0x4100, s12  }
0x26: {  	[tilespmem:s12], [sflag:$0x2] =	stream.linear.gather @!p1 [hbm4b:s13+s16], $0x1F40, $0x38;
	[tilespmem:$0x7F80] =	vst v63  }
0x27: {  	p1 =	seq.s32 s11, $0x0  }
.Ltmp2:
0x28: {  	_ = 	snop;
	(pc) =	sbr.rel @p1 .LBB2_5-.Ltmp2, $1  }
0x29: {  	_ =	sdelay $0x3  }
0x2a: {  	s12 =	sand.u32 $0x1, s11  }
0x2b: {  	_ =	swait.ge [sflag:s6], $0x3E80;
	p1 =	seq.s32 s12, $0x1;
	s12 =	simm.s32 $0x1F40  }
0x2c: {  	[sflag:s6] =	ssyncset.done $0x0;
	s12 =	simm.s32 @!p1 $0x0  }
0x2d: {  	[sflag:s6] =	ssyncadd.s32 $0xFFFFC180;
	s14 =	sadd.s32 $0x280, s12  }
0x2e: {  	v0 =	vld.msk [tilespmem:s14+$0x0 ss:$0x1], $0xffff;
	_ =	sdelay $0x4  }
0x2f: {  	v0 =	vmin.u32 v0, $0x2800;
	_ =	sdelay $0x3  }
0x30: {  	s13 =	simm.s32 $0x0;
	s12 =	sadd.s32 $0x4100, s12;
	s14 =	sadd.s32 $0x10, s14  }
0x31: {  	[spmem:s9] =	stream.indirect_vreg.scatter.add.s32 [tilespmem:s12], [sflag:$0x1], $0x1, v0, vm0, $0x4038;
	[tilespmem:$0x7F80] =	vst v63  }
.LBB2_3:
0x32: {  	v0 =	vld.msk [tilespmem:s14+$0x0 ss:$0x1], $0xffff;
	s13 =	sadd.s32 $0x10, s13  }
0x33: {  	p1 =	slt.u32 s13, $0x1F30;
	_ =	sdelay $0x4  }
0x34: {  	v0 =	vmin.u32 v0, $0x2800  }
.Ltmp3:
0x35: {  	(pc) =	sbr.rel @p1 .LBB2_3-.Ltmp3, $3  }
0x36: {  	_ =	sdelay $0x1  }
0x37: {  	s14 =	sadd.s32 $0x10, s14;
	s12 =	sadd.s32 $0x10, s12  }
0x38: {  	[spmem:s9] =	stream.indirect_vreg.scatter.add.s32 [tilespmem:s12], [sflag:$0x1], $0x1, v0, vm0, $0x4038;
	[tilespmem:$0x7F80] =	vst v63  }
.Ltmp4:
0x39: {  	(pc) =	sbr.rel .LBB2_5-.Ltmp4, $4  }
0x3a: {  	_ = 	snop  }
0x3b: {  	_ =	swait.ge [sflag:s4], $0x1F40  }
0x3c: {  	[sflag:s4] =	ssyncset.done $0x0  }
0x3d: {  	[sflag:s4] =	ssyncadd.s32 $0xFFFFE0C0  }
.LBB2_6:
0x3e: {  	_ =	sfence.sel $0x180000  }
0x3f: {  	s2 =	simm.s32 $0x2;
	[bflag:$0x0] =	sbarrier.arrive $0xFFFF  }
0x40: {  	s30 =	simm.s32 $0x1;
	[sflag:s2] =	ssyncpa.u1 $0x1  }
0x41: {  	[sflag:s30] =	ssyncpa.u1 $0x1  }
0x42: {  	_ =	sfence.stream.spmem  }
0x43: {  	s31 =	simm.s32 $0x3D;
	[bflag:$0x0] =	sbarrier.arrive $0xFFFF  }
0x44: {  	s2 =	simm.s32 @p0 $0x3D;
	[sflag:s31] =	ssyncpa.u1 $0x0  }
0x45: {  	[sflag:s2] =	ssyncpa.u1 @p0 $0x1  }
0x46: {  	[bflag:$0x0] =	sbarrier.arrive @p0 $0xFFFF  }
0x47: {  	_ =	strace @p0 $0x90000047  }
0x48: {  	s3 =	simm.s32 @!p0 $0x1C3D;
	s2 =	simm.s32 @!p0 $0x0;
	[bflag:$0x2] =	sbarrier.arrive @p0 $0xFFFF  }
0x49: {  	[hbm:s1], [sflag:s3] =	dma.local @!p0 [spmem:s2], $0x500  }
0x4a: {  	s1 =	simm.s32 @!p0 $0x3D  }
0x4b: {  	_ =	swait.ge @!p0 [sflag:s1], $0x500  }
0x4c: {  	[sflag:s1] =	ssyncset.done @!p0 $0x0  }
0x4d: {  	[sflag:s1] =	ssyncadd.s32 @!p0 $0xFFFFFB00  }
0x4e: {  	[sflag:s1] =	ssyncpa.u1 @!p0 $0x1  }
0x4f: {  	[bflag:$0x0] =	sbarrier.arrive @!p0 $0xFFFF  }
0x50: {  	_ =	strace @!p0 $0x90000047  }
0x51: {  	s0 =	sadd.s32 @!p0 $0x100000, s0;
	[bflag:$0x2] =	sbarrier.arrive @!p0 $0xFFFF  }
0x52: {  	[sflag:s0] =	ssyncadd.tile.s32 @!p0 $0x1;
	_ =	shalt  }
.Lfunc_end2:
_tile_overlayer_lowered:
.L_overlay_start_2:
0x53: {  	(tag) =	ssettag $0x2  }
0x54: {  	s0 =	rddreg [dreg:$0x0];
	s2 =	stileid.u32  }
0x55: {  	s1 =	rddreg [dreg:$0x1];
	p0 =	sne.s32 s2, $0x0  }
0x56: {  	s3 =	rddreg [dreg:$0x2];
	[bflag:$0x3] =	sbarrier.arrive $0xFFFF;
	s2 =	simm.s32 @!p0 $0x1C01  }
0x57: {  	[timem:s3], [sflag:s2] =	dma.local @!p0 [hbm:s0], s1  }
0x58: {  	s0 =	simm.s32 @!p0 $0x1  }
0x59: {  	_ =	swait.ge @!p0 [sflag:s0], s1  }
0x5a: {  	s1 =	ssub.s32 @!p0 $0x0, s1;
	[sflag:s0] =	ssyncset.done @!p0 $0x0  }
0x5b: {  	[sflag:s0] =	ssyncadd.s32 @!p0 s1  }
0x5c: {  	[bflag:$0x3] =	sbarrier.arrive $0xFFFF  }
0x5d: {  	_ =	shalt  }

</sc_bundles>
